<compile_context>
chip_gen: v7x
topology: tpu7x:2x2x1
jax: 0.10.2.dev20260603
libtpu: 0.0.44.dev20260713+nightly
codegen_flags: <defaults>
</compile_context>

<pallas_src>
import functools

import jax
import jax.numpy as jnp
from jax import lax
from jax.experimental import pallas as pl
from jax.experimental.pallas import tpu as pltpu
from jax.experimental.pallas import tpu_sc as plsc

N = 500000
CHANNELS = 64
NUM_EMB = 8
LANES = 16

IR = 128
JT, JR = 8, 8
IT = (N + IR - 1) // IR
NPAD = IT * IR

TPB = 4
BLOCKS = (IT + TPB - 1) // TPB
GRPB = TPB * IR // LANES
CELEM = TPB * IR * 4
TILE_C = IR * 4
STRIPE = TPB * IR * JR

_info = plsc.get_sparse_core_info()
NC, NS = _info.num_cores, _info.num_subcores
NW = NC * NS

_GDIMS = lax.GatherDimensionNumbers(
    offset_dims=(), collapsed_slice_dims=(0,), start_index_map=(0,)
)


def _body(coords_hbm, ctail_hbm, table_hbm, out_hbm, coords_v, table_v, tt_v, rows_v, sem_c, sem_o):
    wid = lax.axis_index("s") * NC + lax.axis_index("c")
    nb = (BLOCKS - 1 - wid) // NW + 1
    iota = jnp.arange(LANES, dtype=jnp.int32)

    col_idx = (iota & 7) * CHANNELS

    def tt_body(j, carry):
        tt_v[pl.ds(j * LANES, LANES)] = plsc.load_gather(table_v, [col_idx + j])
        return carry

    def tile_start_of(b):
        return jnp.minimum(b * TPB, IT - TPB)

    def coords_issue(b, buf):
        ts = tile_start_of(b)

        @pl.when(b < BLOCKS - 1)
        def _full():
            pltpu.async_copy(
                coords_hbm.at[pl.ds(ts, TPB)], coords_v.at[buf], sem_c
            )

        @pl.when(b == BLOCKS - 1)
        def _last():
            pltpu.async_copy(
                coords_hbm.at[pl.ds(ts, TPB - 1)],
                coords_v.at[buf, pl.ds(0, TPB - 1)],
                sem_c,
            )
            pltpu.async_copy(ctail_hbm, coords_v.at[buf, TPB - 1], sem_c)

    def coords_wait(b, buf):
        @pl.when(b < BLOCKS - 1)
        def _full():
            pltpu.make_async_copy(
                coords_hbm.at[pl.ds(0, TPB)], coords_v.at[buf], sem_c
            ).wait()

        @pl.when(b == BLOCKS - 1)
        def _last():
            pltpu.make_async_copy(
                coords_hbm.at[pl.ds(0, TPB - 1)],
                coords_v.at[buf, pl.ds(0, TPB - 1)],
                sem_c,
            ).wait()
            pltpu.make_async_copy(
                ctail_hbm, coords_v.at[buf, TPB - 1], sem_c
            ).wait()

    def out_wait_one():
        pltpu.make_async_copy(
            rows_v.at[pl.ds(0, JT * STRIPE)],
            out_hbm.at[pl.ds(0, JT * STRIPE)],
            sem_o,
        ).wait()

    coords_issue(wid, 0)
    pltpu.sync_copy(table_hbm, table_v)
    lax.fori_loop(0, CHANNELS, tt_body, 0)

    def blk_body(t, carry):
        b = wid + t * NW
        buf = t % 2
        ts = tile_start_of(b)

        @pl.when(t >= 2)
        def _drain():
            out_wait_one()

        coords_wait(b, buf)

        @pl.when(t + 1 < nb)
        def _prefetch():
            coords_issue(b + NW, 1 - buf)

        rbase = buf * (JT * STRIPE)

        @plsc.parallel_loop(0, GRPB, 1, unroll=2)
        def grp_body(g):
            tl, sl = g // 8, (g % 8) * LANES
            c1 = coords_v[buf, tl, 1, pl.ds(sl, LANES)]
            c2 = coords_v[buf, tl, 2, pl.ds(sl, LANES)]
            c3 = coords_v[buf, tl, 3, pl.ds(sl, LANES)]
            idx = (c1 & 1) | ((c2 & 1) << 1) | ((c3 & 1) << 2)
            sidx = idx[:, None]
            goff = rbase + (g // 8) * (JR * IR) + (g % 8) * LANES
            for j in range(CHANNELS):
                tcol = tt_v[pl.ds(j * LANES, LANES)]
                v = lax.gather(
                    tcol, sidx, _GDIMS, (1,),
                    mode=lax.GatherScatterMode.PROMISE_IN_BOUNDS,
                )
                rows_v[pl.ds(goff + (j // JR) * STRIPE + (j % JR) * IR, LANES)] = v

        for jt in range(JT):
            pltpu.async_copy(
                rows_v.at[pl.ds(rbase + jt * STRIPE, STRIPE)],
                out_hbm.at[pl.ds(jt * (IT * JR * IR) + ts * (JR * IR), STRIPE)],
                sem_o,
            )
        return carry

    lax.fori_loop(0, nb, blk_body, 0)

    @pl.when(nb >= 1)
    def _drain_last():
        out_wait_one()

    @pl.when(nb >= 2)
    def _drain_prev():
        out_wait_one()


@functools.partial(jax.jit, donate_argnums=())
def kernel(x_coords, emb_table):
    mesh = plsc.VectorSubcoreMesh(core_axis_name="c", subcore_axis_name="s")
    f = functools.partial(
        pl.kernel,
        out_type=jax.ShapeDtypeStruct((JT * IT * JR * IR,), jnp.float32),
        mesh=mesh,
        compiler_params=pltpu.CompilerParams(
            needs_layout_passes=False, use_tc_tiling_on_sc=False
        ),
        scratch_types=[
            pltpu.VMEM((2, TPB, 4, IR), jnp.int32),
            pltpu.VMEM((NUM_EMB * CHANNELS,), jnp.float32),
            pltpu.VMEM((CHANNELS * LANES,), jnp.float32),
            pltpu.VMEM((2 * JT * STRIPE,), jnp.float32),
            pltpu.SemaphoreType.DMA,
            pltpu.SemaphoreType.DMA,
        ],
    )(_body)
    nfull = (IT - 1) * IR
    coords_main = x_coords[:nfull].reshape(IT - 1, IR, 4).transpose(0, 2, 1)
    coords_tail = jnp.pad(x_coords[nfull:], ((0, IR - (N - nfull)), (0, 0))).transpose(1, 0)
    out_flat = f(coords_main, coords_tail, emb_table.reshape(-1))
    p = out_flat.reshape(JT, IT, JR, IR)
    return p.transpose(1, 3, 0, 2).reshape(NPAD, CHANNELS)[:N]

# --- scband reference (transcript-rebuilt; emitter-appended) ---
"""Pipeline reference for scband-local-feature-net-52115133170150 (READ-ONLY COPY).

The authoritative reference and input builder live on the scoring server;
editing this copy changes nothing except your own understanding.
"""

import jax, jax.numpy as jnp
import numpy as np

N = 500000
CHANNELS = 64
NUM_EMB = 8

def setup_inputs(seed: int = 0) -> dict:
    key = jax.random.key(seed)
    k1, k2 = jax.random.split(key)
    x_coords = jax.random.randint(k1, (N, 4), 0, 1024, dtype=jnp.int64 if jax.config.jax_enable_x64 else jnp.int32).astype(jnp.int32)
    emb_table = jax.random.normal(k2, (NUM_EMB, CHANNELS), dtype=jnp.float32)
    return {"x_coords": x_coords, "emb_table": emb_table}

def reference(x_coords, emb_table):
    # coords_abs = x.coords ; coords_rel = coords_abs[:, 1:] % 2
    coords_rel = x_coords[:, 1:] % 2
    idxs_rel = coords_rel[:, 0] + coords_rel[:, 1] * 2 + coords_rel[:, 2] * 4
    feats_pos = jnp.take(emb_table, idxs_rel, axis=0).reshape(-1, CHANNELS)
    return feats_pos

if __name__ == "__main__":
    import jax
    _d = setup_inputs()
    print(jax.jit(kernel)(*tuple(_d.values())))

</pallas_src>

<mosaic_0001>
#map = affine_map<(d0, d1) -> (0, 0, 0)>
#map1 = affine_map<(d0, d1) -> (0, 0)>
#map2 = affine_map<(d0, d1) -> (0)>
module attributes {stable_mosaic.version = 14 : i64} {
  func.func @_body(%arg0: i32, %arg1: i32, %arg2: memref<3906x4x128xi32, #tpu.memory_space<hbm>>, %arg3: memref<4x128xi32, #tpu.memory_space<hbm>>, %arg4: memref<512xf32, #tpu.memory_space<hbm>>, %arg5: memref<32006144xf32, #tpu.memory_space<hbm>>, %arg6: memref<2x4x4x128xi32, #tpu.memory_space<vmem>>, %arg7: memref<512xf32, #tpu.memory_space<vmem>>, %arg8: memref<1024xf32, #tpu.memory_space<vmem>>, %arg9: memref<65536xf32, #tpu.memory_space<vmem>>, %arg10: memref<!tpu.dma_semaphore, #tpu.memory_space<semaphore_mem>>, %arg11: memref<!tpu.dma_semaphore, #tpu.memory_space<semaphore_mem>>) attributes {dimension_semantics = [#tpu.dimension_semantics<core_parallel>, #tpu.dimension_semantics<subcore_parallel>], iteration_bounds = array<i64: 2, 16>, scalar_prefetch = 0 : i64, scratch_operands = 6 : i64, tpu.core_type = #tpu.core_type<sc_vector_subcore>, window_params = [{transform_indices = #map}, {transform_indices = #map1}, {transform_indices = #map2}, {transform_indices = #map2}]} {
    %mul3A = arith.constant 2 : i32
    %mul3A_0 = arith.muli %arg1, %mul3A : i32
    %add3A = arith.addi %mul3A_0, %arg0 : i32
    %sub3A = arith.constant 976 : i32
    %sub3A_1 = arith.subi %sub3A, %add3A : i32
    %jit3A = arith.constant 32 : i32
    %div3A = arith.divsi %sub3A_1, %jit3A : i32
    %sign3A = arith.constant 0 : i32
    %sign3A_2 = arith.cmpi sgt, %sub3A_1, %sign3A : i32
    %sign3A_3 = arith.extui %sign3A_2 : i1 to i32
    %sign3A_4 = arith.constant 0 : i32
    %sign3A_5 = arith.cmpi slt, %sub3A_1, %sign3A_4 : i32
    %sign3A_6 = arith.extui %sign3A_5 : i1 to i32
    %sign3A_7 = arith.subi %sign3A_3, %sign3A_6 : i32
    %sign3A_8 = arith.constant 0 : i32
    %sign3A_9 = arith.cmpi sgt, %jit3A, %sign3A_8 : i32
    %sign3A_10 = arith.extui %sign3A_9 : i1 to i32
    %sign3A_11 = arith.constant 0 : i32
    %sign3A_12 = arith.cmpi slt, %jit3A, %sign3A_11 : i32
    %sign3A_13 = arith.extui %sign3A_12 : i1 to i32
    %sign3A_14 = arith.subi %sign3A_10, %sign3A_13 : i32
    %ne3A = arith.cmpi ne, %sign3A_7, %sign3A_14 : i32
    %rem3A = arith.remsi %sub3A_1, %jit3A : i32
    %ne3A_15 = arith.constant 0 : i32
    %ne3A_16 = arith.cmpi ne, %rem3A, %ne3A_15 : i32
    %and3A = arith.andi %ne3A, %ne3A_16 : i1
    %sub3A_17 = arith.constant 1 : i32
    %sub3A_18 = arith.subi %div3A, %sub3A_17 : i32
    %select_n3A = arith.select %and3A, %sub3A_18, %div3A : i32
    %add3A_19 = arith.constant 1 : i32
    %add3A_20 = arith.addi %select_n3A, %add3A_19 : i32
    %iota3A = tpu.iota {dimensions = array<i32: 0>} : vector<16xi32>
    %and3A_21 = arith.constant 7 : i32
    %and3A_22 = vector.broadcast %and3A_21 : i32 to vector<16xi32>
    %and3A_23 = arith.andi %iota3A, %and3A_22 : vector<16xi32>
    %mul3A_24 = arith.constant 64 : i32
    %mul3A_25 = vector.broadcast %mul3A_24 : i32 to vector<16xi32>
    %mul3A_26 = arith.muli %and3A_23, %mul3A_25 : vector<16xi32>
    %mul3A_27 = arith.constant 4 : i32
    %mul3A_28 = arith.muli %add3A, %mul3A_27 : i32
    %min3A = arith.constant 3903 : i32
    %min3A_29 = arith.minsi %mul3A_28, %min3A : i32
    %lt3A = arith.constant 976 : i32
    %lt3A_30 = arith.cmpi slt, %add3A, %lt3A : i32
    %convert_element_type3A = arith.extui %lt3A_30 : i1 to i32
    %cond3A = arith.constant 0 : i32
    %cond3A_31 = arith.cmpi ne, %convert_element_type3A, %cond3A : i32
    scf.if %cond3A_31 {
      %dma_start3A = arith.constant 0 : i32
      %dma_start3A_59 = arith.constant 0 : i32
      %dma_start3A_60 = arith.constant 0 : i32
      %dma_start3A_61 = arith.constant 0 : i32
      %dma_start3A_62 = tpu.memref_slice %arg6[%dma_start3A, %dma_start3A_59, %dma_start3A_60, %dma_start3A_61] : memref<2x4x4x128xi32, #tpu.memory_space<vmem>> -> memref<1x4x4x128xi32, #tpu.memory_space<vmem>>
      %dma_start3A_63 = tpu.memref_squeeze %dma_start3A_62 : memref<1x4x4x128xi32, #tpu.memory_space<vmem>> -> memref<4x4x128xi32, #tpu.memory_space<vmem>>
      %dma_start3A_64 = arith.constant 0 : i32
      %dma_start3A_65 = arith.constant 0 : i32
      %dma_start3A_66 = tpu.memref_slice %arg2[%min3A_29, %dma_start3A_64, %dma_start3A_65] : memref<3906x4x128xi32, #tpu.memory_space<hbm>> -> memref<4x4x128xi32, #tpu.memory_space<hbm>>
      %dma_start3A_67 = arith.constant 0 : i32
      %dma_start3A_68 = arith.constant 0 : i32
      %dma_start3A_69 = arith.constant 0 : i32
      %dma_start3A_70 = tpu.memref_slice %arg6[%dma_start3A, %dma_start3A_67, %dma_start3A_68, %dma_start3A_69] : memref<2x4x4x128xi32, #tpu.memory_space<vmem>> -> memref<1x4x4x128xi32, #tpu.memory_space<vmem>>
      %dma_start3A_71 = tpu.memref_squeeze %dma_start3A_70 : memref<1x4x4x128xi32, #tpu.memory_space<vmem>> -> memref<4x4x128xi32, #tpu.memory_space<vmem>>
      %dma_start3A_72 = arith.constant 0 : i32
      %dma_start3A_73 = arith.constant 0 : i32
      %dma_start3A_74 = tpu.memref_slice %arg2[%min3A_29, %dma_start3A_72, %dma_start3A_73] : memref<3906x4x128xi32, #tpu.memory_space<hbm>> -> memref<4x4x128xi32, #tpu.memory_space<hbm>>
      tpu.enqueue_dma source(%dma_start3A_74 : memref<4x4x128xi32, #tpu.memory_space<hbm>>) target(%dma_start3A_71 : memref<4x4x128xi32, #tpu.memory_space<vmem>>) target_semaphore(%arg10 : memref<!tpu.dma_semaphore, #tpu.memory_space<semaphore_mem>>)
    } else {
    }
    %eq3A = arith.constant 976 : i32
    %eq3A_32 = arith.cmpi eq, %add3A, %eq3A : i32
    %convert_element_type3A_33 = arith.extui %eq3A_32 : i1 to i32
    %cond3A_34 = arith.constant 0 : i32
    %cond3A_35 = arith.cmpi ne, %convert_element_type3A_33, %cond3A_34 : i32
    scf.if %cond3A_35 {
      %dma_start3A = arith.constant 0 : i32
      %dma_start3A_59 = arith.constant 0 : i32
      %dma_start3A_60 = arith.constant 0 : i32
      %dma_start3A_61 = arith.constant 0 : i32
      %dma_start3A_62 = tpu.memref_slice %arg6[%dma_start3A, %dma_start3A_59, %dma_start3A_60, %dma_start3A_61] : memref<2x4x4x128xi32, #tpu.memory_space<vmem>> -> memref<1x3x4x128xi32, #tpu.memory_space<vmem>>
      %dma_start3A_63 = tpu.memref_squeeze %dma_start3A_62 : memref<1x3x4x128xi32, #tpu.memory_space<vmem>> -> memref<3x4x128xi32, #tpu.memory_space<vmem>>
      %dma_start3A_64 = arith.constant 0 : i32
      %dma_start3A_65 = arith.constant 0 : i32
      %dma_start3A_66 = tpu.memref_slice %arg2[%min3A_29, %dma_start3A_64, %dma_start3A_65] : memref<3906x4x128xi32, #tpu.memory_space<hbm>> -> memref<3x4x128xi32, #tpu.memory_space<hbm>>
      %dma_start3A_67 = arith.constant 0 : i32
      %dma_start3A_68 = arith.constant 0 : i32
      %dma_start3A_69 = arith.constant 0 : i32
      %dma_start3A_70 = tpu.memref_slice %arg6[%dma_start3A, %dma_start3A_67, %dma_start3A_68, %dma_start3A_69] : memref<2x4x4x128xi32, #tpu.memory_space<vmem>> -> memref<1x3x4x128xi32, #tpu.memory_space<vmem>>
      %dma_start3A_71 = tpu.memref_squeeze %dma_start3A_70 : memref<1x3x4x128xi32, #tpu.memory_space<vmem>> -> memref<3x4x128xi32, #tpu.memory_space<vmem>>
      %dma_start3A_72 = arith.constant 0 : i32
      %dma_start3A_73 = arith.constant 0 : i32
      %dma_start3A_74 = tpu.memref_slice %arg2[%min3A_29, %dma_start3A_72, %dma_start3A_73] : memref<3906x4x128xi32, #tpu.memory_space<hbm>> -> memref<3x4x128xi32, #tpu.memory_space<hbm>>
      tpu.enqueue_dma source(%dma_start3A_74 : memref<3x4x128xi32, #tpu.memory_space<hbm>>) target(%dma_start3A_71 : memref<3x4x128xi32, #tpu.memory_space<vmem>>) target_semaphore(%arg10 : memref<!tpu.dma_semaphore, #tpu.memory_space<semaphore_mem>>)
      %dma_start3A_75 = arith.constant 0 : i32
      %dma_start3A_76 = arith.constant 3 : i32
      %dma_start3A_77 = arith.constant 0 : i32
      %dma_start3A_78 = arith.constant 0 : i32
      %dma_start3A_79 = tpu.memref_slice %arg6[%dma_start3A_75, %dma_start3A_76, %dma_start3A_77, %dma_start3A_78] : memref<2x4x4x128xi32, #tpu.memory_space<vmem>> -> memref<1x1x4x128xi32, #tpu.memory_space<vmem>>
      %dma_start3A_80 = tpu.memref_squeeze %dma_start3A_79 : memref<1x1x4x128xi32, #tpu.memory_space<vmem>> -> memref<4x128xi32, #tpu.memory_space<vmem>>
      %dma_start3A_81 = arith.constant 0 : i32
      %dma_start3A_82 = arith.constant 0 : i32
      %dma_start3A_83 = tpu.memref_slice %arg6[%dma_start3A_75, %dma_start3A_76, %dma_start3A_81, %dma_start3A_82] : memref<2x4x4x128xi32, #tpu.memory_space<vmem>> -> memref<1x1x4x128xi32, #tpu.memory_space<vmem>>
      %dma_start3A_84 = tpu.memref_squeeze %dma_start3A_83 : memref<1x1x4x128xi32, #tpu.memory_space<vmem>> -> memref<4x128xi32, #tpu.memory_space<vmem>>
      tpu.enqueue_dma source(%arg3 : memref<4x128xi32, #tpu.memory_space<hbm>>) target(%dma_start3A_84 : memref<4x128xi32, #tpu.memory_space<vmem>>) target_semaphore(%arg10 : memref<!tpu.dma_semaphore, #tpu.memory_space<semaphore_mem>>)
    } else {
    }
    "tpu.region"() ({
      %run_scoped3A = tpu.sem_alloc : memref<!tpu.dma_semaphore, #tpu.memory_space<semaphore_mem>>
      tpu.enqueue_dma source(%arg4 : memref<512xf32, #tpu.memory_space<hbm>>) target(%arg7 : memref<512xf32, #tpu.memory_space<vmem>>) target_semaphore(%run_scoped3A : memref<!tpu.dma_semaphore, #tpu.memory_space<semaphore_mem>>)
      tpu.wait_dma2 semaphore(%run_scoped3A : memref<!tpu.dma_semaphore, #tpu.memory_space<semaphore_mem>>) src(%arg4 : memref<512xf32, #tpu.memory_space<hbm>>) dst(%arg7 : memref<512xf32, #tpu.memory_space<vmem>>)
      tpu.yield
    }) : () -> ()
    %scan3A = arith.constant 0 : i32
    %scan3A_36 = arith.constant 0 : i32
    %scan3A_37 = arith.constant 64 : i32
    %scan3A_38 = arith.addi %scan3A_36, %scan3A_37 : i32
    %scan3A_39 = arith.constant 1 : i32
    scf.for %scan3A_59 = %scan3A_36 to %scan3A_38 step %scan3A_39  : i32 {
      %add3A_60 = vector.broadcast %scan3A_59 : i32 to vector<16xi32>
      %add3A_61 = arith.addi %mul3A_26, %add3A_60 : vector<16xi32>
      %gather3A = tpu.vector_load_idx %arg7[%add3A_61] : memref<512xf32, #tpu.memory_space<vmem>>[vector<16xi32>], vector<16xf32>,
      %mul3A_62 = arith.constant 16 : i32
      %mul3A_63 = arith.muli %scan3A_59, %mul3A_62 : i32
      %swap3A = arith.index_cast %mul3A_63 : i32 to index
      %swap3A_64 = tpu.vector_load %arg8[%swap3A] {strides = array<i32>} : memref<1024xf32, #tpu.memory_space<vmem>>, vector<16xf32>,
      tpu.vector_store %arg8[%swap3A], %gather3A {strides = array<i32>} : memref<1024xf32, #tpu.memory_space<vmem>>, vector<16xf32>,
    }
    %scan3A_40 = arith.constant 64 : i32
    %while3A = arith.constant 0 : i32
    %while3A_41 = arith.constant 0 : i32
    %while3A_42 = arith.subi %add3A_20, %while3A_41 : i32
    %while3A_43 = arith.addi %while3A_41, %while3A_42 : i32
    %while3A_44 = arith.constant 1 : i32
    %while3A_45 = arith.divsi %while3A_42, %while3A_44 : i32
    %while3A_46 = arith.muli %while3A_45, %while3A_44 : i32
    %while3A_47 = arith.addi %while3A_41, %while3A_46 : i32
    %while3A_48 = arith.constant 1 : i32
    scf.for %while3A_59 = %while3A_41 to %while3A_47 step %while3A_48  : i32 {
      %mul3A_60 = arith.constant 32 : i32
      %mul3A_61 = arith.muli %while3A_59, %mul3A_60 : i32
      %add3A_62 = arith.addi %add3A, %mul3A_61 : i32
      %jit3A_63 = arith.constant 2 : i32
      %eq3A_64 = arith.constant 0 : i32
      %eq3A_65 = arith.cmpi eq, %jit3A_63, %eq3A_64 : i32
      %jit3A_66 = arith.constant 1 : i32
      %select_n3A_67 = arith.select %eq3A_65, %jit3A_66, %jit3A_63 : i32
      %rem3A_68 = arith.remsi %while3A_59, %select_n3A_67 : i32
      %ne3A_69 = arith.constant 0 : i32
      %ne3A_70 = arith.cmpi ne, %rem3A_68, %ne3A_69 : i32
      %lt3A_71 = arith.constant 0 : i32
      %lt3A_72 = arith.cmpi slt, %rem3A_68, %lt3A_71 : i32
      %lt3A_73 = arith.constant 0 : i32
      %lt3A_74 = arith.cmpi slt, %select_n3A_67, %lt3A_73 : i32
      %ne3A_75 = arith.xori %lt3A_72, %lt3A_74 : i1
      %and3A_76 = arith.andi %ne3A_75, %ne3A_70 : i1
      %add3A_77 = arith.addi %rem3A_68, %select_n3A_67 : i32
      %select_n3A_78 = arith.select %and3A_76, %add3A_77, %rem3A_68 : i32
      %mul3A_79 = arith.constant 4 : i32
      %mul3A_80 = arith.muli %add3A_62, %mul3A_79 : i32
      %min3A_81 = arith.constant 3903 : i32
      %min3A_82 = arith.minsi %mul3A_80, %min3A_81 : i32
      %ge3A_83 = arith.constant 2 : i32
      %ge3A_84 = arith.cmpi sge, %while3A_59, %ge3A_83 : i32
      %convert_element_type3A_85 = arith.extui %ge3A_84 : i1 to i32
      %cond3A_86 = arith.constant 0 : i32
      %cond3A_87 = arith.cmpi ne, %convert_element_type3A_85, %cond3A_86 : i32
      scf.if %cond3A_87 {
        %dma_wait3A = arith.constant 0 : i32
        %dma_wait3A_187 = tpu.memref_slice %arg9[%dma_wait3A] : memref<65536xf32, #tpu.memory_space<vmem>> -> memref<32768xf32, #tpu.memory_space<vmem>>
        %dma_wait3A_188 = arith.constant 0 : i32
        %dma_wait3A_189 = tpu.memref_slice %arg5[%dma_wait3A_188] : memref<32006144xf32, #tpu.memory_space<hbm>> -> memref<32768xf32, #tpu.memory_space<hbm>>
        %dma_wait3A_190 = arith.constant 0 : i32
        %dma_wait3A_191 = tpu.memref_slice %arg5[%dma_wait3A_190] : memref<32006144xf32, #tpu.memory_space<hbm>> -> memref<32768xf32, #tpu.memory_space<hbm>>
        %dma_wait3A_192 = arith.constant 0 : i32
        %dma_wait3A_193 = tpu.memref_slice %arg9[%dma_wait3A_192] : memref<65536xf32, #tpu.memory_space<vmem>> -> memref<32768xf32, #tpu.memory_space<vmem>>
        tpu.wait_dma2 semaphore(%arg11 : memref<!tpu.dma_semaphore, #tpu.memory_space<semaphore_mem>>) src(%dma_wait3A_193 : memref<32768xf32, #tpu.memory_space<vmem>>) dst(%dma_wait3A_191 : memref<32768xf32, #tpu.memory_space<hbm>>)
      } else {
      }
      %lt3A_88 = arith.constant 976 : i32
      %lt3A_89 = arith.cmpi slt, %add3A_62, %lt3A_88 : i32
      %convert_element_type3A_90 = arith.extui %lt3A_89 : i1 to i32
      %cond3A_91 = arith.constant 0 : i32
      %cond3A_92 = arith.cmpi ne, %convert_element_type3A_90, %cond3A_91 : i32
      scf.if %cond3A_92 {
        %dma_wait3A = arith.constant 0 : i32
        %dma_wait3A_187 = arith.constant 0 : i32
        %dma_wait3A_188 = arith.constant 0 : i32
        %dma_wait3A_189 = tpu.memref_slice %arg6[%select_n3A_78, %dma_wait3A, %dma_wait3A_187, %dma_wait3A_188] : memref<2x4x4x128xi32, #tpu.memory_space<vmem>> -> memref<1x4x4x128xi32, #tpu.memory_space<vmem>>
        %dma_wait3A_190 = tpu.memref_squeeze %dma_wait3A_189 : memref<1x4x4x128xi32, #tpu.memory_space<vmem>> -> memref<4x4x128xi32, #tpu.memory_space<vmem>>
        %dma_wait3A_191 = arith.constant 0 : i32
        %dma_wait3A_192 = arith.constant 0 : i32
        %dma_wait3A_193 = arith.constant 0 : i32
        %dma_wait3A_194 = tpu.memref_slice %arg2[%dma_wait3A_191, %dma_wait3A_192, %dma_wait3A_193] : memref<3906x4x128xi32, #tpu.memory_space<hbm>> -> memref<4x4x128xi32, #tpu.memory_space<hbm>>
        %dma_wait3A_195 = arith.constant 0 : i32
        %dma_wait3A_196 = arith.constant 0 : i32
        %dma_wait3A_197 = arith.constant 0 : i32
        %dma_wait3A_198 = tpu.memref_slice %arg6[%select_n3A_78, %dma_wait3A_195, %dma_wait3A_196, %dma_wait3A_197] : memref<2x4x4x128xi32, #tpu.memory_space<vmem>> -> memref<1x4x4x128xi32, #tpu.memory_space<vmem>>
        %dma_wait3A_199 = tpu.memref_squeeze %dma_wait3A_198 : memref<1x4x4x128xi32, #tpu.memory_space<vmem>> -> memref<4x4x128xi32, #tpu.memory_space<vmem>>
        %dma_wait3A_200 = arith.constant 0 : i32
        %dma_wait3A_201 = arith.constant 0 : i32
        %dma_wait3A_202 = arith.constant 0 : i32
        %dma_wait3A_203 = tpu.memref_slice %arg2[%dma_wait3A_200, %dma_wait3A_201, %dma_wait3A_202] : memref<3906x4x128xi32, #tpu.memory_space<hbm>> -> memref<4x4x128xi32, #tpu.memory_space<hbm>>
        tpu.wait_dma2 semaphore(%arg10 : memref<!tpu.dma_semaphore, #tpu.memory_space<semaphore_mem>>) src(%dma_wait3A_203 : memref<4x4x128xi32, #tpu.memory_space<hbm>>) dst(%dma_wait3A_199 : memref<4x4x128xi32, #tpu.memory_space<vmem>>)
      } else {
      }
      %eq3A_93 = arith.constant 976 : i32
      %eq3A_94 = arith.cmpi eq, %add3A_62, %eq3A_93 : i32
      %convert_element_type3A_95 = arith.extui %eq3A_94 : i1 to i32
      %cond3A_96 = arith.constant 0 : i32
      %cond3A_97 = arith.cmpi ne, %convert_element_type3A_95, %cond3A_96 : i32
      scf.if %cond3A_97 {
        %dma_wait3A = arith.constant 0 : i32
        %dma_wait3A_187 = arith.constant 0 : i32
        %dma_wait3A_188 = arith.constant 0 : i32
        %dma_wait3A_189 = tpu.memref_slice %arg6[%select_n3A_78, %dma_wait3A, %dma_wait3A_187, %dma_wait3A_188] : memref<2x4x4x128xi32, #tpu.memory_space<vmem>> -> memref<1x3x4x128xi32, #tpu.memory_space<vmem>>
        %dma_wait3A_190 = tpu.memref_squeeze %dma_wait3A_189 : memref<1x3x4x128xi32, #tpu.memory_space<vmem>> -> memref<3x4x128xi32, #tpu.memory_space<vmem>>
        %dma_wait3A_191 = arith.constant 0 : i32
        %dma_wait3A_192 = arith.constant 0 : i32
        %dma_wait3A_193 = arith.constant 0 : i32
        %dma_wait3A_194 = tpu.memref_slice %arg2[%dma_wait3A_191, %dma_wait3A_192, %dma_wait3A_193] : memref<3906x4x128xi32, #tpu.memory_space<hbm>> -> memref<3x4x128xi32, #tpu.memory_space<hbm>>
        %dma_wait3A_195 = arith.constant 0 : i32
        %dma_wait3A_196 = arith.constant 0 : i32
        %dma_wait3A_197 = arith.constant 0 : i32
        %dma_wait3A_198 = tpu.memref_slice %arg6[%select_n3A_78, %dma_wait3A_195, %dma_wait3A_196, %dma_wait3A_197] : memref<2x4x4x128xi32, #tpu.memory_space<vmem>> -> memref<1x3x4x128xi32, #tpu.memory_space<vmem>>
        %dma_wait3A_199 = tpu.memref_squeeze %dma_wait3A_198 : memref<1x3x4x128xi32, #tpu.memory_space<vmem>> -> memref<3x4x128xi32, #tpu.memory_space<vmem>>
        %dma_wait3A_200 = arith.constant 0 : i32
        %dma_wait3A_201 = arith.constant 0 : i32
        %dma_wait3A_202 = arith.constant 0 : i32
        %dma_wait3A_203 = tpu.memref_slice %arg2[%dma_wait3A_200, %dma_wait3A_201, %dma_wait3A_202] : memref<3906x4x128xi32, #tpu.memory_space<hbm>> -> memref<3x4x128xi32, #tpu.memory_space<hbm>>
        tpu.wait_dma2 semaphore(%arg10 : memref<!tpu.dma_semaphore, #tpu.memory_space<semaphore_mem>>) src(%dma_wait3A_203 : memref<3x4x128xi32, #tpu.memory_space<hbm>>) dst(%dma_wait3A_199 : memref<3x4x128xi32, #tpu.memory_space<vmem>>)
        %dma_wait3A_204 = arith.constant 3 : i32
        %dma_wait3A_205 = arith.constant 0 : i32
        %dma_wait3A_206 = arith.constant 0 : i32
        %dma_wait3A_207 = tpu.memref_slice %arg6[%select_n3A_78, %dma_wait3A_204, %dma_wait3A_205, %dma_wait3A_206] : memref<2x4x4x128xi32, #tpu.memory_space<vmem>> -> memref<1x1x4x128xi32, #tpu.memory_space<vmem>>
        %dma_wait3A_208 = tpu.memref_squeeze %dma_wait3A_207 : memref<1x1x4x128xi32, #tpu.memory_space<vmem>> -> memref<4x128xi32, #tpu.memory_space<vmem>>
        %dma_wait3A_209 = arith.constant 0 : i32
        %dma_wait3A_210 = arith.constant 0 : i32
        %dma_wait3A_211 = tpu.memref_slice %arg6[%select_n3A_78, %dma_wait3A_204, %dma_wait3A_209, %dma_wait3A_210] : memref<2x4x4x128xi32, #tpu.memory_space<vmem>> -> memref<1x1x4x128xi32, #tpu.memory_space<vmem>>
        %dma_wait3A_212 = tpu.memref_squeeze %dma_wait3A_211 : memref<1x1x4x128xi32, #tpu.memory_space<vmem>> -> memref<4x128xi32, #tpu.memory_space<vmem>>
        tpu.wait_dma2 semaphore(%arg10 : memref<!tpu.dma_semaphore, #tpu.memory_space<semaphore_mem>>) src(%arg3 : memref<4x128xi32, #tpu.memory_space<hbm>>) dst(%dma_wait3A_212 : memref<4x128xi32, #tpu.memory_space<vmem>>)
      } else {
      }
      %add3A_98 = arith.constant 1 : i32
      %add3A_99 = arith.addi %while3A_59, %add3A_98 : i32
      %lt3A_100 = arith.cmpi slt, %add3A_99, %add3A_20 : i32
      %convert_element_type3A_101 = arith.extui %lt3A_100 : i1 to i32
      %cond3A_102 = arith.constant 0 : i32
      %cond3A_103 = arith.cmpi ne, %convert_element_type3A_101, %cond3A_102 : i32
      scf.if %cond3A_103 {
        %add3A_187 = arith.constant 32 : i32
        %add3A_188 = arith.addi %add3A_62, %add3A_187 : i32
        %sub3A_189 = arith.constant 1 : i32
        %sub3A_190 = arith.subi %sub3A_189, %select_n3A_78 : i32
        %mul3A_191 = arith.constant 4 : i32
        %mul3A_192 = arith.muli %add3A_188, %mul3A_191 : i32
        %min3A_193 = arith.constant 3903 : i32
        %min3A_194 = arith.minsi %mul3A_192, %min3A_193 : i32
        %lt3A_195 = arith.constant 976 : i32
        %lt3A_196 = arith.cmpi slt, %add3A_188, %lt3A_195 : i32
        %convert_element_type3A_197 = arith.extui %lt3A_196 : i1 to i32
        %cond3A_198 = arith.constant 0 : i32
        %cond3A_199 = arith.cmpi ne, %convert_element_type3A_197, %cond3A_198 : i32
        scf.if %cond3A_199 {
          %dma_start3A_205 = arith.constant 0 : i32
          %dma_start3A_206 = arith.constant 0 : i32
          %dma_start3A_207 = arith.constant 0 : i32
          %dma_start3A_208 = tpu.memref_slice %arg6[%sub3A_190, %dma_start3A_205, %dma_start3A_206, %dma_start3A_207] : memref<2x4x4x128xi32, #tpu.memory_space<vmem>> -> memref<1x4x4x128xi32, #tpu.memory_space<vmem>>
          %dma_start3A_209 = tpu.memref_squeeze %dma_start3A_208 : memref<1x4x4x128xi32, #tpu.memory_space<vmem>> -> memref<4x4x128xi32, #tpu.memory_space<vmem>>
          %dma_start3A_210 = arith.constant 0 : i32
          %dma_start3A_211 = arith.constant 0 : i32
          %dma_start3A_212 = tpu.memref_slice %arg2[%min3A_194, %dma_start3A_210, %dma_start3A_211] : memref<3906x4x128xi32, #tpu.memory_space<hbm>> -> memref<4x4x128xi32, #tpu.memory_space<hbm>>
          %dma_start3A_213 = arith.constant 0 : i32
          %dma_start3A_214 = arith.constant 0 : i32
          %dma_start3A_215 = arith.constant 0 : i32
          %dma_start3A_216 = tpu.memref_slice %arg6[%sub3A_190, %dma_start3A_213, %dma_start3A_214, %dma_start3A_215] : memref<2x4x4x128xi32, #tpu.memory_space<vmem>> -> memref<1x4x4x128xi32, #tpu.memory_space<vmem>>
          %dma_start3A_217 = tpu.memref_squeeze %dma_start3A_216 : memref<1x4x4x128xi32, #tpu.memory_space<vmem>> -> memref<4x4x128xi32, #tpu.memory_space<vmem>>
          %dma_start3A_218 = arith.constant 0 : i32
          %dma_start3A_219 = arith.constant 0 : i32
          %dma_start3A_220 = tpu.memref_slice %arg2[%min3A_194, %dma_start3A_218, %dma_start3A_219] : memref<3906x4x128xi32, #tpu.memory_space<hbm>> -> memref<4x4x128xi32, #tpu.memory_space<hbm>>
          tpu.enqueue_dma source(%dma_start3A_220 : memref<4x4x128xi32, #tpu.memory_space<hbm>>) target(%dma_start3A_217 : memref<4x4x128xi32, #tpu.memory_space<vmem>>) target_semaphore(%arg10 : memref<!tpu.dma_semaphore, #tpu.memory_space<semaphore_mem>>)
        } else {
        }
        %eq3A_200 = arith.constant 976 : i32
        %eq3A_201 = arith.cmpi eq, %add3A_188, %eq3A_200 : i32
        %convert_element_type3A_202 = arith.extui %eq3A_201 : i1 to i32
        %cond3A_203 = arith.constant 0 : i32
        %cond3A_204 = arith.cmpi ne, %convert_element_type3A_202, %cond3A_203 : i32
        scf.if %cond3A_204 {
          %dma_start3A_205 = arith.constant 0 : i32
          %dma_start3A_206 = arith.constant 0 : i32
          %dma_start3A_207 = arith.constant 0 : i32
          %dma_start3A_208 = tpu.memref_slice %arg6[%sub3A_190, %dma_start3A_205, %dma_start3A_206, %dma_start3A_207] : memref<2x4x4x128xi32, #tpu.memory_space<vmem>> -> memref<1x3x4x128xi32, #tpu.memory_space<vmem>>
          %dma_start3A_209 = tpu.memref_squeeze %dma_start3A_208 : memref<1x3x4x128xi32, #tpu.memory_space<vmem>> -> memref<3x4x128xi32, #tpu.memory_space<vmem>>
          %dma_start3A_210 = arith.constant 0 : i32
          %dma_start3A_211 = arith.constant 0 : i32
          %dma_start3A_212 = tpu.memref_slice %arg2[%min3A_194, %dma_start3A_210, %dma_start3A_211] : memref<3906x4x128xi32, #tpu.memory_space<hbm>> -> memref<3x4x128xi32, #tpu.memory_space<hbm>>
          %dma_start3A_213 = arith.constant 0 : i32
          %dma_start3A_214 = arith.constant 0 : i32
          %dma_start3A_215 = arith.constant 0 : i32
          %dma_start3A_216 = tpu.memref_slice %arg6[%sub3A_190, %dma_start3A_213, %dma_start3A_214, %dma_start3A_215] : memref<2x4x4x128xi32, #tpu.memory_space<vmem>> -> memref<1x3x4x128xi32, #tpu.memory_space<vmem>>
          %dma_start3A_217 = tpu.memref_squeeze %dma_start3A_216 : memref<1x3x4x128xi32, #tpu.memory_space<vmem>> -> memref<3x4x128xi32, #tpu.memory_space<vmem>>
          %dma_start3A_218 = arith.constant 0 : i32
          %dma_start3A_219 = arith.constant 0 : i32
          %dma_start3A_220 = tpu.memref_slice %arg2[%min3A_194, %dma_start3A_218, %dma_start3A_219] : memref<3906x4x128xi32, #tpu.memory_space<hbm>> -> memref<3x4x128xi32, #tpu.memory_space<hbm>>
          tpu.enqueue_dma source(%dma_start3A_220 : memref<3x4x128xi32, #tpu.memory_space<hbm>>) target(%dma_start3A_217 : memref<3x4x128xi32, #tpu.memory_space<vmem>>) target_semaphore(%arg10 : memref<!tpu.dma_semaphore, #tpu.memory_space<semaphore_mem>>)
          %dma_start3A_221 = arith.constant 3 : i32
          %dma_start3A_222 = arith.constant 0 : i32
          %dma_start3A_223 = arith.constant 0 : i32
          %dma_start3A_224 = tpu.memref_slice %arg6[%sub3A_190, %dma_start3A_221, %dma_start3A_222, %dma_start3A_223] : memref<2x4x4x128xi32, #tpu.memory_space<vmem>> -> memref<1x1x4x128xi32, #tpu.memory_space<vmem>>
          %dma_start3A_225 = tpu.memref_squeeze %dma_start3A_224 : memref<1x1x4x128xi32, #tpu.memory_space<vmem>> -> memref<4x128xi32, #tpu.memory_space<vmem>>
          %dma_start3A_226 = arith.constant 0 : i32
          %dma_start3A_227 = arith.constant 0 : i32
          %dma_start3A_228 = tpu.memref_slice %arg6[%sub3A_190, %dma_start3A_221, %dma_start3A_226, %dma_start3A_227] : memref<2x4x4x128xi32, #tpu.memory_space<vmem>> -> memref<1x1x4x128xi32, #tpu.memory_space<vmem>>
          %dma_start3A_229 = tpu.memref_squeeze %dma_start3A_228 : memref<1x1x4x128xi32, #tpu.memory_space<vmem>> -> memref<4x128xi32, #tpu.memory_space<vmem>>
          tpu.enqueue_dma source(%arg3 : memref<4x128xi32, #tpu.memory_space<hbm>>) target(%dma_start3A_229 : memref<4x128xi32, #tpu.memory_space<vmem>>) target_semaphore(%arg10 : memref<!tpu.dma_semaphore, #tpu.memory_space<semaphore_mem>>)
        } else {
        }
      } else {
      }
      %mul3A_104 = arith.constant 32768 : i32
      %mul3A_105 = arith.muli %select_n3A_78, %mul3A_104 : i32
      %parallel_loop3A = arith.constant 0 : i32
      %parallel_loop3A_106 = arith.constant 32 : i32
      %parallel_loop3A_107 = arith.constant 1 : i32
      scf.for %parallel_loop3A_187 = %parallel_loop3A to %parallel_loop3A_106 step %parallel_loop3A_107  : i32 {
        %parallel_loop3A_188 = arith.constant 8 : i32
        %parallel_loop3A_189 = arith.divsi %parallel_loop3A_187, %parallel_loop3A_188 : i32
        %parallel_loop3A_190 = arith.constant 0 : i32
        %parallel_loop3A_191 = arith.cmpi sgt, %parallel_loop3A_187, %parallel_loop3A_190 : i32
        %parallel_loop3A_192 = arith.extui %parallel_loop3A_191 : i1 to i32
        %parallel_loop3A_193 = arith.constant 0 : i32
        %parallel_loop3A_194 = arith.cmpi slt, %parallel_loop3A_187, %parallel_loop3A_193 : i32
        %parallel_loop3A_195 = arith.extui %parallel_loop3A_194 : i1 to i32
        %parallel_loop3A_196 = arith.subi %parallel_loop3A_192, %parallel_loop3A_195 : i32
        %parallel_loop3A_197 = arith.constant 0 : i32
        %parallel_loop3A_198 = arith.cmpi sgt, %parallel_loop3A_188, %parallel_loop3A_197 : i32
        %parallel_loop3A_199 = arith.extui %parallel_loop3A_198 : i1 to i32
        %parallel_loop3A_200 = arith.constant 0 : i32
        %parallel_loop3A_201 = arith.cmpi slt, %parallel_loop3A_188, %parallel_loop3A_200 : i32
        %parallel_loop3A_202 = arith.extui %parallel_loop3A_201 : i1 to i32
        %parallel_loop3A_203 = arith.subi %parallel_loop3A_199, %parallel_loop3A_202 : i32
        %parallel_loop3A_204 = arith.cmpi ne, %parallel_loop3A_196, %parallel_loop3A_203 : i32
        %parallel_loop3A_205 = arith.remsi %parallel_loop3A_187, %parallel_loop3A_188 : i32
        %parallel_loop3A_206 = arith.constant 0 : i32
        %parallel_loop3A_207 = arith.cmpi ne, %parallel_loop3A_205, %parallel_loop3A_206 : i32
        %parallel_loop3A_208 = arith.andi %parallel_loop3A_204, %parallel_loop3A_207 : i1
        %parallel_loop3A_209 = arith.constant 1 : i32
        %parallel_loop3A_210 = arith.subi %parallel_loop3A_189, %parallel_loop3A_209 : i32
        %parallel_loop3A_211 = arith.select %parallel_loop3A_208, %parallel_loop3A_210, %parallel_loop3A_189 : i32
        %parallel_loop3A_212 = arith.constant 8 : i32
        %parallel_loop3A_213 = arith.constant 0 : i32
        %parallel_loop3A_214 = arith.cmpi eq, %parallel_loop3A_212, %parallel_loop3A_213 : i32
        %parallel_loop3A_215 = arith.constant 1 : i32
        %parallel_loop3A_216 = arith.select %parallel_loop3A_214, %parallel_loop3A_215, %parallel_loop3A_212 : i32
        %parallel_loop3A_217 = arith.remsi %parallel_loop3A_187, %parallel_loop3A_216 : i32
        %parallel_loop3A_218 = arith.constant 0 : i32
        %parallel_loop3A_219 = arith.cmpi ne, %parallel_loop3A_217, %parallel_loop3A_218 : i32
        %parallel_loop3A_220 = arith.constant 0 : i32
        %parallel_loop3A_221 = arith.cmpi slt, %parallel_loop3A_217, %parallel_loop3A_220 : i32
        %parallel_loop3A_222 = arith.constant 0 : i32
        %parallel_loop3A_223 = arith.cmpi slt, %parallel_loop3A_216, %parallel_loop3A_222 : i32
        %parallel_loop3A_224 = arith.xori %parallel_loop3A_221, %parallel_loop3A_223 : i1
        %parallel_loop3A_225 = arith.andi %parallel_loop3A_224, %parallel_loop3A_219 : i1
        %parallel_loop3A_226 = arith.addi %parallel_loop3A_217, %parallel_loop3A_216 : i32
        %parallel_loop3A_227 = arith.select %parallel_loop3A_225, %parallel_loop3A_226, %parallel_loop3A_217 : i32
        %parallel_loop3A_228 = arith.constant 16 : i32
        %parallel_loop3A_229 = arith.muli %parallel_loop3A_227, %parallel_loop3A_228 : i32
        %parallel_loop3A_230 = arith.constant 1 : i32
        %parallel_loop3A_231 = arith.index_cast %select_n3A_78 : i32 to index
        %parallel_loop3A_232 = arith.index_cast %parallel_loop3A_211 : i32 to index
        %parallel_loop3A_233 = arith.index_cast %parallel_loop3A_230 : i32 to index
        %parallel_loop3A_234 = arith.index_cast %parallel_loop3A_229 : i32 to index
        %parallel_loop3A_235 = tpu.vector_load %arg6[%parallel_loop3A_231, %parallel_loop3A_232, %parallel_loop3A_233, %parallel_loop3A_234] {strides = array<i32>} : memref<2x4x4x128xi32, #tpu.memory_space<vmem>>, vector<16xi32>,
        %parallel_loop3A_236 = arith.constant 2 : i32
        %parallel_loop3A_237 = arith.index_cast %select_n3A_78 : i32 to index
        %parallel_loop3A_238 = arith.index_cast %parallel_loop3A_211 : i32 to index
        %parallel_loop3A_239 = arith.index_cast %parallel_loop3A_236 : i32 to index
        %parallel_loop3A_240 = arith.index_cast %parallel_loop3A_229 : i32 to index
        %parallel_loop3A_241 = tpu.vector_load %arg6[%parallel_loop3A_237, %parallel_loop3A_238, %parallel_loop3A_239, %parallel_loop3A_240] {strides = array<i32>} : memref<2x4x4x128xi32, #tpu.memory_space<vmem>>, vector<16xi32>,
        %parallel_loop3A_242 = arith.constant 3 : i32
        %parallel_loop3A_243 = arith.index_cast %select_n3A_78 : i32 to index
        %parallel_loop3A_244 = arith.index_cast %parallel_loop3A_211 : i32 to index
        %parallel_loop3A_245 = arith.index_cast %parallel_loop3A_242 : i32 to index
        %parallel_loop3A_246 = arith.index_cast %parallel_loop3A_229 : i32 to index
        %parallel_loop3A_247 = tpu.vector_load %arg6[%parallel_loop3A_243, %parallel_loop3A_244, %parallel_loop3A_245, %parallel_loop3A_246] {strides = array<i32>} : memref<2x4x4x128xi32, #tpu.memory_space<vmem>>, vector<16xi32>,
        %parallel_loop3A_248 = arith.constant 1 : i32
        %parallel_loop3A_249 = vector.broadcast %parallel_loop3A_248 : i32 to vector<16xi32>
        %parallel_loop3A_250 = arith.andi %parallel_loop3A_235, %parallel_loop3A_249 : vector<16xi32>
        %parallel_loop3A_251 = arith.constant 1 : i32
        %parallel_loop3A_252 = vector.broadcast %parallel_loop3A_251 : i32 to vector<16xi32>
        %parallel_loop3A_253 = arith.andi %parallel_loop3A_241, %parallel_loop3A_252 : vector<16xi32>
        %parallel_loop3A_254 = arith.constant 1 : i32
        %parallel_loop3A_255 = vector.broadcast %parallel_loop3A_254 : i32 to vector<16xi32>
        %parallel_loop3A_256 = arith.shli %parallel_loop3A_253, %parallel_loop3A_255 : vector<16xi32>
        %parallel_loop3A_257 = arith.ori %parallel_loop3A_250, %parallel_loop3A_256 : vector<16xi32>
        %parallel_loop3A_258 = arith.constant 1 : i32
        %parallel_loop3A_259 = vector.broadcast %parallel_loop3A_258 : i32 to vector<16xi32>
        %parallel_loop3A_260 = arith.andi %parallel_loop3A_247, %parallel_loop3A_259 : vector<16xi32>
        %parallel_loop3A_261 = arith.constant 2 : i32
        %parallel_loop3A_262 = vector.broadcast %parallel_loop3A_261 : i32 to vector<16xi32>
        %parallel_loop3A_263 = arith.shli %parallel_loop3A_260, %parallel_loop3A_262 : vector<16xi32>
        %parallel_loop3A_264 = arith.ori %parallel_loop3A_257, %parallel_loop3A_263 : vector<16xi32>
        %parallel_loop3A_265 = vector.shape_cast %parallel_loop3A_264 : vector<16xi32> to vector<16x1xi32>
        %parallel_loop3A_266 = arith.constant 8 : i32
        %parallel_loop3A_267 = arith.divsi %parallel_loop3A_187, %parallel_loop3A_266 : i32
        %parallel_loop3A_268 = arith.constant 0 : i32
        %parallel_loop3A_269 = arith.cmpi sgt, %parallel_loop3A_187, %parallel_loop3A_268 : i32
        %parallel_loop3A_270 = arith.extui %parallel_loop3A_269 : i1 to i32
        %parallel_loop3A_271 = arith.constant 0 : i32
        %parallel_loop3A_272 = arith.cmpi slt, %parallel_loop3A_187, %parallel_loop3A_271 : i32
        %parallel_loop3A_273 = arith.extui %parallel_loop3A_272 : i1 to i32
        %parallel_loop3A_274 = arith.subi %parallel_loop3A_270, %parallel_loop3A_273 : i32
        %parallel_loop3A_275 = arith.constant 0 : i32
        %parallel_loop3A_276 = arith.cmpi sgt, %parallel_loop3A_266, %parallel_loop3A_275 : i32
        %parallel_loop3A_277 = arith.extui %parallel_loop3A_276 : i1 to i32
        %parallel_loop3A_278 = arith.constant 0 : i32
        %parallel_loop3A_279 = arith.cmpi slt, %parallel_loop3A_266, %parallel_loop3A_278 : i32
        %parallel_loop3A_280 = arith.extui %parallel_loop3A_279 : i1 to i32
        %parallel_loop3A_281 = arith.subi %parallel_loop3A_277, %parallel_loop3A_280 : i32
        %parallel_loop3A_282 = arith.cmpi ne, %parallel_loop3A_274, %parallel_loop3A_281 : i32
        %parallel_loop3A_283 = arith.remsi %parallel_loop3A_187, %parallel_loop3A_266 : i32
        %parallel_loop3A_284 = arith.constant 0 : i32
        %parallel_loop3A_285 = arith.cmpi ne, %parallel_loop3A_283, %parallel_loop3A_284 : i32
        %parallel_loop3A_286 = arith.andi %parallel_loop3A_282, %parallel_loop3A_285 : i1
        %parallel_loop3A_287 = arith.constant 1 : i32
        %parallel_loop3A_288 = arith.subi %parallel_loop3A_267, %parallel_loop3A_287 : i32
        %parallel_loop3A_289 = arith.select %parallel_loop3A_286, %parallel_loop3A_288, %parallel_loop3A_267 : i32
        %parallel_loop3A_290 = arith.constant 1024 : i32
        %parallel_loop3A_291 = arith.muli %parallel_loop3A_289, %parallel_loop3A_290 : i32
        %parallel_loop3A_292 = arith.addi %mul3A_105, %parallel_loop3A_291 : i32
        %parallel_loop3A_293 = arith.constant 8 : i32
        %parallel_loop3A_294 = arith.constant 0 : i32
        %parallel_loop3A_295 = arith.cmpi eq, %parallel_loop3A_293, %parallel_loop3A_294 : i32
        %parallel_loop3A_296 = arith.constant 1 : i32
        %parallel_loop3A_297 = arith.select %parallel_loop3A_295, %parallel_loop3A_296, %parallel_loop3A_293 : i32
        %parallel_loop3A_298 = arith.remsi %parallel_loop3A_187, %parallel_loop3A_297 : i32
        %parallel_loop3A_299 = arith.constant 0 : i32
        %parallel_loop3A_300 = arith.cmpi ne, %parallel_loop3A_298, %parallel_loop3A_299 : i32
        %parallel_loop3A_301 = arith.constant 0 : i32
        %parallel_loop3A_302 = arith.cmpi slt, %parallel_loop3A_298, %parallel_loop3A_301 : i32
        %parallel_loop3A_303 = arith.constant 0 : i32
        %parallel_loop3A_304 = arith.cmpi slt, %parallel_loop3A_297, %parallel_loop3A_303 : i32
        %parallel_loop3A_305 = arith.xori %parallel_loop3A_302, %parallel_loop3A_304 : i1
        %parallel_loop3A_306 = arith.andi %parallel_loop3A_305, %parallel_loop3A_300 : i1
        %parallel_loop3A_307 = arith.addi %parallel_loop3A_298, %parallel_loop3A_297 : i32
        %parallel_loop3A_308 = arith.select %parallel_loop3A_306, %parallel_loop3A_307, %parallel_loop3A_298 : i32
        %parallel_loop3A_309 = arith.constant 16 : i32
        %parallel_loop3A_310 = arith.muli %parallel_loop3A_308, %parallel_loop3A_309 : i32
        %parallel_loop3A_311 = arith.addi %parallel_loop3A_292, %parallel_loop3A_310 : i32
        %parallel_loop3A_312 = arith.constant 0 : index
        %parallel_loop3A_313 = tpu.vector_load %arg8[%parallel_loop3A_312] {strides = array<i32>} : memref<1024xf32, #tpu.memory_space<vmem>>, vector<16xf32>,
        %parallel_loop3A_314 = vector.shape_cast %parallel_loop3A_265 : vector<16x1xi32> to vector<16xi32>
        %parallel_loop3A_315 = tpu.dynamic_gather %parallel_loop3A_313[%parallel_loop3A_314] in [0] : vector<16xf32>, vector<16xi32> -> vector<16xf32>
        %parallel_loop3A_316 = arith.constant 0 : i32
        %parallel_loop3A_317 = arith.addi %parallel_loop3A_311, %parallel_loop3A_316 : i32
        %parallel_loop3A_318 = arith.constant 0 : i32
        %parallel_loop3A_319 = arith.addi %parallel_loop3A_317, %parallel_loop3A_318 : i32
        %parallel_loop3A_320 = arith.index_cast %parallel_loop3A_319 : i32 to index
        %parallel_loop3A_321 = tpu.vector_load %arg9[%parallel_loop3A_320] {strides = array<i32>} : memref<65536xf32, #tpu.memory_space<vmem>>, vector<16xf32>,
        tpu.vector_store %arg9[%parallel_loop3A_320], %parallel_loop3A_315 {strides = array<i32>} : memref<65536xf32, #tpu.memory_space<vmem>>, vector<16xf32>,
        %parallel_loop3A_322 = arith.constant 16 : index
        %parallel_loop3A_323 = tpu.vector_load %arg8[%parallel_loop3A_322] {strides = array<i32>} : memref<1024xf32, #tpu.memory_space<vmem>>, vector<16xf32>,
        %parallel_loop3A_324 = vector.shape_cast %parallel_loop3A_265 : vector<16x1xi32> to vector<16xi32>
        %parallel_loop3A_325 = tpu.dynamic_gather %parallel_loop3A_323[%parallel_loop3A_324] in [0] : vector<16xf32>, vector<16xi32> -> vector<16xf32>
        %parallel_loop3A_326 = arith.constant 0 : i32
        %parallel_loop3A_327 = arith.addi %parallel_loop3A_311, %parallel_loop3A_326 : i32
        %parallel_loop3A_328 = arith.constant 128 : i32
        %parallel_loop3A_329 = arith.addi %parallel_loop3A_327, %parallel_loop3A_328 : i32
        %parallel_loop3A_330 = arith.index_cast %parallel_loop3A_329 : i32 to index
        %parallel_loop3A_331 = tpu.vector_load %arg9[%parallel_loop3A_330] {strides = array<i32>} : memref<65536xf32, #tpu.memory_space<vmem>>, vector<16xf32>,
        tpu.vector_store %arg9[%parallel_loop3A_330], %parallel_loop3A_325 {strides = array<i32>} : memref<65536xf32, #tpu.memory_space<vmem>>, vector<16xf32>,
        %parallel_loop3A_332 = arith.constant 32 : index
        %parallel_loop3A_333 = tpu.vector_load %arg8[%parallel_loop3A_332] {strides = array<i32>} : memref<1024xf32, #tpu.memory_space<vmem>>, vector<16xf32>,
        %parallel_loop3A_334 = vector.shape_cast %parallel_loop3A_265 : vector<16x1xi32> to vector<16xi32>
        %parallel_loop3A_335 = tpu.dynamic_gather %parallel_loop3A_333[%parallel_loop3A_334] in [0] : vector<16xf32>, vector<16xi32> -> vector<16xf32>
        %parallel_loop3A_336 = arith.constant 0 : i32
        %parallel_loop3A_337 = arith.addi %parallel_loop3A_311, %parallel_loop3A_336 : i32
        %parallel_loop3A_338 = arith.constant 256 : i32
        %parallel_loop3A_339 = arith.addi %parallel_loop3A_337, %parallel_loop3A_338 : i32
        %parallel_loop3A_340 = arith.index_cast %parallel_loop3A_339 : i32 to index
        %parallel_loop3A_341 = tpu.vector_load %arg9[%parallel_loop3A_340] {strides = array<i32>} : memref<65536xf32, #tpu.memory_space<vmem>>, vector<16xf32>,
        tpu.vector_store %arg9[%parallel_loop3A_340], %parallel_loop3A_335 {strides = array<i32>} : memref<65536xf32, #tpu.memory_space<vmem>>, vector<16xf32>,
        %parallel_loop3A_342 = arith.constant 48 : index
        %parallel_loop3A_343 = tpu.vector_load %arg8[%parallel_loop3A_342] {strides = array<i32>} : memref<1024xf32, #tpu.memory_space<vmem>>, vector<16xf32>,
        %parallel_loop3A_344 = vector.shape_cast %parallel_loop3A_265 : vector<16x1xi32> to vector<16xi32>
        %parallel_loop3A_345 = tpu.dynamic_gather %parallel_loop3A_343[%parallel_loop3A_344] in [0] : vector<16xf32>, vector<16xi32> -> vector<16xf32>
        %parallel_loop3A_346 = arith.constant 0 : i32
        %parallel_loop3A_347 = arith.addi %parallel_loop3A_311, %parallel_loop3A_346 : i32
        %parallel_loop3A_348 = arith.constant 384 : i32
        %parallel_loop3A_349 = arith.addi %parallel_loop3A_347, %parallel_loop3A_348 : i32
        %parallel_loop3A_350 = arith.index_cast %parallel_loop3A_349 : i32 to index
        %parallel_loop3A_351 = tpu.vector_load %arg9[%parallel_loop3A_350] {strides = array<i32>} : memref<65536xf32, #tpu.memory_space<vmem>>, vector<16xf32>,
        tpu.vector_store %arg9[%parallel_loop3A_350], %parallel_loop3A_345 {strides = array<i32>} : memref<65536xf32, #tpu.memory_space<vmem>>, vector<16xf32>,
        %parallel_loop3A_352 = arith.constant 64 : index
        %parallel_loop3A_353 = tpu.vector_load %arg8[%parallel_loop3A_352] {strides = array<i32>} : memref<1024xf32, #tpu.memory_space<vmem>>, vector<16xf32>,
        %parallel_loop3A_354 = vector.shape_cast %parallel_loop3A_265 : vector<16x1xi32> to vector<16xi32>
        %parallel_loop3A_355 = tpu.dynamic_gather %parallel_loop3A_353[%parallel_loop3A_354] in [0] : vector<16xf32>, vector<16xi32> -> vector<16xf32>
        %parallel_loop3A_356 = arith.constant 0 : i32
        %parallel_loop3A_357 = arith.addi %parallel_loop3A_311, %parallel_loop3A_356 : i32
        %parallel_loop3A_358 = arith.constant 512 : i32
        %parallel_loop3A_359 = arith.addi %parallel_loop3A_357, %parallel_loop3A_358 : i32
        %parallel_loop3A_360 = arith.index_cast %parallel_loop3A_359 : i32 to index
        %parallel_loop3A_361 = tpu.vector_load %arg9[%parallel_loop3A_360] {strides = array<i32>} : memref<65536xf32, #tpu.memory_space<vmem>>, vector<16xf32>,
        tpu.vector_store %arg9[%parallel_loop3A_360], %parallel_loop3A_355 {strides = array<i32>} : memref<65536xf32, #tpu.memory_space<vmem>>, vector<16xf32>,
        %parallel_loop3A_362 = arith.constant 80 : index
        %parallel_loop3A_363 = tpu.vector_load %arg8[%parallel_loop3A_362] {strides = array<i32>} : memref<1024xf32, #tpu.memory_space<vmem>>, vector<16xf32>,
        %parallel_loop3A_364 = vector.shape_cast %parallel_loop3A_265 : vector<16x1xi32> to vector<16xi32>
        %parallel_loop3A_365 = tpu.dynamic_gather %parallel_loop3A_363[%parallel_loop3A_364] in [0] : vector<16xf32>, vector<16xi32> -> vector<16xf32>
        %parallel_loop3A_366 = arith.constant 0 : i32
        %parallel_loop3A_367 = arith.addi %parallel_loop3A_311, %parallel_loop3A_366 : i32
        %parallel_loop3A_368 = arith.constant 640 : i32
        %parallel_loop3A_369 = arith.addi %parallel_loop3A_367, %parallel_loop3A_368 : i32
        %parallel_loop3A_370 = arith.index_cast %parallel_loop3A_369 : i32 to index
        %parallel_loop3A_371 = tpu.vector_load %arg9[%parallel_loop3A_370] {strides = array<i32>} : memref<65536xf32, #tpu.memory_space<vmem>>, vector<16xf32>,
        tpu.vector_store %arg9[%parallel_loop3A_370], %parallel_loop3A_365 {strides = array<i32>} : memref<65536xf32, #tpu.memory_space<vmem>>, vector<16xf32>,
        %parallel_loop3A_372 = arith.constant 96 : index
        %parallel_loop3A_373 = tpu.vector_load %arg8[%parallel_loop3A_372] {strides = array<i32>} : memref<1024xf32, #tpu.memory_space<vmem>>, vector<16xf32>,
        %parallel_loop3A_374 = vector.shape_cast %parallel_loop3A_265 : vector<16x1xi32> to vector<16xi32>
        %parallel_loop3A_375 = tpu.dynamic_gather %parallel_loop3A_373[%parallel_loop3A_374] in [0] : vector<16xf32>, vector<16xi32> -> vector<16xf32>
        %parallel_loop3A_376 = arith.constant 0 : i32
        %parallel_loop3A_377 = arith.addi %parallel_loop3A_311, %parallel_loop3A_376 : i32
        %parallel_loop3A_378 = arith.constant 768 : i32
        %parallel_loop3A_379 = arith.addi %parallel_loop3A_377, %parallel_loop3A_378 : i32
        %parallel_loop3A_380 = arith.index_cast %parallel_loop3A_379 : i32 to index
        %parallel_loop3A_381 = tpu.vector_load %arg9[%parallel_loop3A_380] {strides = array<i32>} : memref<65536xf32, #tpu.memory_space<vmem>>, vector<16xf32>,
        tpu.vector_store %arg9[%parallel_loop3A_380], %parallel_loop3A_375 {strides = array<i32>} : memref<65536xf32, #tpu.memory_space<vmem>>, vector<16xf32>,
        %parallel_loop3A_382 = arith.constant 112 : index
        %parallel_loop3A_383 = tpu.vector_load %arg8[%parallel_loop3A_382] {strides = array<i32>} : memref<1024xf32, #tpu.memory_space<vmem>>, vector<16xf32>,
        %parallel_loop3A_384 = vector.shape_cast %parallel_loop3A_265 : vector<16x1xi32> to vector<16xi32>
        %parallel_loop3A_385 = tpu.dynamic_gather %parallel_loop3A_383[%parallel_loop3A_384] in [0] : vector<16xf32>, vector<16xi32> -> vector<16xf32>
        %parallel_loop3A_386 = arith.constant 0 : i32
        %parallel_loop3A_387 = arith.addi %parallel_loop3A_311, %parallel_loop3A_386 : i32
        %parallel_loop3A_388 = arith.constant 896 : i32
        %parallel_loop3A_389 = arith.addi %parallel_loop3A_387, %parallel_loop3A_388 : i32
        %parallel_loop3A_390 = arith.index_cast %parallel_loop3A_389 : i32 to index
        %parallel_loop3A_391 = tpu.vector_load %arg9[%parallel_loop3A_390] {strides = array<i32>} : memref<65536xf32, #tpu.memory_space<vmem>>, vector<16xf32>,
        tpu.vector_store %arg9[%parallel_loop3A_390], %parallel_loop3A_385 {strides = array<i32>} : memref<65536xf32, #tpu.memory_space<vmem>>, vector<16xf32>,
        %parallel_loop3A_392 = arith.constant 128 : index
        %parallel_loop3A_393 = tpu.vector_load %arg8[%parallel_loop3A_392] {strides = array<i32>} : memref<1024xf32, #tpu.memory_space<vmem>>, vector<16xf32>,
        %parallel_loop3A_394 = vector.shape_cast %parallel_loop3A_265 : vector<16x1xi32> to vector<16xi32>
        %parallel_loop3A_395 = tpu.dynamic_gather %parallel_loop3A_393[%parallel_loop3A_394] in [0] : vector<16xf32>, vector<16xi32> -> vector<16xf32>
        %parallel_loop3A_396 = arith.constant 4096 : i32
        %parallel_loop3A_397 = arith.addi %parallel_loop3A_311, %parallel_loop3A_396 : i32
        %parallel_loop3A_398 = arith.constant 0 : i32
        %parallel_loop3A_399 = arith.addi %parallel_loop3A_397, %parallel_loop3A_398 : i32
        %parallel_loop3A_400 = arith.index_cast %parallel_loop3A_399 : i32 to index
        %parallel_loop3A_401 = tpu.vector_load %arg9[%parallel_loop3A_400] {strides = array<i32>} : memref<65536xf32, #tpu.memory_space<vmem>>, vector<16xf32>,
        tpu.vector_store %arg9[%parallel_loop3A_400], %parallel_loop3A_395 {strides = array<i32>} : memref<65536xf32, #tpu.memory_space<vmem>>, vector<16xf32>,
        %parallel_loop3A_402 = arith.constant 144 : index
        %parallel_loop3A_403 = tpu.vector_load %arg8[%parallel_loop3A_402] {strides = array<i32>} : memref<1024xf32, #tpu.memory_space<vmem>>, vector<16xf32>,
        %parallel_loop3A_404 = vector.shape_cast %parallel_loop3A_265 : vector<16x1xi32> to vector<16xi32>
        %parallel_loop3A_405 = tpu.dynamic_gather %parallel_loop3A_403[%parallel_loop3A_404] in [0] : vector<16xf32>, vector<16xi32> -> vector<16xf32>
        %parallel_loop3A_406 = arith.constant 4096 : i32
        %parallel_loop3A_407 = arith.addi %parallel_loop3A_311, %parallel_loop3A_406 : i32
        %parallel_loop3A_408 = arith.constant 128 : i32
        %parallel_loop3A_409 = arith.addi %parallel_loop3A_407, %parallel_loop3A_408 : i32
        %parallel_loop3A_410 = arith.index_cast %parallel_loop3A_409 : i32 to index
        %parallel_loop3A_411 = tpu.vector_load %arg9[%parallel_loop3A_410] {strides = array<i32>} : memref<65536xf32, #tpu.memory_space<vmem>>, vector<16xf32>,
        tpu.vector_store %arg9[%parallel_loop3A_410], %parallel_loop3A_405 {strides = array<i32>} : memref<65536xf32, #tpu.memory_space<vmem>>, vector<16xf32>,
        %parallel_loop3A_412 = arith.constant 160 : index
        %parallel_loop3A_413 = tpu.vector_load %arg8[%parallel_loop3A_412] {strides = array<i32>} : memref<1024xf32, #tpu.memory_space<vmem>>, vector<16xf32>,
        %parallel_loop3A_414 = vector.shape_cast %parallel_loop3A_265 : vector<16x1xi32> to vector<16xi32>
        %parallel_loop3A_415 = tpu.dynamic_gather %parallel_loop3A_413[%parallel_loop3A_414] in [0] : vector<16xf32>, vector<16xi32> -> vector<16xf32>
        %parallel_loop3A_416 = arith.constant 4096 : i32
        %parallel_loop3A_417 = arith.addi %parallel_loop3A_311, %parallel_loop3A_416 : i32
        %parallel_loop3A_418 = arith.constant 256 : i32
        %parallel_loop3A_419 = arith.addi %parallel_loop3A_417, %parallel_loop3A_418 : i32
        %parallel_loop3A_420 = arith.index_cast %parallel_loop3A_419 : i32 to index
        %parallel_loop3A_421 = tpu.vector_load %arg9[%parallel_loop3A_420] {strides = array<i32>} : memref<65536xf32, #tpu.memory_space<vmem>>, vector<16xf32>,
        tpu.vector_store %arg9[%parallel_loop3A_420], %parallel_loop3A_415 {strides = array<i32>} : memref<65536xf32, #tpu.memory_space<vmem>>, vector<16xf32>,
        %parallel_loop3A_422 = arith.constant 176 : index
        %parallel_loop3A_423 = tpu.vector_load %arg8[%parallel_loop3A_422] {strides = array<i32>} : memref<1024xf32, #tpu.memory_space<vmem>>, vector<16xf32>,
        %parallel_loop3A_424 = vector.shape_cast %parallel_loop3A_265 : vector<16x1xi32> to vector<16xi32>
        %parallel_loop3A_425 = tpu.dynamic_gather %parallel_loop3A_423[%parallel_loop3A_424] in [0] : vector<16xf32>, vector<16xi32> -> vector<16xf32>
        %parallel_loop3A_426 = arith.constant 4096 : i32
        %parallel_loop3A_427 = arith.addi %parallel_loop3A_311, %parallel_loop3A_426 : i32
        %parallel_loop3A_428 = arith.constant 384 : i32
        %parallel_loop3A_429 = arith.addi %parallel_loop3A_427, %parallel_loop3A_428 : i32
        %parallel_loop3A_430 = arith.index_cast %parallel_loop3A_429 : i32 to index
        %parallel_loop3A_431 = tpu.vector_load %arg9[%parallel_loop3A_430] {strides = array<i32>} : memref<65536xf32, #tpu.memory_space<vmem>>, vector<16xf32>,
        tpu.vector_store %arg9[%parallel_loop3A_430], %parallel_loop3A_425 {strides = array<i32>} : memref<65536xf32, #tpu.memory_space<vmem>>, vector<16xf32>,
        %parallel_loop3A_432 = arith.constant 192 : index
        %parallel_loop3A_433 = tpu.vector_load %arg8[%parallel_loop3A_432] {strides = array<i32>} : memref<1024xf32, #tpu.memory_space<vmem>>, vector<16xf32>,
        %parallel_loop3A_434 = vector.shape_cast %parallel_loop3A_265 : vector<16x1xi32> to vector<16xi32>
        %parallel_loop3A_435 = tpu.dynamic_gather %parallel_loop3A_433[%parallel_loop3A_434] in [0] : vector<16xf32>, vector<16xi32> -> vector<16xf32>
        %parallel_loop3A_436 = arith.constant 4096 : i32
        %parallel_loop3A_437 = arith.addi %parallel_loop3A_311, %parallel_loop3A_436 : i32
        %parallel_loop3A_438 = arith.constant 512 : i32
        %parallel_loop3A_439 = arith.addi %parallel_loop3A_437, %parallel_loop3A_438 : i32
        %parallel_loop3A_440 = arith.index_cast %parallel_loop3A_439 : i32 to index
        %parallel_loop3A_441 = tpu.vector_load %arg9[%parallel_loop3A_440] {strides = array<i32>} : memref<65536xf32, #tpu.memory_space<vmem>>, vector<16xf32>,
        tpu.vector_store %arg9[%parallel_loop3A_440], %parallel_loop3A_435 {strides = array<i32>} : memref<65536xf32, #tpu.memory_space<vmem>>, vector<16xf32>,
        %parallel_loop3A_442 = arith.constant 208 : index
        %parallel_loop3A_443 = tpu.vector_load %arg8[%parallel_loop3A_442] {strides = array<i32>} : memref<1024xf32, #tpu.memory_space<vmem>>, vector<16xf32>,
        %parallel_loop3A_444 = vector.shape_cast %parallel_loop3A_265 : vector<16x1xi32> to vector<16xi32>
        %parallel_loop3A_445 = tpu.dynamic_gather %parallel_loop3A_443[%parallel_loop3A_444] in [0] : vector<16xf32>, vector<16xi32> -> vector<16xf32>
        %parallel_loop3A_446 = arith.constant 4096 : i32
        %parallel_loop3A_447 = arith.addi %parallel_loop3A_311, %parallel_loop3A_446 : i32
        %parallel_loop3A_448 = arith.constant 640 : i32
        %parallel_loop3A_449 = arith.addi %parallel_loop3A_447, %parallel_loop3A_448 : i32
        %parallel_loop3A_450 = arith.index_cast %parallel_loop3A_449 : i32 to index
        %parallel_loop3A_451 = tpu.vector_load %arg9[%parallel_loop3A_450] {strides = array<i32>} : memref<65536xf32, #tpu.memory_space<vmem>>, vector<16xf32>,
        tpu.vector_store %arg9[%parallel_loop3A_450], %parallel_loop3A_445 {strides = array<i32>} : memref<65536xf32, #tpu.memory_space<vmem>>, vector<16xf32>,
        %parallel_loop3A_452 = arith.constant 224 : index
        %parallel_loop3A_453 = tpu.vector_load %arg8[%parallel_loop3A_452] {strides = array<i32>} : memref<1024xf32, #tpu.memory_space<vmem>>, vector<16xf32>,
        %parallel_loop3A_454 = vector.shape_cast %parallel_loop3A_265 : vector<16x1xi32> to vector<16xi32>
        %parallel_loop3A_455 = tpu.dynamic_gather %parallel_loop3A_453[%parallel_loop3A_454] in [0] : vector<16xf32>, vector<16xi32> -> vector<16xf32>
        %parallel_loop3A_456 = arith.constant 4096 : i32
        %parallel_loop3A_457 = arith.addi %parallel_loop3A_311, %parallel_loop3A_456 : i32
        %parallel_loop3A_458 = arith.constant 768 : i32
        %parallel_loop3A_459 = arith.addi %parallel_loop3A_457, %parallel_loop3A_458 : i32
        %parallel_loop3A_460 = arith.index_cast %parallel_loop3A_459 : i32 to index
        %parallel_loop3A_461 = tpu.vector_load %arg9[%parallel_loop3A_460] {strides = array<i32>} : memref<65536xf32, #tpu.memory_space<vmem>>, vector<16xf32>,
        tpu.vector_store %arg9[%parallel_loop3A_460], %parallel_loop3A_455 {strides = array<i32>} : memref<65536xf32, #tpu.memory_space<vmem>>, vector<16xf32>,
        %parallel_loop3A_462 = arith.constant 240 : index
        %parallel_loop3A_463 = tpu.vector_load %arg8[%parallel_loop3A_462] {strides = array<i32>} : memref<1024xf32, #tpu.memory_space<vmem>>, vector<16xf32>,
        %parallel_loop3A_464 = vector.shape_cast %parallel_loop3A_265 : vector<16x1xi32> to vector<16xi32>
        %parallel_loop3A_465 = tpu.dynamic_gather %parallel_loop3A_463[%parallel_loop3A_464] in [0] : vector<16xf32>, vector<16xi32> -> vector<16xf32>
        %parallel_loop3A_466 = arith.constant 4096 : i32
        %parallel_loop3A_467 = arith.addi %parallel_loop3A_311, %parallel_loop3A_466 : i32
        %parallel_loop3A_468 = arith.constant 896 : i32
        %parallel_loop3A_469 = arith.addi %parallel_loop3A_467, %parallel_loop3A_468 : i32
        %parallel_loop3A_470 = arith.index_cast %parallel_loop3A_469 : i32 to index
        %parallel_loop3A_471 = tpu.vector_load %arg9[%parallel_loop3A_470] {strides = array<i32>} : memref<65536xf32, #tpu.memory_space<vmem>>, vector<16xf32>,
        tpu.vector_store %arg9[%parallel_loop3A_470], %parallel_loop3A_465 {strides = array<i32>} : memref<65536xf32, #tpu.memory_space<vmem>>, vector<16xf32>,
        %parallel_loop3A_472 = arith.constant 256 : index
        %parallel_loop3A_473 = tpu.vector_load %arg8[%parallel_loop3A_472] {strides = array<i32>} : memref<1024xf32, #tpu.memory_space<vmem>>, vector<16xf32>,
        %parallel_loop3A_474 = vector.shape_cast %parallel_loop3A_265 : vector<16x1xi32> to vector<16xi32>
        %parallel_loop3A_475 = tpu.dynamic_gather %parallel_loop3A_473[%parallel_loop3A_474] in [0] : vector<16xf32>, vector<16xi32> -> vector<16xf32>
        %parallel_loop3A_476 = arith.constant 8192 : i32
        %parallel_loop3A_477 = arith.addi %parallel_loop3A_311, %parallel_loop3A_476 : i32
        %parallel_loop3A_478 = arith.constant 0 : i32
        %parallel_loop3A_479 = arith.addi %parallel_loop3A_477, %parallel_loop3A_478 : i32
        %parallel_loop3A_480 = arith.index_cast %parallel_loop3A_479 : i32 to index
        %parallel_loop3A_481 = tpu.vector_load %arg9[%parallel_loop3A_480] {strides = array<i32>} : memref<65536xf32, #tpu.memory_space<vmem>>, vector<16xf32>,
        tpu.vector_store %arg9[%parallel_loop3A_480], %parallel_loop3A_475 {strides = array<i32>} : memref<65536xf32, #tpu.memory_space<vmem>>, vector<16xf32>,
        %parallel_loop3A_482 = arith.constant 272 : index
        %parallel_loop3A_483 = tpu.vector_load %arg8[%parallel_loop3A_482] {strides = array<i32>} : memref<1024xf32, #tpu.memory_space<vmem>>, vector<16xf32>,
        %parallel_loop3A_484 = vector.shape_cast %parallel_loop3A_265 : vector<16x1xi32> to vector<16xi32>
        %parallel_loop3A_485 = tpu.dynamic_gather %parallel_loop3A_483[%parallel_loop3A_484] in [0] : vector<16xf32>, vector<16xi32> -> vector<16xf32>
        %parallel_loop3A_486 = arith.constant 8192 : i32
        %parallel_loop3A_487 = arith.addi %parallel_loop3A_311, %parallel_loop3A_486 : i32
        %parallel_loop3A_488 = arith.constant 128 : i32
        %parallel_loop3A_489 = arith.addi %parallel_loop3A_487, %parallel_loop3A_488 : i32
        %parallel_loop3A_490 = arith.index_cast %parallel_loop3A_489 : i32 to index
        %parallel_loop3A_491 = tpu.vector_load %arg9[%parallel_loop3A_490] {strides = array<i32>} : memref<65536xf32, #tpu.memory_space<vmem>>, vector<16xf32>,
        tpu.vector_store %arg9[%parallel_loop3A_490], %parallel_loop3A_485 {strides = array<i32>} : memref<65536xf32, #tpu.memory_space<vmem>>, vector<16xf32>,
        %parallel_loop3A_492 = arith.constant 288 : index
        %parallel_loop3A_493 = tpu.vector_load %arg8[%parallel_loop3A_492] {strides = array<i32>} : memref<1024xf32, #tpu.memory_space<vmem>>, vector<16xf32>,
        %parallel_loop3A_494 = vector.shape_cast %parallel_loop3A_265 : vector<16x1xi32> to vector<16xi32>
        %parallel_loop3A_495 = tpu.dynamic_gather %parallel_loop3A_493[%parallel_loop3A_494] in [0] : vector<16xf32>, vector<16xi32> -> vector<16xf32>
        %parallel_loop3A_496 = arith.constant 8192 : i32
        %parallel_loop3A_497 = arith.addi %parallel_loop3A_311, %parallel_loop3A_496 : i32
        %parallel_loop3A_498 = arith.constant 256 : i32
        %parallel_loop3A_499 = arith.addi %parallel_loop3A_497, %parallel_loop3A_498 : i32
        %parallel_loop3A_500 = arith.index_cast %parallel_loop3A_499 : i32 to index
        %parallel_loop3A_501 = tpu.vector_load %arg9[%parallel_loop3A_500] {strides = array<i32>} : memref<65536xf32, #tpu.memory_space<vmem>>, vector<16xf32>,
        tpu.vector_store %arg9[%parallel_loop3A_500], %parallel_loop3A_495 {strides = array<i32>} : memref<65536xf32, #tpu.memory_space<vmem>>, vector<16xf32>,
        %parallel_loop3A_502 = arith.constant 304 : index
        %parallel_loop3A_503 = tpu.vector_load %arg8[%parallel_loop3A_502] {strides = array<i32>} : memref<1024xf32, #tpu.memory_space<vmem>>, vector<16xf32>,
        %parallel_loop3A_504 = vector.shape_cast %parallel_loop3A_265 : vector<16x1xi32> to vector<16xi32>
        %parallel_loop3A_505 = tpu.dynamic_gather %parallel_loop3A_503[%parallel_loop3A_504] in [0] : vector<16xf32>, vector<16xi32> -> vector<16xf32>
        %parallel_loop3A_506 = arith.constant 8192 : i32
        %parallel_loop3A_507 = arith.addi %parallel_loop3A_311, %parallel_loop3A_506 : i32
        %parallel_loop3A_508 = arith.constant 384 : i32
        %parallel_loop3A_509 = arith.addi %parallel_loop3A_507, %parallel_loop3A_508 : i32
        %parallel_loop3A_510 = arith.index_cast %parallel_loop3A_509 : i32 to index
        %parallel_loop3A_511 = tpu.vector_load %arg9[%parallel_loop3A_510] {strides = array<i32>} : memref<65536xf32, #tpu.memory_space<vmem>>, vector<16xf32>,
        tpu.vector_store %arg9[%parallel_loop3A_510], %parallel_loop3A_505 {strides = array<i32>} : memref<65536xf32, #tpu.memory_space<vmem>>, vector<16xf32>,
        %parallel_loop3A_512 = arith.constant 320 : index
        %parallel_loop3A_513 = tpu.vector_load %arg8[%parallel_loop3A_512] {strides = array<i32>} : memref<1024xf32, #tpu.memory_space<vmem>>, vector<16xf32>,
        %parallel_loop3A_514 = vector.shape_cast %parallel_loop3A_265 : vector<16x1xi32> to vector<16xi32>
        %parallel_loop3A_515 = tpu.dynamic_gather %parallel_loop3A_513[%parallel_loop3A_514] in [0] : vector<16xf32>, vector<16xi32> -> vector<16xf32>
        %parallel_loop3A_516 = arith.constant 8192 : i32
        %parallel_loop3A_517 = arith.addi %parallel_loop3A_311, %parallel_loop3A_516 : i32
        %parallel_loop3A_518 = arith.constant 512 : i32
        %parallel_loop3A_519 = arith.addi %parallel_loop3A_517, %parallel_loop3A_518 : i32
        %parallel_loop3A_520 = arith.index_cast %parallel_loop3A_519 : i32 to index
        %parallel_loop3A_521 = tpu.vector_load %arg9[%parallel_loop3A_520] {strides = array<i32>} : memref<65536xf32, #tpu.memory_space<vmem>>, vector<16xf32>,
        tpu.vector_store %arg9[%parallel_loop3A_520], %parallel_loop3A_515 {strides = array<i32>} : memref<65536xf32, #tpu.memory_space<vmem>>, vector<16xf32>,
        %parallel_loop3A_522 = arith.constant 336 : index
        %parallel_loop3A_523 = tpu.vector_load %arg8[%parallel_loop3A_522] {strides = array<i32>} : memref<1024xf32, #tpu.memory_space<vmem>>, vector<16xf32>,
        %parallel_loop3A_524 = vector.shape_cast %parallel_loop3A_265 : vector<16x1xi32> to vector<16xi32>
        %parallel_loop3A_525 = tpu.dynamic_gather %parallel_loop3A_523[%parallel_loop3A_524] in [0] : vector<16xf32>, vector<16xi32> -> vector<16xf32>
        %parallel_loop3A_526 = arith.constant 8192 : i32
        %parallel_loop3A_527 = arith.addi %parallel_loop3A_311, %parallel_loop3A_526 : i32
        %parallel_loop3A_528 = arith.constant 640 : i32
        %parallel_loop3A_529 = arith.addi %parallel_loop3A_527, %parallel_loop3A_528 : i32
        %parallel_loop3A_530 = arith.index_cast %parallel_loop3A_529 : i32 to index
        %parallel_loop3A_531 = tpu.vector_load %arg9[%parallel_loop3A_530] {strides = array<i32>} : memref<65536xf32, #tpu.memory_space<vmem>>, vector<16xf32>,
        tpu.vector_store %arg9[%parallel_loop3A_530], %parallel_loop3A_525 {strides = array<i32>} : memref<65536xf32, #tpu.memory_space<vmem>>, vector<16xf32>,
        %parallel_loop3A_532 = arith.constant 352 : index
        %parallel_loop3A_533 = tpu.vector_load %arg8[%parallel_loop3A_532] {strides = array<i32>} : memref<1024xf32, #tpu.memory_space<vmem>>, vector<16xf32>,
        %parallel_loop3A_534 = vector.shape_cast %parallel_loop3A_265 : vector<16x1xi32> to vector<16xi32>
        %parallel_loop3A_535 = tpu.dynamic_gather %parallel_loop3A_533[%parallel_loop3A_534] in [0] : vector<16xf32>, vector<16xi32> -> vector<16xf32>
        %parallel_loop3A_536 = arith.constant 8192 : i32
        %parallel_loop3A_537 = arith.addi %parallel_loop3A_311, %parallel_loop3A_536 : i32
        %parallel_loop3A_538 = arith.constant 768 : i32
        %parallel_loop3A_539 = arith.addi %parallel_loop3A_537, %parallel_loop3A_538 : i32
        %parallel_loop3A_540 = arith.index_cast %parallel_loop3A_539 : i32 to index
        %parallel_loop3A_541 = tpu.vector_load %arg9[%parallel_loop3A_540] {strides = array<i32>} : memref<65536xf32, #tpu.memory_space<vmem>>, vector<16xf32>,
        tpu.vector_store %arg9[%parallel_loop3A_540], %parallel_loop3A_535 {strides = array<i32>} : memref<65536xf32, #tpu.memory_space<vmem>>, vector<16xf32>,
        %parallel_loop3A_542 = arith.constant 368 : index
        %parallel_loop3A_543 = tpu.vector_load %arg8[%parallel_loop3A_542] {strides = array<i32>} : memref<1024xf32, #tpu.memory_space<vmem>>, vector<16xf32>,
        %parallel_loop3A_544 = vector.shape_cast %parallel_loop3A_265 : vector<16x1xi32> to vector<16xi32>
        %parallel_loop3A_545 = tpu.dynamic_gather %parallel_loop3A_543[%parallel_loop3A_544] in [0] : vector<16xf32>, vector<16xi32> -> vector<16xf32>
        %parallel_loop3A_546 = arith.constant 8192 : i32
        %parallel_loop3A_547 = arith.addi %parallel_loop3A_311, %parallel_loop3A_546 : i32
        %parallel_loop3A_548 = arith.constant 896 : i32
        %parallel_loop3A_549 = arith.addi %parallel_loop3A_547, %parallel_loop3A_548 : i32
        %parallel_loop3A_550 = arith.index_cast %parallel_loop3A_549 : i32 to index
        %parallel_loop3A_551 = tpu.vector_load %arg9[%parallel_loop3A_550] {strides = array<i32>} : memref<65536xf32, #tpu.memory_space<vmem>>, vector<16xf32>,
        tpu.vector_store %arg9[%parallel_loop3A_550], %parallel_loop3A_545 {strides = array<i32>} : memref<65536xf32, #tpu.memory_space<vmem>>, vector<16xf32>,
        %parallel_loop3A_552 = arith.constant 384 : index
        %parallel_loop3A_553 = tpu.vector_load %arg8[%parallel_loop3A_552] {strides = array<i32>} : memref<1024xf32, #tpu.memory_space<vmem>>, vector<16xf32>,
        %parallel_loop3A_554 = vector.shape_cast %parallel_loop3A_265 : vector<16x1xi32> to vector<16xi32>
        %parallel_loop3A_555 = tpu.dynamic_gather %parallel_loop3A_553[%parallel_loop3A_554] in [0] : vector<16xf32>, vector<16xi32> -> vector<16xf32>
        %parallel_loop3A_556 = arith.constant 12288 : i32
        %parallel_loop3A_557 = arith.addi %parallel_loop3A_311, %parallel_loop3A_556 : i32
        %parallel_loop3A_558 = arith.constant 0 : i32
        %parallel_loop3A_559 = arith.addi %parallel_loop3A_557, %parallel_loop3A_558 : i32
        %parallel_loop3A_560 = arith.index_cast %parallel_loop3A_559 : i32 to index
        %parallel_loop3A_561 = tpu.vector_load %arg9[%parallel_loop3A_560] {strides = array<i32>} : memref<65536xf32, #tpu.memory_space<vmem>>, vector<16xf32>,
        tpu.vector_store %arg9[%parallel_loop3A_560], %parallel_loop3A_555 {strides = array<i32>} : memref<65536xf32, #tpu.memory_space<vmem>>, vector<16xf32>,
        %parallel_loop3A_562 = arith.constant 400 : index
        %parallel_loop3A_563 = tpu.vector_load %arg8[%parallel_loop3A_562] {strides = array<i32>} : memref<1024xf32, #tpu.memory_space<vmem>>, vector<16xf32>,
        %parallel_loop3A_564 = vector.shape_cast %parallel_loop3A_265 : vector<16x1xi32> to vector<16xi32>
        %parallel_loop3A_565 = tpu.dynamic_gather %parallel_loop3A_563[%parallel_loop3A_564] in [0] : vector<16xf32>, vector<16xi32> -> vector<16xf32>
        %parallel_loop3A_566 = arith.constant 12288 : i32
        %parallel_loop3A_567 = arith.addi %parallel_loop3A_311, %parallel_loop3A_566 : i32
        %parallel_loop3A_568 = arith.constant 128 : i32
        %parallel_loop3A_569 = arith.addi %parallel_loop3A_567, %parallel_loop3A_568 : i32
        %parallel_loop3A_570 = arith.index_cast %parallel_loop3A_569 : i32 to index
        %parallel_loop3A_571 = tpu.vector_load %arg9[%parallel_loop3A_570] {strides = array<i32>} : memref<65536xf32, #tpu.memory_space<vmem>>, vector<16xf32>,
        tpu.vector_store %arg9[%parallel_loop3A_570], %parallel_loop3A_565 {strides = array<i32>} : memref<65536xf32, #tpu.memory_space<vmem>>, vector<16xf32>,
        %parallel_loop3A_572 = arith.constant 416 : index
        %parallel_loop3A_573 = tpu.vector_load %arg8[%parallel_loop3A_572] {strides = array<i32>} : memref<1024xf32, #tpu.memory_space<vmem>>, vector<16xf32>,
        %parallel_loop3A_574 = vector.shape_cast %parallel_loop3A_265 : vector<16x1xi32> to vector<16xi32>
        %parallel_loop3A_575 = tpu.dynamic_gather %parallel_loop3A_573[%parallel_loop3A_574] in [0] : vector<16xf32>, vector<16xi32> -> vector<16xf32>
        %parallel_loop3A_576 = arith.constant 12288 : i32
        %parallel_loop3A_577 = arith.addi %parallel_loop3A_311, %parallel_loop3A_576 : i32
        %parallel_loop3A_578 = arith.constant 256 : i32
        %parallel_loop3A_579 = arith.addi %parallel_loop3A_577, %parallel_loop3A_578 : i32
        %parallel_loop3A_580 = arith.index_cast %parallel_loop3A_579 : i32 to index
        %parallel_loop3A_581 = tpu.vector_load %arg9[%parallel_loop3A_580] {strides = array<i32>} : memref<65536xf32, #tpu.memory_space<vmem>>, vector<16xf32>,
        tpu.vector_store %arg9[%parallel_loop3A_580], %parallel_loop3A_575 {strides = array<i32>} : memref<65536xf32, #tpu.memory_space<vmem>>, vector<16xf32>,
        %parallel_loop3A_582 = arith.constant 432 : index
        %parallel_loop3A_583 = tpu.vector_load %arg8[%parallel_loop3A_582] {strides = array<i32>} : memref<1024xf32, #tpu.memory_space<vmem>>, vector<16xf32>,
        %parallel_loop3A_584 = vector.shape_cast %parallel_loop3A_265 : vector<16x1xi32> to vector<16xi32>
        %parallel_loop3A_585 = tpu.dynamic_gather %parallel_loop3A_583[%parallel_loop3A_584] in [0] : vector<16xf32>, vector<16xi32> -> vector<16xf32>
        %parallel_loop3A_586 = arith.constant 12288 : i32
        %parallel_loop3A_587 = arith.addi %parallel_loop3A_311, %parallel_loop3A_586 : i32
        %parallel_loop3A_588 = arith.constant 384 : i32
        %parallel_loop3A_589 = arith.addi %parallel_loop3A_587, %parallel_loop3A_588 : i32
        %parallel_loop3A_590 = arith.index_cast %parallel_loop3A_589 : i32 to index
        %parallel_loop3A_591 = tpu.vector_load %arg9[%parallel_loop3A_590] {strides = array<i32>} : memref<65536xf32, #tpu.memory_space<vmem>>, vector<16xf32>,
        tpu.vector_store %arg9[%parallel_loop3A_590], %parallel_loop3A_585 {strides = array<i32>} : memref<65536xf32, #tpu.memory_space<vmem>>, vector<16xf32>,
        %parallel_loop3A_592 = arith.constant 448 : index
        %parallel_loop3A_593 = tpu.vector_load %arg8[%parallel_loop3A_592] {strides = array<i32>} : memref<1024xf32, #tpu.memory_space<vmem>>, vector<16xf32>,
        %parallel_loop3A_594 = vector.shape_cast %parallel_loop3A_265 : vector<16x1xi32> to vector<16xi32>
        %parallel_loop3A_595 = tpu.dynamic_gather %parallel_loop3A_593[%parallel_loop3A_594] in [0] : vector<16xf32>, vector<16xi32> -> vector<16xf32>
        %parallel_loop3A_596 = arith.constant 12288 : i32
        %parallel_loop3A_597 = arith.addi %parallel_loop3A_311, %parallel_loop3A_596 : i32
        %parallel_loop3A_598 = arith.constant 512 : i32
        %parallel_loop3A_599 = arith.addi %parallel_loop3A_597, %parallel_loop3A_598 : i32
        %parallel_loop3A_600 = arith.index_cast %parallel_loop3A_599 : i32 to index
        %parallel_loop3A_601 = tpu.vector_load %arg9[%parallel_loop3A_600] {strides = array<i32>} : memref<65536xf32, #tpu.memory_space<vmem>>, vector<16xf32>,
        tpu.vector_store %arg9[%parallel_loop3A_600], %parallel_loop3A_595 {strides = array<i32>} : memref<65536xf32, #tpu.memory_space<vmem>>, vector<16xf32>,
        %parallel_loop3A_602 = arith.constant 464 : index
        %parallel_loop3A_603 = tpu.vector_load %arg8[%parallel_loop3A_602] {strides = array<i32>} : memref<1024xf32, #tpu.memory_space<vmem>>, vector<16xf32>,
        %parallel_loop3A_604 = vector.shape_cast %parallel_loop3A_265 : vector<16x1xi32> to vector<16xi32>
        %parallel_loop3A_605 = tpu.dynamic_gather %parallel_loop3A_603[%parallel_loop3A_604] in [0] : vector<16xf32>, vector<16xi32> -> vector<16xf32>
        %parallel_loop3A_606 = arith.constant 12288 : i32
        %parallel_loop3A_607 = arith.addi %parallel_loop3A_311, %parallel_loop3A_606 : i32
        %parallel_loop3A_608 = arith.constant 640 : i32
        %parallel_loop3A_609 = arith.addi %parallel_loop3A_607, %parallel_loop3A_608 : i32
        %parallel_loop3A_610 = arith.index_cast %parallel_loop3A_609 : i32 to index
        %parallel_loop3A_611 = tpu.vector_load %arg9[%parallel_loop3A_610] {strides = array<i32>} : memref<65536xf32, #tpu.memory_space<vmem>>, vector<16xf32>,
        tpu.vector_store %arg9[%parallel_loop3A_610], %parallel_loop3A_605 {strides = array<i32>} : memref<65536xf32, #tpu.memory_space<vmem>>, vector<16xf32>,
        %parallel_loop3A_612 = arith.constant 480 : index
        %parallel_loop3A_613 = tpu.vector_load %arg8[%parallel_loop3A_612] {strides = array<i32>} : memref<1024xf32, #tpu.memory_space<vmem>>, vector<16xf32>,
        %parallel_loop3A_614 = vector.shape_cast %parallel_loop3A_265 : vector<16x1xi32> to vector<16xi32>
        %parallel_loop3A_615 = tpu.dynamic_gather %parallel_loop3A_613[%parallel_loop3A_614] in [0] : vector<16xf32>, vector<16xi32> -> vector<16xf32>
        %parallel_loop3A_616 = arith.constant 12288 : i32
        %parallel_loop3A_617 = arith.addi %parallel_loop3A_311, %parallel_loop3A_616 : i32
        %parallel_loop3A_618 = arith.constant 768 : i32
        %parallel_loop3A_619 = arith.addi %parallel_loop3A_617, %parallel_loop3A_618 : i32
        %parallel_loop3A_620 = arith.index_cast %parallel_loop3A_619 : i32 to index
        %parallel_loop3A_621 = tpu.vector_load %arg9[%parallel_loop3A_620] {strides = array<i32>} : memref<65536xf32, #tpu.memory_space<vmem>>, vector<16xf32>,
        tpu.vector_store %arg9[%parallel_loop3A_620], %parallel_loop3A_615 {strides = array<i32>} : memref<65536xf32, #tpu.memory_space<vmem>>, vector<16xf32>,
        %parallel_loop3A_622 = arith.constant 496 : index
        %parallel_loop3A_623 = tpu.vector_load %arg8[%parallel_loop3A_622] {strides = array<i32>} : memref<1024xf32, #tpu.memory_space<vmem>>, vector<16xf32>,
        %parallel_loop3A_624 = vector.shape_cast %parallel_loop3A_265 : vector<16x1xi32> to vector<16xi32>
        %parallel_loop3A_625 = tpu.dynamic_gather %parallel_loop3A_623[%parallel_loop3A_624] in [0] : vector<16xf32>, vector<16xi32> -> vector<16xf32>
        %parallel_loop3A_626 = arith.constant 12288 : i32
        %parallel_loop3A_627 = arith.addi %parallel_loop3A_311, %parallel_loop3A_626 : i32
        %parallel_loop3A_628 = arith.constant 896 : i32
        %parallel_loop3A_629 = arith.addi %parallel_loop3A_627, %parallel_loop3A_628 : i32
        %parallel_loop3A_630 = arith.index_cast %parallel_loop3A_629 : i32 to index
        %parallel_loop3A_631 = tpu.vector_load %arg9[%parallel_loop3A_630] {strides = array<i32>} : memref<65536xf32, #tpu.memory_space<vmem>>, vector<16xf32>,
        tpu.vector_store %arg9[%parallel_loop3A_630], %parallel_loop3A_625 {strides = array<i32>} : memref<65536xf32, #tpu.memory_space<vmem>>, vector<16xf32>,
        %parallel_loop3A_632 = arith.constant 512 : index
        %parallel_loop3A_633 = tpu.vector_load %arg8[%parallel_loop3A_632] {strides = array<i32>} : memref<1024xf32, #tpu.memory_space<vmem>>, vector<16xf32>,
        %parallel_loop3A_634 = vector.shape_cast %parallel_loop3A_265 : vector<16x1xi32> to vector<16xi32>
        %parallel_loop3A_635 = tpu.dynamic_gather %parallel_loop3A_633[%parallel_loop3A_634] in [0] : vector<16xf32>, vector<16xi32> -> vector<16xf32>
        %parallel_loop3A_636 = arith.constant 16384 : i32
        %parallel_loop3A_637 = arith.addi %parallel_loop3A_311, %parallel_loop3A_636 : i32
        %parallel_loop3A_638 = arith.constant 0 : i32
        %parallel_loop3A_639 = arith.addi %parallel_loop3A_637, %parallel_loop3A_638 : i32
        %parallel_loop3A_640 = arith.index_cast %parallel_loop3A_639 : i32 to index
        %parallel_loop3A_641 = tpu.vector_load %arg9[%parallel_loop3A_640] {strides = array<i32>} : memref<65536xf32, #tpu.memory_space<vmem>>, vector<16xf32>,
        tpu.vector_store %arg9[%parallel_loop3A_640], %parallel_loop3A_635 {strides = array<i32>} : memref<65536xf32, #tpu.memory_space<vmem>>, vector<16xf32>,
        %parallel_loop3A_642 = arith.constant 528 : index
        %parallel_loop3A_643 = tpu.vector_load %arg8[%parallel_loop3A_642] {strides = array<i32>} : memref<1024xf32, #tpu.memory_space<vmem>>, vector<16xf32>,
        %parallel_loop3A_644 = vector.shape_cast %parallel_loop3A_265 : vector<16x1xi32> to vector<16xi32>
        %parallel_loop3A_645 = tpu.dynamic_gather %parallel_loop3A_643[%parallel_loop3A_644] in [0] : vector<16xf32>, vector<16xi32> -> vector<16xf32>
        %parallel_loop3A_646 = arith.constant 16384 : i32
        %parallel_loop3A_647 = arith.addi %parallel_loop3A_311, %parallel_loop3A_646 : i32
        %parallel_loop3A_648 = arith.constant 128 : i32
        %parallel_loop3A_649 = arith.addi %parallel_loop3A_647, %parallel_loop3A_648 : i32
        %parallel_loop3A_650 = arith.index_cast %parallel_loop3A_649 : i32 to index
        %parallel_loop3A_651 = tpu.vector_load %arg9[%parallel_loop3A_650] {strides = array<i32>} : memref<65536xf32, #tpu.memory_space<vmem>>, vector<16xf32>,
        tpu.vector_store %arg9[%parallel_loop3A_650], %parallel_loop3A_645 {strides = array<i32>} : memref<65536xf32, #tpu.memory_space<vmem>>, vector<16xf32>,
        %parallel_loop3A_652 = arith.constant 544 : index
        %parallel_loop3A_653 = tpu.vector_load %arg8[%parallel_loop3A_652] {strides = array<i32>} : memref<1024xf32, #tpu.memory_space<vmem>>, vector<16xf32>,
        %parallel_loop3A_654 = vector.shape_cast %parallel_loop3A_265 : vector<16x1xi32> to vector<16xi32>
        %parallel_loop3A_655 = tpu.dynamic_gather %parallel_loop3A_653[%parallel_loop3A_654] in [0] : vector<16xf32>, vector<16xi32> -> vector<16xf32>
        %parallel_loop3A_656 = arith.constant 16384 : i32
        %parallel_loop3A_657 = arith.addi %parallel_loop3A_311, %parallel_loop3A_656 : i32
        %parallel_loop3A_658 = arith.constant 256 : i32
        %parallel_loop3A_659 = arith.addi %parallel_loop3A_657, %parallel_loop3A_658 : i32
        %parallel_loop3A_660 = arith.index_cast %parallel_loop3A_659 : i32 to index
        %parallel_loop3A_661 = tpu.vector_load %arg9[%parallel_loop3A_660] {strides = array<i32>} : memref<65536xf32, #tpu.memory_space<vmem>>, vector<16xf32>,
        tpu.vector_store %arg9[%parallel_loop3A_660], %parallel_loop3A_655 {strides = array<i32>} : memref<65536xf32, #tpu.memory_space<vmem>>, vector<16xf32>,
        %parallel_loop3A_662 = arith.constant 560 : index
        %parallel_loop3A_663 = tpu.vector_load %arg8[%parallel_loop3A_662] {strides = array<i32>} : memref<1024xf32, #tpu.memory_space<vmem>>, vector<16xf32>,
        %parallel_loop3A_664 = vector.shape_cast %parallel_loop3A_265 : vector<16x1xi32> to vector<16xi32>
        %parallel_loop3A_665 = tpu.dynamic_gather %parallel_loop3A_663[%parallel_loop3A_664] in [0] : vector<16xf32>, vector<16xi32> -> vector<16xf32>
        %parallel_loop3A_666 = arith.constant 16384 : i32
        %parallel_loop3A_667 = arith.addi %parallel_loop3A_311, %parallel_loop3A_666 : i32
        %parallel_loop3A_668 = arith.constant 384 : i32
        %parallel_loop3A_669 = arith.addi %parallel_loop3A_667, %parallel_loop3A_668 : i32
        %parallel_loop3A_670 = arith.index_cast %parallel_loop3A_669 : i32 to index
        %parallel_loop3A_671 = tpu.vector_load %arg9[%parallel_loop3A_670] {strides = array<i32>} : memref<65536xf32, #tpu.memory_space<vmem>>, vector<16xf32>,
        tpu.vector_store %arg9[%parallel_loop3A_670], %parallel_loop3A_665 {strides = array<i32>} : memref<65536xf32, #tpu.memory_space<vmem>>, vector<16xf32>,
        %parallel_loop3A_672 = arith.constant 576 : index
        %parallel_loop3A_673 = tpu.vector_load %arg8[%parallel_loop3A_672] {strides = array<i32>} : memref<1024xf32, #tpu.memory_space<vmem>>, vector<16xf32>,
        %parallel_loop3A_674 = vector.shape_cast %parallel_loop3A_265 : vector<16x1xi32> to vector<16xi32>
        %parallel_loop3A_675 = tpu.dynamic_gather %parallel_loop3A_673[%parallel_loop3A_674] in [0] : vector<16xf32>, vector<16xi32> -> vector<16xf32>
        %parallel_loop3A_676 = arith.constant 16384 : i32
        %parallel_loop3A_677 = arith.addi %parallel_loop3A_311, %parallel_loop3A_676 : i32
        %parallel_loop3A_678 = arith.constant 512 : i32
        %parallel_loop3A_679 = arith.addi %parallel_loop3A_677, %parallel_loop3A_678 : i32
        %parallel_loop3A_680 = arith.index_cast %parallel_loop3A_679 : i32 to index
        %parallel_loop3A_681 = tpu.vector_load %arg9[%parallel_loop3A_680] {strides = array<i32>} : memref<65536xf32, #tpu.memory_space<vmem>>, vector<16xf32>,
        tpu.vector_store %arg9[%parallel_loop3A_680], %parallel_loop3A_675 {strides = array<i32>} : memref<65536xf32, #tpu.memory_space<vmem>>, vector<16xf32>,
        %parallel_loop3A_682 = arith.constant 592 : index
        %parallel_loop3A_683 = tpu.vector_load %arg8[%parallel_loop3A_682] {strides = array<i32>} : memref<1024xf32, #tpu.memory_space<vmem>>, vector<16xf32>,
        %parallel_loop3A_684 = vector.shape_cast %parallel_loop3A_265 : vector<16x1xi32> to vector<16xi32>
        %parallel_loop3A_685 = tpu.dynamic_gather %parallel_loop3A_683[%parallel_loop3A_684] in [0] : vector<16xf32>, vector<16xi32> -> vector<16xf32>
        %parallel_loop3A_686 = arith.constant 16384 : i32
        %parallel_loop3A_687 = arith.addi %parallel_loop3A_311, %parallel_loop3A_686 : i32
        %parallel_loop3A_688 = arith.constant 640 : i32
        %parallel_loop3A_689 = arith.addi %parallel_loop3A_687, %parallel_loop3A_688 : i32
        %parallel_loop3A_690 = arith.index_cast %parallel_loop3A_689 : i32 to index
        %parallel_loop3A_691 = tpu.vector_load %arg9[%parallel_loop3A_690] {strides = array<i32>} : memref<65536xf32, #tpu.memory_space<vmem>>, vector<16xf32>,
        tpu.vector_store %arg9[%parallel_loop3A_690], %parallel_loop3A_685 {strides = array<i32>} : memref<65536xf32, #tpu.memory_space<vmem>>, vector<16xf32>,
        %parallel_loop3A_692 = arith.constant 608 : index
        %parallel_loop3A_693 = tpu.vector_load %arg8[%parallel_loop3A_692] {strides = array<i32>} : memref<1024xf32, #tpu.memory_space<vmem>>, vector<16xf32>,
        %parallel_loop3A_694 = vector.shape_cast %parallel_loop3A_265 : vector<16x1xi32> to vector<16xi32>
        %parallel_loop3A_695 = tpu.dynamic_gather %parallel_loop3A_693[%parallel_loop3A_694] in [0] : vector<16xf32>, vector<16xi32> -> vector<16xf32>
        %parallel_loop3A_696 = arith.constant 16384 : i32
        %parallel_loop3A_697 = arith.addi %parallel_loop3A_311, %parallel_loop3A_696 : i32
        %parallel_loop3A_698 = arith.constant 768 : i32
        %parallel_loop3A_699 = arith.addi %parallel_loop3A_697, %parallel_loop3A_698 : i32
        %parallel_loop3A_700 = arith.index_cast %parallel_loop3A_699 : i32 to index
        %parallel_loop3A_701 = tpu.vector_load %arg9[%parallel_loop3A_700] {strides = array<i32>} : memref<65536xf32, #tpu.memory_space<vmem>>, vector<16xf32>,
        tpu.vector_store %arg9[%parallel_loop3A_700], %parallel_loop3A_695 {strides = array<i32>} : memref<65536xf32, #tpu.memory_space<vmem>>, vector<16xf32>,
        %parallel_loop3A_702 = arith.constant 624 : index
        %parallel_loop3A_703 = tpu.vector_load %arg8[%parallel_loop3A_702] {strides = array<i32>} : memref<1024xf32, #tpu.memory_space<vmem>>, vector<16xf32>,
        %parallel_loop3A_704 = vector.shape_cast %parallel_loop3A_265 : vector<16x1xi32> to vector<16xi32>
        %parallel_loop3A_705 = tpu.dynamic_gather %parallel_loop3A_703[%parallel_loop3A_704] in [0] : vector<16xf32>, vector<16xi32> -> vector<16xf32>
        %parallel_loop3A_706 = arith.constant 16384 : i32
        %parallel_loop3A_707 = arith.addi %parallel_loop3A_311, %parallel_loop3A_706 : i32
        %parallel_loop3A_708 = arith.constant 896 : i32
        %parallel_loop3A_709 = arith.addi %parallel_loop3A_707, %parallel_loop3A_708 : i32
        %parallel_loop3A_710 = arith.index_cast %parallel_loop3A_709 : i32 to index
        %parallel_loop3A_711 = tpu.vector_load %arg9[%parallel_loop3A_710] {strides = array<i32>} : memref<65536xf32, #tpu.memory_space<vmem>>, vector<16xf32>,
        tpu.vector_store %arg9[%parallel_loop3A_710], %parallel_loop3A_705 {strides = array<i32>} : memref<65536xf32, #tpu.memory_space<vmem>>, vector<16xf32>,
        %parallel_loop3A_712 = arith.constant 640 : index
        %parallel_loop3A_713 = tpu.vector_load %arg8[%parallel_loop3A_712] {strides = array<i32>} : memref<1024xf32, #tpu.memory_space<vmem>>, vector<16xf32>,
        %parallel_loop3A_714 = vector.shape_cast %parallel_loop3A_265 : vector<16x1xi32> to vector<16xi32>
        %parallel_loop3A_715 = tpu.dynamic_gather %parallel_loop3A_713[%parallel_loop3A_714] in [0] : vector<16xf32>, vector<16xi32> -> vector<16xf32>
        %parallel_loop3A_716 = arith.constant 20480 : i32
        %parallel_loop3A_717 = arith.addi %parallel_loop3A_311, %parallel_loop3A_716 : i32
        %parallel_loop3A_718 = arith.constant 0 : i32
        %parallel_loop3A_719 = arith.addi %parallel_loop3A_717, %parallel_loop3A_718 : i32
        %parallel_loop3A_720 = arith.index_cast %parallel_loop3A_719 : i32 to index
        %parallel_loop3A_721 = tpu.vector_load %arg9[%parallel_loop3A_720] {strides = array<i32>} : memref<65536xf32, #tpu.memory_space<vmem>>, vector<16xf32>,
        tpu.vector_store %arg9[%parallel_loop3A_720], %parallel_loop3A_715 {strides = array<i32>} : memref<65536xf32, #tpu.memory_space<vmem>>, vector<16xf32>,
        %parallel_loop3A_722 = arith.constant 656 : index
        %parallel_loop3A_723 = tpu.vector_load %arg8[%parallel_loop3A_722] {strides = array<i32>} : memref<1024xf32, #tpu.memory_space<vmem>>, vector<16xf32>,
        %parallel_loop3A_724 = vector.shape_cast %parallel_loop3A_265 : vector<16x1xi32> to vector<16xi32>
        %parallel_loop3A_725 = tpu.dynamic_gather %parallel_loop3A_723[%parallel_loop3A_724] in [0] : vector<16xf32>, vector<16xi32> -> vector<16xf32>
        %parallel_loop3A_726 = arith.constant 20480 : i32
        %parallel_loop3A_727 = arith.addi %parallel_loop3A_311, %parallel_loop3A_726 : i32
        %parallel_loop3A_728 = arith.constant 128 : i32
        %parallel_loop3A_729 = arith.addi %parallel_loop3A_727, %parallel_loop3A_728 : i32
        %parallel_loop3A_730 = arith.index_cast %parallel_loop3A_729 : i32 to index
        %parallel_loop3A_731 = tpu.vector_load %arg9[%parallel_loop3A_730] {strides = array<i32>} : memref<65536xf32, #tpu.memory_space<vmem>>, vector<16xf32>,
        tpu.vector_store %arg9[%parallel_loop3A_730], %parallel_loop3A_725 {strides = array<i32>} : memref<65536xf32, #tpu.memory_space<vmem>>, vector<16xf32>,
        %parallel_loop3A_732 = arith.constant 672 : index
        %parallel_loop3A_733 = tpu.vector_load %arg8[%parallel_loop3A_732] {strides = array<i32>} : memref<1024xf32, #tpu.memory_space<vmem>>, vector<16xf32>,
        %parallel_loop3A_734 = vector.shape_cast %parallel_loop3A_265 : vector<16x1xi32> to vector<16xi32>
        %parallel_loop3A_735 = tpu.dynamic_gather %parallel_loop3A_733[%parallel_loop3A_734] in [0] : vector<16xf32>, vector<16xi32> -> vector<16xf32>
        %parallel_loop3A_736 = arith.constant 20480 : i32
        %parallel_loop3A_737 = arith.addi %parallel_loop3A_311, %parallel_loop3A_736 : i32
        %parallel_loop3A_738 = arith.constant 256 : i32
        %parallel_loop3A_739 = arith.addi %parallel_loop3A_737, %parallel_loop3A_738 : i32
        %parallel_loop3A_740 = arith.index_cast %parallel_loop3A_739 : i32 to index
        %parallel_loop3A_741 = tpu.vector_load %arg9[%parallel_loop3A_740] {strides = array<i32>} : memref<65536xf32, #tpu.memory_space<vmem>>, vector<16xf32>,
        tpu.vector_store %arg9[%parallel_loop3A_740], %parallel_loop3A_735 {strides = array<i32>} : memref<65536xf32, #tpu.memory_space<vmem>>, vector<16xf32>,
        %parallel_loop3A_742 = arith.constant 688 : index
        %parallel_loop3A_743 = tpu.vector_load %arg8[%parallel_loop3A_742] {strides = array<i32>} : memref<1024xf32, #tpu.memory_space<vmem>>, vector<16xf32>,
        %parallel_loop3A_744 = vector.shape_cast %parallel_loop3A_265 : vector<16x1xi32> to vector<16xi32>
        %parallel_loop3A_745 = tpu.dynamic_gather %parallel_loop3A_743[%parallel_loop3A_744] in [0] : vector<16xf32>, vector<16xi32> -> vector<16xf32>
        %parallel_loop3A_746 = arith.constant 20480 : i32
        %parallel_loop3A_747 = arith.addi %parallel_loop3A_311, %parallel_loop3A_746 : i32
        %parallel_loop3A_748 = arith.constant 384 : i32
        %parallel_loop3A_749 = arith.addi %parallel_loop3A_747, %parallel_loop3A_748 : i32
        %parallel_loop3A_750 = arith.index_cast %parallel_loop3A_749 : i32 to index
        %parallel_loop3A_751 = tpu.vector_load %arg9[%parallel_loop3A_750] {strides = array<i32>} : memref<65536xf32, #tpu.memory_space<vmem>>, vector<16xf32>,
        tpu.vector_store %arg9[%parallel_loop3A_750], %parallel_loop3A_745 {strides = array<i32>} : memref<65536xf32, #tpu.memory_space<vmem>>, vector<16xf32>,
        %parallel_loop3A_752 = arith.constant 704 : index
        %parallel_loop3A_753 = tpu.vector_load %arg8[%parallel_loop3A_752] {strides = array<i32>} : memref<1024xf32, #tpu.memory_space<vmem>>, vector<16xf32>,
        %parallel_loop3A_754 = vector.shape_cast %parallel_loop3A_265 : vector<16x1xi32> to vector<16xi32>
        %parallel_loop3A_755 = tpu.dynamic_gather %parallel_loop3A_753[%parallel_loop3A_754] in [0] : vector<16xf32>, vector<16xi32> -> vector<16xf32>
        %parallel_loop3A_756 = arith.constant 20480 : i32
        %parallel_loop3A_757 = arith.addi %parallel_loop3A_311, %parallel_loop3A_756 : i32
        %parallel_loop3A_758 = arith.constant 512 : i32
        %parallel_loop3A_759 = arith.addi %parallel_loop3A_757, %parallel_loop3A_758 : i32
        %parallel_loop3A_760 = arith.index_cast %parallel_loop3A_759 : i32 to index
        %parallel_loop3A_761 = tpu.vector_load %arg9[%parallel_loop3A_760] {strides = array<i32>} : memref<65536xf32, #tpu.memory_space<vmem>>, vector<16xf32>,
        tpu.vector_store %arg9[%parallel_loop3A_760], %parallel_loop3A_755 {strides = array<i32>} : memref<65536xf32, #tpu.memory_space<vmem>>, vector<16xf32>,
        %parallel_loop3A_762 = arith.constant 720 : index
        %parallel_loop3A_763 = tpu.vector_load %arg8[%parallel_loop3A_762] {strides = array<i32>} : memref<1024xf32, #tpu.memory_space<vmem>>, vector<16xf32>,
        %parallel_loop3A_764 = vector.shape_cast %parallel_loop3A_265 : vector<16x1xi32> to vector<16xi32>
        %parallel_loop3A_765 = tpu.dynamic_gather %parallel_loop3A_763[%parallel_loop3A_764] in [0] : vector<16xf32>, vector<16xi32> -> vector<16xf32>
        %parallel_loop3A_766 = arith.constant 20480 : i32
        %parallel_loop3A_767 = arith.addi %parallel_loop3A_311, %parallel_loop3A_766 : i32
        %parallel_loop3A_768 = arith.constant 640 : i32
        %parallel_loop3A_769 = arith.addi %parallel_loop3A_767, %parallel_loop3A_768 : i32
        %parallel_loop3A_770 = arith.index_cast %parallel_loop3A_769 : i32 to index
        %parallel_loop3A_771 = tpu.vector_load %arg9[%parallel_loop3A_770] {strides = array<i32>} : memref<65536xf32, #tpu.memory_space<vmem>>, vector<16xf32>,
        tpu.vector_store %arg9[%parallel_loop3A_770], %parallel_loop3A_765 {strides = array<i32>} : memref<65536xf32, #tpu.memory_space<vmem>>, vector<16xf32>,
        %parallel_loop3A_772 = arith.constant 736 : index
        %parallel_loop3A_773 = tpu.vector_load %arg8[%parallel_loop3A_772] {strides = array<i32>} : memref<1024xf32, #tpu.memory_space<vmem>>, vector<16xf32>,
        %parallel_loop3A_774 = vector.shape_cast %parallel_loop3A_265 : vector<16x1xi32> to vector<16xi32>
        %parallel_loop3A_775 = tpu.dynamic_gather %parallel_loop3A_773[%parallel_loop3A_774] in [0] : vector<16xf32>, vector<16xi32> -> vector<16xf32>
        %parallel_loop3A_776 = arith.constant 20480 : i32
        %parallel_loop3A_777 = arith.addi %parallel_loop3A_311, %parallel_loop3A_776 : i32
        %parallel_loop3A_778 = arith.constant 768 : i32
        %parallel_loop3A_779 = arith.addi %parallel_loop3A_777, %parallel_loop3A_778 : i32
        %parallel_loop3A_780 = arith.index_cast %parallel_loop3A_779 : i32 to index
        %parallel_loop3A_781 = tpu.vector_load %arg9[%parallel_loop3A_780] {strides = array<i32>} : memref<65536xf32, #tpu.memory_space<vmem>>, vector<16xf32>,
        tpu.vector_store %arg9[%parallel_loop3A_780], %parallel_loop3A_775 {strides = array<i32>} : memref<65536xf32, #tpu.memory_space<vmem>>, vector<16xf32>,
        %parallel_loop3A_782 = arith.constant 752 : index
        %parallel_loop3A_783 = tpu.vector_load %arg8[%parallel_loop3A_782] {strides = array<i32>} : memref<1024xf32, #tpu.memory_space<vmem>>, vector<16xf32>,
        %parallel_loop3A_784 = vector.shape_cast %parallel_loop3A_265 : vector<16x1xi32> to vector<16xi32>
        %parallel_loop3A_785 = tpu.dynamic_gather %parallel_loop3A_783[%parallel_loop3A_784] in [0] : vector<16xf32>, vector<16xi32> -> vector<16xf32>
        %parallel_loop3A_786 = arith.constant 20480 : i32
        %parallel_loop3A_787 = arith.addi %parallel_loop3A_311, %parallel_loop3A_786 : i32
        %parallel_loop3A_788 = arith.constant 896 : i32
        %parallel_loop3A_789 = arith.addi %parallel_loop3A_787, %parallel_loop3A_788 : i32
        %parallel_loop3A_790 = arith.index_cast %parallel_loop3A_789 : i32 to index
        %parallel_loop3A_791 = tpu.vector_load %arg9[%parallel_loop3A_790] {strides = array<i32>} : memref<65536xf32, #tpu.memory_space<vmem>>, vector<16xf32>,
        tpu.vector_store %arg9[%parallel_loop3A_790], %parallel_loop3A_785 {strides = array<i32>} : memref<65536xf32, #tpu.memory_space<vmem>>, vector<16xf32>,
        %parallel_loop3A_792 = arith.constant 768 : index
        %parallel_loop3A_793 = tpu.vector_load %arg8[%parallel_loop3A_792] {strides = array<i32>} : memref<1024xf32, #tpu.memory_space<vmem>>, vector<16xf32>,
        %parallel_loop3A_794 = vector.shape_cast %parallel_loop3A_265 : vector<16x1xi32> to vector<16xi32>
        %parallel_loop3A_795 = tpu.dynamic_gather %parallel_loop3A_793[%parallel_loop3A_794] in [0] : vector<16xf32>, vector<16xi32> -> vector<16xf32>
        %parallel_loop3A_796 = arith.constant 24576 : i32
        %parallel_loop3A_797 = arith.addi %parallel_loop3A_311, %parallel_loop3A_796 : i32
        %parallel_loop3A_798 = arith.constant 0 : i32
        %parallel_loop3A_799 = arith.addi %parallel_loop3A_797, %parallel_loop3A_798 : i32
        %parallel_loop3A_800 = arith.index_cast %parallel_loop3A_799 : i32 to index
        %parallel_loop3A_801 = tpu.vector_load %arg9[%parallel_loop3A_800] {strides = array<i32>} : memref<65536xf32, #tpu.memory_space<vmem>>, vector<16xf32>,
        tpu.vector_store %arg9[%parallel_loop3A_800], %parallel_loop3A_795 {strides = array<i32>} : memref<65536xf32, #tpu.memory_space<vmem>>, vector<16xf32>,
        %parallel_loop3A_802 = arith.constant 784 : index
        %parallel_loop3A_803 = tpu.vector_load %arg8[%parallel_loop3A_802] {strides = array<i32>} : memref<1024xf32, #tpu.memory_space<vmem>>, vector<16xf32>,
        %parallel_loop3A_804 = vector.shape_cast %parallel_loop3A_265 : vector<16x1xi32> to vector<16xi32>
        %parallel_loop3A_805 = tpu.dynamic_gather %parallel_loop3A_803[%parallel_loop3A_804] in [0] : vector<16xf32>, vector<16xi32> -> vector<16xf32>
        %parallel_loop3A_806 = arith.constant 24576 : i32
        %parallel_loop3A_807 = arith.addi %parallel_loop3A_311, %parallel_loop3A_806 : i32
        %parallel_loop3A_808 = arith.constant 128 : i32
        %parallel_loop3A_809 = arith.addi %parallel_loop3A_807, %parallel_loop3A_808 : i32
        %parallel_loop3A_810 = arith.index_cast %parallel_loop3A_809 : i32 to index
        %parallel_loop3A_811 = tpu.vector_load %arg9[%parallel_loop3A_810] {strides = array<i32>} : memref<65536xf32, #tpu.memory_space<vmem>>, vector<16xf32>,
        tpu.vector_store %arg9[%parallel_loop3A_810], %parallel_loop3A_805 {strides = array<i32>} : memref<65536xf32, #tpu.memory_space<vmem>>, vector<16xf32>,
        %parallel_loop3A_812 = arith.constant 800 : index
        %parallel_loop3A_813 = tpu.vector_load %arg8[%parallel_loop3A_812] {strides = array<i32>} : memref<1024xf32, #tpu.memory_space<vmem>>, vector<16xf32>,
        %parallel_loop3A_814 = vector.shape_cast %parallel_loop3A_265 : vector<16x1xi32> to vector<16xi32>
        %parallel_loop3A_815 = tpu.dynamic_gather %parallel_loop3A_813[%parallel_loop3A_814] in [0] : vector<16xf32>, vector<16xi32> -> vector<16xf32>
        %parallel_loop3A_816 = arith.constant 24576 : i32
        %parallel_loop3A_817 = arith.addi %parallel_loop3A_311, %parallel_loop3A_816 : i32
        %parallel_loop3A_818 = arith.constant 256 : i32
        %parallel_loop3A_819 = arith.addi %parallel_loop3A_817, %parallel_loop3A_818 : i32
        %parallel_loop3A_820 = arith.index_cast %parallel_loop3A_819 : i32 to index
        %parallel_loop3A_821 = tpu.vector_load %arg9[%parallel_loop3A_820] {strides = array<i32>} : memref<65536xf32, #tpu.memory_space<vmem>>, vector<16xf32>,
        tpu.vector_store %arg9[%parallel_loop3A_820], %parallel_loop3A_815 {strides = array<i32>} : memref<65536xf32, #tpu.memory_space<vmem>>, vector<16xf32>,
        %parallel_loop3A_822 = arith.constant 816 : index
        %parallel_loop3A_823 = tpu.vector_load %arg8[%parallel_loop3A_822] {strides = array<i32>} : memref<1024xf32, #tpu.memory_space<vmem>>, vector<16xf32>,
        %parallel_loop3A_824 = vector.shape_cast %parallel_loop3A_265 : vector<16x1xi32> to vector<16xi32>
        %parallel_loop3A_825 = tpu.dynamic_gather %parallel_loop3A_823[%parallel_loop3A_824] in [0] : vector<16xf32>, vector<16xi32> -> vector<16xf32>
        %parallel_loop3A_826 = arith.constant 24576 : i32
        %parallel_loop3A_827 = arith.addi %parallel_loop3A_311, %parallel_loop3A_826 : i32
        %parallel_loop3A_828 = arith.constant 384 : i32
        %parallel_loop3A_829 = arith.addi %parallel_loop3A_827, %parallel_loop3A_828 : i32
        %parallel_loop3A_830 = arith.index_cast %parallel_loop3A_829 : i32 to index
        %parallel_loop3A_831 = tpu.vector_load %arg9[%parallel_loop3A_830] {strides = array<i32>} : memref<65536xf32, #tpu.memory_space<vmem>>, vector<16xf32>,
        tpu.vector_store %arg9[%parallel_loop3A_830], %parallel_loop3A_825 {strides = array<i32>} : memref<65536xf32, #tpu.memory_space<vmem>>, vector<16xf32>,
        %parallel_loop3A_832 = arith.constant 832 : index
        %parallel_loop3A_833 = tpu.vector_load %arg8[%parallel_loop3A_832] {strides = array<i32>} : memref<1024xf32, #tpu.memory_space<vmem>>, vector<16xf32>,
        %parallel_loop3A_834 = vector.shape_cast %parallel_loop3A_265 : vector<16x1xi32> to vector<16xi32>
        %parallel_loop3A_835 = tpu.dynamic_gather %parallel_loop3A_833[%parallel_loop3A_834] in [0] : vector<16xf32>, vector<16xi32> -> vector<16xf32>
        %parallel_loop3A_836 = arith.constant 24576 : i32
        %parallel_loop3A_837 = arith.addi %parallel_loop3A_311, %parallel_loop3A_836 : i32
        %parallel_loop3A_838 = arith.constant 512 : i32
        %parallel_loop3A_839 = arith.addi %parallel_loop3A_837, %parallel_loop3A_838 : i32
        %parallel_loop3A_840 = arith.index_cast %parallel_loop3A_839 : i32 to index
        %parallel_loop3A_841 = tpu.vector_load %arg9[%parallel_loop3A_840] {strides = array<i32>} : memref<65536xf32, #tpu.memory_space<vmem>>, vector<16xf32>,
        tpu.vector_store %arg9[%parallel_loop3A_840], %parallel_loop3A_835 {strides = array<i32>} : memref<65536xf32, #tpu.memory_space<vmem>>, vector<16xf32>,
        %parallel_loop3A_842 = arith.constant 848 : index
        %parallel_loop3A_843 = tpu.vector_load %arg8[%parallel_loop3A_842] {strides = array<i32>} : memref<1024xf32, #tpu.memory_space<vmem>>, vector<16xf32>,
        %parallel_loop3A_844 = vector.shape_cast %parallel_loop3A_265 : vector<16x1xi32> to vector<16xi32>
        %parallel_loop3A_845 = tpu.dynamic_gather %parallel_loop3A_843[%parallel_loop3A_844] in [0] : vector<16xf32>, vector<16xi32> -> vector<16xf32>
        %parallel_loop3A_846 = arith.constant 24576 : i32
        %parallel_loop3A_847 = arith.addi %parallel_loop3A_311, %parallel_loop3A_846 : i32
        %parallel_loop3A_848 = arith.constant 640 : i32
        %parallel_loop3A_849 = arith.addi %parallel_loop3A_847, %parallel_loop3A_848 : i32
        %parallel_loop3A_850 = arith.index_cast %parallel_loop3A_849 : i32 to index
        %parallel_loop3A_851 = tpu.vector_load %arg9[%parallel_loop3A_850] {strides = array<i32>} : memref<65536xf32, #tpu.memory_space<vmem>>, vector<16xf32>,
        tpu.vector_store %arg9[%parallel_loop3A_850], %parallel_loop3A_845 {strides = array<i32>} : memref<65536xf32, #tpu.memory_space<vmem>>, vector<16xf32>,
        %parallel_loop3A_852 = arith.constant 864 : index
        %parallel_loop3A_853 = tpu.vector_load %arg8[%parallel_loop3A_852] {strides = array<i32>} : memref<1024xf32, #tpu.memory_space<vmem>>, vector<16xf32>,
        %parallel_loop3A_854 = vector.shape_cast %parallel_loop3A_265 : vector<16x1xi32> to vector<16xi32>
        %parallel_loop3A_855 = tpu.dynamic_gather %parallel_loop3A_853[%parallel_loop3A_854] in [0] : vector<16xf32>, vector<16xi32> -> vector<16xf32>
        %parallel_loop3A_856 = arith.constant 24576 : i32
        %parallel_loop3A_857 = arith.addi %parallel_loop3A_311, %parallel_loop3A_856 : i32
        %parallel_loop3A_858 = arith.constant 768 : i32
        %parallel_loop3A_859 = arith.addi %parallel_loop3A_857, %parallel_loop3A_858 : i32
        %parallel_loop3A_860 = arith.index_cast %parallel_loop3A_859 : i32 to index
        %parallel_loop3A_861 = tpu.vector_load %arg9[%parallel_loop3A_860] {strides = array<i32>} : memref<65536xf32, #tpu.memory_space<vmem>>, vector<16xf32>,
        tpu.vector_store %arg9[%parallel_loop3A_860], %parallel_loop3A_855 {strides = array<i32>} : memref<65536xf32, #tpu.memory_space<vmem>>, vector<16xf32>,
        %parallel_loop3A_862 = arith.constant 880 : index
        %parallel_loop3A_863 = tpu.vector_load %arg8[%parallel_loop3A_862] {strides = array<i32>} : memref<1024xf32, #tpu.memory_space<vmem>>, vector<16xf32>,
        %parallel_loop3A_864 = vector.shape_cast %parallel_loop3A_265 : vector<16x1xi32> to vector<16xi32>
        %parallel_loop3A_865 = tpu.dynamic_gather %parallel_loop3A_863[%parallel_loop3A_864] in [0] : vector<16xf32>, vector<16xi32> -> vector<16xf32>
        %parallel_loop3A_866 = arith.constant 24576 : i32
        %parallel_loop3A_867 = arith.addi %parallel_loop3A_311, %parallel_loop3A_866 : i32
        %parallel_loop3A_868 = arith.constant 896 : i32
        %parallel_loop3A_869 = arith.addi %parallel_loop3A_867, %parallel_loop3A_868 : i32
        %parallel_loop3A_870 = arith.index_cast %parallel_loop3A_869 : i32 to index
        %parallel_loop3A_871 = tpu.vector_load %arg9[%parallel_loop3A_870] {strides = array<i32>} : memref<65536xf32, #tpu.memory_space<vmem>>, vector<16xf32>,
        tpu.vector_store %arg9[%parallel_loop3A_870], %parallel_loop3A_865 {strides = array<i32>} : memref<65536xf32, #tpu.memory_space<vmem>>, vector<16xf32>,
        %parallel_loop3A_872 = arith.constant 896 : index
        %parallel_loop3A_873 = tpu.vector_load %arg8[%parallel_loop3A_872] {strides = array<i32>} : memref<1024xf32, #tpu.memory_space<vmem>>, vector<16xf32>,
        %parallel_loop3A_874 = vector.shape_cast %parallel_loop3A_265 : vector<16x1xi32> to vector<16xi32>
        %parallel_loop3A_875 = tpu.dynamic_gather %parallel_loop3A_873[%parallel_loop3A_874] in [0] : vector<16xf32>, vector<16xi32> -> vector<16xf32>
        %parallel_loop3A_876 = arith.constant 28672 : i32
        %parallel_loop3A_877 = arith.addi %parallel_loop3A_311, %parallel_loop3A_876 : i32
        %parallel_loop3A_878 = arith.constant 0 : i32
        %parallel_loop3A_879 = arith.addi %parallel_loop3A_877, %parallel_loop3A_878 : i32
        %parallel_loop3A_880 = arith.index_cast %parallel_loop3A_879 : i32 to index
        %parallel_loop3A_881 = tpu.vector_load %arg9[%parallel_loop3A_880] {strides = array<i32>} : memref<65536xf32, #tpu.memory_space<vmem>>, vector<16xf32>,
        tpu.vector_store %arg9[%parallel_loop3A_880], %parallel_loop3A_875 {strides = array<i32>} : memref<65536xf32, #tpu.memory_space<vmem>>, vector<16xf32>,
        %parallel_loop3A_882 = arith.constant 912 : index
        %parallel_loop3A_883 = tpu.vector_load %arg8[%parallel_loop3A_882] {strides = array<i32>} : memref<1024xf32, #tpu.memory_space<vmem>>, vector<16xf32>,
        %parallel_loop3A_884 = vector.shape_cast %parallel_loop3A_265 : vector<16x1xi32> to vector<16xi32>
        %parallel_loop3A_885 = tpu.dynamic_gather %parallel_loop3A_883[%parallel_loop3A_884] in [0] : vector<16xf32>, vector<16xi32> -> vector<16xf32>
        %parallel_loop3A_886 = arith.constant 28672 : i32
        %parallel_loop3A_887 = arith.addi %parallel_loop3A_311, %parallel_loop3A_886 : i32
        %parallel_loop3A_888 = arith.constant 128 : i32
        %parallel_loop3A_889 = arith.addi %parallel_loop3A_887, %parallel_loop3A_888 : i32
        %parallel_loop3A_890 = arith.index_cast %parallel_loop3A_889 : i32 to index
        %parallel_loop3A_891 = tpu.vector_load %arg9[%parallel_loop3A_890] {strides = array<i32>} : memref<65536xf32, #tpu.memory_space<vmem>>, vector<16xf32>,
        tpu.vector_store %arg9[%parallel_loop3A_890], %parallel_loop3A_885 {strides = array<i32>} : memref<65536xf32, #tpu.memory_space<vmem>>, vector<16xf32>,
        %parallel_loop3A_892 = arith.constant 928 : index
        %parallel_loop3A_893 = tpu.vector_load %arg8[%parallel_loop3A_892] {strides = array<i32>} : memref<1024xf32, #tpu.memory_space<vmem>>, vector<16xf32>,
        %parallel_loop3A_894 = vector.shape_cast %parallel_loop3A_265 : vector<16x1xi32> to vector<16xi32>
        %parallel_loop3A_895 = tpu.dynamic_gather %parallel_loop3A_893[%parallel_loop3A_894] in [0] : vector<16xf32>, vector<16xi32> -> vector<16xf32>
        %parallel_loop3A_896 = arith.constant 28672 : i32
        %parallel_loop3A_897 = arith.addi %parallel_loop3A_311, %parallel_loop3A_896 : i32
        %parallel_loop3A_898 = arith.constant 256 : i32
        %parallel_loop3A_899 = arith.addi %parallel_loop3A_897, %parallel_loop3A_898 : i32
        %parallel_loop3A_900 = arith.index_cast %parallel_loop3A_899 : i32 to index
        %parallel_loop3A_901 = tpu.vector_load %arg9[%parallel_loop3A_900] {strides = array<i32>} : memref<65536xf32, #tpu.memory_space<vmem>>, vector<16xf32>,
        tpu.vector_store %arg9[%parallel_loop3A_900], %parallel_loop3A_895 {strides = array<i32>} : memref<65536xf32, #tpu.memory_space<vmem>>, vector<16xf32>,
        %parallel_loop3A_902 = arith.constant 944 : index
        %parallel_loop3A_903 = tpu.vector_load %arg8[%parallel_loop3A_902] {strides = array<i32>} : memref<1024xf32, #tpu.memory_space<vmem>>, vector<16xf32>,
        %parallel_loop3A_904 = vector.shape_cast %parallel_loop3A_265 : vector<16x1xi32> to vector<16xi32>
        %parallel_loop3A_905 = tpu.dynamic_gather %parallel_loop3A_903[%parallel_loop3A_904] in [0] : vector<16xf32>, vector<16xi32> -> vector<16xf32>
        %parallel_loop3A_906 = arith.constant 28672 : i32
        %parallel_loop3A_907 = arith.addi %parallel_loop3A_311, %parallel_loop3A_906 : i32
        %parallel_loop3A_908 = arith.constant 384 : i32
        %parallel_loop3A_909 = arith.addi %parallel_loop3A_907, %parallel_loop3A_908 : i32
        %parallel_loop3A_910 = arith.index_cast %parallel_loop3A_909 : i32 to index
        %parallel_loop3A_911 = tpu.vector_load %arg9[%parallel_loop3A_910] {strides = array<i32>} : memref<65536xf32, #tpu.memory_space<vmem>>, vector<16xf32>,
        tpu.vector_store %arg9[%parallel_loop3A_910], %parallel_loop3A_905 {strides = array<i32>} : memref<65536xf32, #tpu.memory_space<vmem>>, vector<16xf32>,
        %parallel_loop3A_912 = arith.constant 960 : index
        %parallel_loop3A_913 = tpu.vector_load %arg8[%parallel_loop3A_912] {strides = array<i32>} : memref<1024xf32, #tpu.memory_space<vmem>>, vector<16xf32>,
        %parallel_loop3A_914 = vector.shape_cast %parallel_loop3A_265 : vector<16x1xi32> to vector<16xi32>
        %parallel_loop3A_915 = tpu.dynamic_gather %parallel_loop3A_913[%parallel_loop3A_914] in [0] : vector<16xf32>, vector<16xi32> -> vector<16xf32>
        %parallel_loop3A_916 = arith.constant 28672 : i32
        %parallel_loop3A_917 = arith.addi %parallel_loop3A_311, %parallel_loop3A_916 : i32
        %parallel_loop3A_918 = arith.constant 512 : i32
        %parallel_loop3A_919 = arith.addi %parallel_loop3A_917, %parallel_loop3A_918 : i32
        %parallel_loop3A_920 = arith.index_cast %parallel_loop3A_919 : i32 to index
        %parallel_loop3A_921 = tpu.vector_load %arg9[%parallel_loop3A_920] {strides = array<i32>} : memref<65536xf32, #tpu.memory_space<vmem>>, vector<16xf32>,
        tpu.vector_store %arg9[%parallel_loop3A_920], %parallel_loop3A_915 {strides = array<i32>} : memref<65536xf32, #tpu.memory_space<vmem>>, vector<16xf32>,
        %parallel_loop3A_922 = arith.constant 976 : index
        %parallel_loop3A_923 = tpu.vector_load %arg8[%parallel_loop3A_922] {strides = array<i32>} : memref<1024xf32, #tpu.memory_space<vmem>>, vector<16xf32>,
        %parallel_loop3A_924 = vector.shape_cast %parallel_loop3A_265 : vector<16x1xi32> to vector<16xi32>
        %parallel_loop3A_925 = tpu.dynamic_gather %parallel_loop3A_923[%parallel_loop3A_924] in [0] : vector<16xf32>, vector<16xi32> -> vector<16xf32>
        %parallel_loop3A_926 = arith.constant 28672 : i32
        %parallel_loop3A_927 = arith.addi %parallel_loop3A_311, %parallel_loop3A_926 : i32
        %parallel_loop3A_928 = arith.constant 640 : i32
        %parallel_loop3A_929 = arith.addi %parallel_loop3A_927, %parallel_loop3A_928 : i32
        %parallel_loop3A_930 = arith.index_cast %parallel_loop3A_929 : i32 to index
        %parallel_loop3A_931 = tpu.vector_load %arg9[%parallel_loop3A_930] {strides = array<i32>} : memref<65536xf32, #tpu.memory_space<vmem>>, vector<16xf32>,
        tpu.vector_store %arg9[%parallel_loop3A_930], %parallel_loop3A_925 {strides = array<i32>} : memref<65536xf32, #tpu.memory_space<vmem>>, vector<16xf32>,
        %parallel_loop3A_932 = arith.constant 992 : index
        %parallel_loop3A_933 = tpu.vector_load %arg8[%parallel_loop3A_932] {strides = array<i32>} : memref<1024xf32, #tpu.memory_space<vmem>>, vector<16xf32>,
        %parallel_loop3A_934 = vector.shape_cast %parallel_loop3A_265 : vector<16x1xi32> to vector<16xi32>
        %parallel_loop3A_935 = tpu.dynamic_gather %parallel_loop3A_933[%parallel_loop3A_934] in [0] : vector<16xf32>, vector<16xi32> -> vector<16xf32>
        %parallel_loop3A_936 = arith.constant 28672 : i32
        %parallel_loop3A_937 = arith.addi %parallel_loop3A_311, %parallel_loop3A_936 : i32
        %parallel_loop3A_938 = arith.constant 768 : i32
        %parallel_loop3A_939 = arith.addi %parallel_loop3A_937, %parallel_loop3A_938 : i32
        %parallel_loop3A_940 = arith.index_cast %parallel_loop3A_939 : i32 to index
        %parallel_loop3A_941 = tpu.vector_load %arg9[%parallel_loop3A_940] {strides = array<i32>} : memref<65536xf32, #tpu.memory_space<vmem>>, vector<16xf32>,
        tpu.vector_store %arg9[%parallel_loop3A_940], %parallel_loop3A_935 {strides = array<i32>} : memref<65536xf32, #tpu.memory_space<vmem>>, vector<16xf32>,
        %parallel_loop3A_942 = arith.constant 1008 : index
        %parallel_loop3A_943 = tpu.vector_load %arg8[%parallel_loop3A_942] {strides = array<i32>} : memref<1024xf32, #tpu.memory_space<vmem>>, vector<16xf32>,
        %parallel_loop3A_944 = vector.shape_cast %parallel_loop3A_265 : vector<16x1xi32> to vector<16xi32>
        %parallel_loop3A_945 = tpu.dynamic_gather %parallel_loop3A_943[%parallel_loop3A_944] in [0] : vector<16xf32>, vector<16xi32> -> vector<16xf32>
        %parallel_loop3A_946 = arith.constant 28672 : i32
        %parallel_loop3A_947 = arith.addi %parallel_loop3A_311, %parallel_loop3A_946 : i32
        %parallel_loop3A_948 = arith.constant 896 : i32
        %parallel_loop3A_949 = arith.addi %parallel_loop3A_947, %parallel_loop3A_948 : i32
        %parallel_loop3A_950 = arith.index_cast %parallel_loop3A_949 : i32 to index
        %parallel_loop3A_951 = tpu.vector_load %arg9[%parallel_loop3A_950] {strides = array<i32>} : memref<65536xf32, #tpu.memory_space<vmem>>, vector<16xf32>,
        tpu.vector_store %arg9[%parallel_loop3A_950], %parallel_loop3A_945 {strides = array<i32>} : memref<65536xf32, #tpu.memory_space<vmem>>, vector<16xf32>,
      } {sc.loop_unroll_factor = 2 : i64, sc.parallel_access}
      %add3A_108 = arith.constant 0 : i32
      %add3A_109 = arith.addi %mul3A_105, %add3A_108 : i32
      %mul3A_110 = arith.constant 1024 : i32
      %mul3A_111 = arith.muli %min3A_82, %mul3A_110 : i32
      %add3A_112 = arith.constant 0 : i32
      %add3A_113 = arith.addi %add3A_112, %mul3A_111 : i32
      %dma_start3A = tpu.memref_slice %arg9[%add3A_109] : memref<65536xf32, #tpu.memory_space<vmem>> -> memref<4096xf32, #tpu.memory_space<vmem>>
      %dma_start3A_114 = tpu.memref_slice %arg5[%add3A_113] : memref<32006144xf32, #tpu.memory_space<hbm>> -> memref<4096xf32, #tpu.memory_space<hbm>>
      %dma_start3A_115 = tpu.memref_slice %arg5[%add3A_113] : memref<32006144xf32, #tpu.memory_space<hbm>> -> memref<4096xf32, #tpu.memory_space<hbm>>
      %dma_start3A_116 = tpu.memref_slice %arg9[%add3A_109] : memref<65536xf32, #tpu.memory_space<vmem>> -> memref<4096xf32, #tpu.memory_space<vmem>>
      tpu.enqueue_dma source(%dma_start3A_116 : memref<4096xf32, #tpu.memory_space<vmem>>) target(%dma_start3A_115 : memref<4096xf32, #tpu.memory_space<hbm>>) target_semaphore(%arg11 : memref<!tpu.dma_semaphore, #tpu.memory_space<semaphore_mem>>)
      %add3A_117 = arith.constant 4096 : i32
      %add3A_118 = arith.addi %mul3A_105, %add3A_117 : i32
      %mul3A_119 = arith.constant 1024 : i32
      %mul3A_120 = arith.muli %min3A_82, %mul3A_119 : i32
      %add3A_121 = arith.constant 4000768 : i32
      %add3A_122 = arith.addi %add3A_121, %mul3A_120 : i32
      %dma_start3A_123 = tpu.memref_slice %arg9[%add3A_118] : memref<65536xf32, #tpu.memory_space<vmem>> -> memref<4096xf32, #tpu.memory_space<vmem>>
      %dma_start3A_124 = tpu.memref_slice %arg5[%add3A_122] : memref<32006144xf32, #tpu.memory_space<hbm>> -> memref<4096xf32, #tpu.memory_space<hbm>>
      %dma_start3A_125 = tpu.memref_slice %arg5[%add3A_122] : memref<32006144xf32, #tpu.memory_space<hbm>> -> memref<4096xf32, #tpu.memory_space<hbm>>
      %dma_start3A_126 = tpu.memref_slice %arg9[%add3A_118] : memref<65536xf32, #tpu.memory_space<vmem>> -> memref<4096xf32, #tpu.memory_space<vmem>>
      tpu.enqueue_dma source(%dma_start3A_126 : memref<4096xf32, #tpu.memory_space<vmem>>) target(%dma_start3A_125 : memref<4096xf32, #tpu.memory_space<hbm>>) target_semaphore(%arg11 : memref<!tpu.dma_semaphore, #tpu.memory_space<semaphore_mem>>)
      %add3A_127 = arith.constant 8192 : i32
      %add3A_128 = arith.addi %mul3A_105, %add3A_127 : i32
      %mul3A_129 = arith.constant 1024 : i32
      %mul3A_130 = arith.muli %min3A_82, %mul3A_129 : i32
      %add3A_131 = arith.constant 8001536 : i32
      %add3A_132 = arith.addi %add3A_131, %mul3A_130 : i32
      %dma_start3A_133 = tpu.memref_slice %arg9[%add3A_128] : memref<65536xf32, #tpu.memory_space<vmem>> -> memref<4096xf32, #tpu.memory_space<vmem>>
      %dma_start3A_134 = tpu.memref_slice %arg5[%add3A_132] : memref<32006144xf32, #tpu.memory_space<hbm>> -> memref<4096xf32, #tpu.memory_space<hbm>>
      %dma_start3A_135 = tpu.memref_slice %arg5[%add3A_132] : memref<32006144xf32, #tpu.memory_space<hbm>> -> memref<4096xf32, #tpu.memory_space<hbm>>
      %dma_start3A_136 = tpu.memref_slice %arg9[%add3A_128] : memref<65536xf32, #tpu.memory_space<vmem>> -> memref<4096xf32, #tpu.memory_space<vmem>>
      tpu.enqueue_dma source(%dma_start3A_136 : memref<4096xf32, #tpu.memory_space<vmem>>) target(%dma_start3A_135 : memref<4096xf32, #tpu.memory_space<hbm>>) target_semaphore(%arg11 : memref<!tpu.dma_semaphore, #tpu.memory_space<semaphore_mem>>)
      %add3A_137 = arith.constant 12288 : i32
      %add3A_138 = arith.addi %mul3A_105, %add3A_137 : i32
      %mul3A_139 = arith.constant 1024 : i32
      %mul3A_140 = arith.muli %min3A_82, %mul3A_139 : i32
      %add3A_141 = arith.constant 12002304 : i32
      %add3A_142 = arith.addi %add3A_141, %mul3A_140 : i32
      %dma_start3A_143 = tpu.memref_slice %arg9[%add3A_138] : memref<65536xf32, #tpu.memory_space<vmem>> -> memref<4096xf32, #tpu.memory_space<vmem>>
      %dma_start3A_144 = tpu.memref_slice %arg5[%add3A_142] : memref<32006144xf32, #tpu.memory_space<hbm>> -> memref<4096xf32, #tpu.memory_space<hbm>>
      %dma_start3A_145 = tpu.memref_slice %arg5[%add3A_142] : memref<32006144xf32, #tpu.memory_space<hbm>> -> memref<4096xf32, #tpu.memory_space<hbm>>
      %dma_start3A_146 = tpu.memref_slice %arg9[%add3A_138] : memref<65536xf32, #tpu.memory_space<vmem>> -> memref<4096xf32, #tpu.memory_space<vmem>>
      tpu.enqueue_dma source(%dma_start3A_146 : memref<4096xf32, #tpu.memory_space<vmem>>) target(%dma_start3A_145 : memref<4096xf32, #tpu.memory_space<hbm>>) target_semaphore(%arg11 : memref<!tpu.dma_semaphore, #tpu.memory_space<semaphore_mem>>)
      %add3A_147 = arith.constant 16384 : i32
      %add3A_148 = arith.addi %mul3A_105, %add3A_147 : i32
      %mul3A_149 = arith.constant 1024 : i32
      %mul3A_150 = arith.muli %min3A_82, %mul3A_149 : i32
      %add3A_151 = arith.constant 16003072 : i32
      %add3A_152 = arith.addi %add3A_151, %mul3A_150 : i32
      %dma_start3A_153 = tpu.memref_slice %arg9[%add3A_148] : memref<65536xf32, #tpu.memory_space<vmem>> -> memref<4096xf32, #tpu.memory_space<vmem>>
      %dma_start3A_154 = tpu.memref_slice %arg5[%add3A_152] : memref<32006144xf32, #tpu.memory_space<hbm>> -> memref<4096xf32, #tpu.memory_space<hbm>>
      %dma_start3A_155 = tpu.memref_slice %arg5[%add3A_152] : memref<32006144xf32, #tpu.memory_space<hbm>> -> memref<4096xf32, #tpu.memory_space<hbm>>
      %dma_start3A_156 = tpu.memref_slice %arg9[%add3A_148] : memref<65536xf32, #tpu.memory_space<vmem>> -> memref<4096xf32, #tpu.memory_space<vmem>>
      tpu.enqueue_dma source(%dma_start3A_156 : memref<4096xf32, #tpu.memory_space<vmem>>) target(%dma_start3A_155 : memref<4096xf32, #tpu.memory_space<hbm>>) target_semaphore(%arg11 : memref<!tpu.dma_semaphore, #tpu.memory_space<semaphore_mem>>)
      %add3A_157 = arith.constant 20480 : i32
      %add3A_158 = arith.addi %mul3A_105, %add3A_157 : i32
      %mul3A_159 = arith.constant 1024 : i32
      %mul3A_160 = arith.muli %min3A_82, %mul3A_159 : i32
      %add3A_161 = arith.constant 20003840 : i32
      %add3A_162 = arith.addi %add3A_161, %mul3A_160 : i32
      %dma_start3A_163 = tpu.memref_slice %arg9[%add3A_158] : memref<65536xf32, #tpu.memory_space<vmem>> -> memref<4096xf32, #tpu.memory_space<vmem>>
      %dma_start3A_164 = tpu.memref_slice %arg5[%add3A_162] : memref<32006144xf32, #tpu.memory_space<hbm>> -> memref<4096xf32, #tpu.memory_space<hbm>>
      %dma_start3A_165 = tpu.memref_slice %arg5[%add3A_162] : memref<32006144xf32, #tpu.memory_space<hbm>> -> memref<4096xf32, #tpu.memory_space<hbm>>
      %dma_start3A_166 = tpu.memref_slice %arg9[%add3A_158] : memref<65536xf32, #tpu.memory_space<vmem>> -> memref<4096xf32, #tpu.memory_space<vmem>>
      tpu.enqueue_dma source(%dma_start3A_166 : memref<4096xf32, #tpu.memory_space<vmem>>) target(%dma_start3A_165 : memref<4096xf32, #tpu.memory_space<hbm>>) target_semaphore(%arg11 : memref<!tpu.dma_semaphore, #tpu.memory_space<semaphore_mem>>)
      %add3A_167 = arith.constant 24576 : i32
      %add3A_168 = arith.addi %mul3A_105, %add3A_167 : i32
      %mul3A_169 = arith.constant 1024 : i32
      %mul3A_170 = arith.muli %min3A_82, %mul3A_169 : i32
      %add3A_171 = arith.constant 24004608 : i32
      %add3A_172 = arith.addi %add3A_171, %mul3A_170 : i32
      %dma_start3A_173 = tpu.memref_slice %arg9[%add3A_168] : memref<65536xf32, #tpu.memory_space<vmem>> -> memref<4096xf32, #tpu.memory_space<vmem>>
      %dma_start3A_174 = tpu.memref_slice %arg5[%add3A_172] : memref<32006144xf32, #tpu.memory_space<hbm>> -> memref<4096xf32, #tpu.memory_space<hbm>>
      %dma_start3A_175 = tpu.memref_slice %arg5[%add3A_172] : memref<32006144xf32, #tpu.memory_space<hbm>> -> memref<4096xf32, #tpu.memory_space<hbm>>
      %dma_start3A_176 = tpu.memref_slice %arg9[%add3A_168] : memref<65536xf32, #tpu.memory_space<vmem>> -> memref<4096xf32, #tpu.memory_space<vmem>>
      tpu.enqueue_dma source(%dma_start3A_176 : memref<4096xf32, #tpu.memory_space<vmem>>) target(%dma_start3A_175 : memref<4096xf32, #tpu.memory_space<hbm>>) target_semaphore(%arg11 : memref<!tpu.dma_semaphore, #tpu.memory_space<semaphore_mem>>)
      %add3A_177 = arith.constant 28672 : i32
      %add3A_178 = arith.addi %mul3A_105, %add3A_177 : i32
      %mul3A_179 = arith.constant 1024 : i32
      %mul3A_180 = arith.muli %min3A_82, %mul3A_179 : i32
      %add3A_181 = arith.constant 28005376 : i32
      %add3A_182 = arith.addi %add3A_181, %mul3A_180 : i32
      %dma_start3A_183 = tpu.memref_slice %arg9[%add3A_178] : memref<65536xf32, #tpu.memory_space<vmem>> -> memref<4096xf32, #tpu.memory_space<vmem>>
      %dma_start3A_184 = tpu.memref_slice %arg5[%add3A_182] : memref<32006144xf32, #tpu.memory_space<hbm>> -> memref<4096xf32, #tpu.memory_space<hbm>>
      %dma_start3A_185 = tpu.memref_slice %arg5[%add3A_182] : memref<32006144xf32, #tpu.memory_space<hbm>> -> memref<4096xf32, #tpu.memory_space<hbm>>
      %dma_start3A_186 = tpu.memref_slice %arg9[%add3A_178] : memref<65536xf32, #tpu.memory_space<vmem>> -> memref<4096xf32, #tpu.memory_space<vmem>>
      tpu.enqueue_dma source(%dma_start3A_186 : memref<4096xf32, #tpu.memory_space<vmem>>) target(%dma_start3A_185 : memref<4096xf32, #tpu.memory_space<hbm>>) target_semaphore(%arg11 : memref<!tpu.dma_semaphore, #tpu.memory_space<semaphore_mem>>)
    }
    %while3A_49 = arith.constant 1 : i32
    scf.for %while3A_59 = %while3A_47 to %while3A_43 step %while3A_49  : i32 {
      %mul3A_60 = arith.constant 32 : i32
      %mul3A_61 = arith.muli %while3A_59, %mul3A_60 : i32
      %add3A_62 = arith.addi %add3A, %mul3A_61 : i32
      %jit3A_63 = arith.constant 2 : i32
      %eq3A_64 = arith.constant 0 : i32
      %eq3A_65 = arith.cmpi eq, %jit3A_63, %eq3A_64 : i32
      %jit3A_66 = arith.constant 1 : i32
      %select_n3A_67 = arith.select %eq3A_65, %jit3A_66, %jit3A_63 : i32
      %rem3A_68 = arith.remsi %while3A_59, %select_n3A_67 : i32
      %ne3A_69 = arith.constant 0 : i32
      %ne3A_70 = arith.cmpi ne, %rem3A_68, %ne3A_69 : i32
      %lt3A_71 = arith.constant 0 : i32
      %lt3A_72 = arith.cmpi slt, %rem3A_68, %lt3A_71 : i32
      %lt3A_73 = arith.constant 0 : i32
      %lt3A_74 = arith.cmpi slt, %select_n3A_67, %lt3A_73 : i32
      %ne3A_75 = arith.xori %lt3A_72, %lt3A_74 : i1
      %and3A_76 = arith.andi %ne3A_75, %ne3A_70 : i1
      %add3A_77 = arith.addi %rem3A_68, %select_n3A_67 : i32
      %select_n3A_78 = arith.select %and3A_76, %add3A_77, %rem3A_68 : i32
      %mul3A_79 = arith.constant 4 : i32
      %mul3A_80 = arith.muli %add3A_62, %mul3A_79 : i32
      %min3A_81 = arith.constant 3903 : i32
      %min3A_82 = arith.minsi %mul3A_80, %min3A_81 : i32
      %ge3A_83 = arith.constant 2 : i32
      %ge3A_84 = arith.cmpi sge, %while3A_59, %ge3A_83 : i32
      %convert_element_type3A_85 = arith.extui %ge3A_84 : i1 to i32
      %cond3A_86 = arith.constant 0 : i32
      %cond3A_87 = arith.cmpi ne, %convert_element_type3A_85, %cond3A_86 : i32
      scf.if %cond3A_87 {
        %dma_wait3A = arith.constant 0 : i32
        %dma_wait3A_187 = tpu.memref_slice %arg9[%dma_wait3A] : memref<65536xf32, #tpu.memory_space<vmem>> -> memref<32768xf32, #tpu.memory_space<vmem>>
        %dma_wait3A_188 = arith.constant 0 : i32
        %dma_wait3A_189 = tpu.memref_slice %arg5[%dma_wait3A_188] : memref<32006144xf32, #tpu.memory_space<hbm>> -> memref<32768xf32, #tpu.memory_space<hbm>>
        %dma_wait3A_190 = arith.constant 0 : i32
        %dma_wait3A_191 = tpu.memref_slice %arg5[%dma_wait3A_190] : memref<32006144xf32, #tpu.memory_space<hbm>> -> memref<32768xf32, #tpu.memory_space<hbm>>
        %dma_wait3A_192 = arith.constant 0 : i32
        %dma_wait3A_193 = tpu.memref_slice %arg9[%dma_wait3A_192] : memref<65536xf32, #tpu.memory_space<vmem>> -> memref<32768xf32, #tpu.memory_space<vmem>>
        tpu.wait_dma2 semaphore(%arg11 : memref<!tpu.dma_semaphore, #tpu.memory_space<semaphore_mem>>) src(%dma_wait3A_193 : memref<32768xf32, #tpu.memory_space<vmem>>) dst(%dma_wait3A_191 : memref<32768xf32, #tpu.memory_space<hbm>>)
      } else {
      }
      %lt3A_88 = arith.constant 976 : i32
      %lt3A_89 = arith.cmpi slt, %add3A_62, %lt3A_88 : i32
      %convert_element_type3A_90 = arith.extui %lt3A_89 : i1 to i32
      %cond3A_91 = arith.constant 0 : i32
      %cond3A_92 = arith.cmpi ne, %convert_element_type3A_90, %cond3A_91 : i32
      scf.if %cond3A_92 {
        %dma_wait3A = arith.constant 0 : i32
        %dma_wait3A_187 = arith.constant 0 : i32
        %dma_wait3A_188 = arith.constant 0 : i32
        %dma_wait3A_189 = tpu.memref_slice %arg6[%select_n3A_78, %dma_wait3A, %dma_wait3A_187, %dma_wait3A_188] : memref<2x4x4x128xi32, #tpu.memory_space<vmem>> -> memref<1x4x4x128xi32, #tpu.memory_space<vmem>>
        %dma_wait3A_190 = tpu.memref_squeeze %dma_wait3A_189 : memref<1x4x4x128xi32, #tpu.memory_space<vmem>> -> memref<4x4x128xi32, #tpu.memory_space<vmem>>
        %dma_wait3A_191 = arith.constant 0 : i32
        %dma_wait3A_192 = arith.constant 0 : i32
        %dma_wait3A_193 = arith.constant 0 : i32
        %dma_wait3A_194 = tpu.memref_slice %arg2[%dma_wait3A_191, %dma_wait3A_192, %dma_wait3A_193] : memref<3906x4x128xi32, #tpu.memory_space<hbm>> -> memref<4x4x128xi32, #tpu.memory_space<hbm>>
        %dma_wait3A_195 = arith.constant 0 : i32
        %dma_wait3A_196 = arith.constant 0 : i32
        %dma_wait3A_197 = arith.constant 0 : i32
        %dma_wait3A_198 = tpu.memref_slice %arg6[%select_n3A_78, %dma_wait3A_195, %dma_wait3A_196, %dma_wait3A_197] : memref<2x4x4x128xi32, #tpu.memory_space<vmem>> -> memref<1x4x4x128xi32, #tpu.memory_space<vmem>>
        %dma_wait3A_199 = tpu.memref_squeeze %dma_wait3A_198 : memref<1x4x4x128xi32, #tpu.memory_space<vmem>> -> memref<4x4x128xi32, #tpu.memory_space<vmem>>
        %dma_wait3A_200 = arith.constant 0 : i32
        %dma_wait3A_201 = arith.constant 0 : i32
        %dma_wait3A_202 = arith.constant 0 : i32
        %dma_wait3A_203 = tpu.memref_slice %arg2[%dma_wait3A_200, %dma_wait3A_201, %dma_wait3A_202] : memref<3906x4x128xi32, #tpu.memory_space<hbm>> -> memref<4x4x128xi32, #tpu.memory_space<hbm>>
        tpu.wait_dma2 semaphore(%arg10 : memref<!tpu.dma_semaphore, #tpu.memory_space<semaphore_mem>>) src(%dma_wait3A_203 : memref<4x4x128xi32, #tpu.memory_space<hbm>>) dst(%dma_wait3A_199 : memref<4x4x128xi32, #tpu.memory_space<vmem>>)
      } else {
      }
      %eq3A_93 = arith.constant 976 : i32
      %eq3A_94 = arith.cmpi eq, %add3A_62, %eq3A_93 : i32
      %convert_element_type3A_95 = arith.extui %eq3A_94 : i1 to i32
      %cond3A_96 = arith.constant 0 : i32
      %cond3A_97 = arith.cmpi ne, %convert_element_type3A_95, %cond3A_96 : i32
      scf.if %cond3A_97 {
        %dma_wait3A = arith.constant 0 : i32
        %dma_wait3A_187 = arith.constant 0 : i32
        %dma_wait3A_188 = arith.constant 0 : i32
        %dma_wait3A_189 = tpu.memref_slice %arg6[%select_n3A_78, %dma_wait3A, %dma_wait3A_187, %dma_wait3A_188] : memref<2x4x4x128xi32, #tpu.memory_space<vmem>> -> memref<1x3x4x128xi32, #tpu.memory_space<vmem>>
        %dma_wait3A_190 = tpu.memref_squeeze %dma_wait3A_189 : memref<1x3x4x128xi32, #tpu.memory_space<vmem>> -> memref<3x4x128xi32, #tpu.memory_space<vmem>>
        %dma_wait3A_191 = arith.constant 0 : i32
        %dma_wait3A_192 = arith.constant 0 : i32
        %dma_wait3A_193 = arith.constant 0 : i32
        %dma_wait3A_194 = tpu.memref_slice %arg2[%dma_wait3A_191, %dma_wait3A_192, %dma_wait3A_193] : memref<3906x4x128xi32, #tpu.memory_space<hbm>> -> memref<3x4x128xi32, #tpu.memory_space<hbm>>
        %dma_wait3A_195 = arith.constant 0 : i32
        %dma_wait3A_196 = arith.constant 0 : i32
        %dma_wait3A_197 = arith.constant 0 : i32
        %dma_wait3A_198 = tpu.memref_slice %arg6[%select_n3A_78, %dma_wait3A_195, %dma_wait3A_196, %dma_wait3A_197] : memref<2x4x4x128xi32, #tpu.memory_space<vmem>> -> memref<1x3x4x128xi32, #tpu.memory_space<vmem>>
        %dma_wait3A_199 = tpu.memref_squeeze %dma_wait3A_198 : memref<1x3x4x128xi32, #tpu.memory_space<vmem>> -> memref<3x4x128xi32, #tpu.memory_space<vmem>>
        %dma_wait3A_200 = arith.constant 0 : i32
        %dma_wait3A_201 = arith.constant 0 : i32
        %dma_wait3A_202 = arith.constant 0 : i32
        %dma_wait3A_203 = tpu.memref_slice %arg2[%dma_wait3A_200, %dma_wait3A_201, %dma_wait3A_202] : memref<3906x4x128xi32, #tpu.memory_space<hbm>> -> memref<3x4x128xi32, #tpu.memory_space<hbm>>
        tpu.wait_dma2 semaphore(%arg10 : memref<!tpu.dma_semaphore, #tpu.memory_space<semaphore_mem>>) src(%dma_wait3A_203 : memref<3x4x128xi32, #tpu.memory_space<hbm>>) dst(%dma_wait3A_199 : memref<3x4x128xi32, #tpu.memory_space<vmem>>)
        %dma_wait3A_204 = arith.constant 3 : i32
        %dma_wait3A_205 = arith.constant 0 : i32
        %dma_wait3A_206 = arith.constant 0 : i32
        %dma_wait3A_207 = tpu.memref_slice %arg6[%select_n3A_78, %dma_wait3A_204, %dma_wait3A_205, %dma_wait3A_206] : memref<2x4x4x128xi32, #tpu.memory_space<vmem>> -> memref<1x1x4x128xi32, #tpu.memory_space<vmem>>
        %dma_wait3A_208 = tpu.memref_squeeze %dma_wait3A_207 : memref<1x1x4x128xi32, #tpu.memory_space<vmem>> -> memref<4x128xi32, #tpu.memory_space<vmem>>
        %dma_wait3A_209 = arith.constant 0 : i32
        %dma_wait3A_210 = arith.constant 0 : i32
        %dma_wait3A_211 = tpu.memref_slice %arg6[%select_n3A_78, %dma_wait3A_204, %dma_wait3A_209, %dma_wait3A_210] : memref<2x4x4x128xi32, #tpu.memory_space<vmem>> -> memref<1x1x4x128xi32, #tpu.memory_space<vmem>>
        %dma_wait3A_212 = tpu.memref_squeeze %dma_wait3A_211 : memref<1x1x4x128xi32, #tpu.memory_space<vmem>> -> memref<4x128xi32, #tpu.memory_space<vmem>>
        tpu.wait_dma2 semaphore(%arg10 : memref<!tpu.dma_semaphore, #tpu.memory_space<semaphore_mem>>) src(%arg3 : memref<4x128xi32, #tpu.memory_space<hbm>>) dst(%dma_wait3A_212 : memref<4x128xi32, #tpu.memory_space<vmem>>)
      } else {
      }
      %add3A_98 = arith.constant 1 : i32
      %add3A_99 = arith.addi %while3A_59, %add3A_98 : i32
      %lt3A_100 = arith.cmpi slt, %add3A_99, %add3A_20 : i32
      %convert_element_type3A_101 = arith.extui %lt3A_100 : i1 to i32
      %cond3A_102 = arith.constant 0 : i32
      %cond3A_103 = arith.cmpi ne, %convert_element_type3A_101, %cond3A_102 : i32
      scf.if %cond3A_103 {
        %add3A_187 = arith.constant 32 : i32
        %add3A_188 = arith.addi %add3A_62, %add3A_187 : i32
        %sub3A_189 = arith.constant 1 : i32
        %sub3A_190 = arith.subi %sub3A_189, %select_n3A_78 : i32
        %mul3A_191 = arith.constant 4 : i32
        %mul3A_192 = arith.muli %add3A_188, %mul3A_191 : i32
        %min3A_193 = arith.constant 3903 : i32
        %min3A_194 = arith.minsi %mul3A_192, %min3A_193 : i32
        %lt3A_195 = arith.constant 976 : i32
        %lt3A_196 = arith.cmpi slt, %add3A_188, %lt3A_195 : i32
        %convert_element_type3A_197 = arith.extui %lt3A_196 : i1 to i32
        %cond3A_198 = arith.constant 0 : i32
        %cond3A_199 = arith.cmpi ne, %convert_element_type3A_197, %cond3A_198 : i32
        scf.if %cond3A_199 {
          %dma_start3A_205 = arith.constant 0 : i32
          %dma_start3A_206 = arith.constant 0 : i32
          %dma_start3A_207 = arith.constant 0 : i32
          %dma_start3A_208 = tpu.memref_slice %arg6[%sub3A_190, %dma_start3A_205, %dma_start3A_206, %dma_start3A_207] : memref<2x4x4x128xi32, #tpu.memory_space<vmem>> -> memref<1x4x4x128xi32, #tpu.memory_space<vmem>>
          %dma_start3A_209 = tpu.memref_squeeze %dma_start3A_208 : memref<1x4x4x128xi32, #tpu.memory_space<vmem>> -> memref<4x4x128xi32, #tpu.memory_space<vmem>>
          %dma_start3A_210 = arith.constant 0 : i32
          %dma_start3A_211 = arith.constant 0 : i32
          %dma_start3A_212 = tpu.memref_slice %arg2[%min3A_194, %dma_start3A_210, %dma_start3A_211] : memref<3906x4x128xi32, #tpu.memory_space<hbm>> -> memref<4x4x128xi32, #tpu.memory_space<hbm>>
          %dma_start3A_213 = arith.constant 0 : i32
          %dma_start3A_214 = arith.constant 0 : i32
          %dma_start3A_215 = arith.constant 0 : i32
          %dma_start3A_216 = tpu.memref_slice %arg6[%sub3A_190, %dma_start3A_213, %dma_start3A_214, %dma_start3A_215] : memref<2x4x4x128xi32, #tpu.memory_space<vmem>> -> memref<1x4x4x128xi32, #tpu.memory_space<vmem>>
          %dma_start3A_217 = tpu.memref_squeeze %dma_start3A_216 : memref<1x4x4x128xi32, #tpu.memory_space<vmem>> -> memref<4x4x128xi32, #tpu.memory_space<vmem>>
          %dma_start3A_218 = arith.constant 0 : i32
          %dma_start3A_219 = arith.constant 0 : i32
          %dma_start3A_220 = tpu.memref_slice %arg2[%min3A_194, %dma_start3A_218, %dma_start3A_219] : memref<3906x4x128xi32, #tpu.memory_space<hbm>> -> memref<4x4x128xi32, #tpu.memory_space<hbm>>
          tpu.enqueue_dma source(%dma_start3A_220 : memref<4x4x128xi32, #tpu.memory_space<hbm>>) target(%dma_start3A_217 : memref<4x4x128xi32, #tpu.memory_space<vmem>>) target_semaphore(%arg10 : memref<!tpu.dma_semaphore, #tpu.memory_space<semaphore_mem>>)
        } else {
        }
        %eq3A_200 = arith.constant 976 : i32
        %eq3A_201 = arith.cmpi eq, %add3A_188, %eq3A_200 : i32
        %convert_element_type3A_202 = arith.extui %eq3A_201 : i1 to i32
        %cond3A_203 = arith.constant 0 : i32
        %cond3A_204 = arith.cmpi ne, %convert_element_type3A_202, %cond3A_203 : i32
        scf.if %cond3A_204 {
          %dma_start3A_205 = arith.constant 0 : i32
          %dma_start3A_206 = arith.constant 0 : i32
          %dma_start3A_207 = arith.constant 0 : i32
          %dma_start3A_208 = tpu.memref_slice %arg6[%sub3A_190, %dma_start3A_205, %dma_start3A_206, %dma_start3A_207] : memref<2x4x4x128xi32, #tpu.memory_space<vmem>> -> memref<1x3x4x128xi32, #tpu.memory_space<vmem>>
          %dma_start3A_209 = tpu.memref_squeeze %dma_start3A_208 : memref<1x3x4x128xi32, #tpu.memory_space<vmem>> -> memref<3x4x128xi32, #tpu.memory_space<vmem>>
          %dma_start3A_210 = arith.constant 0 : i32
          %dma_start3A_211 = arith.constant 0 : i32
          %dma_start3A_212 = tpu.memref_slice %arg2[%min3A_194, %dma_start3A_210, %dma_start3A_211] : memref<3906x4x128xi32, #tpu.memory_space<hbm>> -> memref<3x4x128xi32, #tpu.memory_space<hbm>>
          %dma_start3A_213 = arith.constant 0 : i32
          %dma_start3A_214 = arith.constant 0 : i32
          %dma_start3A_215 = arith.constant 0 : i32
          %dma_start3A_216 = tpu.memref_slice %arg6[%sub3A_190, %dma_start3A_213, %dma_start3A_214, %dma_start3A_215] : memref<2x4x4x128xi32, #tpu.memory_space<vmem>> -> memref<1x3x4x128xi32, #tpu.memory_space<vmem>>
          %dma_start3A_217 = tpu.memref_squeeze %dma_start3A_216 : memref<1x3x4x128xi32, #tpu.memory_space<vmem>> -> memref<3x4x128xi32, #tpu.memory_space<vmem>>
          %dma_start3A_218 = arith.constant 0 : i32
          %dma_start3A_219 = arith.constant 0 : i32
          %dma_start3A_220 = tpu.memref_slice %arg2[%min3A_194, %dma_start3A_218, %dma_start3A_219] : memref<3906x4x128xi32, #tpu.memory_space<hbm>> -> memref<3x4x128xi32, #tpu.memory_space<hbm>>
          tpu.enqueue_dma source(%dma_start3A_220 : memref<3x4x128xi32, #tpu.memory_space<hbm>>) target(%dma_start3A_217 : memref<3x4x128xi32, #tpu.memory_space<vmem>>) target_semaphore(%arg10 : memref<!tpu.dma_semaphore, #tpu.memory_space<semaphore_mem>>)
          %dma_start3A_221 = arith.constant 3 : i32
          %dma_start3A_222 = arith.constant 0 : i32
          %dma_start3A_223 = arith.constant 0 : i32
          %dma_start3A_224 = tpu.memref_slice %arg6[%sub3A_190, %dma_start3A_221, %dma_start3A_222, %dma_start3A_223] : memref<2x4x4x128xi32, #tpu.memory_space<vmem>> -> memref<1x1x4x128xi32, #tpu.memory_space<vmem>>
          %dma_start3A_225 = tpu.memref_squeeze %dma_start3A_224 : memref<1x1x4x128xi32, #tpu.memory_space<vmem>> -> memref<4x128xi32, #tpu.memory_space<vmem>>
          %dma_start3A_226 = arith.constant 0 : i32
          %dma_start3A_227 = arith.constant 0 : i32
          %dma_start3A_228 = tpu.memref_slice %arg6[%sub3A_190, %dma_start3A_221, %dma_start3A_226, %dma_start3A_227] : memref<2x4x4x128xi32, #tpu.memory_space<vmem>> -> memref<1x1x4x128xi32, #tpu.memory_space<vmem>>
          %dma_start3A_229 = tpu.memref_squeeze %dma_start3A_228 : memref<1x1x4x128xi32, #tpu.memory_space<vmem>> -> memref<4x128xi32, #tpu.memory_space<vmem>>
          tpu.enqueue_dma source(%arg3 : memref<4x128xi32, #tpu.memory_space<hbm>>) target(%dma_start3A_229 : memref<4x128xi32, #tpu.memory_space<vmem>>) target_semaphore(%arg10 : memref<!tpu.dma_semaphore, #tpu.memory_space<semaphore_mem>>)
        } else {
        }
      } else {
      }
      %mul3A_104 = arith.constant 32768 : i32
      %mul3A_105 = arith.muli %select_n3A_78, %mul3A_104 : i32
      %parallel_loop3A = arith.constant 0 : i32
      %parallel_loop3A_106 = arith.constant 32 : i32
      %parallel_loop3A_107 = arith.constant 1 : i32
      scf.for %parallel_loop3A_187 = %parallel_loop3A to %parallel_loop3A_106 step %parallel_loop3A_107  : i32 {
        %parallel_loop3A_188 = arith.constant 8 : i32
        %parallel_loop3A_189 = arith.divsi %parallel_loop3A_187, %parallel_loop3A_188 : i32
        %parallel_loop3A_190 = arith.constant 0 : i32
        %parallel_loop3A_191 = arith.cmpi sgt, %parallel_loop3A_187, %parallel_loop3A_190 : i32
        %parallel_loop3A_192 = arith.extui %parallel_loop3A_191 : i1 to i32
        %parallel_loop3A_193 = arith.constant 0 : i32
        %parallel_loop3A_194 = arith.cmpi slt, %parallel_loop3A_187, %parallel_loop3A_193 : i32
        %parallel_loop3A_195 = arith.extui %parallel_loop3A_194 : i1 to i32
        %parallel_loop3A_196 = arith.subi %parallel_loop3A_192, %parallel_loop3A_195 : i32
        %parallel_loop3A_197 = arith.constant 0 : i32
        %parallel_loop3A_198 = arith.cmpi sgt, %parallel_loop3A_188, %parallel_loop3A_197 : i32
        %parallel_loop3A_199 = arith.extui %parallel_loop3A_198 : i1 to i32
        %parallel_loop3A_200 = arith.constant 0 : i32
        %parallel_loop3A_201 = arith.cmpi slt, %parallel_loop3A_188, %parallel_loop3A_200 : i32
        %parallel_loop3A_202 = arith.extui %parallel_loop3A_201 : i1 to i32
        %parallel_loop3A_203 = arith.subi %parallel_loop3A_199, %parallel_loop3A_202 : i32
        %parallel_loop3A_204 = arith.cmpi ne, %parallel_loop3A_196, %parallel_loop3A_203 : i32
        %parallel_loop3A_205 = arith.remsi %parallel_loop3A_187, %parallel_loop3A_188 : i32
        %parallel_loop3A_206 = arith.constant 0 : i32
        %parallel_loop3A_207 = arith.cmpi ne, %parallel_loop3A_205, %parallel_loop3A_206 : i32
        %parallel_loop3A_208 = arith.andi %parallel_loop3A_204, %parallel_loop3A_207 : i1
        %parallel_loop3A_209 = arith.constant 1 : i32
        %parallel_loop3A_210 = arith.subi %parallel_loop3A_189, %parallel_loop3A_209 : i32
        %parallel_loop3A_211 = arith.select %parallel_loop3A_208, %parallel_loop3A_210, %parallel_loop3A_189 : i32
        %parallel_loop3A_212 = arith.constant 8 : i32
        %parallel_loop3A_213 = arith.constant 0 : i32
        %parallel_loop3A_214 = arith.cmpi eq, %parallel_loop3A_212, %parallel_loop3A_213 : i32
        %parallel_loop3A_215 = arith.constant 1 : i32
        %parallel_loop3A_216 = arith.select %parallel_loop3A_214, %parallel_loop3A_215, %parallel_loop3A_212 : i32
        %parallel_loop3A_217 = arith.remsi %parallel_loop3A_187, %parallel_loop3A_216 : i32
        %parallel_loop3A_218 = arith.constant 0 : i32
        %parallel_loop3A_219 = arith.cmpi ne, %parallel_loop3A_217, %parallel_loop3A_218 : i32
        %parallel_loop3A_220 = arith.constant 0 : i32
        %parallel_loop3A_221 = arith.cmpi slt, %parallel_loop3A_217, %parallel_loop3A_220 : i32
        %parallel_loop3A_222 = arith.constant 0 : i32
        %parallel_loop3A_223 = arith.cmpi slt, %parallel_loop3A_216, %parallel_loop3A_222 : i32
        %parallel_loop3A_224 = arith.xori %parallel_loop3A_221, %parallel_loop3A_223 : i1
        %parallel_loop3A_225 = arith.andi %parallel_loop3A_224, %parallel_loop3A_219 : i1
        %parallel_loop3A_226 = arith.addi %parallel_loop3A_217, %parallel_loop3A_216 : i32
        %parallel_loop3A_227 = arith.select %parallel_loop3A_225, %parallel_loop3A_226, %parallel_loop3A_217 : i32
        %parallel_loop3A_228 = arith.constant 16 : i32
        %parallel_loop3A_229 = arith.muli %parallel_loop3A_227, %parallel_loop3A_228 : i32
        %parallel_loop3A_230 = arith.constant 1 : i32
        %parallel_loop3A_231 = arith.index_cast %select_n3A_78 : i32 to index
        %parallel_loop3A_232 = arith.index_cast %parallel_loop3A_211 : i32 to index
        %parallel_loop3A_233 = arith.index_cast %parallel_loop3A_230 : i32 to index
        %parallel_loop3A_234 = arith.index_cast %parallel_loop3A_229 : i32 to index
        %parallel_loop3A_235 = tpu.vector_load %arg6[%parallel_loop3A_231, %parallel_loop3A_232, %parallel_loop3A_233, %parallel_loop3A_234] {strides = array<i32>} : memref<2x4x4x128xi32, #tpu.memory_space<vmem>>, vector<16xi32>,
        %parallel_loop3A_236 = arith.constant 2 : i32
        %parallel_loop3A_237 = arith.index_cast %select_n3A_78 : i32 to index
        %parallel_loop3A_238 = arith.index_cast %parallel_loop3A_211 : i32 to index
        %parallel_loop3A_239 = arith.index_cast %parallel_loop3A_236 : i32 to index
        %parallel_loop3A_240 = arith.index_cast %parallel_loop3A_229 : i32 to index
        %parallel_loop3A_241 = tpu.vector_load %arg6[%parallel_loop3A_237, %parallel_loop3A_238, %parallel_loop3A_239, %parallel_loop3A_240] {strides = array<i32>} : memref<2x4x4x128xi32, #tpu.memory_space<vmem>>, vector<16xi32>,
        %parallel_loop3A_242 = arith.constant 3 : i32
        %parallel_loop3A_243 = arith.index_cast %select_n3A_78 : i32 to index
        %parallel_loop3A_244 = arith.index_cast %parallel_loop3A_211 : i32 to index
        %parallel_loop3A_245 = arith.index_cast %parallel_loop3A_242 : i32 to index
        %parallel_loop3A_246 = arith.index_cast %parallel_loop3A_229 : i32 to index
        %parallel_loop3A_247 = tpu.vector_load %arg6[%parallel_loop3A_243, %parallel_loop3A_244, %parallel_loop3A_245, %parallel_loop3A_246] {strides = array<i32>} : memref<2x4x4x128xi32, #tpu.memory_space<vmem>>, vector<16xi32>,
        %parallel_loop3A_248 = arith.constant 1 : i32
        %parallel_loop3A_249 = vector.broadcast %parallel_loop3A_248 : i32 to vector<16xi32>
        %parallel_loop3A_250 = arith.andi %parallel_loop3A_235, %parallel_loop3A_249 : vector<16xi32>
        %parallel_loop3A_251 = arith.constant 1 : i32
        %parallel_loop3A_252 = vector.broadcast %parallel_loop3A_251 : i32 to vector<16xi32>
        %parallel_loop3A_253 = arith.andi %parallel_loop3A_241, %parallel_loop3A_252 : vector<16xi32>
        %parallel_loop3A_254 = arith.constant 1 : i32
        %parallel_loop3A_255 = vector.broadcast %parallel_loop3A_254 : i32 to vector<16xi32>
        %parallel_loop3A_256 = arith.shli %parallel_loop3A_253, %parallel_loop3A_255 : vector<16xi32>
        %parallel_loop3A_257 = arith.ori %parallel_loop3A_250, %parallel_loop3A_256 : vector<16xi32>
        %parallel_loop3A_258 = arith.constant 1 : i32
        %parallel_loop3A_259 = vector.broadcast %parallel_loop3A_258 : i32 to vector<16xi32>
        %parallel_loop3A_260 = arith.andi %parallel_loop3A_247, %parallel_loop3A_259 : vector<16xi32>
        %parallel_loop3A_261 = arith.constant 2 : i32
        %parallel_loop3A_262 = vector.broadcast %parallel_loop3A_261 : i32 to vector<16xi32>
        %parallel_loop3A_263 = arith.shli %parallel_loop3A_260, %parallel_loop3A_262 : vector<16xi32>
        %parallel_loop3A_264 = arith.ori %parallel_loop3A_257, %parallel_loop3A_263 : vector<16xi32>
        %parallel_loop3A_265 = vector.shape_cast %parallel_loop3A_264 : vector<16xi32> to vector<16x1xi32>
        %parallel_loop3A_266 = arith.constant 8 : i32
        %parallel_loop3A_267 = arith.divsi %parallel_loop3A_187, %parallel_loop3A_266 : i32
        %parallel_loop3A_268 = arith.constant 0 : i32
        %parallel_loop3A_269 = arith.cmpi sgt, %parallel_loop3A_187, %parallel_loop3A_268 : i32
        %parallel_loop3A_270 = arith.extui %parallel_loop3A_269 : i1 to i32
        %parallel_loop3A_271 = arith.constant 0 : i32
        %parallel_loop3A_272 = arith.cmpi slt, %parallel_loop3A_187, %parallel_loop3A_271 : i32
        %parallel_loop3A_273 = arith.extui %parallel_loop3A_272 : i1 to i32
        %parallel_loop3A_274 = arith.subi %parallel_loop3A_270, %parallel_loop3A_273 : i32
        %parallel_loop3A_275 = arith.constant 0 : i32
        %parallel_loop3A_276 = arith.cmpi sgt, %parallel_loop3A_266, %parallel_loop3A_275 : i32
        %parallel_loop3A_277 = arith.extui %parallel_loop3A_276 : i1 to i32
        %parallel_loop3A_278 = arith.constant 0 : i32
        %parallel_loop3A_279 = arith.cmpi slt, %parallel_loop3A_266, %parallel_loop3A_278 : i32
        %parallel_loop3A_280 = arith.extui %parallel_loop3A_279 : i1 to i32
        %parallel_loop3A_281 = arith.subi %parallel_loop3A_277, %parallel_loop3A_280 : i32
        %parallel_loop3A_282 = arith.cmpi ne, %parallel_loop3A_274, %parallel_loop3A_281 : i32
        %parallel_loop3A_283 = arith.remsi %parallel_loop3A_187, %parallel_loop3A_266 : i32
        %parallel_loop3A_284 = arith.constant 0 : i32
        %parallel_loop3A_285 = arith.cmpi ne, %parallel_loop3A_283, %parallel_loop3A_284 : i32
        %parallel_loop3A_286 = arith.andi %parallel_loop3A_282, %parallel_loop3A_285 : i1
        %parallel_loop3A_287 = arith.constant 1 : i32
        %parallel_loop3A_288 = arith.subi %parallel_loop3A_267, %parallel_loop3A_287 : i32
        %parallel_loop3A_289 = arith.select %parallel_loop3A_286, %parallel_loop3A_288, %parallel_loop3A_267 : i32
        %parallel_loop3A_290 = arith.constant 1024 : i32
        %parallel_loop3A_291 = arith.muli %parallel_loop3A_289, %parallel_loop3A_290 : i32
        %parallel_loop3A_292 = arith.addi %mul3A_105, %parallel_loop3A_291 : i32
        %parallel_loop3A_293 = arith.constant 8 : i32
        %parallel_loop3A_294 = arith.constant 0 : i32
        %parallel_loop3A_295 = arith.cmpi eq, %parallel_loop3A_293, %parallel_loop3A_294 : i32
        %parallel_loop3A_296 = arith.constant 1 : i32
        %parallel_loop3A_297 = arith.select %parallel_loop3A_295, %parallel_loop3A_296, %parallel_loop3A_293 : i32
        %parallel_loop3A_298 = arith.remsi %parallel_loop3A_187, %parallel_loop3A_297 : i32
        %parallel_loop3A_299 = arith.constant 0 : i32
        %parallel_loop3A_300 = arith.cmpi ne, %parallel_loop3A_298, %parallel_loop3A_299 : i32
        %parallel_loop3A_301 = arith.constant 0 : i32
        %parallel_loop3A_302 = arith.cmpi slt, %parallel_loop3A_298, %parallel_loop3A_301 : i32
        %parallel_loop3A_303 = arith.constant 0 : i32
        %parallel_loop3A_304 = arith.cmpi slt, %parallel_loop3A_297, %parallel_loop3A_303 : i32
        %parallel_loop3A_305 = arith.xori %parallel_loop3A_302, %parallel_loop3A_304 : i1
        %parallel_loop3A_306 = arith.andi %parallel_loop3A_305, %parallel_loop3A_300 : i1
        %parallel_loop3A_307 = arith.addi %parallel_loop3A_298, %parallel_loop3A_297 : i32
        %parallel_loop3A_308 = arith.select %parallel_loop3A_306, %parallel_loop3A_307, %parallel_loop3A_298 : i32
        %parallel_loop3A_309 = arith.constant 16 : i32
        %parallel_loop3A_310 = arith.muli %parallel_loop3A_308, %parallel_loop3A_309 : i32
        %parallel_loop3A_311 = arith.addi %parallel_loop3A_292, %parallel_loop3A_310 : i32
        %parallel_loop3A_312 = arith.constant 0 : index
        %parallel_loop3A_313 = tpu.vector_load %arg8[%parallel_loop3A_312] {strides = array<i32>} : memref<1024xf32, #tpu.memory_space<vmem>>, vector<16xf32>,
        %parallel_loop3A_314 = vector.shape_cast %parallel_loop3A_265 : vector<16x1xi32> to vector<16xi32>
        %parallel_loop3A_315 = tpu.dynamic_gather %parallel_loop3A_313[%parallel_loop3A_314] in [0] : vector<16xf32>, vector<16xi32> -> vector<16xf32>
        %parallel_loop3A_316 = arith.constant 0 : i32
        %parallel_loop3A_317 = arith.addi %parallel_loop3A_311, %parallel_loop3A_316 : i32
        %parallel_loop3A_318 = arith.constant 0 : i32
        %parallel_loop3A_319 = arith.addi %parallel_loop3A_317, %parallel_loop3A_318 : i32
        %parallel_loop3A_320 = arith.index_cast %parallel_loop3A_319 : i32 to index
        %parallel_loop3A_321 = tpu.vector_load %arg9[%parallel_loop3A_320] {strides = array<i32>} : memref<65536xf32, #tpu.memory_space<vmem>>, vector<16xf32>,
        tpu.vector_store %arg9[%parallel_loop3A_320], %parallel_loop3A_315 {strides = array<i32>} : memref<65536xf32, #tpu.memory_space<vmem>>, vector<16xf32>,
        %parallel_loop3A_322 = arith.constant 16 : index
        %parallel_loop3A_323 = tpu.vector_load %arg8[%parallel_loop3A_322] {strides = array<i32>} : memref<1024xf32, #tpu.memory_space<vmem>>, vector<16xf32>,
        %parallel_loop3A_324 = vector.shape_cast %parallel_loop3A_265 : vector<16x1xi32> to vector<16xi32>
        %parallel_loop3A_325 = tpu.dynamic_gather %parallel_loop3A_323[%parallel_loop3A_324] in [0] : vector<16xf32>, vector<16xi32> -> vector<16xf32>
        %parallel_loop3A_326 = arith.constant 0 : i32
        %parallel_loop3A_327 = arith.addi %parallel_loop3A_311, %parallel_loop3A_326 : i32
        %parallel_loop3A_328 = arith.constant 128 : i32
        %parallel_loop3A_329 = arith.addi %parallel_loop3A_327, %parallel_loop3A_328 : i32
        %parallel_loop3A_330 = arith.index_cast %parallel_loop3A_329 : i32 to index
        %parallel_loop3A_331 = tpu.vector_load %arg9[%parallel_loop3A_330] {strides = array<i32>} : memref<65536xf32, #tpu.memory_space<vmem>>, vector<16xf32>,
        tpu.vector_store %arg9[%parallel_loop3A_330], %parallel_loop3A_325 {strides = array<i32>} : memref<65536xf32, #tpu.memory_space<vmem>>, vector<16xf32>,
        %parallel_loop3A_332 = arith.constant 32 : index
        %parallel_loop3A_333 = tpu.vector_load %arg8[%parallel_loop3A_332] {strides = array<i32>} : memref<1024xf32, #tpu.memory_space<vmem>>, vector<16xf32>,
        %parallel_loop3A_334 = vector.shape_cast %parallel_loop3A_265 : vector<16x1xi32> to vector<16xi32>
        %parallel_loop3A_335 = tpu.dynamic_gather %parallel_loop3A_333[%parallel_loop3A_334] in [0] : vector<16xf32>, vector<16xi32> -> vector<16xf32>
        %parallel_loop3A_336 = arith.constant 0 : i32
        %parallel_loop3A_337 = arith.addi %parallel_loop3A_311, %parallel_loop3A_336 : i32
        %parallel_loop3A_338 = arith.constant 256 : i32
        %parallel_loop3A_339 = arith.addi %parallel_loop3A_337, %parallel_loop3A_338 : i32
        %parallel_loop3A_340 = arith.index_cast %parallel_loop3A_339 : i32 to index
        %parallel_loop3A_341 = tpu.vector_load %arg9[%parallel_loop3A_340] {strides = array<i32>} : memref<65536xf32, #tpu.memory_space<vmem>>, vector<16xf32>,
        tpu.vector_store %arg9[%parallel_loop3A_340], %parallel_loop3A_335 {strides = array<i32>} : memref<65536xf32, #tpu.memory_space<vmem>>, vector<16xf32>,
        %parallel_loop3A_342 = arith.constant 48 : index
        %parallel_loop3A_343 = tpu.vector_load %arg8[%parallel_loop3A_342] {strides = array<i32>} : memref<1024xf32, #tpu.memory_space<vmem>>, vector<16xf32>,
        %parallel_loop3A_344 = vector.shape_cast %parallel_loop3A_265 : vector<16x1xi32> to vector<16xi32>
        %parallel_loop3A_345 = tpu.dynamic_gather %parallel_loop3A_343[%parallel_loop3A_344] in [0] : vector<16xf32>, vector<16xi32> -> vector<16xf32>
        %parallel_loop3A_346 = arith.constant 0 : i32
        %parallel_loop3A_347 = arith.addi %parallel_loop3A_311, %parallel_loop3A_346 : i32
        %parallel_loop3A_348 = arith.constant 384 : i32
        %parallel_loop3A_349 = arith.addi %parallel_loop3A_347, %parallel_loop3A_348 : i32
        %parallel_loop3A_350 = arith.index_cast %parallel_loop3A_349 : i32 to index
        %parallel_loop3A_351 = tpu.vector_load %arg9[%parallel_loop3A_350] {strides = array<i32>} : memref<65536xf32, #tpu.memory_space<vmem>>, vector<16xf32>,
        tpu.vector_store %arg9[%parallel_loop3A_350], %parallel_loop3A_345 {strides = array<i32>} : memref<65536xf32, #tpu.memory_space<vmem>>, vector<16xf32>,
        %parallel_loop3A_352 = arith.constant 64 : index
        %parallel_loop3A_353 = tpu.vector_load %arg8[%parallel_loop3A_352] {strides = array<i32>} : memref<1024xf32, #tpu.memory_space<vmem>>, vector<16xf32>,
        %parallel_loop3A_354 = vector.shape_cast %parallel_loop3A_265 : vector<16x1xi32> to vector<16xi32>
        %parallel_loop3A_355 = tpu.dynamic_gather %parallel_loop3A_353[%parallel_loop3A_354] in [0] : vector<16xf32>, vector<16xi32> -> vector<16xf32>
        %parallel_loop3A_356 = arith.constant 0 : i32
        %parallel_loop3A_357 = arith.addi %parallel_loop3A_311, %parallel_loop3A_356 : i32
        %parallel_loop3A_358 = arith.constant 512 : i32
        %parallel_loop3A_359 = arith.addi %parallel_loop3A_357, %parallel_loop3A_358 : i32
        %parallel_loop3A_360 = arith.index_cast %parallel_loop3A_359 : i32 to index
        %parallel_loop3A_361 = tpu.vector_load %arg9[%parallel_loop3A_360] {strides = array<i32>} : memref<65536xf32, #tpu.memory_space<vmem>>, vector<16xf32>,
        tpu.vector_store %arg9[%parallel_loop3A_360], %parallel_loop3A_355 {strides = array<i32>} : memref<65536xf32, #tpu.memory_space<vmem>>, vector<16xf32>,
        %parallel_loop3A_362 = arith.constant 80 : index
        %parallel_loop3A_363 = tpu.vector_load %arg8[%parallel_loop3A_362] {strides = array<i32>} : memref<1024xf32, #tpu.memory_space<vmem>>, vector<16xf32>,
        %parallel_loop3A_364 = vector.shape_cast %parallel_loop3A_265 : vector<16x1xi32> to vector<16xi32>
        %parallel_loop3A_365 = tpu.dynamic_gather %parallel_loop3A_363[%parallel_loop3A_364] in [0] : vector<16xf32>, vector<16xi32> -> vector<16xf32>
        %parallel_loop3A_366 = arith.constant 0 : i32
        %parallel_loop3A_367 = arith.addi %parallel_loop3A_311, %parallel_loop3A_366 : i32
        %parallel_loop3A_368 = arith.constant 640 : i32
        %parallel_loop3A_369 = arith.addi %parallel_loop3A_367, %parallel_loop3A_368 : i32
        %parallel_loop3A_370 = arith.index_cast %parallel_loop3A_369 : i32 to index
        %parallel_loop3A_371 = tpu.vector_load %arg9[%parallel_loop3A_370] {strides = array<i32>} : memref<65536xf32, #tpu.memory_space<vmem>>, vector<16xf32>,
        tpu.vector_store %arg9[%parallel_loop3A_370], %parallel_loop3A_365 {strides = array<i32>} : memref<65536xf32, #tpu.memory_space<vmem>>, vector<16xf32>,
        %parallel_loop3A_372 = arith.constant 96 : index
        %parallel_loop3A_373 = tpu.vector_load %arg8[%parallel_loop3A_372] {strides = array<i32>} : memref<1024xf32, #tpu.memory_space<vmem>>, vector<16xf32>,
        %parallel_loop3A_374 = vector.shape_cast %parallel_loop3A_265 : vector<16x1xi32> to vector<16xi32>
        %parallel_loop3A_375 = tpu.dynamic_gather %parallel_loop3A_373[%parallel_loop3A_374] in [0] : vector<16xf32>, vector<16xi32> -> vector<16xf32>
        %parallel_loop3A_376 = arith.constant 0 : i32
        %parallel_loop3A_377 = arith.addi %parallel_loop3A_311, %parallel_loop3A_376 : i32
        %parallel_loop3A_378 = arith.constant 768 : i32
        %parallel_loop3A_379 = arith.addi %parallel_loop3A_377, %parallel_loop3A_378 : i32
        %parallel_loop3A_380 = arith.index_cast %parallel_loop3A_379 : i32 to index
        %parallel_loop3A_381 = tpu.vector_load %arg9[%parallel_loop3A_380] {strides = array<i32>} : memref<65536xf32, #tpu.memory_space<vmem>>, vector<16xf32>,
        tpu.vector_store %arg9[%parallel_loop3A_380], %parallel_loop3A_375 {strides = array<i32>} : memref<65536xf32, #tpu.memory_space<vmem>>, vector<16xf32>,
        %parallel_loop3A_382 = arith.constant 112 : index
        %parallel_loop3A_383 = tpu.vector_load %arg8[%parallel_loop3A_382] {strides = array<i32>} : memref<1024xf32, #tpu.memory_space<vmem>>, vector<16xf32>,
        %parallel_loop3A_384 = vector.shape_cast %parallel_loop3A_265 : vector<16x1xi32> to vector<16xi32>
        %parallel_loop3A_385 = tpu.dynamic_gather %parallel_loop3A_383[%parallel_loop3A_384] in [0] : vector<16xf32>, vector<16xi32> -> vector<16xf32>
        %parallel_loop3A_386 = arith.constant 0 : i32
        %parallel_loop3A_387 = arith.addi %parallel_loop3A_311, %parallel_loop3A_386 : i32
        %parallel_loop3A_388 = arith.constant 896 : i32
        %parallel_loop3A_389 = arith.addi %parallel_loop3A_387, %parallel_loop3A_388 : i32
        %parallel_loop3A_390 = arith.index_cast %parallel_loop3A_389 : i32 to index
        %parallel_loop3A_391 = tpu.vector_load %arg9[%parallel_loop3A_390] {strides = array<i32>} : memref<65536xf32, #tpu.memory_space<vmem>>, vector<16xf32>,
        tpu.vector_store %arg9[%parallel_loop3A_390], %parallel_loop3A_385 {strides = array<i32>} : memref<65536xf32, #tpu.memory_space<vmem>>, vector<16xf32>,
        %parallel_loop3A_392 = arith.constant 128 : index
        %parallel_loop3A_393 = tpu.vector_load %arg8[%parallel_loop3A_392] {strides = array<i32>} : memref<1024xf32, #tpu.memory_space<vmem>>, vector<16xf32>,
        %parallel_loop3A_394 = vector.shape_cast %parallel_loop3A_265 : vector<16x1xi32> to vector<16xi32>
        %parallel_loop3A_395 = tpu.dynamic_gather %parallel_loop3A_393[%parallel_loop3A_394] in [0] : vector<16xf32>, vector<16xi32> -> vector<16xf32>
        %parallel_loop3A_396 = arith.constant 4096 : i32
        %parallel_loop3A_397 = arith.addi %parallel_loop3A_311, %parallel_loop3A_396 : i32
        %parallel_loop3A_398 = arith.constant 0 : i32
        %parallel_loop3A_399 = arith.addi %parallel_loop3A_397, %parallel_loop3A_398 : i32
        %parallel_loop3A_400 = arith.index_cast %parallel_loop3A_399 : i32 to index
        %parallel_loop3A_401 = tpu.vector_load %arg9[%parallel_loop3A_400] {strides = array<i32>} : memref<65536xf32, #tpu.memory_space<vmem>>, vector<16xf32>,
        tpu.vector_store %arg9[%parallel_loop3A_400], %parallel_loop3A_395 {strides = array<i32>} : memref<65536xf32, #tpu.memory_space<vmem>>, vector<16xf32>,
        %parallel_loop3A_402 = arith.constant 144 : index
        %parallel_loop3A_403 = tpu.vector_load %arg8[%parallel_loop3A_402] {strides = array<i32>} : memref<1024xf32, #tpu.memory_space<vmem>>, vector<16xf32>,
        %parallel_loop3A_404 = vector.shape_cast %parallel_loop3A_265 : vector<16x1xi32> to vector<16xi32>
        %parallel_loop3A_405 = tpu.dynamic_gather %parallel_loop3A_403[%parallel_loop3A_404] in [0] : vector<16xf32>, vector<16xi32> -> vector<16xf32>
        %parallel_loop3A_406 = arith.constant 4096 : i32
        %parallel_loop3A_407 = arith.addi %parallel_loop3A_311, %parallel_loop3A_406 : i32
        %parallel_loop3A_408 = arith.constant 128 : i32
        %parallel_loop3A_409 = arith.addi %parallel_loop3A_407, %parallel_loop3A_408 : i32
        %parallel_loop3A_410 = arith.index_cast %parallel_loop3A_409 : i32 to index
        %parallel_loop3A_411 = tpu.vector_load %arg9[%parallel_loop3A_410] {strides = array<i32>} : memref<65536xf32, #tpu.memory_space<vmem>>, vector<16xf32>,
        tpu.vector_store %arg9[%parallel_loop3A_410], %parallel_loop3A_405 {strides = array<i32>} : memref<65536xf32, #tpu.memory_space<vmem>>, vector<16xf32>,
        %parallel_loop3A_412 = arith.constant 160 : index
        %parallel_loop3A_413 = tpu.vector_load %arg8[%parallel_loop3A_412] {strides = array<i32>} : memref<1024xf32, #tpu.memory_space<vmem>>, vector<16xf32>,
        %parallel_loop3A_414 = vector.shape_cast %parallel_loop3A_265 : vector<16x1xi32> to vector<16xi32>
        %parallel_loop3A_415 = tpu.dynamic_gather %parallel_loop3A_413[%parallel_loop3A_414] in [0] : vector<16xf32>, vector<16xi32> -> vector<16xf32>
        %parallel_loop3A_416 = arith.constant 4096 : i32
        %parallel_loop3A_417 = arith.addi %parallel_loop3A_311, %parallel_loop3A_416 : i32
        %parallel_loop3A_418 = arith.constant 256 : i32
        %parallel_loop3A_419 = arith.addi %parallel_loop3A_417, %parallel_loop3A_418 : i32
        %parallel_loop3A_420 = arith.index_cast %parallel_loop3A_419 : i32 to index
        %parallel_loop3A_421 = tpu.vector_load %arg9[%parallel_loop3A_420] {strides = array<i32>} : memref<65536xf32, #tpu.memory_space<vmem>>, vector<16xf32>,
        tpu.vector_store %arg9[%parallel_loop3A_420], %parallel_loop3A_415 {strides = array<i32>} : memref<65536xf32, #tpu.memory_space<vmem>>, vector<16xf32>,
        %parallel_loop3A_422 = arith.constant 176 : index
        %parallel_loop3A_423 = tpu.vector_load %arg8[%parallel_loop3A_422] {strides = array<i32>} : memref<1024xf32, #tpu.memory_space<vmem>>, vector<16xf32>,
        %parallel_loop3A_424 = vector.shape_cast %parallel_loop3A_265 : vector<16x1xi32> to vector<16xi32>
        %parallel_loop3A_425 = tpu.dynamic_gather %parallel_loop3A_423[%parallel_loop3A_424] in [0] : vector<16xf32>, vector<16xi32> -> vector<16xf32>
        %parallel_loop3A_426 = arith.constant 4096 : i32
        %parallel_loop3A_427 = arith.addi %parallel_loop3A_311, %parallel_loop3A_426 : i32
        %parallel_loop3A_428 = arith.constant 384 : i32
        %parallel_loop3A_429 = arith.addi %parallel_loop3A_427, %parallel_loop3A_428 : i32
        %parallel_loop3A_430 = arith.index_cast %parallel_loop3A_429 : i32 to index
        %parallel_loop3A_431 = tpu.vector_load %arg9[%parallel_loop3A_430] {strides = array<i32>} : memref<65536xf32, #tpu.memory_space<vmem>>, vector<16xf32>,
        tpu.vector_store %arg9[%parallel_loop3A_430], %parallel_loop3A_425 {strides = array<i32>} : memref<65536xf32, #tpu.memory_space<vmem>>, vector<16xf32>,
        %parallel_loop3A_432 = arith.constant 192 : index
        %parallel_loop3A_433 = tpu.vector_load %arg8[%parallel_loop3A_432] {strides = array<i32>} : memref<1024xf32, #tpu.memory_space<vmem>>, vector<16xf32>,
        %parallel_loop3A_434 = vector.shape_cast %parallel_loop3A_265 : vector<16x1xi32> to vector<16xi32>
        %parallel_loop3A_435 = tpu.dynamic_gather %parallel_loop3A_433[%parallel_loop3A_434] in [0] : vector<16xf32>, vector<16xi32> -> vector<16xf32>
        %parallel_loop3A_436 = arith.constant 4096 : i32
        %parallel_loop3A_437 = arith.addi %parallel_loop3A_311, %parallel_loop3A_436 : i32
        %parallel_loop3A_438 = arith.constant 512 : i32
        %parallel_loop3A_439 = arith.addi %parallel_loop3A_437, %parallel_loop3A_438 : i32
        %parallel_loop3A_440 = arith.index_cast %parallel_loop3A_439 : i32 to index
        %parallel_loop3A_441 = tpu.vector_load %arg9[%parallel_loop3A_440] {strides = array<i32>} : memref<65536xf32, #tpu.memory_space<vmem>>, vector<16xf32>,
        tpu.vector_store %arg9[%parallel_loop3A_440], %parallel_loop3A_435 {strides = array<i32>} : memref<65536xf32, #tpu.memory_space<vmem>>, vector<16xf32>,
        %parallel_loop3A_442 = arith.constant 208 : index
        %parallel_loop3A_443 = tpu.vector_load %arg8[%parallel_loop3A_442] {strides = array<i32>} : memref<1024xf32, #tpu.memory_space<vmem>>, vector<16xf32>,
        %parallel_loop3A_444 = vector.shape_cast %parallel_loop3A_265 : vector<16x1xi32> to vector<16xi32>
        %parallel_loop3A_445 = tpu.dynamic_gather %parallel_loop3A_443[%parallel_loop3A_444] in [0] : vector<16xf32>, vector<16xi32> -> vector<16xf32>
        %parallel_loop3A_446 = arith.constant 4096 : i32
        %parallel_loop3A_447 = arith.addi %parallel_loop3A_311, %parallel_loop3A_446 : i32
        %parallel_loop3A_448 = arith.constant 640 : i32
        %parallel_loop3A_449 = arith.addi %parallel_loop3A_447, %parallel_loop3A_448 : i32
        %parallel_loop3A_450 = arith.index_cast %parallel_loop3A_449 : i32 to index
        %parallel_loop3A_451 = tpu.vector_load %arg9[%parallel_loop3A_450] {strides = array<i32>} : memref<65536xf32, #tpu.memory_space<vmem>>, vector<16xf32>,
        tpu.vector_store %arg9[%parallel_loop3A_450], %parallel_loop3A_445 {strides = array<i32>} : memref<65536xf32, #tpu.memory_space<vmem>>, vector<16xf32>,
        %parallel_loop3A_452 = arith.constant 224 : index
        %parallel_loop3A_453 = tpu.vector_load %arg8[%parallel_loop3A_452] {strides = array<i32>} : memref<1024xf32, #tpu.memory_space<vmem>>, vector<16xf32>,
        %parallel_loop3A_454 = vector.shape_cast %parallel_loop3A_265 : vector<16x1xi32> to vector<16xi32>
        %parallel_loop3A_455 = tpu.dynamic_gather %parallel_loop3A_453[%parallel_loop3A_454] in [0] : vector<16xf32>, vector<16xi32> -> vector<16xf32>
        %parallel_loop3A_456 = arith.constant 4096 : i32
        %parallel_loop3A_457 = arith.addi %parallel_loop3A_311, %parallel_loop3A_456 : i32
        %parallel_loop3A_458 = arith.constant 768 : i32
        %parallel_loop3A_459 = arith.addi %parallel_loop3A_457, %parallel_loop3A_458 : i32
        %parallel_loop3A_460 = arith.index_cast %parallel_loop3A_459 : i32 to index
        %parallel_loop3A_461 = tpu.vector_load %arg9[%parallel_loop3A_460] {strides = array<i32>} : memref<65536xf32, #tpu.memory_space<vmem>>, vector<16xf32>,
        tpu.vector_store %arg9[%parallel_loop3A_460], %parallel_loop3A_455 {strides = array<i32>} : memref<65536xf32, #tpu.memory_space<vmem>>, vector<16xf32>,
        %parallel_loop3A_462 = arith.constant 240 : index
        %parallel_loop3A_463 = tpu.vector_load %arg8[%parallel_loop3A_462] {strides = array<i32>} : memref<1024xf32, #tpu.memory_space<vmem>>, vector<16xf32>,
        %parallel_loop3A_464 = vector.shape_cast %parallel_loop3A_265 : vector<16x1xi32> to vector<16xi32>
        %parallel_loop3A_465 = tpu.dynamic_gather %parallel_loop3A_463[%parallel_loop3A_464] in [0] : vector<16xf32>, vector<16xi32> -> vector<16xf32>
        %parallel_loop3A_466 = arith.constant 4096 : i32
        %parallel_loop3A_467 = arith.addi %parallel_loop3A_311, %parallel_loop3A_466 : i32
        %parallel_loop3A_468 = arith.constant 896 : i32
        %parallel_loop3A_469 = arith.addi %parallel_loop3A_467, %parallel_loop3A_468 : i32
        %parallel_loop3A_470 = arith.index_cast %parallel_loop3A_469 : i32 to index
        %parallel_loop3A_471 = tpu.vector_load %arg9[%parallel_loop3A_470] {strides = array<i32>} : memref<65536xf32, #tpu.memory_space<vmem>>, vector<16xf32>,
        tpu.vector_store %arg9[%parallel_loop3A_470], %parallel_loop3A_465 {strides = array<i32>} : memref<65536xf32, #tpu.memory_space<vmem>>, vector<16xf32>,
        %parallel_loop3A_472 = arith.constant 256 : index
        %parallel_loop3A_473 = tpu.vector_load %arg8[%parallel_loop3A_472] {strides = array<i32>} : memref<1024xf32, #tpu.memory_space<vmem>>, vector<16xf32>,
        %parallel_loop3A_474 = vector.shape_cast %parallel_loop3A_265 : vector<16x1xi32> to vector<16xi32>
        %parallel_loop3A_475 = tpu.dynamic_gather %parallel_loop3A_473[%parallel_loop3A_474] in [0] : vector<16xf32>, vector<16xi32> -> vector<16xf32>
        %parallel_loop3A_476 = arith.constant 8192 : i32
        %parallel_loop3A_477 = arith.addi %parallel_loop3A_311, %parallel_loop3A_476 : i32
        %parallel_loop3A_478 = arith.constant 0 : i32
        %parallel_loop3A_479 = arith.addi %parallel_loop3A_477, %parallel_loop3A_478 : i32
        %parallel_loop3A_480 = arith.index_cast %parallel_loop3A_479 : i32 to index
        %parallel_loop3A_481 = tpu.vector_load %arg9[%parallel_loop3A_480] {strides = array<i32>} : memref<65536xf32, #tpu.memory_space<vmem>>, vector<16xf32>,
        tpu.vector_store %arg9[%parallel_loop3A_480], %parallel_loop3A_475 {strides = array<i32>} : memref<65536xf32, #tpu.memory_space<vmem>>, vector<16xf32>,
        %parallel_loop3A_482 = arith.constant 272 : index
        %parallel_loop3A_483 = tpu.vector_load %arg8[%parallel_loop3A_482] {strides = array<i32>} : memref<1024xf32, #tpu.memory_space<vmem>>, vector<16xf32>,
        %parallel_loop3A_484 = vector.shape_cast %parallel_loop3A_265 : vector<16x1xi32> to vector<16xi32>
        %parallel_loop3A_485 = tpu.dynamic_gather %parallel_loop3A_483[%parallel_loop3A_484] in [0] : vector<16xf32>, vector<16xi32> -> vector<16xf32>
        %parallel_loop3A_486 = arith.constant 8192 : i32
        %parallel_loop3A_487 = arith.addi %parallel_loop3A_311, %parallel_loop3A_486 : i32
        %parallel_loop3A_488 = arith.constant 128 : i32
        %parallel_loop3A_489 = arith.addi %parallel_loop3A_487, %parallel_loop3A_488 : i32
        %parallel_loop3A_490 = arith.index_cast %parallel_loop3A_489 : i32 to index
        %parallel_loop3A_491 = tpu.vector_load %arg9[%parallel_loop3A_490] {strides = array<i32>} : memref<65536xf32, #tpu.memory_space<vmem>>, vector<16xf32>,
        tpu.vector_store %arg9[%parallel_loop3A_490], %parallel_loop3A_485 {strides = array<i32>} : memref<65536xf32, #tpu.memory_space<vmem>>, vector<16xf32>,
        %parallel_loop3A_492 = arith.constant 288 : index
        %parallel_loop3A_493 = tpu.vector_load %arg8[%parallel_loop3A_492] {strides = array<i32>} : memref<1024xf32, #tpu.memory_space<vmem>>, vector<16xf32>,
        %parallel_loop3A_494 = vector.shape_cast %parallel_loop3A_265 : vector<16x1xi32> to vector<16xi32>
        %parallel_loop3A_495 = tpu.dynamic_gather %parallel_loop3A_493[%parallel_loop3A_494] in [0] : vector<16xf32>, vector<16xi32> -> vector<16xf32>
        %parallel_loop3A_496 = arith.constant 8192 : i32
        %parallel_loop3A_497 = arith.addi %parallel_loop3A_311, %parallel_loop3A_496 : i32
        %parallel_loop3A_498 = arith.constant 256 : i32
        %parallel_loop3A_499 = arith.addi %parallel_loop3A_497, %parallel_loop3A_498 : i32
        %parallel_loop3A_500 = arith.index_cast %parallel_loop3A_499 : i32 to index
        %parallel_loop3A_501 = tpu.vector_load %arg9[%parallel_loop3A_500] {strides = array<i32>} : memref<65536xf32, #tpu.memory_space<vmem>>, vector<16xf32>,
        tpu.vector_store %arg9[%parallel_loop3A_500], %parallel_loop3A_495 {strides = array<i32>} : memref<65536xf32, #tpu.memory_space<vmem>>, vector<16xf32>,
        %parallel_loop3A_502 = arith.constant 304 : index
        %parallel_loop3A_503 = tpu.vector_load %arg8[%parallel_loop3A_502] {strides = array<i32>} : memref<1024xf32, #tpu.memory_space<vmem>>, vector<16xf32>,
        %parallel_loop3A_504 = vector.shape_cast %parallel_loop3A_265 : vector<16x1xi32> to vector<16xi32>
        %parallel_loop3A_505 = tpu.dynamic_gather %parallel_loop3A_503[%parallel_loop3A_504] in [0] : vector<16xf32>, vector<16xi32> -> vector<16xf32>
        %parallel_loop3A_506 = arith.constant 8192 : i32
        %parallel_loop3A_507 = arith.addi %parallel_loop3A_311, %parallel_loop3A_506 : i32
        %parallel_loop3A_508 = arith.constant 384 : i32
        %parallel_loop3A_509 = arith.addi %parallel_loop3A_507, %parallel_loop3A_508 : i32
        %parallel_loop3A_510 = arith.index_cast %parallel_loop3A_509 : i32 to index
        %parallel_loop3A_511 = tpu.vector_load %arg9[%parallel_loop3A_510] {strides = array<i32>} : memref<65536xf32, #tpu.memory_space<vmem>>, vector<16xf32>,
        tpu.vector_store %arg9[%parallel_loop3A_510], %parallel_loop3A_505 {strides = array<i32>} : memref<65536xf32, #tpu.memory_space<vmem>>, vector<16xf32>,
        %parallel_loop3A_512 = arith.constant 320 : index
        %parallel_loop3A_513 = tpu.vector_load %arg8[%parallel_loop3A_512] {strides = array<i32>} : memref<1024xf32, #tpu.memory_space<vmem>>, vector<16xf32>,
        %parallel_loop3A_514 = vector.shape_cast %parallel_loop3A_265 : vector<16x1xi32> to vector<16xi32>
        %parallel_loop3A_515 = tpu.dynamic_gather %parallel_loop3A_513[%parallel_loop3A_514] in [0] : vector<16xf32>, vector<16xi32> -> vector<16xf32>
        %parallel_loop3A_516 = arith.constant 8192 : i32
        %parallel_loop3A_517 = arith.addi %parallel_loop3A_311, %parallel_loop3A_516 : i32
        %parallel_loop3A_518 = arith.constant 512 : i32
        %parallel_loop3A_519 = arith.addi %parallel_loop3A_517, %parallel_loop3A_518 : i32
        %parallel_loop3A_520 = arith.index_cast %parallel_loop3A_519 : i32 to index
        %parallel_loop3A_521 = tpu.vector_load %arg9[%parallel_loop3A_520] {strides = array<i32>} : memref<65536xf32, #tpu.memory_space<vmem>>, vector<16xf32>,
        tpu.vector_store %arg9[%parallel_loop3A_520], %parallel_loop3A_515 {strides = array<i32>} : memref<65536xf32, #tpu.memory_space<vmem>>, vector<16xf32>,
        %parallel_loop3A_522 = arith.constant 336 : index
        %parallel_loop3A_523 = tpu.vector_load %arg8[%parallel_loop3A_522] {strides = array<i32>} : memref<1024xf32, #tpu.memory_space<vmem>>, vector<16xf32>,
        %parallel_loop3A_524 = vector.shape_cast %parallel_loop3A_265 : vector<16x1xi32> to vector<16xi32>
        %parallel_loop3A_525 = tpu.dynamic_gather %parallel_loop3A_523[%parallel_loop3A_524] in [0] : vector<16xf32>, vector<16xi32> -> vector<16xf32>
        %parallel_loop3A_526 = arith.constant 8192 : i32
        %parallel_loop3A_527 = arith.addi %parallel_loop3A_311, %parallel_loop3A_526 : i32
        %parallel_loop3A_528 = arith.constant 640 : i32
        %parallel_loop3A_529 = arith.addi %parallel_loop3A_527, %parallel_loop3A_528 : i32
        %parallel_loop3A_530 = arith.index_cast %parallel_loop3A_529 : i32 to index
        %parallel_loop3A_531 = tpu.vector_load %arg9[%parallel_loop3A_530] {strides = array<i32>} : memref<65536xf32, #tpu.memory_space<vmem>>, vector<16xf32>,
        tpu.vector_store %arg9[%parallel_loop3A_530], %parallel_loop3A_525 {strides = array<i32>} : memref<65536xf32, #tpu.memory_space<vmem>>, vector<16xf32>,
        %parallel_loop3A_532 = arith.constant 352 : index
        %parallel_loop3A_533 = tpu.vector_load %arg8[%parallel_loop3A_532] {strides = array<i32>} : memref<1024xf32, #tpu.memory_space<vmem>>, vector<16xf32>,
        %parallel_loop3A_534 = vector.shape_cast %parallel_loop3A_265 : vector<16x1xi32> to vector<16xi32>
        %parallel_loop3A_535 = tpu.dynamic_gather %parallel_loop3A_533[%parallel_loop3A_534] in [0] : vector<16xf32>, vector<16xi32> -> vector<16xf32>
        %parallel_loop3A_536 = arith.constant 8192 : i32
        %parallel_loop3A_537 = arith.addi %parallel_loop3A_311, %parallel_loop3A_536 : i32
        %parallel_loop3A_538 = arith.constant 768 : i32
        %parallel_loop3A_539 = arith.addi %parallel_loop3A_537, %parallel_loop3A_538 : i32
        %parallel_loop3A_540 = arith.index_cast %parallel_loop3A_539 : i32 to index
        %parallel_loop3A_541 = tpu.vector_load %arg9[%parallel_loop3A_540] {strides = array<i32>} : memref<65536xf32, #tpu.memory_space<vmem>>, vector<16xf32>,
        tpu.vector_store %arg9[%parallel_loop3A_540], %parallel_loop3A_535 {strides = array<i32>} : memref<65536xf32, #tpu.memory_space<vmem>>, vector<16xf32>,
        %parallel_loop3A_542 = arith.constant 368 : index
        %parallel_loop3A_543 = tpu.vector_load %arg8[%parallel_loop3A_542] {strides = array<i32>} : memref<1024xf32, #tpu.memory_space<vmem>>, vector<16xf32>,
        %parallel_loop3A_544 = vector.shape_cast %parallel_loop3A_265 : vector<16x1xi32> to vector<16xi32>
        %parallel_loop3A_545 = tpu.dynamic_gather %parallel_loop3A_543[%parallel_loop3A_544] in [0] : vector<16xf32>, vector<16xi32> -> vector<16xf32>
        %parallel_loop3A_546 = arith.constant 8192 : i32
        %parallel_loop3A_547 = arith.addi %parallel_loop3A_311, %parallel_loop3A_546 : i32
        %parallel_loop3A_548 = arith.constant 896 : i32
        %parallel_loop3A_549 = arith.addi %parallel_loop3A_547, %parallel_loop3A_548 : i32
        %parallel_loop3A_550 = arith.index_cast %parallel_loop3A_549 : i32 to index
        %parallel_loop3A_551 = tpu.vector_load %arg9[%parallel_loop3A_550] {strides = array<i32>} : memref<65536xf32, #tpu.memory_space<vmem>>, vector<16xf32>,
        tpu.vector_store %arg9[%parallel_loop3A_550], %parallel_loop3A_545 {strides = array<i32>} : memref<65536xf32, #tpu.memory_space<vmem>>, vector<16xf32>,
        %parallel_loop3A_552 = arith.constant 384 : index
        %parallel_loop3A_553 = tpu.vector_load %arg8[%parallel_loop3A_552] {strides = array<i32>} : memref<1024xf32, #tpu.memory_space<vmem>>, vector<16xf32>,
        %parallel_loop3A_554 = vector.shape_cast %parallel_loop3A_265 : vector<16x1xi32> to vector<16xi32>
        %parallel_loop3A_555 = tpu.dynamic_gather %parallel_loop3A_553[%parallel_loop3A_554] in [0] : vector<16xf32>, vector<16xi32> -> vector<16xf32>
        %parallel_loop3A_556 = arith.constant 12288 : i32
        %parallel_loop3A_557 = arith.addi %parallel_loop3A_311, %parallel_loop3A_556 : i32
        %parallel_loop3A_558 = arith.constant 0 : i32
        %parallel_loop3A_559 = arith.addi %parallel_loop3A_557, %parallel_loop3A_558 : i32
        %parallel_loop3A_560 = arith.index_cast %parallel_loop3A_559 : i32 to index
        %parallel_loop3A_561 = tpu.vector_load %arg9[%parallel_loop3A_560] {strides = array<i32>} : memref<65536xf32, #tpu.memory_space<vmem>>, vector<16xf32>,
        tpu.vector_store %arg9[%parallel_loop3A_560], %parallel_loop3A_555 {strides = array<i32>} : memref<65536xf32, #tpu.memory_space<vmem>>, vector<16xf32>,
        %parallel_loop3A_562 = arith.constant 400 : index
        %parallel_loop3A_563 = tpu.vector_load %arg8[%parallel_loop3A_562] {strides = array<i32>} : memref<1024xf32, #tpu.memory_space<vmem>>, vector<16xf32>,
        %parallel_loop3A_564 = vector.shape_cast %parallel_loop3A_265 : vector<16x1xi32> to vector<16xi32>
        %parallel_loop3A_565 = tpu.dynamic_gather %parallel_loop3A_563[%parallel_loop3A_564] in [0] : vector<16xf32>, vector<16xi32> -> vector<16xf32>
        %parallel_loop3A_566 = arith.constant 12288 : i32
        %parallel_loop3A_567 = arith.addi %parallel_loop3A_311, %parallel_loop3A_566 : i32
        %parallel_loop3A_568 = arith.constant 128 : i32
        %parallel_loop3A_569 = arith.addi %parallel_loop3A_567, %parallel_loop3A_568 : i32
        %parallel_loop3A_570 = arith.index_cast %parallel_loop3A_569 : i32 to index
        %parallel_loop3A_571 = tpu.vector_load %arg9[%parallel_loop3A_570] {strides = array<i32>} : memref<65536xf32, #tpu.memory_space<vmem>>, vector<16xf32>,
        tpu.vector_store %arg9[%parallel_loop3A_570], %parallel_loop3A_565 {strides = array<i32>} : memref<65536xf32, #tpu.memory_space<vmem>>, vector<16xf32>,
        %parallel_loop3A_572 = arith.constant 416 : index
        %parallel_loop3A_573 = tpu.vector_load %arg8[%parallel_loop3A_572] {strides = array<i32>} : memref<1024xf32, #tpu.memory_space<vmem>>, vector<16xf32>,
        %parallel_loop3A_574 = vector.shape_cast %parallel_loop3A_265 : vector<16x1xi32> to vector<16xi32>
        %parallel_loop3A_575 = tpu.dynamic_gather %parallel_loop3A_573[%parallel_loop3A_574] in [0] : vector<16xf32>, vector<16xi32> -> vector<16xf32>
        %parallel_loop3A_576 = arith.constant 12288 : i32
        %parallel_loop3A_577 = arith.addi %parallel_loop3A_311, %parallel_loop3A_576 : i32
        %parallel_loop3A_578 = arith.constant 256 : i32
        %parallel_loop3A_579 = arith.addi %parallel_loop3A_577, %parallel_loop3A_578 : i32
        %parallel_loop3A_580 = arith.index_cast %parallel_loop3A_579 : i32 to index
        %parallel_loop3A_581 = tpu.vector_load %arg9[%parallel_loop3A_580] {strides = array<i32>} : memref<65536xf32, #tpu.memory_space<vmem>>, vector<16xf32>,
        tpu.vector_store %arg9[%parallel_loop3A_580], %parallel_loop3A_575 {strides = array<i32>} : memref<65536xf32, #tpu.memory_space<vmem>>, vector<16xf32>,
        %parallel_loop3A_582 = arith.constant 432 : index
        %parallel_loop3A_583 = tpu.vector_load %arg8[%parallel_loop3A_582] {strides = array<i32>} : memref<1024xf32, #tpu.memory_space<vmem>>, vector<16xf32>,
        %parallel_loop3A_584 = vector.shape_cast %parallel_loop3A_265 : vector<16x1xi32> to vector<16xi32>
        %parallel_loop3A_585 = tpu.dynamic_gather %parallel_loop3A_583[%parallel_loop3A_584] in [0] : vector<16xf32>, vector<16xi32> -> vector<16xf32>
        %parallel_loop3A_586 = arith.constant 12288 : i32
        %parallel_loop3A_587 = arith.addi %parallel_loop3A_311, %parallel_loop3A_586 : i32
        %parallel_loop3A_588 = arith.constant 384 : i32
        %parallel_loop3A_589 = arith.addi %parallel_loop3A_587, %parallel_loop3A_588 : i32
        %parallel_loop3A_590 = arith.index_cast %parallel_loop3A_589 : i32 to index
        %parallel_loop3A_591 = tpu.vector_load %arg9[%parallel_loop3A_590] {strides = array<i32>} : memref<65536xf32, #tpu.memory_space<vmem>>, vector<16xf32>,
        tpu.vector_store %arg9[%parallel_loop3A_590], %parallel_loop3A_585 {strides = array<i32>} : memref<65536xf32, #tpu.memory_space<vmem>>, vector<16xf32>,
        %parallel_loop3A_592 = arith.constant 448 : index
        %parallel_loop3A_593 = tpu.vector_load %arg8[%parallel_loop3A_592] {strides = array<i32>} : memref<1024xf32, #tpu.memory_space<vmem>>, vector<16xf32>,
        %parallel_loop3A_594 = vector.shape_cast %parallel_loop3A_265 : vector<16x1xi32> to vector<16xi32>
        %parallel_loop3A_595 = tpu.dynamic_gather %parallel_loop3A_593[%parallel_loop3A_594] in [0] : vector<16xf32>, vector<16xi32> -> vector<16xf32>
        %parallel_loop3A_596 = arith.constant 12288 : i32
        %parallel_loop3A_597 = arith.addi %parallel_loop3A_311, %parallel_loop3A_596 : i32
        %parallel_loop3A_598 = arith.constant 512 : i32
        %parallel_loop3A_599 = arith.addi %parallel_loop3A_597, %parallel_loop3A_598 : i32
        %parallel_loop3A_600 = arith.index_cast %parallel_loop3A_599 : i32 to index
        %parallel_loop3A_601 = tpu.vector_load %arg9[%parallel_loop3A_600] {strides = array<i32>} : memref<65536xf32, #tpu.memory_space<vmem>>, vector<16xf32>,
        tpu.vector_store %arg9[%parallel_loop3A_600], %parallel_loop3A_595 {strides = array<i32>} : memref<65536xf32, #tpu.memory_space<vmem>>, vector<16xf32>,
        %parallel_loop3A_602 = arith.constant 464 : index
        %parallel_loop3A_603 = tpu.vector_load %arg8[%parallel_loop3A_602] {strides = array<i32>} : memref<1024xf32, #tpu.memory_space<vmem>>, vector<16xf32>,
        %parallel_loop3A_604 = vector.shape_cast %parallel_loop3A_265 : vector<16x1xi32> to vector<16xi32>
        %parallel_loop3A_605 = tpu.dynamic_gather %parallel_loop3A_603[%parallel_loop3A_604] in [0] : vector<16xf32>, vector<16xi32> -> vector<16xf32>
        %parallel_loop3A_606 = arith.constant 12288 : i32
        %parallel_loop3A_607 = arith.addi %parallel_loop3A_311, %parallel_loop3A_606 : i32
        %parallel_loop3A_608 = arith.constant 640 : i32
        %parallel_loop3A_609 = arith.addi %parallel_loop3A_607, %parallel_loop3A_608 : i32
        %parallel_loop3A_610 = arith.index_cast %parallel_loop3A_609 : i32 to index
        %parallel_loop3A_611 = tpu.vector_load %arg9[%parallel_loop3A_610] {strides = array<i32>} : memref<65536xf32, #tpu.memory_space<vmem>>, vector<16xf32>,
        tpu.vector_store %arg9[%parallel_loop3A_610], %parallel_loop3A_605 {strides = array<i32>} : memref<65536xf32, #tpu.memory_space<vmem>>, vector<16xf32>,
        %parallel_loop3A_612 = arith.constant 480 : index
        %parallel_loop3A_613 = tpu.vector_load %arg8[%parallel_loop3A_612] {strides = array<i32>} : memref<1024xf32, #tpu.memory_space<vmem>>, vector<16xf32>,
        %parallel_loop3A_614 = vector.shape_cast %parallel_loop3A_265 : vector<16x1xi32> to vector<16xi32>
        %parallel_loop3A_615 = tpu.dynamic_gather %parallel_loop3A_613[%parallel_loop3A_614] in [0] : vector<16xf32>, vector<16xi32> -> vector<16xf32>
        %parallel_loop3A_616 = arith.constant 12288 : i32
        %parallel_loop3A_617 = arith.addi %parallel_loop3A_311, %parallel_loop3A_616 : i32
        %parallel_loop3A_618 = arith.constant 768 : i32
        %parallel_loop3A_619 = arith.addi %parallel_loop3A_617, %parallel_loop3A_618 : i32
        %parallel_loop3A_620 = arith.index_cast %parallel_loop3A_619 : i32 to index
        %parallel_loop3A_621 = tpu.vector_load %arg9[%parallel_loop3A_620] {strides = array<i32>} : memref<65536xf32, #tpu.memory_space<vmem>>, vector<16xf32>,
        tpu.vector_store %arg9[%parallel_loop3A_620], %parallel_loop3A_615 {strides = array<i32>} : memref<65536xf32, #tpu.memory_space<vmem>>, vector<16xf32>,
        %parallel_loop3A_622 = arith.constant 496 : index
        %parallel_loop3A_623 = tpu.vector_load %arg8[%parallel_loop3A_622] {strides = array<i32>} : memref<1024xf32, #tpu.memory_space<vmem>>, vector<16xf32>,
        %parallel_loop3A_624 = vector.shape_cast %parallel_loop3A_265 : vector<16x1xi32> to vector<16xi32>
        %parallel_loop3A_625 = tpu.dynamic_gather %parallel_loop3A_623[%parallel_loop3A_624] in [0] : vector<16xf32>, vector<16xi32> -> vector<16xf32>
        %parallel_loop3A_626 = arith.constant 12288 : i32
        %parallel_loop3A_627 = arith.addi %parallel_loop3A_311, %parallel_loop3A_626 : i32
        %parallel_loop3A_628 = arith.constant 896 : i32
        %parallel_loop3A_629 = arith.addi %parallel_loop3A_627, %parallel_loop3A_628 : i32
        %parallel_loop3A_630 = arith.index_cast %parallel_loop3A_629 : i32 to index
        %parallel_loop3A_631 = tpu.vector_load %arg9[%parallel_loop3A_630] {strides = array<i32>} : memref<65536xf32, #tpu.memory_space<vmem>>, vector<16xf32>,
        tpu.vector_store %arg9[%parallel_loop3A_630], %parallel_loop3A_625 {strides = array<i32>} : memref<65536xf32, #tpu.memory_space<vmem>>, vector<16xf32>,
        %parallel_loop3A_632 = arith.constant 512 : index
        %parallel_loop3A_633 = tpu.vector_load %arg8[%parallel_loop3A_632] {strides = array<i32>} : memref<1024xf32, #tpu.memory_space<vmem>>, vector<16xf32>,
        %parallel_loop3A_634 = vector.shape_cast %parallel_loop3A_265 : vector<16x1xi32> to vector<16xi32>
        %parallel_loop3A_635 = tpu.dynamic_gather %parallel_loop3A_633[%parallel_loop3A_634] in [0] : vector<16xf32>, vector<16xi32> -> vector<16xf32>
        %parallel_loop3A_636 = arith.constant 16384 : i32
        %parallel_loop3A_637 = arith.addi %parallel_loop3A_311, %parallel_loop3A_636 : i32
        %parallel_loop3A_638 = arith.constant 0 : i32
        %parallel_loop3A_639 = arith.addi %parallel_loop3A_637, %parallel_loop3A_638 : i32
        %parallel_loop3A_640 = arith.index_cast %parallel_loop3A_639 : i32 to index
        %parallel_loop3A_641 = tpu.vector_load %arg9[%parallel_loop3A_640] {strides = array<i32>} : memref<65536xf32, #tpu.memory_space<vmem>>, vector<16xf32>,
        tpu.vector_store %arg9[%parallel_loop3A_640], %parallel_loop3A_635 {strides = array<i32>} : memref<65536xf32, #tpu.memory_space<vmem>>, vector<16xf32>,
        %parallel_loop3A_642 = arith.constant 528 : index
        %parallel_loop3A_643 = tpu.vector_load %arg8[%parallel_loop3A_642] {strides = array<i32>} : memref<1024xf32, #tpu.memory_space<vmem>>, vector<16xf32>,
        %parallel_loop3A_644 = vector.shape_cast %parallel_loop3A_265 : vector<16x1xi32> to vector<16xi32>
        %parallel_loop3A_645 = tpu.dynamic_gather %parallel_loop3A_643[%parallel_loop3A_644] in [0] : vector<16xf32>, vector<16xi32> -> vector<16xf32>
        %parallel_loop3A_646 = arith.constant 16384 : i32
        %parallel_loop3A_647 = arith.addi %parallel_loop3A_311, %parallel_loop3A_646 : i32
        %parallel_loop3A_648 = arith.constant 128 : i32
        %parallel_loop3A_649 = arith.addi %parallel_loop3A_647, %parallel_loop3A_648 : i32
        %parallel_loop3A_650 = arith.index_cast %parallel_loop3A_649 : i32 to index
        %parallel_loop3A_651 = tpu.vector_load %arg9[%parallel_loop3A_650] {strides = array<i32>} : memref<65536xf32, #tpu.memory_space<vmem>>, vector<16xf32>,
        tpu.vector_store %arg9[%parallel_loop3A_650], %parallel_loop3A_645 {strides = array<i32>} : memref<65536xf32, #tpu.memory_space<vmem>>, vector<16xf32>,
        %parallel_loop3A_652 = arith.constant 544 : index
        %parallel_loop3A_653 = tpu.vector_load %arg8[%parallel_loop3A_652] {strides = array<i32>} : memref<1024xf32, #tpu.memory_space<vmem>>, vector<16xf32>,
        %parallel_loop3A_654 = vector.shape_cast %parallel_loop3A_265 : vector<16x1xi32> to vector<16xi32>
        %parallel_loop3A_655 = tpu.dynamic_gather %parallel_loop3A_653[%parallel_loop3A_654] in [0] : vector<16xf32>, vector<16xi32> -> vector<16xf32>
        %parallel_loop3A_656 = arith.constant 16384 : i32
        %parallel_loop3A_657 = arith.addi %parallel_loop3A_311, %parallel_loop3A_656 : i32
        %parallel_loop3A_658 = arith.constant 256 : i32
        %parallel_loop3A_659 = arith.addi %parallel_loop3A_657, %parallel_loop3A_658 : i32
        %parallel_loop3A_660 = arith.index_cast %parallel_loop3A_659 : i32 to index
        %parallel_loop3A_661 = tpu.vector_load %arg9[%parallel_loop3A_660] {strides = array<i32>} : memref<65536xf32, #tpu.memory_space<vmem>>, vector<16xf32>,
        tpu.vector_store %arg9[%parallel_loop3A_660], %parallel_loop3A_655 {strides = array<i32>} : memref<65536xf32, #tpu.memory_space<vmem>>, vector<16xf32>,
        %parallel_loop3A_662 = arith.constant 560 : index
        %parallel_loop3A_663 = tpu.vector_load %arg8[%parallel_loop3A_662] {strides = array<i32>} : memref<1024xf32, #tpu.memory_space<vmem>>, vector<16xf32>,
        %parallel_loop3A_664 = vector.shape_cast %parallel_loop3A_265 : vector<16x1xi32> to vector<16xi32>
        %parallel_loop3A_665 = tpu.dynamic_gather %parallel_loop3A_663[%parallel_loop3A_664] in [0] : vector<16xf32>, vector<16xi32> -> vector<16xf32>
        %parallel_loop3A_666 = arith.constant 16384 : i32
        %parallel_loop3A_667 = arith.addi %parallel_loop3A_311, %parallel_loop3A_666 : i32
        %parallel_loop3A_668 = arith.constant 384 : i32
        %parallel_loop3A_669 = arith.addi %parallel_loop3A_667, %parallel_loop3A_668 : i32
        %parallel_loop3A_670 = arith.index_cast %parallel_loop3A_669 : i32 to index
        %parallel_loop3A_671 = tpu.vector_load %arg9[%parallel_loop3A_670] {strides = array<i32>} : memref<65536xf32, #tpu.memory_space<vmem>>, vector<16xf32>,
        tpu.vector_store %arg9[%parallel_loop3A_670], %parallel_loop3A_665 {strides = array<i32>} : memref<65536xf32, #tpu.memory_space<vmem>>, vector<16xf32>,
        %parallel_loop3A_672 = arith.constant 576 : index
        %parallel_loop3A_673 = tpu.vector_load %arg8[%parallel_loop3A_672] {strides = array<i32>} : memref<1024xf32, #tpu.memory_space<vmem>>, vector<16xf32>,
        %parallel_loop3A_674 = vector.shape_cast %parallel_loop3A_265 : vector<16x1xi32> to vector<16xi32>
        %parallel_loop3A_675 = tpu.dynamic_gather %parallel_loop3A_673[%parallel_loop3A_674] in [0] : vector<16xf32>, vector<16xi32> -> vector<16xf32>
        %parallel_loop3A_676 = arith.constant 16384 : i32
        %parallel_loop3A_677 = arith.addi %parallel_loop3A_311, %parallel_loop3A_676 : i32
        %parallel_loop3A_678 = arith.constant 512 : i32
        %parallel_loop3A_679 = arith.addi %parallel_loop3A_677, %parallel_loop3A_678 : i32
        %parallel_loop3A_680 = arith.index_cast %parallel_loop3A_679 : i32 to index
        %parallel_loop3A_681 = tpu.vector_load %arg9[%parallel_loop3A_680] {strides = array<i32>} : memref<65536xf32, #tpu.memory_space<vmem>>, vector<16xf32>,
        tpu.vector_store %arg9[%parallel_loop3A_680], %parallel_loop3A_675 {strides = array<i32>} : memref<65536xf32, #tpu.memory_space<vmem>>, vector<16xf32>,
        %parallel_loop3A_682 = arith.constant 592 : index
        %parallel_loop3A_683 = tpu.vector_load %arg8[%parallel_loop3A_682] {strides = array<i32>} : memref<1024xf32, #tpu.memory_space<vmem>>, vector<16xf32>,
        %parallel_loop3A_684 = vector.shape_cast %parallel_loop3A_265 : vector<16x1xi32> to vector<16xi32>
        %parallel_loop3A_685 = tpu.dynamic_gather %parallel_loop3A_683[%parallel_loop3A_684] in [0] : vector<16xf32>, vector<16xi32> -> vector<16xf32>
        %parallel_loop3A_686 = arith.constant 16384 : i32
        %parallel_loop3A_687 = arith.addi %parallel_loop3A_311, %parallel_loop3A_686 : i32
        %parallel_loop3A_688 = arith.constant 640 : i32
        %parallel_loop3A_689 = arith.addi %parallel_loop3A_687, %parallel_loop3A_688 : i32
        %parallel_loop3A_690 = arith.index_cast %parallel_loop3A_689 : i32 to index
        %parallel_loop3A_691 = tpu.vector_load %arg9[%parallel_loop3A_690] {strides = array<i32>} : memref<65536xf32, #tpu.memory_space<vmem>>, vector<16xf32>,
        tpu.vector_store %arg9[%parallel_loop3A_690], %parallel_loop3A_685 {strides = array<i32>} : memref<65536xf32, #tpu.memory_space<vmem>>, vector<16xf32>,
        %parallel_loop3A_692 = arith.constant 608 : index
        %parallel_loop3A_693 = tpu.vector_load %arg8[%parallel_loop3A_692] {strides = array<i32>} : memref<1024xf32, #tpu.memory_space<vmem>>, vector<16xf32>,
        %parallel_loop3A_694 = vector.shape_cast %parallel_loop3A_265 : vector<16x1xi32> to vector<16xi32>
        %parallel_loop3A_695 = tpu.dynamic_gather %parallel_loop3A_693[%parallel_loop3A_694] in [0] : vector<16xf32>, vector<16xi32> -> vector<16xf32>
        %parallel_loop3A_696 = arith.constant 16384 : i32
        %parallel_loop3A_697 = arith.addi %parallel_loop3A_311, %parallel_loop3A_696 : i32
        %parallel_loop3A_698 = arith.constant 768 : i32
        %parallel_loop3A_699 = arith.addi %parallel_loop3A_697, %parallel_loop3A_698 : i32
        %parallel_loop3A_700 = arith.index_cast %parallel_loop3A_699 : i32 to index
        %parallel_loop3A_701 = tpu.vector_load %arg9[%parallel_loop3A_700] {strides = array<i32>} : memref<65536xf32, #tpu.memory_space<vmem>>, vector<16xf32>,
        tpu.vector_store %arg9[%parallel_loop3A_700], %parallel_loop3A_695 {strides = array<i32>} : memref<65536xf32, #tpu.memory_space<vmem>>, vector<16xf32>,
        %parallel_loop3A_702 = arith.constant 624 : index
        %parallel_loop3A_703 = tpu.vector_load %arg8[%parallel_loop3A_702] {strides = array<i32>} : memref<1024xf32, #tpu.memory_space<vmem>>, vector<16xf32>,
        %parallel_loop3A_704 = vector.shape_cast %parallel_loop3A_265 : vector<16x1xi32> to vector<16xi32>
        %parallel_loop3A_705 = tpu.dynamic_gather %parallel_loop3A_703[%parallel_loop3A_704] in [0] : vector<16xf32>, vector<16xi32> -> vector<16xf32>
        %parallel_loop3A_706 = arith.constant 16384 : i32
        %parallel_loop3A_707 = arith.addi %parallel_loop3A_311, %parallel_loop3A_706 : i32
        %parallel_loop3A_708 = arith.constant 896 : i32
        %parallel_loop3A_709 = arith.addi %parallel_loop3A_707, %parallel_loop3A_708 : i32
        %parallel_loop3A_710 = arith.index_cast %parallel_loop3A_709 : i32 to index
        %parallel_loop3A_711 = tpu.vector_load %arg9[%parallel_loop3A_710] {strides = array<i32>} : memref<65536xf32, #tpu.memory_space<vmem>>, vector<16xf32>,
        tpu.vector_store %arg9[%parallel_loop3A_710], %parallel_loop3A_705 {strides = array<i32>} : memref<65536xf32, #tpu.memory_space<vmem>>, vector<16xf32>,
        %parallel_loop3A_712 = arith.constant 640 : index
        %parallel_loop3A_713 = tpu.vector_load %arg8[%parallel_loop3A_712] {strides = array<i32>} : memref<1024xf32, #tpu.memory_space<vmem>>, vector<16xf32>,
        %parallel_loop3A_714 = vector.shape_cast %parallel_loop3A_265 : vector<16x1xi32> to vector<16xi32>
        %parallel_loop3A_715 = tpu.dynamic_gather %parallel_loop3A_713[%parallel_loop3A_714] in [0] : vector<16xf32>, vector<16xi32> -> vector<16xf32>
        %parallel_loop3A_716 = arith.constant 20480 : i32
        %parallel_loop3A_717 = arith.addi %parallel_loop3A_311, %parallel_loop3A_716 : i32
        %parallel_loop3A_718 = arith.constant 0 : i32
        %parallel_loop3A_719 = arith.addi %parallel_loop3A_717, %parallel_loop3A_718 : i32
        %parallel_loop3A_720 = arith.index_cast %parallel_loop3A_719 : i32 to index
        %parallel_loop3A_721 = tpu.vector_load %arg9[%parallel_loop3A_720] {strides = array<i32>} : memref<65536xf32, #tpu.memory_space<vmem>>, vector<16xf32>,
        tpu.vector_store %arg9[%parallel_loop3A_720], %parallel_loop3A_715 {strides = array<i32>} : memref<65536xf32, #tpu.memory_space<vmem>>, vector<16xf32>,
        %parallel_loop3A_722 = arith.constant 656 : index
        %parallel_loop3A_723 = tpu.vector_load %arg8[%parallel_loop3A_722] {strides = array<i32>} : memref<1024xf32, #tpu.memory_space<vmem>>, vector<16xf32>,
        %parallel_loop3A_724 = vector.shape_cast %parallel_loop3A_265 : vector<16x1xi32> to vector<16xi32>
        %parallel_loop3A_725 = tpu.dynamic_gather %parallel_loop3A_723[%parallel_loop3A_724] in [0] : vector<16xf32>, vector<16xi32> -> vector<16xf32>
        %parallel_loop3A_726 = arith.constant 20480 : i32
        %parallel_loop3A_727 = arith.addi %parallel_loop3A_311, %parallel_loop3A_726 : i32
        %parallel_loop3A_728 = arith.constant 128 : i32
        %parallel_loop3A_729 = arith.addi %parallel_loop3A_727, %parallel_loop3A_728 : i32
        %parallel_loop3A_730 = arith.index_cast %parallel_loop3A_729 : i32 to index
        %parallel_loop3A_731 = tpu.vector_load %arg9[%parallel_loop3A_730] {strides = array<i32>} : memref<65536xf32, #tpu.memory_space<vmem>>, vector<16xf32>,
        tpu.vector_store %arg9[%parallel_loop3A_730], %parallel_loop3A_725 {strides = array<i32>} : memref<65536xf32, #tpu.memory_space<vmem>>, vector<16xf32>,
        %parallel_loop3A_732 = arith.constant 672 : index
        %parallel_loop3A_733 = tpu.vector_load %arg8[%parallel_loop3A_732] {strides = array<i32>} : memref<1024xf32, #tpu.memory_space<vmem>>, vector<16xf32>,
        %parallel_loop3A_734 = vector.shape_cast %parallel_loop3A_265 : vector<16x1xi32> to vector<16xi32>
        %parallel_loop3A_735 = tpu.dynamic_gather %parallel_loop3A_733[%parallel_loop3A_734] in [0] : vector<16xf32>, vector<16xi32> -> vector<16xf32>
        %parallel_loop3A_736 = arith.constant 20480 : i32
        %parallel_loop3A_737 = arith.addi %parallel_loop3A_311, %parallel_loop3A_736 : i32
        %parallel_loop3A_738 = arith.constant 256 : i32
        %parallel_loop3A_739 = arith.addi %parallel_loop3A_737, %parallel_loop3A_738 : i32
        %parallel_loop3A_740 = arith.index_cast %parallel_loop3A_739 : i32 to index
        %parallel_loop3A_741 = tpu.vector_load %arg9[%parallel_loop3A_740] {strides = array<i32>} : memref<65536xf32, #tpu.memory_space<vmem>>, vector<16xf32>,
        tpu.vector_store %arg9[%parallel_loop3A_740], %parallel_loop3A_735 {strides = array<i32>} : memref<65536xf32, #tpu.memory_space<vmem>>, vector<16xf32>,
        %parallel_loop3A_742 = arith.constant 688 : index
        %parallel_loop3A_743 = tpu.vector_load %arg8[%parallel_loop3A_742] {strides = array<i32>} : memref<1024xf32, #tpu.memory_space<vmem>>, vector<16xf32>,
        %parallel_loop3A_744 = vector.shape_cast %parallel_loop3A_265 : vector<16x1xi32> to vector<16xi32>
        %parallel_loop3A_745 = tpu.dynamic_gather %parallel_loop3A_743[%parallel_loop3A_744] in [0] : vector<16xf32>, vector<16xi32> -> vector<16xf32>
        %parallel_loop3A_746 = arith.constant 20480 : i32
        %parallel_loop3A_747 = arith.addi %parallel_loop3A_311, %parallel_loop3A_746 : i32
        %parallel_loop3A_748 = arith.constant 384 : i32
        %parallel_loop3A_749 = arith.addi %parallel_loop3A_747, %parallel_loop3A_748 : i32
        %parallel_loop3A_750 = arith.index_cast %parallel_loop3A_749 : i32 to index
        %parallel_loop3A_751 = tpu.vector_load %arg9[%parallel_loop3A_750] {strides = array<i32>} : memref<65536xf32, #tpu.memory_space<vmem>>, vector<16xf32>,
        tpu.vector_store %arg9[%parallel_loop3A_750], %parallel_loop3A_745 {strides = array<i32>} : memref<65536xf32, #tpu.memory_space<vmem>>, vector<16xf32>,
        %parallel_loop3A_752 = arith.constant 704 : index
        %parallel_loop3A_753 = tpu.vector_load %arg8[%parallel_loop3A_752] {strides = array<i32>} : memref<1024xf32, #tpu.memory_space<vmem>>, vector<16xf32>,
        %parallel_loop3A_754 = vector.shape_cast %parallel_loop3A_265 : vector<16x1xi32> to vector<16xi32>
        %parallel_loop3A_755 = tpu.dynamic_gather %parallel_loop3A_753[%parallel_loop3A_754] in [0] : vector<16xf32>, vector<16xi32> -> vector<16xf32>
        %parallel_loop3A_756 = arith.constant 20480 : i32
        %parallel_loop3A_757 = arith.addi %parallel_loop3A_311, %parallel_loop3A_756 : i32
        %parallel_loop3A_758 = arith.constant 512 : i32
        %parallel_loop3A_759 = arith.addi %parallel_loop3A_757, %parallel_loop3A_758 : i32
        %parallel_loop3A_760 = arith.index_cast %parallel_loop3A_759 : i32 to index
        %parallel_loop3A_761 = tpu.vector_load %arg9[%parallel_loop3A_760] {strides = array<i32>} : memref<65536xf32, #tpu.memory_space<vmem>>, vector<16xf32>,
        tpu.vector_store %arg9[%parallel_loop3A_760], %parallel_loop3A_755 {strides = array<i32>} : memref<65536xf32, #tpu.memory_space<vmem>>, vector<16xf32>,
        %parallel_loop3A_762 = arith.constant 720 : index
        %parallel_loop3A_763 = tpu.vector_load %arg8[%parallel_loop3A_762] {strides = array<i32>} : memref<1024xf32, #tpu.memory_space<vmem>>, vector<16xf32>,
        %parallel_loop3A_764 = vector.shape_cast %parallel_loop3A_265 : vector<16x1xi32> to vector<16xi32>
        %parallel_loop3A_765 = tpu.dynamic_gather %parallel_loop3A_763[%parallel_loop3A_764] in [0] : vector<16xf32>, vector<16xi32> -> vector<16xf32>
        %parallel_loop3A_766 = arith.constant 20480 : i32
        %parallel_loop3A_767 = arith.addi %parallel_loop3A_311, %parallel_loop3A_766 : i32
        %parallel_loop3A_768 = arith.constant 640 : i32
        %parallel_loop3A_769 = arith.addi %parallel_loop3A_767, %parallel_loop3A_768 : i32
        %parallel_loop3A_770 = arith.index_cast %parallel_loop3A_769 : i32 to index
        %parallel_loop3A_771 = tpu.vector_load %arg9[%parallel_loop3A_770] {strides = array<i32>} : memref<65536xf32, #tpu.memory_space<vmem>>, vector<16xf32>,
        tpu.vector_store %arg9[%parallel_loop3A_770], %parallel_loop3A_765 {strides = array<i32>} : memref<65536xf32, #tpu.memory_space<vmem>>, vector<16xf32>,
        %parallel_loop3A_772 = arith.constant 736 : index
        %parallel_loop3A_773 = tpu.vector_load %arg8[%parallel_loop3A_772] {strides = array<i32>} : memref<1024xf32, #tpu.memory_space<vmem>>, vector<16xf32>,
        %parallel_loop3A_774 = vector.shape_cast %parallel_loop3A_265 : vector<16x1xi32> to vector<16xi32>
        %parallel_loop3A_775 = tpu.dynamic_gather %parallel_loop3A_773[%parallel_loop3A_774] in [0] : vector<16xf32>, vector<16xi32> -> vector<16xf32>
        %parallel_loop3A_776 = arith.constant 20480 : i32
        %parallel_loop3A_777 = arith.addi %parallel_loop3A_311, %parallel_loop3A_776 : i32
        %parallel_loop3A_778 = arith.constant 768 : i32
        %parallel_loop3A_779 = arith.addi %parallel_loop3A_777, %parallel_loop3A_778 : i32
        %parallel_loop3A_780 = arith.index_cast %parallel_loop3A_779 : i32 to index
        %parallel_loop3A_781 = tpu.vector_load %arg9[%parallel_loop3A_780] {strides = array<i32>} : memref<65536xf32, #tpu.memory_space<vmem>>, vector<16xf32>,
        tpu.vector_store %arg9[%parallel_loop3A_780], %parallel_loop3A_775 {strides = array<i32>} : memref<65536xf32, #tpu.memory_space<vmem>>, vector<16xf32>,
        %parallel_loop3A_782 = arith.constant 752 : index
        %parallel_loop3A_783 = tpu.vector_load %arg8[%parallel_loop3A_782] {strides = array<i32>} : memref<1024xf32, #tpu.memory_space<vmem>>, vector<16xf32>,
        %parallel_loop3A_784 = vector.shape_cast %parallel_loop3A_265 : vector<16x1xi32> to vector<16xi32>
        %parallel_loop3A_785 = tpu.dynamic_gather %parallel_loop3A_783[%parallel_loop3A_784] in [0] : vector<16xf32>, vector<16xi32> -> vector<16xf32>
        %parallel_loop3A_786 = arith.constant 20480 : i32
        %parallel_loop3A_787 = arith.addi %parallel_loop3A_311, %parallel_loop3A_786 : i32
        %parallel_loop3A_788 = arith.constant 896 : i32
        %parallel_loop3A_789 = arith.addi %parallel_loop3A_787, %parallel_loop3A_788 : i32
        %parallel_loop3A_790 = arith.index_cast %parallel_loop3A_789 : i32 to index
        %parallel_loop3A_791 = tpu.vector_load %arg9[%parallel_loop3A_790] {strides = array<i32>} : memref<65536xf32, #tpu.memory_space<vmem>>, vector<16xf32>,
        tpu.vector_store %arg9[%parallel_loop3A_790], %parallel_loop3A_785 {strides = array<i32>} : memref<65536xf32, #tpu.memory_space<vmem>>, vector<16xf32>,
        %parallel_loop3A_792 = arith.constant 768 : index
        %parallel_loop3A_793 = tpu.vector_load %arg8[%parallel_loop3A_792] {strides = array<i32>} : memref<1024xf32, #tpu.memory_space<vmem>>, vector<16xf32>,
        %parallel_loop3A_794 = vector.shape_cast %parallel_loop3A_265 : vector<16x1xi32> to vector<16xi32>
        %parallel_loop3A_795 = tpu.dynamic_gather %parallel_loop3A_793[%parallel_loop3A_794] in [0] : vector<16xf32>, vector<16xi32> -> vector<16xf32>
        %parallel_loop3A_796 = arith.constant 24576 : i32
        %parallel_loop3A_797 = arith.addi %parallel_loop3A_311, %parallel_loop3A_796 : i32
        %parallel_loop3A_798 = arith.constant 0 : i32
        %parallel_loop3A_799 = arith.addi %parallel_loop3A_797, %parallel_loop3A_798 : i32
        %parallel_loop3A_800 = arith.index_cast %parallel_loop3A_799 : i32 to index
        %parallel_loop3A_801 = tpu.vector_load %arg9[%parallel_loop3A_800] {strides = array<i32>} : memref<65536xf32, #tpu.memory_space<vmem>>, vector<16xf32>,
        tpu.vector_store %arg9[%parallel_loop3A_800], %parallel_loop3A_795 {strides = array<i32>} : memref<65536xf32, #tpu.memory_space<vmem>>, vector<16xf32>,
        %parallel_loop3A_802 = arith.constant 784 : index
        %parallel_loop3A_803 = tpu.vector_load %arg8[%parallel_loop3A_802] {strides = array<i32>} : memref<1024xf32, #tpu.memory_space<vmem>>, vector<16xf32>,
        %parallel_loop3A_804 = vector.shape_cast %parallel_loop3A_265 : vector<16x1xi32> to vector<16xi32>
        %parallel_loop3A_805 = tpu.dynamic_gather %parallel_loop3A_803[%parallel_loop3A_804] in [0] : vector<16xf32>, vector<16xi32> -> vector<16xf32>
        %parallel_loop3A_806 = arith.constant 24576 : i32
        %parallel_loop3A_807 = arith.addi %parallel_loop3A_311, %parallel_loop3A_806 : i32
        %parallel_loop3A_808 = arith.constant 128 : i32
        %parallel_loop3A_809 = arith.addi %parallel_loop3A_807, %parallel_loop3A_808 : i32
        %parallel_loop3A_810 = arith.index_cast %parallel_loop3A_809 : i32 to index
        %parallel_loop3A_811 = tpu.vector_load %arg9[%parallel_loop3A_810] {strides = array<i32>} : memref<65536xf32, #tpu.memory_space<vmem>>, vector<16xf32>,
        tpu.vector_store %arg9[%parallel_loop3A_810], %parallel_loop3A_805 {strides = array<i32>} : memref<65536xf32, #tpu.memory_space<vmem>>, vector<16xf32>,
        %parallel_loop3A_812 = arith.constant 800 : index
        %parallel_loop3A_813 = tpu.vector_load %arg8[%parallel_loop3A_812] {strides = array<i32>} : memref<1024xf32, #tpu.memory_space<vmem>>, vector<16xf32>,
        %parallel_loop3A_814 = vector.shape_cast %parallel_loop3A_265 : vector<16x1xi32> to vector<16xi32>
        %parallel_loop3A_815 = tpu.dynamic_gather %parallel_loop3A_813[%parallel_loop3A_814] in [0] : vector<16xf32>, vector<16xi32> -> vector<16xf32>
        %parallel_loop3A_816 = arith.constant 24576 : i32
        %parallel_loop3A_817 = arith.addi %parallel_loop3A_311, %parallel_loop3A_816 : i32
        %parallel_loop3A_818 = arith.constant 256 : i32
        %parallel_loop3A_819 = arith.addi %parallel_loop3A_817, %parallel_loop3A_818 : i32
        %parallel_loop3A_820 = arith.index_cast %parallel_loop3A_819 : i32 to index
        %parallel_loop3A_821 = tpu.vector_load %arg9[%parallel_loop3A_820] {strides = array<i32>} : memref<65536xf32, #tpu.memory_space<vmem>>, vector<16xf32>,
        tpu.vector_store %arg9[%parallel_loop3A_820], %parallel_loop3A_815 {strides = array<i32>} : memref<65536xf32, #tpu.memory_space<vmem>>, vector<16xf32>,
        %parallel_loop3A_822 = arith.constant 816 : index
        %parallel_loop3A_823 = tpu.vector_load %arg8[%parallel_loop3A_822] {strides = array<i32>} : memref<1024xf32, #tpu.memory_space<vmem>>, vector<16xf32>,
        %parallel_loop3A_824 = vector.shape_cast %parallel_loop3A_265 : vector<16x1xi32> to vector<16xi32>
        %parallel_loop3A_825 = tpu.dynamic_gather %parallel_loop3A_823[%parallel_loop3A_824] in [0] : vector<16xf32>, vector<16xi32> -> vector<16xf32>
        %parallel_loop3A_826 = arith.constant 24576 : i32
        %parallel_loop3A_827 = arith.addi %parallel_loop3A_311, %parallel_loop3A_826 : i32
        %parallel_loop3A_828 = arith.constant 384 : i32
        %parallel_loop3A_829 = arith.addi %parallel_loop3A_827, %parallel_loop3A_828 : i32
        %parallel_loop3A_830 = arith.index_cast %parallel_loop3A_829 : i32 to index
        %parallel_loop3A_831 = tpu.vector_load %arg9[%parallel_loop3A_830] {strides = array<i32>} : memref<65536xf32, #tpu.memory_space<vmem>>, vector<16xf32>,
        tpu.vector_store %arg9[%parallel_loop3A_830], %parallel_loop3A_825 {strides = array<i32>} : memref<65536xf32, #tpu.memory_space<vmem>>, vector<16xf32>,
        %parallel_loop3A_832 = arith.constant 832 : index
        %parallel_loop3A_833 = tpu.vector_load %arg8[%parallel_loop3A_832] {strides = array<i32>} : memref<1024xf32, #tpu.memory_space<vmem>>, vector<16xf32>,
        %parallel_loop3A_834 = vector.shape_cast %parallel_loop3A_265 : vector<16x1xi32> to vector<16xi32>
        %parallel_loop3A_835 = tpu.dynamic_gather %parallel_loop3A_833[%parallel_loop3A_834] in [0] : vector<16xf32>, vector<16xi32> -> vector<16xf32>
        %parallel_loop3A_836 = arith.constant 24576 : i32
        %parallel_loop3A_837 = arith.addi %parallel_loop3A_311, %parallel_loop3A_836 : i32
        %parallel_loop3A_838 = arith.constant 512 : i32
        %parallel_loop3A_839 = arith.addi %parallel_loop3A_837, %parallel_loop3A_838 : i32
        %parallel_loop3A_840 = arith.index_cast %parallel_loop3A_839 : i32 to index
        %parallel_loop3A_841 = tpu.vector_load %arg9[%parallel_loop3A_840] {strides = array<i32>} : memref<65536xf32, #tpu.memory_space<vmem>>, vector<16xf32>,
        tpu.vector_store %arg9[%parallel_loop3A_840], %parallel_loop3A_835 {strides = array<i32>} : memref<65536xf32, #tpu.memory_space<vmem>>, vector<16xf32>,
        %parallel_loop3A_842 = arith.constant 848 : index
        %parallel_loop3A_843 = tpu.vector_load %arg8[%parallel_loop3A_842] {strides = array<i32>} : memref<1024xf32, #tpu.memory_space<vmem>>, vector<16xf32>,
        %parallel_loop3A_844 = vector.shape_cast %parallel_loop3A_265 : vector<16x1xi32> to vector<16xi32>
        %parallel_loop3A_845 = tpu.dynamic_gather %parallel_loop3A_843[%parallel_loop3A_844] in [0] : vector<16xf32>, vector<16xi32> -> vector<16xf32>
        %parallel_loop3A_846 = arith.constant 24576 : i32
        %parallel_loop3A_847 = arith.addi %parallel_loop3A_311, %parallel_loop3A_846 : i32
        %parallel_loop3A_848 = arith.constant 640 : i32
        %parallel_loop3A_849 = arith.addi %parallel_loop3A_847, %parallel_loop3A_848 : i32
        %parallel_loop3A_850 = arith.index_cast %parallel_loop3A_849 : i32 to index
        %parallel_loop3A_851 = tpu.vector_load %arg9[%parallel_loop3A_850] {strides = array<i32>} : memref<65536xf32, #tpu.memory_space<vmem>>, vector<16xf32>,
        tpu.vector_store %arg9[%parallel_loop3A_850], %parallel_loop3A_845 {strides = array<i32>} : memref<65536xf32, #tpu.memory_space<vmem>>, vector<16xf32>,
        %parallel_loop3A_852 = arith.constant 864 : index
        %parallel_loop3A_853 = tpu.vector_load %arg8[%parallel_loop3A_852] {strides = array<i32>} : memref<1024xf32, #tpu.memory_space<vmem>>, vector<16xf32>,
        %parallel_loop3A_854 = vector.shape_cast %parallel_loop3A_265 : vector<16x1xi32> to vector<16xi32>
        %parallel_loop3A_855 = tpu.dynamic_gather %parallel_loop3A_853[%parallel_loop3A_854] in [0] : vector<16xf32>, vector<16xi32> -> vector<16xf32>
        %parallel_loop3A_856 = arith.constant 24576 : i32
        %parallel_loop3A_857 = arith.addi %parallel_loop3A_311, %parallel_loop3A_856 : i32
        %parallel_loop3A_858 = arith.constant 768 : i32
        %parallel_loop3A_859 = arith.addi %parallel_loop3A_857, %parallel_loop3A_858 : i32
        %parallel_loop3A_860 = arith.index_cast %parallel_loop3A_859 : i32 to index
        %parallel_loop3A_861 = tpu.vector_load %arg9[%parallel_loop3A_860] {strides = array<i32>} : memref<65536xf32, #tpu.memory_space<vmem>>, vector<16xf32>,
        tpu.vector_store %arg9[%parallel_loop3A_860], %parallel_loop3A_855 {strides = array<i32>} : memref<65536xf32, #tpu.memory_space<vmem>>, vector<16xf32>,
        %parallel_loop3A_862 = arith.constant 880 : index
        %parallel_loop3A_863 = tpu.vector_load %arg8[%parallel_loop3A_862] {strides = array<i32>} : memref<1024xf32, #tpu.memory_space<vmem>>, vector<16xf32>,
        %parallel_loop3A_864 = vector.shape_cast %parallel_loop3A_265 : vector<16x1xi32> to vector<16xi32>
        %parallel_loop3A_865 = tpu.dynamic_gather %parallel_loop3A_863[%parallel_loop3A_864] in [0] : vector<16xf32>, vector<16xi32> -> vector<16xf32>
        %parallel_loop3A_866 = arith.constant 24576 : i32
        %parallel_loop3A_867 = arith.addi %parallel_loop3A_311, %parallel_loop3A_866 : i32
        %parallel_loop3A_868 = arith.constant 896 : i32
        %parallel_loop3A_869 = arith.addi %parallel_loop3A_867, %parallel_loop3A_868 : i32
        %parallel_loop3A_870 = arith.index_cast %parallel_loop3A_869 : i32 to index
        %parallel_loop3A_871 = tpu.vector_load %arg9[%parallel_loop3A_870] {strides = array<i32>} : memref<65536xf32, #tpu.memory_space<vmem>>, vector<16xf32>,
        tpu.vector_store %arg9[%parallel_loop3A_870], %parallel_loop3A_865 {strides = array<i32>} : memref<65536xf32, #tpu.memory_space<vmem>>, vector<16xf32>,
        %parallel_loop3A_872 = arith.constant 896 : index
        %parallel_loop3A_873 = tpu.vector_load %arg8[%parallel_loop3A_872] {strides = array<i32>} : memref<1024xf32, #tpu.memory_space<vmem>>, vector<16xf32>,
        %parallel_loop3A_874 = vector.shape_cast %parallel_loop3A_265 : vector<16x1xi32> to vector<16xi32>
        %parallel_loop3A_875 = tpu.dynamic_gather %parallel_loop3A_873[%parallel_loop3A_874] in [0] : vector<16xf32>, vector<16xi32> -> vector<16xf32>
        %parallel_loop3A_876 = arith.constant 28672 : i32
        %parallel_loop3A_877 = arith.addi %parallel_loop3A_311, %parallel_loop3A_876 : i32
        %parallel_loop3A_878 = arith.constant 0 : i32
        %parallel_loop3A_879 = arith.addi %parallel_loop3A_877, %parallel_loop3A_878 : i32
        %parallel_loop3A_880 = arith.index_cast %parallel_loop3A_879 : i32 to index
        %parallel_loop3A_881 = tpu.vector_load %arg9[%parallel_loop3A_880] {strides = array<i32>} : memref<65536xf32, #tpu.memory_space<vmem>>, vector<16xf32>,
        tpu.vector_store %arg9[%parallel_loop3A_880], %parallel_loop3A_875 {strides = array<i32>} : memref<65536xf32, #tpu.memory_space<vmem>>, vector<16xf32>,
        %parallel_loop3A_882 = arith.constant 912 : index
        %parallel_loop3A_883 = tpu.vector_load %arg8[%parallel_loop3A_882] {strides = array<i32>} : memref<1024xf32, #tpu.memory_space<vmem>>, vector<16xf32>,
        %parallel_loop3A_884 = vector.shape_cast %parallel_loop3A_265 : vector<16x1xi32> to vector<16xi32>
        %parallel_loop3A_885 = tpu.dynamic_gather %parallel_loop3A_883[%parallel_loop3A_884] in [0] : vector<16xf32>, vector<16xi32> -> vector<16xf32>
        %parallel_loop3A_886 = arith.constant 28672 : i32
        %parallel_loop3A_887 = arith.addi %parallel_loop3A_311, %parallel_loop3A_886 : i32
        %parallel_loop3A_888 = arith.constant 128 : i32
        %parallel_loop3A_889 = arith.addi %parallel_loop3A_887, %parallel_loop3A_888 : i32
        %parallel_loop3A_890 = arith.index_cast %parallel_loop3A_889 : i32 to index
        %parallel_loop3A_891 = tpu.vector_load %arg9[%parallel_loop3A_890] {strides = array<i32>} : memref<65536xf32, #tpu.memory_space<vmem>>, vector<16xf32>,
        tpu.vector_store %arg9[%parallel_loop3A_890], %parallel_loop3A_885 {strides = array<i32>} : memref<65536xf32, #tpu.memory_space<vmem>>, vector<16xf32>,
        %parallel_loop3A_892 = arith.constant 928 : index
        %parallel_loop3A_893 = tpu.vector_load %arg8[%parallel_loop3A_892] {strides = array<i32>} : memref<1024xf32, #tpu.memory_space<vmem>>, vector<16xf32>,
        %parallel_loop3A_894 = vector.shape_cast %parallel_loop3A_265 : vector<16x1xi32> to vector<16xi32>
        %parallel_loop3A_895 = tpu.dynamic_gather %parallel_loop3A_893[%parallel_loop3A_894] in [0] : vector<16xf32>, vector<16xi32> -> vector<16xf32>
        %parallel_loop3A_896 = arith.constant 28672 : i32
        %parallel_loop3A_897 = arith.addi %parallel_loop3A_311, %parallel_loop3A_896 : i32
        %parallel_loop3A_898 = arith.constant 256 : i32
        %parallel_loop3A_899 = arith.addi %parallel_loop3A_897, %parallel_loop3A_898 : i32
        %parallel_loop3A_900 = arith.index_cast %parallel_loop3A_899 : i32 to index
        %parallel_loop3A_901 = tpu.vector_load %arg9[%parallel_loop3A_900] {strides = array<i32>} : memref<65536xf32, #tpu.memory_space<vmem>>, vector<16xf32>,
        tpu.vector_store %arg9[%parallel_loop3A_900], %parallel_loop3A_895 {strides = array<i32>} : memref<65536xf32, #tpu.memory_space<vmem>>, vector<16xf32>,
        %parallel_loop3A_902 = arith.constant 944 : index
        %parallel_loop3A_903 = tpu.vector_load %arg8[%parallel_loop3A_902] {strides = array<i32>} : memref<1024xf32, #tpu.memory_space<vmem>>, vector<16xf32>,
        %parallel_loop3A_904 = vector.shape_cast %parallel_loop3A_265 : vector<16x1xi32> to vector<16xi32>
        %parallel_loop3A_905 = tpu.dynamic_gather %parallel_loop3A_903[%parallel_loop3A_904] in [0] : vector<16xf32>, vector<16xi32> -> vector<16xf32>
        %parallel_loop3A_906 = arith.constant 28672 : i32
        %parallel_loop3A_907 = arith.addi %parallel_loop3A_311, %parallel_loop3A_906 : i32
        %parallel_loop3A_908 = arith.constant 384 : i32
        %parallel_loop3A_909 = arith.addi %parallel_loop3A_907, %parallel_loop3A_908 : i32
        %parallel_loop3A_910 = arith.index_cast %parallel_loop3A_909 : i32 to index
        %parallel_loop3A_911 = tpu.vector_load %arg9[%parallel_loop3A_910] {strides = array<i32>} : memref<65536xf32, #tpu.memory_space<vmem>>, vector<16xf32>,
        tpu.vector_store %arg9[%parallel_loop3A_910], %parallel_loop3A_905 {strides = array<i32>} : memref<65536xf32, #tpu.memory_space<vmem>>, vector<16xf32>,
        %parallel_loop3A_912 = arith.constant 960 : index
        %parallel_loop3A_913 = tpu.vector_load %arg8[%parallel_loop3A_912] {strides = array<i32>} : memref<1024xf32, #tpu.memory_space<vmem>>, vector<16xf32>,
        %parallel_loop3A_914 = vector.shape_cast %parallel_loop3A_265 : vector<16x1xi32> to vector<16xi32>
        %parallel_loop3A_915 = tpu.dynamic_gather %parallel_loop3A_913[%parallel_loop3A_914] in [0] : vector<16xf32>, vector<16xi32> -> vector<16xf32>
        %parallel_loop3A_916 = arith.constant 28672 : i32
        %parallel_loop3A_917 = arith.addi %parallel_loop3A_311, %parallel_loop3A_916 : i32
        %parallel_loop3A_918 = arith.constant 512 : i32
        %parallel_loop3A_919 = arith.addi %parallel_loop3A_917, %parallel_loop3A_918 : i32
        %parallel_loop3A_920 = arith.index_cast %parallel_loop3A_919 : i32 to index
        %parallel_loop3A_921 = tpu.vector_load %arg9[%parallel_loop3A_920] {strides = array<i32>} : memref<65536xf32, #tpu.memory_space<vmem>>, vector<16xf32>,
        tpu.vector_store %arg9[%parallel_loop3A_920], %parallel_loop3A_915 {strides = array<i32>} : memref<65536xf32, #tpu.memory_space<vmem>>, vector<16xf32>,
        %parallel_loop3A_922 = arith.constant 976 : index
        %parallel_loop3A_923 = tpu.vector_load %arg8[%parallel_loop3A_922] {strides = array<i32>} : memref<1024xf32, #tpu.memory_space<vmem>>, vector<16xf32>,
        %parallel_loop3A_924 = vector.shape_cast %parallel_loop3A_265 : vector<16x1xi32> to vector<16xi32>
        %parallel_loop3A_925 = tpu.dynamic_gather %parallel_loop3A_923[%parallel_loop3A_924] in [0] : vector<16xf32>, vector<16xi32> -> vector<16xf32>
        %parallel_loop3A_926 = arith.constant 28672 : i32
        %parallel_loop3A_927 = arith.addi %parallel_loop3A_311, %parallel_loop3A_926 : i32
        %parallel_loop3A_928 = arith.constant 640 : i32
        %parallel_loop3A_929 = arith.addi %parallel_loop3A_927, %parallel_loop3A_928 : i32
        %parallel_loop3A_930 = arith.index_cast %parallel_loop3A_929 : i32 to index
        %parallel_loop3A_931 = tpu.vector_load %arg9[%parallel_loop3A_930] {strides = array<i32>} : memref<65536xf32, #tpu.memory_space<vmem>>, vector<16xf32>,
        tpu.vector_store %arg9[%parallel_loop3A_930], %parallel_loop3A_925 {strides = array<i32>} : memref<65536xf32, #tpu.memory_space<vmem>>, vector<16xf32>,
        %parallel_loop3A_932 = arith.constant 992 : index
        %parallel_loop3A_933 = tpu.vector_load %arg8[%parallel_loop3A_932] {strides = array<i32>} : memref<1024xf32, #tpu.memory_space<vmem>>, vector<16xf32>,
        %parallel_loop3A_934 = vector.shape_cast %parallel_loop3A_265 : vector<16x1xi32> to vector<16xi32>
        %parallel_loop3A_935 = tpu.dynamic_gather %parallel_loop3A_933[%parallel_loop3A_934] in [0] : vector<16xf32>, vector<16xi32> -> vector<16xf32>
        %parallel_loop3A_936 = arith.constant 28672 : i32
        %parallel_loop3A_937 = arith.addi %parallel_loop3A_311, %parallel_loop3A_936 : i32
        %parallel_loop3A_938 = arith.constant 768 : i32
        %parallel_loop3A_939 = arith.addi %parallel_loop3A_937, %parallel_loop3A_938 : i32
        %parallel_loop3A_940 = arith.index_cast %parallel_loop3A_939 : i32 to index
        %parallel_loop3A_941 = tpu.vector_load %arg9[%parallel_loop3A_940] {strides = array<i32>} : memref<65536xf32, #tpu.memory_space<vmem>>, vector<16xf32>,
        tpu.vector_store %arg9[%parallel_loop3A_940], %parallel_loop3A_935 {strides = array<i32>} : memref<65536xf32, #tpu.memory_space<vmem>>, vector<16xf32>,
        %parallel_loop3A_942 = arith.constant 1008 : index
        %parallel_loop3A_943 = tpu.vector_load %arg8[%parallel_loop3A_942] {strides = array<i32>} : memref<1024xf32, #tpu.memory_space<vmem>>, vector<16xf32>,
        %parallel_loop3A_944 = vector.shape_cast %parallel_loop3A_265 : vector<16x1xi32> to vector<16xi32>
        %parallel_loop3A_945 = tpu.dynamic_gather %parallel_loop3A_943[%parallel_loop3A_944] in [0] : vector<16xf32>, vector<16xi32> -> vector<16xf32>
        %parallel_loop3A_946 = arith.constant 28672 : i32
        %parallel_loop3A_947 = arith.addi %parallel_loop3A_311, %parallel_loop3A_946 : i32
        %parallel_loop3A_948 = arith.constant 896 : i32
        %parallel_loop3A_949 = arith.addi %parallel_loop3A_947, %parallel_loop3A_948 : i32
        %parallel_loop3A_950 = arith.index_cast %parallel_loop3A_949 : i32 to index
        %parallel_loop3A_951 = tpu.vector_load %arg9[%parallel_loop3A_950] {strides = array<i32>} : memref<65536xf32, #tpu.memory_space<vmem>>, vector<16xf32>,
        tpu.vector_store %arg9[%parallel_loop3A_950], %parallel_loop3A_945 {strides = array<i32>} : memref<65536xf32, #tpu.memory_space<vmem>>, vector<16xf32>,
      } {sc.loop_unroll_factor = 2 : i64, sc.parallel_access}
      %add3A_108 = arith.constant 0 : i32
      %add3A_109 = arith.addi %mul3A_105, %add3A_108 : i32
      %mul3A_110 = arith.constant 1024 : i32
      %mul3A_111 = arith.muli %min3A_82, %mul3A_110 : i32
      %add3A_112 = arith.constant 0 : i32
      %add3A_113 = arith.addi %add3A_112, %mul3A_111 : i32
      %dma_start3A = tpu.memref_slice %arg9[%add3A_109] : memref<65536xf32, #tpu.memory_space<vmem>> -> memref<4096xf32, #tpu.memory_space<vmem>>
      %dma_start3A_114 = tpu.memref_slice %arg5[%add3A_113] : memref<32006144xf32, #tpu.memory_space<hbm>> -> memref<4096xf32, #tpu.memory_space<hbm>>
      %dma_start3A_115 = tpu.memref_slice %arg5[%add3A_113] : memref<32006144xf32, #tpu.memory_space<hbm>> -> memref<4096xf32, #tpu.memory_space<hbm>>
      %dma_start3A_116 = tpu.memref_slice %arg9[%add3A_109] : memref<65536xf32, #tpu.memory_space<vmem>> -> memref<4096xf32, #tpu.memory_space<vmem>>
      tpu.enqueue_dma source(%dma_start3A_116 : memref<4096xf32, #tpu.memory_space<vmem>>) target(%dma_start3A_115 : memref<4096xf32, #tpu.memory_space<hbm>>) target_semaphore(%arg11 : memref<!tpu.dma_semaphore, #tpu.memory_space<semaphore_mem>>)
      %add3A_117 = arith.constant 4096 : i32
      %add3A_118 = arith.addi %mul3A_105, %add3A_117 : i32
      %mul3A_119 = arith.constant 1024 : i32
      %mul3A_120 = arith.muli %min3A_82, %mul3A_119 : i32
      %add3A_121 = arith.constant 4000768 : i32
      %add3A_122 = arith.addi %add3A_121, %mul3A_120 : i32
      %dma_start3A_123 = tpu.memref_slice %arg9[%add3A_118] : memref<65536xf32, #tpu.memory_space<vmem>> -> memref<4096xf32, #tpu.memory_space<vmem>>
      %dma_start3A_124 = tpu.memref_slice %arg5[%add3A_122] : memref<32006144xf32, #tpu.memory_space<hbm>> -> memref<4096xf32, #tpu.memory_space<hbm>>
      %dma_start3A_125 = tpu.memref_slice %arg5[%add3A_122] : memref<32006144xf32, #tpu.memory_space<hbm>> -> memref<4096xf32, #tpu.memory_space<hbm>>
      %dma_start3A_126 = tpu.memref_slice %arg9[%add3A_118] : memref<65536xf32, #tpu.memory_space<vmem>> -> memref<4096xf32, #tpu.memory_space<vmem>>
      tpu.enqueue_dma source(%dma_start3A_126 : memref<4096xf32, #tpu.memory_space<vmem>>) target(%dma_start3A_125 : memref<4096xf32, #tpu.memory_space<hbm>>) target_semaphore(%arg11 : memref<!tpu.dma_semaphore, #tpu.memory_space<semaphore_mem>>)
      %add3A_127 = arith.constant 8192 : i32
      %add3A_128 = arith.addi %mul3A_105, %add3A_127 : i32
      %mul3A_129 = arith.constant 1024 : i32
      %mul3A_130 = arith.muli %min3A_82, %mul3A_129 : i32
      %add3A_131 = arith.constant 8001536 : i32
      %add3A_132 = arith.addi %add3A_131, %mul3A_130 : i32
      %dma_start3A_133 = tpu.memref_slice %arg9[%add3A_128] : memref<65536xf32, #tpu.memory_space<vmem>> -> memref<4096xf32, #tpu.memory_space<vmem>>
      %dma_start3A_134 = tpu.memref_slice %arg5[%add3A_132] : memref<32006144xf32, #tpu.memory_space<hbm>> -> memref<4096xf32, #tpu.memory_space<hbm>>
      %dma_start3A_135 = tpu.memref_slice %arg5[%add3A_132] : memref<32006144xf32, #tpu.memory_space<hbm>> -> memref<4096xf32, #tpu.memory_space<hbm>>
      %dma_start3A_136 = tpu.memref_slice %arg9[%add3A_128] : memref<65536xf32, #tpu.memory_space<vmem>> -> memref<4096xf32, #tpu.memory_space<vmem>>
      tpu.enqueue_dma source(%dma_start3A_136 : memref<4096xf32, #tpu.memory_space<vmem>>) target(%dma_start3A_135 : memref<4096xf32, #tpu.memory_space<hbm>>) target_semaphore(%arg11 : memref<!tpu.dma_semaphore, #tpu.memory_space<semaphore_mem>>)
      %add3A_137 = arith.constant 12288 : i32
      %add3A_138 = arith.addi %mul3A_105, %add3A_137 : i32
      %mul3A_139 = arith.constant 1024 : i32
      %mul3A_140 = arith.muli %min3A_82, %mul3A_139 : i32
      %add3A_141 = arith.constant 12002304 : i32
      %add3A_142 = arith.addi %add3A_141, %mul3A_140 : i32
      %dma_start3A_143 = tpu.memref_slice %arg9[%add3A_138] : memref<65536xf32, #tpu.memory_space<vmem>> -> memref<4096xf32, #tpu.memory_space<vmem>>
      %dma_start3A_144 = tpu.memref_slice %arg5[%add3A_142] : memref<32006144xf32, #tpu.memory_space<hbm>> -> memref<4096xf32, #tpu.memory_space<hbm>>
      %dma_start3A_145 = tpu.memref_slice %arg5[%add3A_142] : memref<32006144xf32, #tpu.memory_space<hbm>> -> memref<4096xf32, #tpu.memory_space<hbm>>
      %dma_start3A_146 = tpu.memref_slice %arg9[%add3A_138] : memref<65536xf32, #tpu.memory_space<vmem>> -> memref<4096xf32, #tpu.memory_space<vmem>>
      tpu.enqueue_dma source(%dma_start3A_146 : memref<4096xf32, #tpu.memory_space<vmem>>) target(%dma_start3A_145 : memref<4096xf32, #tpu.memory_space<hbm>>) target_semaphore(%arg11 : memref<!tpu.dma_semaphore, #tpu.memory_space<semaphore_mem>>)
      %add3A_147 = arith.constant 16384 : i32
      %add3A_148 = arith.addi %mul3A_105, %add3A_147 : i32
      %mul3A_149 = arith.constant 1024 : i32
      %mul3A_150 = arith.muli %min3A_82, %mul3A_149 : i32
      %add3A_151 = arith.constant 16003072 : i32
      %add3A_152 = arith.addi %add3A_151, %mul3A_150 : i32
      %dma_start3A_153 = tpu.memref_slice %arg9[%add3A_148] : memref<65536xf32, #tpu.memory_space<vmem>> -> memref<4096xf32, #tpu.memory_space<vmem>>
      %dma_start3A_154 = tpu.memref_slice %arg5[%add3A_152] : memref<32006144xf32, #tpu.memory_space<hbm>> -> memref<4096xf32, #tpu.memory_space<hbm>>
      %dma_start3A_155 = tpu.memref_slice %arg5[%add3A_152] : memref<32006144xf32, #tpu.memory_space<hbm>> -> memref<4096xf32, #tpu.memory_space<hbm>>
      %dma_start3A_156 = tpu.memref_slice %arg9[%add3A_148] : memref<65536xf32, #tpu.memory_space<vmem>> -> memref<4096xf32, #tpu.memory_space<vmem>>
      tpu.enqueue_dma source(%dma_start3A_156 : memref<4096xf32, #tpu.memory_space<vmem>>) target(%dma_start3A_155 : memref<4096xf32, #tpu.memory_space<hbm>>) target_semaphore(%arg11 : memref<!tpu.dma_semaphore, #tpu.memory_space<semaphore_mem>>)
      %add3A_157 = arith.constant 20480 : i32
      %add3A_158 = arith.addi %mul3A_105, %add3A_157 : i32
      %mul3A_159 = arith.constant 1024 : i32
      %mul3A_160 = arith.muli %min3A_82, %mul3A_159 : i32
      %add3A_161 = arith.constant 20003840 : i32
      %add3A_162 = arith.addi %add3A_161, %mul3A_160 : i32
      %dma_start3A_163 = tpu.memref_slice %arg9[%add3A_158] : memref<65536xf32, #tpu.memory_space<vmem>> -> memref<4096xf32, #tpu.memory_space<vmem>>
      %dma_start3A_164 = tpu.memref_slice %arg5[%add3A_162] : memref<32006144xf32, #tpu.memory_space<hbm>> -> memref<4096xf32, #tpu.memory_space<hbm>>
      %dma_start3A_165 = tpu.memref_slice %arg5[%add3A_162] : memref<32006144xf32, #tpu.memory_space<hbm>> -> memref<4096xf32, #tpu.memory_space<hbm>>
      %dma_start3A_166 = tpu.memref_slice %arg9[%add3A_158] : memref<65536xf32, #tpu.memory_space<vmem>> -> memref<4096xf32, #tpu.memory_space<vmem>>
      tpu.enqueue_dma source(%dma_start3A_166 : memref<4096xf32, #tpu.memory_space<vmem>>) target(%dma_start3A_165 : memref<4096xf32, #tpu.memory_space<hbm>>) target_semaphore(%arg11 : memref<!tpu.dma_semaphore, #tpu.memory_space<semaphore_mem>>)
      %add3A_167 = arith.constant 24576 : i32
      %add3A_168 = arith.addi %mul3A_105, %add3A_167 : i32
      %mul3A_169 = arith.constant 1024 : i32
      %mul3A_170 = arith.muli %min3A_82, %mul3A_169 : i32
      %add3A_171 = arith.constant 24004608 : i32
      %add3A_172 = arith.addi %add3A_171, %mul3A_170 : i32
      %dma_start3A_173 = tpu.memref_slice %arg9[%add3A_168] : memref<65536xf32, #tpu.memory_space<vmem>> -> memref<4096xf32, #tpu.memory_space<vmem>>
      %dma_start3A_174 = tpu.memref_slice %arg5[%add3A_172] : memref<32006144xf32, #tpu.memory_space<hbm>> -> memref<4096xf32, #tpu.memory_space<hbm>>
      %dma_start3A_175 = tpu.memref_slice %arg5[%add3A_172] : memref<32006144xf32, #tpu.memory_space<hbm>> -> memref<4096xf32, #tpu.memory_space<hbm>>
      %dma_start3A_176 = tpu.memref_slice %arg9[%add3A_168] : memref<65536xf32, #tpu.memory_space<vmem>> -> memref<4096xf32, #tpu.memory_space<vmem>>
      tpu.enqueue_dma source(%dma_start3A_176 : memref<4096xf32, #tpu.memory_space<vmem>>) target(%dma_start3A_175 : memref<4096xf32, #tpu.memory_space<hbm>>) target_semaphore(%arg11 : memref<!tpu.dma_semaphore, #tpu.memory_space<semaphore_mem>>)
      %add3A_177 = arith.constant 28672 : i32
      %add3A_178 = arith.addi %mul3A_105, %add3A_177 : i32
      %mul3A_179 = arith.constant 1024 : i32
      %mul3A_180 = arith.muli %min3A_82, %mul3A_179 : i32
      %add3A_181 = arith.constant 28005376 : i32
      %add3A_182 = arith.addi %add3A_181, %mul3A_180 : i32
      %dma_start3A_183 = tpu.memref_slice %arg9[%add3A_178] : memref<65536xf32, #tpu.memory_space<vmem>> -> memref<4096xf32, #tpu.memory_space<vmem>>
      %dma_start3A_184 = tpu.memref_slice %arg5[%add3A_182] : memref<32006144xf32, #tpu.memory_space<hbm>> -> memref<4096xf32, #tpu.memory_space<hbm>>
      %dma_start3A_185 = tpu.memref_slice %arg5[%add3A_182] : memref<32006144xf32, #tpu.memory_space<hbm>> -> memref<4096xf32, #tpu.memory_space<hbm>>
      %dma_start3A_186 = tpu.memref_slice %arg9[%add3A_178] : memref<65536xf32, #tpu.memory_space<vmem>> -> memref<4096xf32, #tpu.memory_space<vmem>>
      tpu.enqueue_dma source(%dma_start3A_186 : memref<4096xf32, #tpu.memory_space<vmem>>) target(%dma_start3A_185 : memref<4096xf32, #tpu.memory_space<hbm>>) target_semaphore(%arg11 : memref<!tpu.dma_semaphore, #tpu.memory_space<semaphore_mem>>)
    }
    %ge3A = arith.constant 1 : i32
    %ge3A_50 = arith.cmpi sge, %add3A_20, %ge3A : i32
    %convert_element_type3A_51 = arith.extui %ge3A_50 : i1 to i32
    %cond3A_52 = arith.constant 0 : i32
    %cond3A_53 = arith.cmpi ne, %convert_element_type3A_51, %cond3A_52 : i32
    scf.if %cond3A_53 {
      %dma_wait3A = arith.constant 0 : i32
      %dma_wait3A_59 = tpu.memref_slice %arg9[%dma_wait3A] : memref<65536xf32, #tpu.memory_space<vmem>> -> memref<32768xf32, #tpu.memory_space<vmem>>
      %dma_wait3A_60 = arith.constant 0 : i32
      %dma_wait3A_61 = tpu.memref_slice %arg5[%dma_wait3A_60] : memref<32006144xf32, #tpu.memory_space<hbm>> -> memref<32768xf32, #tpu.memory_space<hbm>>
      %dma_wait3A_62 = arith.constant 0 : i32
      %dma_wait3A_63 = tpu.memref_slice %arg5[%dma_wait3A_62] : memref<32006144xf32, #tpu.memory_space<hbm>> -> memref<32768xf32, #tpu.memory_space<hbm>>
      %dma_wait3A_64 = arith.constant 0 : i32
      %dma_wait3A_65 = tpu.memref_slice %arg9[%dma_wait3A_64] : memref<65536xf32, #tpu.memory_space<vmem>> -> memref<32768xf32, #tpu.memory_space<vmem>>
      tpu.wait_dma2 semaphore(%arg11 : memref<!tpu.dma_semaphore, #tpu.memory_space<semaphore_mem>>) src(%dma_wait3A_65 : memref<32768xf32, #tpu.memory_space<vmem>>) dst(%dma_wait3A_63 : memref<32768xf32, #tpu.memory_space<hbm>>)
    } else {
    }
    %ge3A_54 = arith.constant 2 : i32
    %ge3A_55 = arith.cmpi sge, %add3A_20, %ge3A_54 : i32
    %convert_element_type3A_56 = arith.extui %ge3A_55 : i1 to i32
    %cond3A_57 = arith.constant 0 : i32
    %cond3A_58 = arith.cmpi ne, %convert_element_type3A_56, %cond3A_57 : i32
    scf.if %cond3A_58 {
      %dma_wait3A = arith.constant 0 : i32
      %dma_wait3A_59 = tpu.memref_slice %arg9[%dma_wait3A] : memref<65536xf32, #tpu.memory_space<vmem>> -> memref<32768xf32, #tpu.memory_space<vmem>>
      %dma_wait3A_60 = arith.constant 0 : i32
      %dma_wait3A_61 = tpu.memref_slice %arg5[%dma_wait3A_60] : memref<32006144xf32, #tpu.memory_space<hbm>> -> memref<32768xf32, #tpu.memory_space<hbm>>
      %dma_wait3A_62 = arith.constant 0 : i32
      %dma_wait3A_63 = tpu.memref_slice %arg5[%dma_wait3A_62] : memref<32006144xf32, #tpu.memory_space<hbm>> -> memref<32768xf32, #tpu.memory_space<hbm>>
      %dma_wait3A_64 = arith.constant 0 : i32
      %dma_wait3A_65 = tpu.memref_slice %arg9[%dma_wait3A_64] : memref<65536xf32, #tpu.memory_space<vmem>> -> memref<32768xf32, #tpu.memory_space<vmem>>
      tpu.wait_dma2 semaphore(%arg11 : memref<!tpu.dma_semaphore, #tpu.memory_space<semaphore_mem>>) src(%dma_wait3A_65 : memref<32768xf32, #tpu.memory_space<vmem>>) dst(%dma_wait3A_63 : memref<32768xf32, #tpu.memory_space<hbm>>)
    } else {
    }
    return
  }
}

</mosaic_0001>

<sc_bundles>
// kernel: kernel.3.cloned.1.call-start
scs
__scs_entry_jumppad:
0x0: {  	(pc) =	sbr.rel $0x88, $3  }
0x1: {  	(tag) =	ssettag $0x0;
	lr =	simm.s32 $0x1  }
0x2: {  	[smem:$0x3F9F] =	sst lr;
	_ =	strace $0xD0000000  }
0x3: {  	_ = 	snop  }
0x4: {  	_ = 	snop  }
0x5: {  	_ = 	snop  }
0x6: {  	_ = 	snop  }
0x7: {  	_ = 	snop  }
__scs_overlays_trampoline_lowered:
0x8: {  	[smem:$0x3FAE] =	sst s0  }
0x9: {  	[smem:$0x3FAF] =	sst s1  }
0xa: {  	[smem:$0x3FB0] =	sst s2  }
0xb: {  	[smem:$0x3FB1] =	sst s3  }
0xc: {  	[smem:$0x3FB2] =	sst s4  }
0xd: {  	[smem:$0x3FB3] =	sst s5  }
0xe: {  	[smem:$0x3FB4] =	sst s6  }
0xf: {  	[smem:$0x3FB5] =	sst s7  }
0x10: {  	[smem:$0x3FB6] =	sst s8  }
0x11: {  	[smem:$0x3FB7] =	sst s9;
	s0 =	simm.s32 @!p0 $0x0  }
0x12: {  	s1 =	sld [smem:$0x3F9D];
	s0 =	simm.s32 @p0 $0x1  }
0x13: {  	[smem:$0x3FB8] =	sst s0;
	s0 =	simm.s32 @!p1 $0x0  }
0x14: {  	s2 =	sld [smem:$0x3F9C];
	s0 =	simm.s32 @p1 $0x1  }
0x15: {  	[smem:$0x3FB9] =	sst s0;
	s0 =	simm.s32 @!p2 $0x0  }
0x16: {  	s3 =	sld [smem:$0x3FDB];
	s0 =	simm.s32 @p2 $0x1  }
0x17: {  	s4 =	simm.s32 $0x1BF5;
	[smem:$0x3FBB] =	sst s0  }
0x18: {  	s0 =	sld [smem:$0x3F9E];
	_ =	swait.ge [sflag:s4], $0x0  }
0x19: {  	s7 =	sld [smem:$0x3F9F]  }
0x1a: {  	s8 =	sadd.s32 $0xFFFFE003, lr  }
0x1b: {  	s9 =	sadd.s32 $0xFFFFFEF7, lr;
	s5 =	simm.s32 $0xFFFFFFFF;
	p2 =	slt.u32 s8, $0xFFFFF086  }
0x1c: {  	p1 =	slt.u32 s9, $0xF7A;
	s5 =	simm.s32 @!p2 $0x0  }
0x1d: {  	s5 =	simm.s32 @p1 $0x1;
	p0 =	seq.s32 s7, s2  }
0x1e: {  	s7 =	smul.u32 @!p0 $0xF7A, s2;
	p2 =	seq.s32 @!p0 s5, $0x0  }
0x1f: {  	s9 =	smul.u32 $0xF7A, s1;
	s8 =	simm.s32 @!p0 $0x1BF5;
	p2 =	por !p2, p0  }
0x20: {  	[sflag:s8] =	ssyncset.s32 @!p0 $0xFFFFF086;
	s6 =	sadd.s32 @!p0 s3, s7;
	s7 =	simm.s32 @!p0 $0x108  }
0x21: {  	s3 =	sadd.s32 s3, s9;
	s6 =	sadd.s32 @!p0 $0x88, s6;
	s7 =	simm.s32 @p2 $0x1082  }
0x22: {  	[simem:s7], [sflag:s8] =	dma.local @!p0 [hbm:s6], $0xF7A  }
0x23: {  	s9 =	sor.u32 $0xD0000000, s2;
	s6 =	simm.s32 $0x108;
	_ =	swait.ge @!p0 [sflag:s8], $0x0  }
0x24: {  	s3 =	sadd.s32 $0x88, s3;
	s6 =	simm.s32 @!p1 $0x1082;
	[sflag:s4] =	ssyncset.s32 $0xFFFFF086  }
0x25: {  	[simem:s6], [sflag:s4] =	dma.local [hbm:s3], $0xF7A  }
0x26: {  	[smem:$0x3F9F] =	sst s1;
	(tag) =	ssettag s2;
	_ =	strace s9  }
0x27: {  	s1 =	sld [smem:$0x3FAF]  }
0x28: {  	s2 =	sld [smem:$0x3FB0]  }
0x29: {  	s4 =	sld [smem:$0x3FB2]  }
0x2a: {  	p0 =	seq.s32 s5, $0x0;
	s5 =	sld [smem:$0x3FB3]  }
0x2b: {  	s6 =	sld [smem:$0x3FB4]  }
0x2c: {  	s7 =	sld [smem:$0x3FB5]  }
0x2d: {  	s3 =	simm.s32 $0x108;
	s8 =	sld [smem:$0x3FB6]  }
0x2e: {  	s3 =	simm.s32 @!p0 $0x1082;
	s9 =	sld [smem:$0x3FB7]  }
0x2f: {  	lr =	sadd.s32 s0, s3;
	s0 =	sld [smem:$0x3FAE]  }
0x30: {  	s3 =	sld [smem:$0x3FB1]  }
0x31: {  	[smem:$0x3FBA] =	sst s10  }
0x32: {  	s10 =	sld [smem:$0x3FB8];
	_ =	sdelay $0x3  }
0x33: {  	p0 =	seq.s32 s10, $0x1;
	s10 =	sld [smem:$0x3FBA];
	_ =	sdelay $0x3  }
0x34: {  	[smem:$0x3FBA] =	sst s10  }
0x35: {  	s10 =	sld [smem:$0x3FB9];
	_ =	sdelay $0x3  }
0x36: {  	p1 =	seq.s32 s10, $0x1;
	s10 =	sld [smem:$0x3FBA];
	_ =	sdelay $0x3  }
0x37: {  	[smem:$0x3FBA] =	sst s10  }
0x38: {  	s10 =	sld [smem:$0x3FBB]  }
0x39: {  	_ = 	snop;
	(pc) =	sbr.ind lr, $3  }
0x3a: {  	_ = 	snop  }
0x3b: {  	_ = 	snop  }
0x3c: {  	p2 =	seq.s32 s10, $0x1;
	s10 =	sld [smem:$0x3FBA]  }
0x3d: {  	_ =	shalt  }
0x3e: {  	_ =	shalt  }
0x3f: {  	_ =	shalt  }
0x40: {  	_ =	shalt  }
0x41: {  	_ =	shalt  }
0x42: {  	_ =	shalt  }
0x43: {  	_ =	shalt  }
0x44: {  	_ =	shalt  }
0x45: {  	_ =	shalt  }
0x46: {  	_ =	shalt  }
0x47: {  	_ =	shalt  }
0x48: {  	_ =	shalt  }
0x49: {  	_ =	shalt  }
0x4a: {  	_ =	shalt  }
0x4b: {  	_ =	shalt  }
0x4c: {  	_ =	shalt  }
0x4d: {  	_ =	shalt  }
0x4e: {  	_ =	shalt  }
0x4f: {  	_ =	shalt  }
0x50: {  	_ =	shalt  }
0x51: {  	_ =	shalt  }
0x52: {  	_ =	shalt  }
0x53: {  	_ =	shalt  }
0x54: {  	_ =	shalt  }
0x55: {  	_ =	shalt  }
0x56: {  	_ =	shalt  }
0x57: {  	_ =	shalt  }
0x58: {  	_ =	shalt  }
0x59: {  	_ =	shalt  }
0x5a: {  	_ =	shalt  }
0x5b: {  	_ =	shalt  }
0x5c: {  	_ =	shalt  }
0x5d: {  	_ =	shalt  }
0x5e: {  	_ =	shalt  }
0x5f: {  	_ =	shalt  }
0x60: {  	_ =	shalt  }
0x61: {  	_ =	shalt  }
0x62: {  	_ =	shalt  }
0x63: {  	_ =	shalt  }
0x64: {  	_ =	shalt  }
0x65: {  	_ =	shalt  }
0x66: {  	_ =	shalt  }
0x67: {  	_ =	shalt  }
0x68: {  	_ =	shalt  }
0x69: {  	_ =	shalt  }
0x6a: {  	_ =	shalt  }
0x6b: {  	_ =	shalt  }
0x6c: {  	_ =	shalt  }
0x6d: {  	_ =	shalt  }
0x6e: {  	_ =	shalt  }
0x6f: {  	_ =	shalt  }
0x70: {  	_ =	shalt  }
0x71: {  	_ =	shalt  }
0x72: {  	_ =	shalt  }
0x73: {  	_ =	shalt  }
0x74: {  	_ =	shalt  }
0x75: {  	_ =	shalt  }
0x76: {  	_ =	shalt  }
0x77: {  	_ =	shalt  }
0x78: {  	_ =	shalt  }
0x79: {  	_ =	shalt  }
0x7a: {  	_ =	shalt  }
0x7b: {  	_ =	shalt  }
0x7c: {  	_ =	shalt  }
0x7d: {  	_ =	shalt  }
0x7e: {  	_ =	shalt  }
0x7f: {  	_ =	shalt  }
0x80: {  	_ =	shalt  }
0x81: {  	_ =	shalt  }
0x82: {  	_ =	shalt  }
0x83: {  	_ =	shalt  }
0x84: {  	_ =	shalt  }
0x85: {  	_ =	shalt  }
0x86: {  	_ =	shalt  }
0x87: {  	_ =	shalt  }
.Lfunc_end0:
.L_simem_size_0:
called_computation_lowered:
.L_overlay_start_0:
0x88: {  	s2 =	sld [smem:$0x3FD9]  }
0x89: {  	s3 =	sld [smem:$0x3FFE];
	_ =	sdelay $0x1  }
0x8a: {  	s1 =	srdreg.scid  }
0x8b: {  	s0 =	sand.u32 $0x1, s1  }
0x8c: {  	s17 =	sshll.u32 s0, $0xA;
	s2 =	sadd.s32 s3, s2  }
0x8d: {  	s2 =	sadd.s32 s2, s17  }
0x8e: {  	[smem:$0x3FC6] =	sst s2  }
0x8f: {  	_ = 	snop  }
0x90: {  	s2 =	sld [smem:$0x3FD0];
	(tm) =	ssettm $0x1  }
0x91: {  	s18 =	sld [smem:$0x3FFB];
	_ =	sdelay $0x3  }
0x92: {  	_ =	strace s18  }
0x93: {  	s3 =	sld [smem:$0x3FFC];
	_ =	sdelay $0x3  }
0x94: {  	_ =	strace s3  }
0x95: {  	s3 =	sld [smem:$0x3FFD];
	_ =	sdelay $0x3  }
0x96: {  	_ =	strace s3  }
0x97: {  	_ =	strace $0x8FFFFFFF  }
0x98: {  	s19 =	sld [smem:$0x3FDB];
	_ =	sdelay $0x1  }
0x99: {  	s4 =	simm.s32 $_scs_section_size  }
0x9a: {  	s5 =	simm.s32 $_size__tile_overlayer_lowered;
	s6 =	simm.s32 $_tile_overlayer_lowered  }
0x9b: {  	s22 =	simm.s32 $0x1BFF;
	s21 =	sshll.u32 s6, $0x1;
	s3 =	sadd.s32 s4, s19  }
0x9c: {  	s7 =	simm.s32 $0x0;
	s20 =	sshll.u32 s5, $0x1;
	s5 =	sadd.s32 s21, s3  }
0x9d: {  	[timem:s7], [sflag:s22] =	dma.local [hbm:s5], s20  }
0x9e: {  	_ =	swait.ge [sflag:s22], s20  }
0x9f: {  	s4 =	ssub.s32 $0x0, s20;
	[sflag:s22] =	ssyncset.done $0x0  }
0xa0: {  	[sflag:s22] =	ssyncadd.s32 s4;
	_ =	sdelay $0x1  }
0xa1: {  	s23 =	simm.s32 $0x1B8B  }
0xa2: {  	_ =	swait.ge [sflag:s23], $0x1  }
0xa3: {  	[sflag:s23] =	ssyncset.done $0x0  }
0xa4: {  	s25 =	simm.s32 $0x1B8E;
	s24 =	sld [smem:$0x3FFE];
	[sflag:s23] =	ssyncadd.s32 $0xFFFFFFFF  }
0xa5: {  	s26 =	simm.s32 $execute0_lowered;
	[smem:$0x3FD2] =	sst s25  }
0xa6: {  	s5 =	sshll.u32 s26, $0x1;
	_ =	strace $0x80000046;
	[dreg:$0x1] =	wrdreg $0xFFFFFFFF  }
0xa7: {  	s28 =	simm.s32 $_size_execute0_lowered;
	s3 =	sadd.s32 s3, s5;
	[dreg:$0x0] =	wrdreg $0x0  }
0xa8: {  	s5 =	sshll.u32 s28, $0x1;
	[dreg:$0x2] =	wrdreg s3  }
0xa9: {  	[dreg:$0x3] =	wrdreg s5  }
0xaa: {  	[dreg:$0x4] =	wrdreg $0xC0  }
0xab: {  	_ =	task [dreg:s7], $0x5FFFF  }
0xac: {  	[dreg:$0x1] =	wrdreg $0xFFFFFFFF  }
0xad: {  	[dreg:$0x0] =	wrdreg $0x60  }
0xae: {  	[dreg:$0x2] =	wrdreg s24  }
0xaf: {  	[dreg:$0x3] =	wrdreg s2  }
0xb0: {  	[dreg:$0x4] =	wrdreg $0x9  }
0xb1: {  	_ =	task.clear_ibuf [dreg:s7], $0x5FFFF;
	_ =	strace $0x90000046  }
0xb2: {  	s29 =	simm.s32 $0x9;
	_ =	strace $0x80000048  }
0xb3: {  	_ =	swait.ge [sflag:s29], $0x1  }
0xb4: {  	[sflag:s29] =	ssyncadd.s32 $0xFFFFFFFF  }
0xb5: {  	_ =	strace $0x90000048  }
0xb6: {  	_ =	sfence  }
0xb7: {  	s30 =	sld [smem:$0x0];
	_ =	sdelay $0x2  }
0xb8: {  	s31 =	sshll.u32 s1, $0xD;
	s1 =	sshrl.u32 s1, $0x2  }
0xb9: {  	s3 =	sand.u32 $0x4000, s31;
	s1 =	sadd.s32 s1, s30  }
0xba: {  	s0 =	sor.u32 s3, s0;
	s1 =	sshll.u32 s1, $0x11  }
0xbb: {  	s0 =	sor.u32 s1, s0  }
0xbc: {  	s0 =	sadd.s32 $0x8F2B, s0  }
0xbd: {  	[sflag:s0] =	ssyncadd.remote.s32 $0x1  }
0xbe: {  	_ =	sfence.sel $0xFFFF  }
0xbf: {  	[dreg:$0x0] =	wrdreg $0xFFFFFFFF;
	(pc) =	sbr.abs _section_cstart, $3  }
0xc0: {  	[dreg:$0x1] =	wrdreg $0xFFFFFFFF  }
0xc1: {  	_ =	task.clear_ibuf [dreg:s7], $0x2FFFF;
	_ =	strace $0x9FFFFFFF  }
0xc2: {  	(tm) =	ssettm $0x7FFFFFFF  }
0xc3: {  	_ =	shalt  }
tec
execute0_lowered:
.L_overlay_start_1:
0x0: {  	(tag) =	ssettag $0x1  }
0x1: {  	s0 =	rddreg [dreg:$0x0]  }
0x2: {  	s1 =	rddreg [dreg:$0x1];
	s2 =	simm.s32 $0x0;
	s3 =	srdreg.scid  }
0x3: {  	s6 =	stileid.u32;
	s12 =	simm.s32 $0x1000;
	s15 =	simm.s32 $0x0  }
0x4: {  	s16 =	simm.s32 $0x0;
	[smem:$0x7FF] =	sst s2;
	s3 =	sand.u32 $0x1, s3  }
0x5: {  	s6 =	sshll.u32 s6, $0x1;
	s7 =	sadd.s32 $0x3DC00, s0;
	_ =	strace $0x80000047  }
0x6: {  	[dreg:$0x3] =	wrdreg s7;
	s8 =	ssub.s32 $0x2, s3;
	s7 =	sor.u32 s3, s6  }
0x7: {  	s4 =	sadd.s32 $0xA00, s0;
	s29 =	sshrl.u32 s8, $0x1;
	s9 =	sshll.u32 s7, $0x8  }
0x8: {  	v0 =	vlaneseq.u32;
	s5 =	sadd.s32 $0x3DE00, s0;
	s3 =	ssub.s32 s8, s29;
	s30 =	sadd.s32 s4, s9  }
0x9: {  	v0 =	vand.u32 $0x7, v0;
	s6 =	ssub.s32 $0x3D0, s7;
	[dreg:$0x4] =	wrdreg s30;
	s31 =	smax.u32 s3, $0x1  }
0xa: {  	s10 =	sadd.s32 $0x3D9C0, s0;
	v0 =	vmul.u32 $0x40, v0;
	s8 =	sshrl.u32 s6, $0x5;
	[dreg:$0x5] =	wrdreg s31  }
.LBB2_1:
0xb: {  	s0 =	rddreg [dreg:$0x4]  }
0xc: {  	[tilespmem:s2], [sflag:$0x1] =	stream.linear.gather [hbm4b:s0+s2], $0x800, $0x38;
	[tilespmem:$0x11600] =	vst v63  }
0xd: {  	s29 =	rddreg [dreg:$0x3];
	s30 =	simm.s32 $0x3;
	v1 =	vor.u32 s2, v0  }
0xe: {  	[tilespmem:s12], [sflag:$0x3] =	stream.linear.gather [hbm4b:s29+s2], $0x200, $0x38;
	[tilespmem:$0x11600] =	vst v63  }
0xf: {  	_ =	swait.ge [sflag:s30], $0x200  }
0x10: {  	[sflag:s30] =	ssyncset.done $0x0  }
0x11: {  	[sflag:s30] =	ssyncadd.s32 $0xFFFFFE00  }
0x12: {  	s31 =	simm.s32 $0x1;
	v1 =	vld.idx.msk [tilespmem:v1+s12+$0x0], $0xffff  }
0x13: {  	v2 =	vor.u32 s31, v0;
	_ =	sdelay $0x2  }
0x14: {  	s0 =	simm.s32 $0x1200  }
0x15: {  	[tilespmem:s0+$0x0] =	vst v1  }
0x16: {  	s3 =	simm.s32 $0x2;
	v1 =	vld.idx.msk [tilespmem:v2+s12+$0x0], $0xffff  }
0x17: {  	v2 =	vor.u32 s3, v0;
	s3 =	simm.s32 $0x3  }
.LBB2_2:
0x18: {  	p0 =	sne.s32 s3, $0x3F;
	_ =	sdelay $0x1  }
.Ltmp0:
0x19: {  	s0 =	sadd.s32 $0x10, s0;
	(pc) =	sbr.rel @p0 .LBB2_2-.Ltmp0, $3  }
0x1a: {  	[tilespmem:s0+$0x0] =	vst v1  }
0x1b: {  	v1 =	vld.idx.msk [tilespmem:v2+s12+$0x0], $0xffff;
	_ =	sdelay $0x1  }
0x1c: {  	v2 =	vor.u32 s3, v0;
	s3 =	sadd.s32 $0x1, s3  }
0x1d: {  	_ =	sdelay $0x1  }
0x1e: {  	s0 =	sadd.s32 $0x10, s0  }
0x1f: {  	[tilespmem:s0+$0x0] =	vst v1  }
0x20: {  	v1 =	vld.idx.msk [tilespmem:v2+s12+$0x0], $0xffff;
	_ =	sdelay $0x3  }
0x21: {  	s0 =	sadd.s32 $0x10, s0  }
0x22: {  	s17 =	simm.s32 $0x0;
	[tilespmem:s0+$0x0] =	vst v1  }
.LBB2_4:
0x23: {  	s0 =	sshll.u32 s17, $0x5  }
0x24: {  	p0 =	slt.u32 s17, $0x2;
	s29 =	sor.u32 s7, s0  }
0x25: {  	s0 =	simm.s32 @!p0 $0x2;
	p1 =	sgt.s32 s29, $0x3CF  }
0x26: {  	_ =	swait.ge @!p0 [sflag:s0], $0x8000;
	p2 =	sne.s32 @p1 s29, $0x3D0  }
0x27: {  	[sflag:s0] =	ssyncset.done @!p0 $0x0;
	p3 =	por p2, !p1  }
0x28: {  	[sflag:s0] =	ssyncadd.s32 @!p0 $0xFFFF8000;
	s0 =	simm.s32 @!p3 $0x1  }
0x29: {  	_ =	swait.ge @!p3 [sflag:s0], $0x600  }
0x2a: {  	p0 =	sge.u32 s17, s8;
	[sflag:s0] =	ssyncset.done @!p3 $0x0  }
0x2b: {  	s3 =	sadd.s32 @!p0 $0x20, s29;
	[sflag:s0] =	ssyncadd.s32 @!p3 $0xFFFFFA00  }
0x2c: {  	p2 =	sgt.s32 @!p0 s3, $0x3CF;
	_ =	swait.ge @!p3 [sflag:s0], $0x200  }
0x2d: {  	p4 =	por !p2, p0;
	[sflag:s0] =	ssyncset.done @!p3 $0x0  }
0x2e: {  	[sflag:s0] =	ssyncadd.s32 @!p3 $0xFFFFFE00;
	s0 =	simm.s32 @!p1 $0x1;
	p3 =	sne.s32 @!p4 s3, $0x3D0  }
0x2f: {  	s6 =	sand.u32 $0x1, s17;
	_ =	swait.ge @!p1 [sflag:s0], $0x800;
	p3 =	por @!p0 p3, !p2  }
0x30: {  	s9 =	sxor.u32 @!p0 $0x1, s6;
	[sflag:s0] =	ssyncset.done @!p1 $0x0;
	p3 =	por p3, p0  }
0x31: {  	[sflag:s0] =	ssyncadd.s32 @!p1 $0xFFFFF800;
	s0 =	sshll.u32 @!p3 s9, $0xB;
	s11 =	simm.s32 @!p3 $0x0  }
0x32: {  	[tilespmem:s0], [sflag:$0x1] =	stream.linear.gather @!p3 [hbm4b:s10+s11], $0x600, $0x38;
	[tilespmem:$0x11600] =	vst v63  }
0x33: {  	p1 =	por p2, p0;
	s0 =	sor.u32 @!p3 $0x600, s0  }
0x34: {  	[tilespmem:s0], [sflag:$0x1] =	stream.linear.gather @!p3 [hbm4b:s5+s11], $0x200, $0x38;
	[tilespmem:$0x11600] =	vst v63  }
0x35: {  	s0 =	sshll.u32 @!p1 s3, $0x2  }
0x36: {  	p3 =	slt.s32 @!p1 s0, $0xF3F  }
0x37: {  	p2 =	por @!p0 !p3, p2  }
0x38: {  	p0 =	por !p2, p0  }
0x39: {  	s0 =	simm.s32 @!p0 $0xF3F  }
0x3a: {  	s0 =	sshll.u32 @!p1 s0, $0x6  }
0x3b: {  	s22 =	simm.s32 $0x0;
	s0 =	sand.u32 @!p1 $0x1FFFFFC0, s0  }
0x3c: {  	s3 =	sshll.u32 @!p1 s9, $0xB;
	s9 =	simm.s32 @!p1 $0x0;
	s0 =	sadd.s32 @!p1 s4, s0  }
0x3d: {  	[tilespmem:s3], [sflag:$0x1] =	stream.linear.gather @!p1 [hbm4b:s0+s9], $0x800, $0x38;
	[tilespmem:$0x11600] =	vst v63  }
0x3e: {  	s24 =	sand.u32 $0x60, s16;
	s23 =	sshll.u32 s6, $0xB;
	s0 =	sand.u32 $0x3FFFFE00, s22  }
0x3f: {  	s25 =	sor.u32 $0x10, s24;
	s0 =	sadd.s32 s0, s23  }
0x40: {  	s26 =	sadd.s32 s25, s0  }
0x41: {  	v1 =	vld [tilespmem:s26+$0x80]  }
0x42: {  	v2 =	vld [tilespmem:s26+$0x100]  }
0x43: {  	v3 =	vld [tilespmem:s26+$0x180];
	_ =	sdelay $0x2  }
0x44: {  	v4 =	vld [tilespmem:$0x1200]  }
0x45: {  	v2 =	vshll.u32 v2, $0x1  }
0x46: {  	v1 =	vand.u32 $0x1, v1;
	v3 =	vshll.u32 v3, $0x2;
	v2 =	vand.u32 $0x2, v2  }
0x47: {  	s13 =	simm.s32 $0x0;
	s18 =	sshll.u32 s6, $0xF;
	v1 =	vor.u32 v1, v2;
	v2 =	vand.u32 $0x4, v3  }
0x48: {  	s19 =	sor.u32 $0x1600, s18;
	s6 =	sand.u32 $0x3FFFFC00, s13;
	v5 =	vor.u32 v2, v1  }
0x49: {  	s6 =	sadd.s32 s6, s19;
	v1 =	vperm.xlane v4, v5  }
0x4a: {  	s26 =	sadd.s32 s25, s6  }
0x4b: {  	[tilespmem:s26+$0x0] =	vst v1  }
0x4c: {  	v1 =	vld [tilespmem:$0x1210];
	_ =	sdelay $0x2  }
0x4d: {  	s0 =	sadd.s32 s24, s0  }
0x4e: {  	v6 =	vld [tilespmem:s0+$0x180]  }
0x4f: {  	v2 =	vld [tilespmem:s0+$0x100];
	v1 =	vperm.xlane v1, v5  }
0x50: {  	v3 =	vld [tilespmem:s0+$0x80]  }
0x51: {  	[tilespmem:s26+$0x80] =	vst v1  }
0x52: {  	v1 =	vld [tilespmem:$0x1220];
	_ =	sdelay $0x1  }
0x53: {  	v2 =	vshll.u32 v2, $0x1  }
0x54: {  	v6 =	vshll.u32 v6, $0x2;
	v3 =	vand.u32 $0x1, v3;
	v2 =	vand.u32 $0x2, v2  }
0x55: {  	v2 =	vor.u32 v3, v2;
	v3 =	vand.u32 $0x4, v6  }
0x56: {  	v7 =	vor.u32 v3, v2;
	v1 =	vperm.xlane v1, v5  }
0x57: {  	v2 =	vperm.xlane v4, v7  }
0x58: {  	s20 =	sadd.s32 s24, s6;
	[tilespmem:s26+$0x100] =	vst v1  }
0x59: {  	[tilespmem:s20+$0x0] =	vst v2;
	v1 =	vld [tilespmem:$0x1230]  }
0x5a: {  	v2 =	vld [tilespmem:$0x1210];
	_ =	sdelay $0x3  }
0x5b: {  	v1 =	vperm.xlane v1, v5  }
0x5c: {  	v2 =	vperm.xlane v2, v7  }
0x5d: {  	[tilespmem:s26+$0x180] =	vst v1  }
0x5e: {  	[tilespmem:s20+$0x80] =	vst v2;
	v1 =	vld [tilespmem:$0x1240]  }
0x5f: {  	v2 =	vld [tilespmem:$0x1220];
	_ =	sdelay $0x3  }
0x60: {  	v1 =	vperm.xlane v1, v5  }
0x61: {  	v2 =	vperm.xlane v2, v7  }
0x62: {  	[tilespmem:s26+$0x200] =	vst v1  }
0x63: {  	[tilespmem:s20+$0x100] =	vst v2;
	v1 =	vld [tilespmem:$0x1250]  }
0x64: {  	v2 =	vld [tilespmem:$0x1230];
	_ =	sdelay $0x3  }
0x65: {  	v1 =	vperm.xlane v1, v5  }
0x66: {  	v2 =	vperm.xlane v2, v7  }
0x67: {  	[tilespmem:s26+$0x280] =	vst v1  }
0x68: {  	[tilespmem:s20+$0x180] =	vst v2;
	v1 =	vld [tilespmem:$0x1260]  }
0x69: {  	v2 =	vld [tilespmem:$0x1240];
	_ =	sdelay $0x3  }
0x6a: {  	v1 =	vperm.xlane v1, v5  }
0x6b: {  	v2 =	vperm.xlane v2, v7  }
0x6c: {  	[tilespmem:s26+$0x300] =	vst v1  }
0x6d: {  	[tilespmem:s20+$0x200] =	vst v2;
	v1 =	vld [tilespmem:$0x1270]  }
0x6e: {  	v2 =	vld [tilespmem:$0x1250];
	_ =	sdelay $0x3  }
0x6f: {  	v1 =	vperm.xlane v1, v5  }
0x70: {  	v2 =	vperm.xlane v2, v7  }
0x71: {  	[tilespmem:s26+$0x380] =	vst v1  }
0x72: {  	[tilespmem:s20+$0x280] =	vst v2;
	v1 =	vld [tilespmem:$0x1280]  }
0x73: {  	v2 =	vld [tilespmem:$0x1260];
	_ =	sdelay $0x3  }
0x74: {  	v1 =	vperm.xlane v1, v5  }
0x75: {  	v2 =	vperm.xlane v2, v7  }
0x76: {  	[tilespmem:s26+$0x1000] =	vst v1  }
0x77: {  	[tilespmem:s20+$0x300] =	vst v2;
	v1 =	vld [tilespmem:$0x1290]  }
0x78: {  	v2 =	vld [tilespmem:$0x1270];
	_ =	sdelay $0x3  }
0x79: {  	v1 =	vperm.xlane v1, v5  }
0x7a: {  	v2 =	vperm.xlane v2, v7  }
0x7b: {  	[tilespmem:s26+$0x1080] =	vst v1  }
0x7c: {  	[tilespmem:s20+$0x380] =	vst v2;
	v1 =	vld [tilespmem:$0x12A0]  }
0x7d: {  	v2 =	vld [tilespmem:$0x1280];
	_ =	sdelay $0x3  }
0x7e: {  	v1 =	vperm.xlane v1, v5  }
0x7f: {  	v2 =	vperm.xlane v2, v7  }
0x80: {  	[tilespmem:s26+$0x1100] =	vst v1  }
0x81: {  	[tilespmem:s20+$0x1000] =	vst v2;
	v1 =	vld [tilespmem:$0x12B0]  }
0x82: {  	v2 =	vld [tilespmem:$0x1290];
	_ =	sdelay $0x3  }
0x83: {  	v1 =	vperm.xlane v1, v5  }
0x84: {  	v2 =	vperm.xlane v2, v7  }
0x85: {  	[tilespmem:s26+$0x1180] =	vst v1  }
0x86: {  	[tilespmem:s20+$0x1080] =	vst v2;
	v1 =	vld [tilespmem:$0x12C0]  }
0x87: {  	v2 =	vld [tilespmem:$0x12A0];
	_ =	sdelay $0x3  }
0x88: {  	v1 =	vperm.xlane v1, v5  }
0x89: {  	v2 =	vperm.xlane v2, v7  }
0x8a: {  	[tilespmem:s26+$0x1200] =	vst v1  }
0x8b: {  	[tilespmem:s20+$0x1100] =	vst v2;
	v1 =	vld [tilespmem:$0x12D0]  }
0x8c: {  	v2 =	vld [tilespmem:$0x12B0];
	_ =	sdelay $0x3  }
0x8d: {  	v1 =	vperm.xlane v1, v5  }
0x8e: {  	v2 =	vperm.xlane v2, v7  }
0x8f: {  	[tilespmem:s26+$0x1280] =	vst v1  }
0x90: {  	[tilespmem:s20+$0x1180] =	vst v2;
	v1 =	vld [tilespmem:$0x12E0]  }
0x91: {  	v2 =	vld [tilespmem:$0x12C0];
	_ =	sdelay $0x3  }
0x92: {  	v1 =	vperm.xlane v1, v5  }
0x93: {  	v2 =	vperm.xlane v2, v7  }
0x94: {  	[tilespmem:s26+$0x1300] =	vst v1  }
0x95: {  	[tilespmem:s20+$0x1200] =	vst v2;
	v1 =	vld [tilespmem:$0x12F0]  }
0x96: {  	s14 =	simm.s32 $0x80;
	s21 =	simm.s32 $0x20;
	v2 =	vld [tilespmem:$0x12D0]  }
0x97: {  	s3 =	sand.u32 $0x60, s21;
	s0 =	sand.u32 $0x3FFFFE00, s14  }
0x98: {  	s22 =	sor.u32 $0x10, s3;
	s0 =	sadd.s32 s0, s23  }
0x99: {  	s24 =	sadd.s32 s22, s0  }
0x9a: {  	v6 =	vld [tilespmem:s24+$0x180];
	v1 =	vperm.xlane v1, v5  }
0x9b: {  	v4 =	vld [tilespmem:s24+$0x100];
	v2 =	vperm.xlane v2, v7  }
0x9c: {  	v3 =	vld [tilespmem:s24+$0x80];
	[tilespmem:s26+$0x1380] =	vst v1  }
0x9d: {  	[tilespmem:s20+$0x1280] =	vst v2;
	v1 =	vld [tilespmem:$0x1300]  }
0x9e: {  	v2 =	vld [tilespmem:$0x12E0]  }
0x9f: {  	v9 =	vld [tilespmem:$0x1200]  }
0xa0: {  	v4 =	vshll.u32 v4, $0x1  }
0xa1: {  	v6 =	vshll.u32 v6, $0x2;
	v3 =	vand.u32 $0x1, v3;
	v4 =	vand.u32 $0x2, v4  }
0xa2: {  	s25 =	simm.s32 $0x100;
	s0 =	sadd.s32 s3, s0;
	v3 =	vor.u32 v3, v4;
	v4 =	vand.u32 $0x4, v6;
	v1 =	vperm.xlane v1, v5  }
0xa3: {  	s9 =	sand.u32 $0x3FFFFC00, s25;
	v10 =	vld [tilespmem:s0+$0x180];
	v8 =	vor.u32 v4, v3;
	v2 =	vperm.xlane v2, v7  }
0xa4: {  	s9 =	sadd.s32 s9, s19;
	v6 =	vld [tilespmem:s0+$0x100];
	v3 =	vperm.xlane v9, v8;
	[tilespmem:s26+$0x2000] =	vst v1  }
0xa5: {  	s30 =	sadd.s32 s22, s9;
	[tilespmem:s20+$0x1300] =	vst v2;
	v1 =	vld [tilespmem:$0x1310]  }
0xa6: {  	[tilespmem:s30+$0x0] =	vst v3;
	v4 =	vld [tilespmem:$0x12F0]  }
0xa7: {  	v3 =	vld [tilespmem:$0x1210]  }
0xa8: {  	v2 =	vld [tilespmem:s0+$0x80];
	_ =	sdelay $0x1  }
0xa9: {  	v1 =	vperm.xlane v1, v5  }
0xaa: {  	v4 =	vperm.xlane v4, v7  }
0xab: {  	v3 =	vperm.xlane v3, v8;
	[tilespmem:s26+$0x2080] =	vst v1;
	v1 =	vshll.u32 v6, $0x1  }
0xac: {  	v10 =	vshll.u32 v10, $0x2;
	v2 =	vand.u32 $0x1, v2;
	[tilespmem:s20+$0x1380] =	vst v4;
	v6 =	vld [tilespmem:$0x1320];
	v1 =	vand.u32 $0x2, v1  }
0xad: {  	[tilespmem:s30+$0x80] =	vst v3;
	v4 =	vld [tilespmem:$0x1300];
	v1 =	vor.u32 v2, v1;
	v2 =	vand.u32 $0x4, v10  }
0xae: {  	v1 =	vor.u32 v2, v1;
	v2 =	vld [tilespmem:$0x1220];
	_ =	sdelay $0x1  }
0xaf: {  	v3 =	vperm.xlane v9, v1  }
0xb0: {  	s21 =	sadd.s32 s3, s9;
	v6 =	vperm.xlane v6, v5  }
0xb1: {  	v4 =	vperm.xlane v4, v7;
	[tilespmem:s21+$0x0] =	vst v3  }
0xb2: {  	v3 =	vld [tilespmem:$0x1210];
	[tilespmem:s26+$0x2100] =	vst v6;
	v2 =	vperm.xlane v2, v8  }
0xb3: {  	[tilespmem:s20+$0x2000] =	vst v4;
	v6 =	vld [tilespmem:$0x1330]  }
0xb4: {  	v4 =	vld [tilespmem:$0x1310];
	[tilespmem:s30+$0x100] =	vst v2  }
0xb5: {  	v2 =	vld [tilespmem:$0x1230];
	_ =	sdelay $0x1  }
0xb6: {  	v3 =	vperm.xlane v3, v1  }
0xb7: {  	v6 =	vperm.xlane v6, v5  }
0xb8: {  	v4 =	vperm.xlane v4, v7;
	[tilespmem:s21+$0x80] =	vst v3  }
0xb9: {  	v3 =	vld [tilespmem:$0x1220];
	[tilespmem:s26+$0x2180] =	vst v6;
	v2 =	vperm.xlane v2, v8  }
0xba: {  	[tilespmem:s20+$0x2080] =	vst v4;
	v6 =	vld [tilespmem:$0x1340]  }
0xbb: {  	v4 =	vld [tilespmem:$0x1320];
	[tilespmem:s30+$0x180] =	vst v2  }
0xbc: {  	v2 =	vld [tilespmem:$0x1240];
	_ =	sdelay $0x1  }
0xbd: {  	v3 =	vperm.xlane v3, v1  }
0xbe: {  	v6 =	vperm.xlane v6, v5  }
0xbf: {  	v4 =	vperm.xlane v4, v7;
	[tilespmem:s21+$0x100] =	vst v3  }
0xc0: {  	v3 =	vld [tilespmem:$0x1230];
	[tilespmem:s26+$0x2200] =	vst v6;
	v2 =	vperm.xlane v2, v8  }
0xc1: {  	[tilespmem:s20+$0x2100] =	vst v4;
	v6 =	vld [tilespmem:$0x1350]  }
0xc2: {  	v4 =	vld [tilespmem:$0x1330];
	[tilespmem:s30+$0x200] =	vst v2  }
0xc3: {  	v2 =	vld [tilespmem:$0x1250];
	_ =	sdelay $0x1  }
0xc4: {  	v3 =	vperm.xlane v3, v1  }
0xc5: {  	v6 =	vperm.xlane v6, v5  }
0xc6: {  	v4 =	vperm.xlane v4, v7;
	[tilespmem:s21+$0x180] =	vst v3  }
0xc7: {  	v3 =	vld [tilespmem:$0x1240];
	[tilespmem:s26+$0x2280] =	vst v6;
	v2 =	vperm.xlane v2, v8  }
0xc8: {  	[tilespmem:s20+$0x2180] =	vst v4;
	v6 =	vld [tilespmem:$0x1360]  }
0xc9: {  	v4 =	vld [tilespmem:$0x1340];
	[tilespmem:s30+$0x280] =	vst v2  }
0xca: {  	v2 =	vld [tilespmem:$0x1260];
	_ =	sdelay $0x1  }
0xcb: {  	v3 =	vperm.xlane v3, v1  }
0xcc: {  	v6 =	vperm.xlane v6, v5  }
0xcd: {  	v4 =	vperm.xlane v4, v7;
	[tilespmem:s21+$0x200] =	vst v3  }
0xce: {  	v3 =	vld [tilespmem:$0x1250];
	[tilespmem:s26+$0x2300] =	vst v6;
	v2 =	vperm.xlane v2, v8  }
0xcf: {  	[tilespmem:s20+$0x2200] =	vst v4;
	v6 =	vld [tilespmem:$0x1370]  }
0xd0: {  	v4 =	vld [tilespmem:$0x1350];
	[tilespmem:s30+$0x300] =	vst v2  }
0xd1: {  	v2 =	vld [tilespmem:$0x1270];
	_ =	sdelay $0x1  }
0xd2: {  	v3 =	vperm.xlane v3, v1  }
0xd3: {  	v6 =	vperm.xlane v6, v5  }
0xd4: {  	v4 =	vperm.xlane v4, v7;
	[tilespmem:s21+$0x280] =	vst v3  }
0xd5: {  	v3 =	vld [tilespmem:$0x1260];
	[tilespmem:s26+$0x2380] =	vst v6;
	v2 =	vperm.xlane v2, v8  }
0xd6: {  	[tilespmem:s20+$0x2280] =	vst v4;
	v6 =	vld [tilespmem:$0x1380]  }
0xd7: {  	v4 =	vld [tilespmem:$0x1360];
	[tilespmem:s30+$0x380] =	vst v2  }
0xd8: {  	v2 =	vld [tilespmem:$0x1280];
	_ =	sdelay $0x1  }
0xd9: {  	v3 =	vperm.xlane v3, v1  }
0xda: {  	v6 =	vperm.xlane v6, v5  }
0xdb: {  	v4 =	vperm.xlane v4, v7;
	[tilespmem:s21+$0x300] =	vst v3  }
0xdc: {  	v3 =	vld [tilespmem:$0x1270];
	[tilespmem:s26+$0x3000] =	vst v6;
	v2 =	vperm.xlane v2, v8  }
0xdd: {  	[tilespmem:s20+$0x2300] =	vst v4;
	v6 =	vld [tilespmem:$0x1390]  }
0xde: {  	v4 =	vld [tilespmem:$0x1370];
	[tilespmem:s30+$0x1000] =	vst v2  }
0xdf: {  	v2 =	vld [tilespmem:$0x1290];
	_ =	sdelay $0x1  }
0xe0: {  	v3 =	vperm.xlane v3, v1  }
0xe1: {  	v6 =	vperm.xlane v6, v5  }
0xe2: {  	v4 =	vperm.xlane v4, v7;
	[tilespmem:s21+$0x380] =	vst v3  }
0xe3: {  	v3 =	vld [tilespmem:$0x1280];
	[tilespmem:s26+$0x3080] =	vst v6;
	v2 =	vperm.xlane v2, v8  }
0xe4: {  	[tilespmem:s20+$0x2380] =	vst v4;
	v6 =	vld [tilespmem:$0x13A0]  }
0xe5: {  	v4 =	vld [tilespmem:$0x1380];
	[tilespmem:s30+$0x1080] =	vst v2  }
0xe6: {  	v2 =	vld [tilespmem:$0x12A0];
	_ =	sdelay $0x1  }
0xe7: {  	v3 =	vperm.xlane v3, v1  }
0xe8: {  	v6 =	vperm.xlane v6, v5  }
0xe9: {  	v4 =	vperm.xlane v4, v7;
	[tilespmem:s21+$0x1000] =	vst v3  }
0xea: {  	v3 =	vld [tilespmem:$0x1290];
	[tilespmem:s26+$0x3100] =	vst v6;
	v2 =	vperm.xlane v2, v8  }
0xeb: {  	v6 =	vld [tilespmem:$0x13B0];
	[tilespmem:s20+$0x3000] =	vst v4  }
0xec: {  	[tilespmem:s30+$0x1100] =	vst v2  }
0xed: {  	v2 =	vld [tilespmem:$0x12B0];
	_ =	sdelay $0x3  }
0xee: {  	v4 =	vperm.xlane v6, v5  }
0xef: {  	v2 =	vperm.xlane v2, v8  }
0xf0: {  	v6 =	vld [tilespmem:$0x1390];
	[tilespmem:s26+$0x3180] =	vst v4  }
0xf1: {  	v4 =	vld [tilespmem:$0x13C0];
	[tilespmem:s30+$0x1180] =	vst v2  }
0xf2: {  	v2 =	vld [tilespmem:$0x12C0]  }
0xf3: {  	v3 =	vperm.xlane v3, v1;
	_ =	sdelay $0x1  }
0xf4: {  	[tilespmem:s21+$0x1080] =	vst v3;
	v6 =	vperm.xlane v6, v7  }
0xf5: {  	v3 =	vperm.xlane v4, v5;
	v4 =	vld [tilespmem:$0x12A0]  }
0xf6: {  	[tilespmem:s20+$0x3080] =	vst v6;
	v2 =	vperm.xlane v2, v8  }
0xf7: {  	v6 =	vld [tilespmem:$0x13A0];
	[tilespmem:s26+$0x3200] =	vst v3  }
0xf8: {  	v3 =	vld [tilespmem:$0x13D0];
	[tilespmem:s30+$0x1200] =	vst v2  }
0xf9: {  	v2 =	vld [tilespmem:$0x12D0]  }
0xfa: {  	v4 =	vperm.xlane v4, v1;
	_ =	sdelay $0x1  }
0xfb: {  	v6 =	vperm.xlane v6, v7;
	[tilespmem:s21+$0x1100] =	vst v4  }
0xfc: {  	v3 =	vperm.xlane v3, v5;
	v4 =	vld [tilespmem:$0x12B0]  }
0xfd: {  	[tilespmem:s20+$0x3100] =	vst v6;
	v2 =	vperm.xlane v2, v8  }
0xfe: {  	v6 =	vld [tilespmem:$0x13B0];
	[tilespmem:s26+$0x3280] =	vst v3  }
0xff: {  	v3 =	vld [tilespmem:$0x13E0];
	[tilespmem:s30+$0x1280] =	vst v2  }
0x100: {  	v2 =	vld [tilespmem:$0x12E0]  }
0x101: {  	v4 =	vperm.xlane v4, v1;
	_ =	sdelay $0x1  }
0x102: {  	v6 =	vperm.xlane v6, v7;
	[tilespmem:s21+$0x1180] =	vst v4  }
0x103: {  	v3 =	vperm.xlane v3, v5;
	v4 =	vld [tilespmem:$0x12C0]  }
0x104: {  	[tilespmem:s20+$0x3180] =	vst v6;
	v2 =	vperm.xlane v2, v8  }
0x105: {  	v6 =	vld [tilespmem:$0x13C0];
	[tilespmem:s26+$0x3300] =	vst v3  }
0x106: {  	s13 =	simm.s32 $0x40;
	s11 =	simm.s32 $0x100;
	v3 =	vld [tilespmem:$0x13F0];
	[tilespmem:s30+$0x1300] =	vst v2  }
0x107: {  	s3 =	sand.u32 $0x60, s13;
	s0 =	sand.u32 $0x3FFFFE00, s11;
	v2 =	vld [tilespmem:$0x12F0]  }
0x108: {  	s14 =	sor.u32 $0x10, s3;
	s0 =	sadd.s32 s0, s23;
	v4 =	vperm.xlane v4, v1  }
0x109: {  	s22 =	sadd.s32 s14, s0  }
0x10a: {  	v9 =	vld [tilespmem:s22+$0x80];
	v6 =	vperm.xlane v6, v7;
	[tilespmem:s21+$0x1200] =	vst v4  }
0x10b: {  	v3 =	vperm.xlane v3, v5;
	v4 =	vld [tilespmem:$0x12D0]  }
0x10c: {  	v10 =	vld [tilespmem:s22+$0x100];
	[tilespmem:s20+$0x3200] =	vst v6;
	v2 =	vperm.xlane v2, v8  }
0x10d: {  	v6 =	vld [tilespmem:$0x13D0];
	[tilespmem:s26+$0x3380] =	vst v3  }
0x10e: {  	v3 =	vld [tilespmem:$0x1400];
	[tilespmem:s30+$0x1380] =	vst v2  }
0x10f: {  	v2 =	vld [tilespmem:$0x1300]  }
0x110: {  	v11 =	vld [tilespmem:s22+$0x180];
	v4 =	vperm.xlane v4, v1;
	_ =	sdelay $0x1  }
0x111: {  	[tilespmem:s21+$0x1280] =	vst v4;
	v4 =	vperm.xlane v6, v7  }
0x112: {  	v12 =	vld [tilespmem:$0x1200];
	v3 =	vperm.xlane v3, v5  }
0x113: {  	v6 =	vshll.u32 v10, $0x1;
	[tilespmem:s20+$0x3280] =	vst v4;
	v2 =	vperm.xlane v2, v8  }
0x114: {  	v9 =	vand.u32 $0x1, v9;
	v10 =	vshll.u32 v11, $0x2;
	v13 =	vld [tilespmem:$0x12E0];
	v6 =	vand.u32 $0x2, v6;
	[tilespmem:s26+$0x4000] =	vst v3  }
0x115: {  	s24 =	simm.s32 $0x200;
	v3 =	vand.u32 $0x4, v10;
	v4 =	vld [tilespmem:$0x1410];
	[tilespmem:s30+$0x2000] =	vst v2;
	v2 =	vor.u32 v9, v6  }
0x116: {  	s9 =	sand.u32 $0x3FFFFC00, s24;
	s25 =	sadd.s32 s3, s0;
	v6 =	vld [tilespmem:$0x1310];
	v10 =	vor.u32 v3, v2  }
0x117: {  	s9 =	sadd.s32 s9, s19;
	v9 =	vld [tilespmem:s25+$0x100];
	v3 =	vperm.xlane v12, v10  }
0x118: {  	s0 =	sadd.s32 s14, s9;
	v2 =	vld [tilespmem:$0x13E0]  }
0x119: {  	v11 =	vperm.xlane v13, v1;
	v13 =	vld [tilespmem:s25+$0x80];
	[tilespmem:s0+$0x0] =	vst v3  }
0x11a: {  	v4 =	vperm.xlane v4, v5;
	v3 =	vld [tilespmem:$0x1210]  }
0x11b: {  	[tilespmem:s21+$0x1300] =	vst v11;
	v11 =	vld [tilespmem:s25+$0x180];
	v6 =	vperm.xlane v6, v8  }
0x11c: {  	[tilespmem:s26+$0x4080] =	vst v4  }
0x11d: {  	v2 =	vperm.xlane v2, v7;
	[tilespmem:s30+$0x2080] =	vst v6;
	v6 =	vld [tilespmem:$0x1420]  }
0x11e: {  	v4 =	vld [tilespmem:$0x1320]  }
0x11f: {  	[tilespmem:s20+$0x3300] =	vst v2;
	v2 =	vshll.u32 v9, $0x1;
	v3 =	vperm.xlane v3, v10  }
0x120: {  	v13 =	vand.u32 $0x1, v13;
	v11 =	vshll.u32 v11, $0x2;
	v2 =	vand.u32 $0x2, v2;
	v9 =	vld [tilespmem:$0x13F0]  }
0x121: {  	v14 =	vld [tilespmem:$0x12F0];
	v2 =	vor.u32 v13, v2;
	[tilespmem:s0+$0x80] =	vst v3;
	v3 =	vand.u32 $0x4, v11  }
0x122: {  	v11 =	vld [tilespmem:$0x1220];
	v2 =	vor.u32 v3, v2;
	v3 =	vperm.xlane v6, v5  }
0x123: {  	v4 =	vperm.xlane v4, v8  }
0x124: {  	v6 =	vperm.xlane v12, v2;
	[tilespmem:s26+$0x4100] =	vst v3  }
0x125: {  	s22 =	sadd.s32 s3, s9;
	[tilespmem:s30+$0x2100] =	vst v4;
	v4 =	vperm.xlane v9, v7  }
0x126: {  	v14 =	vperm.xlane v14, v1;
	[tilespmem:s22+$0x0] =	vst v6;
	v3 =	vld [tilespmem:$0x1330]  }
0x127: {  	v6 =	vld [tilespmem:$0x1430];
	[tilespmem:s20+$0x3380] =	vst v4;
	v4 =	vperm.xlane v11, v10  }
0x128: {  	[tilespmem:s21+$0x1380] =	vst v14;
	v11 =	vld [tilespmem:$0x1400]  }
0x129: {  	v12 =	vld [tilespmem:$0x1300];
	[tilespmem:s0+$0x100] =	vst v4  }
0x12a: {  	v4 =	vld [tilespmem:$0x1230]  }
0x12b: {  	v3 =	vperm.xlane v3, v8  }
0x12c: {  	v9 =	vld [tilespmem:$0x1210];
	v6 =	vperm.xlane v6, v5  }
0x12d: {  	[tilespmem:s30+$0x2180] =	vst v3;
	v3 =	vperm.xlane v11, v7  }
0x12e: {  	v12 =	vperm.xlane v12, v1;
	[tilespmem:s26+$0x4180] =	vst v6;
	v6 =	vld [tilespmem:$0x1340]  }
0x12f: {  	[tilespmem:s20+$0x4000] =	vst v3;
	v3 =	vperm.xlane v4, v10  }
0x130: {  	[tilespmem:s21+$0x2000] =	vst v12  }
0x131: {  	v9 =	vperm.xlane v9, v2;
	v12 =	vld [tilespmem:$0x1310];
	[tilespmem:s0+$0x180] =	vst v3  }
0x132: {  	v3 =	vld [tilespmem:$0x1240]  }
0x133: {  	[tilespmem:s22+$0x80] =	vst v9;
	v6 =	vperm.xlane v6, v8  }
0x134: {  	v11 =	vld [tilespmem:$0x1220]  }
0x135: {  	v9 =	vld [tilespmem:$0x1440];
	[tilespmem:s30+$0x2200] =	vst v6  }
0x136: {  	v12 =	vperm.xlane v12, v1;
	v6 =	vld [tilespmem:$0x1350]  }
0x137: {  	v3 =	vperm.xlane v3, v10  }
0x138: {  	v4 =	vld [tilespmem:$0x1410];
	[tilespmem:s21+$0x2080] =	vst v12  }
0x139: {  	v11 =	vperm.xlane v11, v2;
	v12 =	vld [tilespmem:$0x1320];
	[tilespmem:s0+$0x200] =	vst v3  }
0x13a: {  	v9 =	vperm.xlane v9, v5;
	v3 =	vld [tilespmem:$0x1250]  }
0x13b: {  	[tilespmem:s22+$0x100] =	vst v11;
	v6 =	vperm.xlane v6, v8  }
0x13c: {  	[tilespmem:s26+$0x4200] =	vst v9;
	v11 =	vld [tilespmem:$0x1230]  }
0x13d: {  	v4 =	vperm.xlane v4, v7;
	v9 =	vld [tilespmem:$0x1450];
	[tilespmem:s30+$0x2280] =	vst v6  }
0x13e: {  	v12 =	vperm.xlane v12, v1;
	v6 =	vld [tilespmem:$0x1360]  }
0x13f: {  	[tilespmem:s20+$0x4080] =	vst v4;
	v3 =	vperm.xlane v3, v10  }
0x140: {  	v4 =	vld [tilespmem:$0x1420];
	[tilespmem:s21+$0x2100] =	vst v12  }
0x141: {  	v11 =	vperm.xlane v11, v2;
	v12 =	vld [tilespmem:$0x1330];
	[tilespmem:s0+$0x280] =	vst v3  }
0x142: {  	v9 =	vperm.xlane v9, v5;
	v3 =	vld [tilespmem:$0x1260]  }
0x143: {  	[tilespmem:s22+$0x180] =	vst v11;
	v6 =	vperm.xlane v6, v8  }
0x144: {  	[tilespmem:s26+$0x4280] =	vst v9;
	v11 =	vld [tilespmem:$0x1240]  }
0x145: {  	v4 =	vperm.xlane v4, v7;
	v9 =	vld [tilespmem:$0x1460];
	[tilespmem:s30+$0x2300] =	vst v6  }
0x146: {  	v12 =	vperm.xlane v12, v1;
	v6 =	vld [tilespmem:$0x1370]  }
0x147: {  	[tilespmem:s20+$0x4100] =	vst v4;
	v3 =	vperm.xlane v3, v10  }
0x148: {  	v4 =	vld [tilespmem:$0x1430];
	[tilespmem:s21+$0x2180] =	vst v12  }
0x149: {  	v11 =	vperm.xlane v11, v2;
	v12 =	vld [tilespmem:$0x1340];
	[tilespmem:s0+$0x300] =	vst v3  }
0x14a: {  	v9 =	vperm.xlane v9, v5;
	v3 =	vld [tilespmem:$0x1270]  }
0x14b: {  	[tilespmem:s22+$0x200] =	vst v11;
	v6 =	vperm.xlane v6, v8  }
0x14c: {  	[tilespmem:s26+$0x4300] =	vst v9;
	v11 =	vld [tilespmem:$0x1250]  }
0x14d: {  	v4 =	vperm.xlane v4, v7;
	v9 =	vld [tilespmem:$0x1470];
	[tilespmem:s30+$0x2380] =	vst v6  }
0x14e: {  	v12 =	vperm.xlane v12, v1;
	v6 =	vld [tilespmem:$0x1380]  }
0x14f: {  	[tilespmem:s20+$0x4180] =	vst v4;
	v3 =	vperm.xlane v3, v10  }
0x150: {  	v4 =	vld [tilespmem:$0x1440];
	[tilespmem:s21+$0x2200] =	vst v12  }
0x151: {  	v11 =	vperm.xlane v11, v2;
	v12 =	vld [tilespmem:$0x1350];
	[tilespmem:s0+$0x380] =	vst v3  }
0x152: {  	v9 =	vperm.xlane v9, v5;
	v3 =	vld [tilespmem:$0x1280]  }
0x153: {  	[tilespmem:s22+$0x280] =	vst v11;
	v6 =	vperm.xlane v6, v8  }
0x154: {  	[tilespmem:s26+$0x4380] =	vst v9;
	v11 =	vld [tilespmem:$0x1260]  }
0x155: {  	v4 =	vperm.xlane v4, v7;
	v9 =	vld [tilespmem:$0x1480];
	[tilespmem:s30+$0x3000] =	vst v6  }
0x156: {  	v12 =	vperm.xlane v12, v1;
	v6 =	vld [tilespmem:$0x1390]  }
0x157: {  	[tilespmem:s20+$0x4200] =	vst v4;
	v3 =	vperm.xlane v3, v10  }
0x158: {  	v4 =	vld [tilespmem:$0x1450];
	[tilespmem:s21+$0x2280] =	vst v12  }
0x159: {  	v11 =	vperm.xlane v11, v2;
	v12 =	vld [tilespmem:$0x1360];
	[tilespmem:s0+$0x1000] =	vst v3  }
0x15a: {  	v9 =	vperm.xlane v9, v5;
	v3 =	vld [tilespmem:$0x1290]  }
0x15b: {  	[tilespmem:s22+$0x300] =	vst v11;
	v6 =	vperm.xlane v6, v8  }
0x15c: {  	[tilespmem:s26+$0x5000] =	vst v9;
	v11 =	vld [tilespmem:$0x1270]  }
0x15d: {  	v4 =	vperm.xlane v4, v7;
	v9 =	vld [tilespmem:$0x1490];
	[tilespmem:s30+$0x3080] =	vst v6  }
0x15e: {  	v12 =	vperm.xlane v12, v1;
	v6 =	vld [tilespmem:$0x13A0]  }
0x15f: {  	[tilespmem:s20+$0x4280] =	vst v4;
	v3 =	vperm.xlane v3, v10  }
0x160: {  	v4 =	vld [tilespmem:$0x1460];
	[tilespmem:s21+$0x2300] =	vst v12  }
0x161: {  	v11 =	vperm.xlane v11, v2;
	v12 =	vld [tilespmem:$0x1370];
	[tilespmem:s0+$0x1080] =	vst v3  }
0x162: {  	v9 =	vperm.xlane v9, v5;
	v3 =	vld [tilespmem:$0x12A0]  }
0x163: {  	[tilespmem:s22+$0x380] =	vst v11;
	v6 =	vperm.xlane v6, v8  }
0x164: {  	[tilespmem:s26+$0x5080] =	vst v9;
	v11 =	vld [tilespmem:$0x1280]  }
0x165: {  	v4 =	vperm.xlane v4, v7;
	v9 =	vld [tilespmem:$0x14A0];
	[tilespmem:s30+$0x3100] =	vst v6  }
0x166: {  	v12 =	vperm.xlane v12, v1;
	v6 =	vld [tilespmem:$0x13B0]  }
0x167: {  	[tilespmem:s20+$0x4300] =	vst v4;
	v3 =	vperm.xlane v3, v10  }
0x168: {  	v4 =	vld [tilespmem:$0x1470];
	[tilespmem:s21+$0x2380] =	vst v12  }
0x169: {  	v11 =	vperm.xlane v11, v2;
	v12 =	vld [tilespmem:$0x1380];
	[tilespmem:s0+$0x1100] =	vst v3  }
0x16a: {  	v9 =	vperm.xlane v9, v5;
	v3 =	vld [tilespmem:$0x12B0]  }
0x16b: {  	[tilespmem:s22+$0x1000] =	vst v11;
	v6 =	vperm.xlane v6, v8  }
0x16c: {  	[tilespmem:s26+$0x5100] =	vst v9;
	v11 =	vld [tilespmem:$0x1290]  }
0x16d: {  	v4 =	vperm.xlane v4, v7;
	v9 =	vld [tilespmem:$0x14B0];
	[tilespmem:s30+$0x3180] =	vst v6  }
0x16e: {  	v12 =	vperm.xlane v12, v1;
	v6 =	vld [tilespmem:$0x13C0]  }
0x16f: {  	[tilespmem:s20+$0x4380] =	vst v4;
	v3 =	vperm.xlane v3, v10  }
0x170: {  	v4 =	vld [tilespmem:$0x1480];
	[tilespmem:s21+$0x3000] =	vst v12  }
0x171: {  	v11 =	vperm.xlane v11, v2;
	v12 =	vld [tilespmem:$0x1390];
	[tilespmem:s0+$0x1180] =	vst v3  }
0x172: {  	v9 =	vperm.xlane v9, v5;
	v3 =	vld [tilespmem:$0x12C0]  }
0x173: {  	[tilespmem:s22+$0x1080] =	vst v11;
	v6 =	vperm.xlane v6, v8  }
0x174: {  	[tilespmem:s26+$0x5180] =	vst v9;
	v11 =	vld [tilespmem:$0x12A0]  }
0x175: {  	v4 =	vperm.xlane v4, v7;
	v9 =	vld [tilespmem:$0x14C0];
	[tilespmem:s30+$0x3200] =	vst v6  }
0x176: {  	v12 =	vperm.xlane v12, v1;
	v6 =	vld [tilespmem:$0x13D0]  }
0x177: {  	[tilespmem:s20+$0x5000] =	vst v4;
	v3 =	vperm.xlane v3, v10  }
0x178: {  	v4 =	vld [tilespmem:$0x1490];
	[tilespmem:s21+$0x3080] =	vst v12  }
0x179: {  	v11 =	vperm.xlane v11, v2;
	v12 =	vld [tilespmem:$0x13A0];
	[tilespmem:s0+$0x1200] =	vst v3  }
0x17a: {  	v9 =	vperm.xlane v9, v5;
	v3 =	vld [tilespmem:$0x12D0]  }
0x17b: {  	[tilespmem:s22+$0x1100] =	vst v11;
	v6 =	vperm.xlane v6, v8  }
0x17c: {  	[tilespmem:s26+$0x5200] =	vst v9;
	v11 =	vld [tilespmem:$0x12B0]  }
0x17d: {  	v4 =	vperm.xlane v4, v7;
	v9 =	vld [tilespmem:$0x14D0];
	[tilespmem:s30+$0x3280] =	vst v6  }
0x17e: {  	v12 =	vperm.xlane v12, v1;
	v6 =	vld [tilespmem:$0x13E0]  }
0x17f: {  	[tilespmem:s20+$0x5080] =	vst v4;
	v3 =	vperm.xlane v3, v10  }
0x180: {  	v4 =	vld [tilespmem:$0x14A0];
	[tilespmem:s21+$0x3100] =	vst v12  }
0x181: {  	v11 =	vperm.xlane v11, v2;
	v12 =	vld [tilespmem:$0x13B0];
	[tilespmem:s0+$0x1280] =	vst v3  }
0x182: {  	v9 =	vperm.xlane v9, v5;
	v3 =	vld [tilespmem:$0x12E0]  }
0x183: {  	s11 =	simm.s32 $0x60;
	s9 =	simm.s32 $0x180;
	v16 =	vld [tilespmem:$0x1200];
	[tilespmem:s22+$0x1180] =	vst v11;
	v6 =	vperm.xlane v6, v8  }
0x184: {  	s3 =	sand.u32 $0x60, s11;
	s6 =	sand.u32 $0x3FFFFE00, s9;
	[tilespmem:s26+$0x5280] =	vst v9;
	v11 =	vld [tilespmem:$0x12C0]  }
0x185: {  	s13 =	sor.u32 $0x10, s3;
	s6 =	sadd.s32 s6, s23;
	v4 =	vperm.xlane v4, v7;
	v9 =	vld [tilespmem:$0x14E0];
	[tilespmem:s30+$0x3300] =	vst v6  }
0x186: {  	s14 =	sadd.s32 s13, s6;
	v12 =	vperm.xlane v12, v1;
	v6 =	vld [tilespmem:$0x13F0]  }
0x187: {  	v15 =	vld [tilespmem:s14+$0x180];
	[tilespmem:s20+$0x5100] =	vst v4;
	v3 =	vperm.xlane v3, v10  }
0x188: {  	v4 =	vld [tilespmem:$0x14B0];
	[tilespmem:s21+$0x3180] =	vst v12  }
0x189: {  	v11 =	vperm.xlane v11, v2;
	v12 =	vld [tilespmem:$0x13C0];
	[tilespmem:s0+$0x1300] =	vst v3  }
0x18a: {  	s6 =	sadd.s32 s3, s6;
	v9 =	vperm.xlane v9, v5;
	v3 =	vld [tilespmem:$0x12F0]  }
0x18b: {  	v17 =	vld [tilespmem:s6+$0x100];
	[tilespmem:s22+$0x1200] =	vst v11;
	v6 =	vperm.xlane v6, v8  }
0x18c: {  	[tilespmem:s26+$0x5300] =	vst v9;
	v11 =	vld [tilespmem:$0x12D0]  }
0x18d: {  	v4 =	vperm.xlane v4, v7;
	v9 =	vld [tilespmem:$0x14F0];
	[tilespmem:s30+$0x3380] =	vst v6  }
0x18e: {  	v12 =	vperm.xlane v12, v1;
	v6 =	vld [tilespmem:$0x1400]  }
0x18f: {  	v13 =	vld [tilespmem:s14+$0x80];
	[tilespmem:s20+$0x5180] =	vst v4;
	v3 =	vperm.xlane v3, v10  }
0x190: {  	v4 =	vld [tilespmem:$0x14C0];
	[tilespmem:s21+$0x3200] =	vst v12  }
0x191: {  	v11 =	vperm.xlane v11, v2;
	v12 =	vld [tilespmem:$0x13D0];
	[tilespmem:s0+$0x1380] =	vst v3  }
0x192: {  	v9 =	vperm.xlane v9, v5;
	v3 =	vld [tilespmem:$0x1300]  }
0x193: {  	v14 =	vld [tilespmem:s14+$0x100];
	[tilespmem:s22+$0x1280] =	vst v11;
	v6 =	vperm.xlane v6, v8  }
0x194: {  	[tilespmem:s26+$0x5380] =	vst v9;
	v11 =	vld [tilespmem:$0x12E0]  }
0x195: {  	v4 =	vperm.xlane v4, v7;
	v9 =	vld [tilespmem:$0x1500];
	[tilespmem:s30+$0x4000] =	vst v6  }
0x196: {  	v12 =	vperm.xlane v12, v1;
	v6 =	vld [tilespmem:$0x1410]  }
0x197: {  	v18 =	vld [tilespmem:s6+$0x80];
	[tilespmem:s20+$0x5200] =	vst v4;
	v3 =	vperm.xlane v3, v10  }
0x198: {  	v15 =	vshll.u32 v15, $0x2;
	v14 =	vshll.u32 v14, $0x1;
	v4 =	vld [tilespmem:$0x14D0];
	[tilespmem:s21+$0x3280] =	vst v12  }
0x199: {  	v13 =	vand.u32 $0x1, v13;
	v14 =	vand.u32 $0x2, v14;
	v12 =	vld [tilespmem:$0x13E0];
	v11 =	vperm.xlane v11, v2;
	[tilespmem:s0+$0x2000] =	vst v3  }
0x19a: {  	s24 =	simm.s32 $0x300;
	v9 =	vperm.xlane v9, v5;
	v3 =	vor.u32 v13, v14;
	v13 =	vand.u32 $0x4, v15;
	v14 =	vld [tilespmem:$0x1310]  }
0x19b: {  	s25 =	sand.u32 $0x3FFFFC00, s24;
	[tilespmem:s22+$0x1300] =	vst v11;
	v11 =	vld [tilespmem:s6+$0x180];
	v3 =	vor.u32 v13, v3;
	v6 =	vperm.xlane v6, v8  }
0x19c: {  	[tilespmem:s26+$0x6000] =	vst v9;
	s6 =	sadd.s32 s25, s19;
	v15 =	vld [tilespmem:$0x12F0];
	v13 =	vperm.xlane v16, v3  }
0x19d: {  	v9 =	vld [tilespmem:$0x1510];
	v4 =	vperm.xlane v4, v7;
	s24 =	sadd.s32 s13, s6;
	[tilespmem:s30+$0x4080] =	vst v6  }
0x19e: {  	v12 =	vperm.xlane v12, v1;
	[tilespmem:s24+$0x0] =	vst v13;
	v6 =	vld [tilespmem:$0x1420]  }
0x19f: {  	[tilespmem:s20+$0x5280] =	vst v4;
	v13 =	vld [tilespmem:$0x1210];
	v14 =	vperm.xlane v14, v10  }
0x1a0: {  	[tilespmem:s21+$0x3300] =	vst v12  }
0x1a1: {  	v4 =	vand.u32 $0x1, v18;
	v12 =	vshll.u32 v17, $0x1;
	v17 =	vld [tilespmem:$0x13F0];
	v15 =	vperm.xlane v15, v2;
	[tilespmem:s0+$0x2080] =	vst v14  }
0x1a2: {  	v11 =	vshll.u32 v11, $0x2;
	v9 =	vperm.xlane v9, v5;
	v12 =	vand.u32 $0x2, v12;
	v14 =	vld [tilespmem:$0x1320]  }
0x1a3: {  	v11 =	vand.u32 $0x4, v11;
	v4 =	vor.u32 v4, v12;
	v12 =	vld [tilespmem:$0x14E0];
	[tilespmem:s22+$0x1380] =	vst v15;
	v6 =	vperm.xlane v6, v8  }
0x1a4: {  	[tilespmem:s26+$0x6080] =	vst v9;
	v4 =	vor.u32 v11, v4;
	v11 =	vperm.xlane v13, v3;
	v13 =	vld [tilespmem:$0x1300]  }
0x1a5: {  	v15 =	vld [tilespmem:$0x1520];
	[tilespmem:s30+$0x4100] =	vst v6;
	v6 =	vperm.xlane v16, v4  }
0x1a6: {  	s25 =	sadd.s32 s3, s6;
	v16 =	vperm.xlane v17, v1;
	[tilespmem:s24+$0x80] =	vst v11;
	v9 =	vld [tilespmem:$0x1430]  }
0x1a7: {  	[tilespmem:s25+$0x0] =	vst v6;
	v6 =	vld [tilespmem:$0x1220];
	v11 =	vperm.xlane v14, v10  }
0x1a8: {  	v12 =	vperm.xlane v12, v7;
	[tilespmem:s21+$0x3380] =	vst v16;
	v14 =	vld [tilespmem:$0x1210]  }
0x1a9: {  	v13 =	vperm.xlane v13, v2;
	[tilespmem:s0+$0x2100] =	vst v11;
	v11 =	vld [tilespmem:$0x1400]  }
0x1aa: {  	[tilespmem:s20+$0x5300] =	vst v12;
	v12 =	vperm.xlane v15, v5;
	v16 =	vld [tilespmem:$0x1330]  }
0x1ab: {  	[tilespmem:s22+$0x2000] =	vst v13;
	v13 =	vld [tilespmem:$0x14F0];
	v9 =	vperm.xlane v9, v8  }
0x1ac: {  	[tilespmem:s26+$0x6100] =	vst v12;
	v15 =	vld [tilespmem:$0x1310];
	v6 =	vperm.xlane v6, v3  }
0x1ad: {  	[tilespmem:s30+$0x4180] =	vst v9;
	v9 =	vperm.xlane v14, v4;
	v14 =	vld [tilespmem:$0x1530]  }
0x1ae: {  	v12 =	vld [tilespmem:$0x1440];
	[tilespmem:s24+$0x100] =	vst v6;
	v6 =	vperm.xlane v11, v1  }
0x1af: {  	[tilespmem:s25+$0x80] =	vst v9;
	v9 =	vld [tilespmem:$0x1230];
	v11 =	vperm.xlane v16, v10  }
0x1b0: {  	v16 =	vld [tilespmem:$0x1220];
	[tilespmem:s21+$0x4000] =	vst v6;
	v6 =	vperm.xlane v13, v7  }
0x1b1: {  	v13 =	vperm.xlane v15, v2;
	[tilespmem:s0+$0x2180] =	vst v11;
	v11 =	vld [tilespmem:$0x1410]  }
0x1b2: {  	v15 =	vld [tilespmem:$0x1340];
	[tilespmem:s20+$0x5380] =	vst v6;
	v6 =	vperm.xlane v14, v5  }
0x1b3: {  	[tilespmem:s22+$0x2080] =	vst v13;
	v12 =	vperm.xlane v12, v8;
	v13 =	vld [tilespmem:$0x1500]  }
0x1b4: {  	v14 =	vld [tilespmem:$0x1320];
	v9 =	vperm.xlane v9, v3;
	[tilespmem:s26+$0x6180] =	vst v6  }
0x1b5: {  	[tilespmem:s30+$0x4200] =	vst v12;
	v6 =	vperm.xlane v16, v4;
	v16 =	vld [tilespmem:$0x1540]  }
0x1b6: {  	v12 =	vld [tilespmem:$0x1450];
	[tilespmem:s24+$0x180] =	vst v9;
	v9 =	vperm.xlane v11, v1  }
0x1b7: {  	[tilespmem:s25+$0x100] =	vst v6;
	v6 =	vld [tilespmem:$0x1240];
	v11 =	vperm.xlane v15, v10  }
0x1b8: {  	v15 =	vld [tilespmem:$0x1230];
	[tilespmem:s21+$0x4080] =	vst v9;
	v9 =	vperm.xlane v13, v7  }
0x1b9: {  	v13 =	vperm.xlane v14, v2;
	[tilespmem:s0+$0x2200] =	vst v11;
	v11 =	vld [tilespmem:$0x1420]  }
0x1ba: {  	v14 =	vld [tilespmem:$0x1350];
	[tilespmem:s20+$0x6000] =	vst v9;
	v9 =	vperm.xlane v16, v5  }
0x1bb: {  	[tilespmem:s22+$0x2100] =	vst v13;
	v12 =	vperm.xlane v12, v8;
	v13 =	vld [tilespmem:$0x1510]  }
0x1bc: {  	v16 =	vld [tilespmem:$0x1330];
	v6 =	vperm.xlane v6, v3;
	[tilespmem:s26+$0x6200] =	vst v9  }
0x1bd: {  	[tilespmem:s30+$0x4280] =	vst v12;
	v9 =	vperm.xlane v15, v4;
	v15 =	vld [tilespmem:$0x1550]  }
0x1be: {  	v12 =	vld [tilespmem:$0x1460];
	[tilespmem:s24+$0x200] =	vst v6;
	v6 =	vperm.xlane v11, v1  }
0x1bf: {  	[tilespmem:s25+$0x180] =	vst v9;
	v9 =	vld [tilespmem:$0x1250];
	v11 =	vperm.xlane v14, v10  }
0x1c0: {  	v14 =	vld [tilespmem:$0x1240];
	[tilespmem:s21+$0x4100] =	vst v6;
	v6 =	vperm.xlane v13, v7  }
0x1c1: {  	v13 =	vperm.xlane v16, v2;
	[tilespmem:s0+$0x2280] =	vst v11;
	v11 =	vld [tilespmem:$0x1430]  }
0x1c2: {  	v16 =	vld [tilespmem:$0x1360];
	[tilespmem:s20+$0x6080] =	vst v6;
	v6 =	vperm.xlane v15, v5  }
0x1c3: {  	[tilespmem:s22+$0x2180] =	vst v13;
	v12 =	vperm.xlane v12, v8;
	v13 =	vld [tilespmem:$0x1520]  }
0x1c4: {  	v15 =	vld [tilespmem:$0x1340];
	v9 =	vperm.xlane v9, v3;
	[tilespmem:s26+$0x6280] =	vst v6  }
0x1c5: {  	[tilespmem:s30+$0x4300] =	vst v12;
	v6 =	vperm.xlane v14, v4;
	v14 =	vld [tilespmem:$0x1560]  }
0x1c6: {  	v12 =	vld [tilespmem:$0x1470];
	[tilespmem:s24+$0x280] =	vst v9;
	v9 =	vperm.xlane v11, v1  }
0x1c7: {  	[tilespmem:s25+$0x200] =	vst v6;
	v6 =	vld [tilespmem:$0x1260];
	v11 =	vperm.xlane v16, v10  }
0x1c8: {  	v16 =	vld [tilespmem:$0x1250];
	[tilespmem:s21+$0x4180] =	vst v9;
	v9 =	vperm.xlane v13, v7  }
0x1c9: {  	v13 =	vperm.xlane v15, v2;
	[tilespmem:s0+$0x2300] =	vst v11;
	v11 =	vld [tilespmem:$0x1440]  }
0x1ca: {  	v15 =	vld [tilespmem:$0x1370];
	[tilespmem:s20+$0x6100] =	vst v9;
	v9 =	vperm.xlane v14, v5  }
0x1cb: {  	[tilespmem:s22+$0x2200] =	vst v13;
	v12 =	vperm.xlane v12, v8;
	v13 =	vld [tilespmem:$0x1530]  }
0x1cc: {  	v14 =	vld [tilespmem:$0x1350];
	v6 =	vperm.xlane v6, v3;
	[tilespmem:s26+$0x6300] =	vst v9  }
0x1cd: {  	[tilespmem:s30+$0x4380] =	vst v12;
	v9 =	vperm.xlane v16, v4;
	v16 =	vld [tilespmem:$0x1570]  }
0x1ce: {  	v12 =	vld [tilespmem:$0x1480];
	[tilespmem:s24+$0x300] =	vst v6;
	v6 =	vperm.xlane v11, v1  }
0x1cf: {  	[tilespmem:s25+$0x280] =	vst v9;
	v9 =	vld [tilespmem:$0x1270];
	v11 =	vperm.xlane v15, v10  }
0x1d0: {  	v15 =	vld [tilespmem:$0x1260];
	[tilespmem:s21+$0x4200] =	vst v6;
	v6 =	vperm.xlane v13, v7  }
0x1d1: {  	v13 =	vperm.xlane v14, v2;
	[tilespmem:s0+$0x2380] =	vst v11;
	v11 =	vld [tilespmem:$0x1450]  }
0x1d2: {  	v14 =	vld [tilespmem:$0x1380];
	[tilespmem:s20+$0x6180] =	vst v6;
	v6 =	vperm.xlane v16, v5  }
0x1d3: {  	[tilespmem:s22+$0x2280] =	vst v13;
	v12 =	vperm.xlane v12, v8;
	v13 =	vld [tilespmem:$0x1540]  }
0x1d4: {  	v16 =	vld [tilespmem:$0x1360];
	v9 =	vperm.xlane v9, v3;
	[tilespmem:s26+$0x6380] =	vst v6  }
0x1d5: {  	[tilespmem:s30+$0x5000] =	vst v12;
	v6 =	vperm.xlane v15, v4;
	v15 =	vld [tilespmem:$0x1580]  }
0x1d6: {  	v12 =	vld [tilespmem:$0x1490];
	[tilespmem:s24+$0x380] =	vst v9;
	v9 =	vperm.xlane v11, v1  }
0x1d7: {  	[tilespmem:s25+$0x300] =	vst v6;
	v6 =	vld [tilespmem:$0x1280];
	v11 =	vperm.xlane v14, v10  }
0x1d8: {  	v14 =	vld [tilespmem:$0x1270];
	[tilespmem:s21+$0x4280] =	vst v9;
	v9 =	vperm.xlane v13, v7  }
0x1d9: {  	v13 =	vperm.xlane v16, v2;
	[tilespmem:s0+$0x3000] =	vst v11;
	v11 =	vld [tilespmem:$0x1460]  }
0x1da: {  	v16 =	vld [tilespmem:$0x1390];
	[tilespmem:s20+$0x6200] =	vst v9;
	v9 =	vperm.xlane v15, v5  }
0x1db: {  	[tilespmem:s22+$0x2300] =	vst v13;
	v12 =	vperm.xlane v12, v8;
	v13 =	vld [tilespmem:$0x1550]  }
0x1dc: {  	v15 =	vld [tilespmem:$0x1370];
	v6 =	vperm.xlane v6, v3;
	[tilespmem:s26+$0x7000] =	vst v9  }
0x1dd: {  	[tilespmem:s30+$0x5080] =	vst v12;
	v9 =	vperm.xlane v14, v4;
	v14 =	vld [tilespmem:$0x1590]  }
0x1de: {  	v12 =	vld [tilespmem:$0x14A0];
	[tilespmem:s24+$0x1000] =	vst v6;
	v6 =	vperm.xlane v11, v1  }
0x1df: {  	[tilespmem:s25+$0x380] =	vst v9;
	v9 =	vld [tilespmem:$0x1290];
	v11 =	vperm.xlane v16, v10  }
0x1e0: {  	v16 =	vld [tilespmem:$0x1280];
	[tilespmem:s21+$0x4300] =	vst v6;
	v6 =	vperm.xlane v13, v7  }
0x1e1: {  	v13 =	vperm.xlane v15, v2;
	[tilespmem:s0+$0x3080] =	vst v11;
	v11 =	vld [tilespmem:$0x1470]  }
0x1e2: {  	v15 =	vld [tilespmem:$0x13A0];
	[tilespmem:s20+$0x6280] =	vst v6;
	v6 =	vperm.xlane v14, v5  }
0x1e3: {  	[tilespmem:s22+$0x2380] =	vst v13;
	v12 =	vperm.xlane v12, v8;
	v13 =	vld [tilespmem:$0x1560]  }
0x1e4: {  	v14 =	vld [tilespmem:$0x1380];
	v9 =	vperm.xlane v9, v3;
	[tilespmem:s26+$0x7080] =	vst v6  }
0x1e5: {  	[tilespmem:s30+$0x5100] =	vst v12;
	v6 =	vperm.xlane v16, v4;
	v16 =	vld [tilespmem:$0x15A0]  }
0x1e6: {  	v12 =	vld [tilespmem:$0x14B0];
	[tilespmem:s24+$0x1080] =	vst v9;
	v9 =	vperm.xlane v11, v1  }
0x1e7: {  	[tilespmem:s25+$0x1000] =	vst v6;
	v6 =	vld [tilespmem:$0x12A0];
	v11 =	vperm.xlane v15, v10  }
0x1e8: {  	v15 =	vld [tilespmem:$0x1290];
	[tilespmem:s21+$0x4380] =	vst v9;
	v9 =	vperm.xlane v13, v7  }
0x1e9: {  	v13 =	vperm.xlane v14, v2;
	[tilespmem:s0+$0x3100] =	vst v11;
	v11 =	vld [tilespmem:$0x1480]  }
0x1ea: {  	v14 =	vld [tilespmem:$0x13B0];
	[tilespmem:s20+$0x6300] =	vst v9;
	v9 =	vperm.xlane v16, v5  }
0x1eb: {  	[tilespmem:s22+$0x3000] =	vst v13;
	v12 =	vperm.xlane v12, v8;
	v13 =	vld [tilespmem:$0x1570]  }
0x1ec: {  	v16 =	vld [tilespmem:$0x1390];
	v6 =	vperm.xlane v6, v3;
	[tilespmem:s26+$0x7100] =	vst v9  }
0x1ed: {  	[tilespmem:s30+$0x5180] =	vst v12;
	v9 =	vperm.xlane v15, v4;
	v15 =	vld [tilespmem:$0x15B0]  }
0x1ee: {  	v12 =	vld [tilespmem:$0x14C0];
	[tilespmem:s24+$0x1100] =	vst v6;
	v6 =	vperm.xlane v11, v1  }
0x1ef: {  	[tilespmem:s25+$0x1080] =	vst v9;
	v9 =	vld [tilespmem:$0x12B0];
	v11 =	vperm.xlane v14, v10  }
0x1f0: {  	v14 =	vld [tilespmem:$0x12A0];
	[tilespmem:s21+$0x5000] =	vst v6;
	v6 =	vperm.xlane v13, v7  }
0x1f1: {  	v13 =	vperm.xlane v16, v2;
	[tilespmem:s0+$0x3180] =	vst v11;
	v11 =	vld [tilespmem:$0x1490]  }
0x1f2: {  	v16 =	vld [tilespmem:$0x13C0];
	[tilespmem:s20+$0x6380] =	vst v6;
	v6 =	vperm.xlane v15, v5  }
0x1f3: {  	[tilespmem:s22+$0x3080] =	vst v13;
	v12 =	vperm.xlane v12, v8;
	v13 =	vld [tilespmem:$0x1580]  }
0x1f4: {  	v15 =	vld [tilespmem:$0x13A0];
	v9 =	vperm.xlane v9, v3;
	[tilespmem:s26+$0x7180] =	vst v6  }
0x1f5: {  	[tilespmem:s30+$0x5200] =	vst v12;
	v6 =	vperm.xlane v14, v4;
	v14 =	vld [tilespmem:$0x15C0]  }
0x1f6: {  	v12 =	vld [tilespmem:$0x14D0];
	[tilespmem:s24+$0x1180] =	vst v9;
	v9 =	vperm.xlane v11, v1  }
0x1f7: {  	[tilespmem:s25+$0x1100] =	vst v6;
	v6 =	vld [tilespmem:$0x12C0];
	v11 =	vperm.xlane v16, v10  }
0x1f8: {  	v16 =	vld [tilespmem:$0x12B0];
	[tilespmem:s21+$0x5080] =	vst v9;
	v9 =	vperm.xlane v13, v7  }
0x1f9: {  	v13 =	vperm.xlane v15, v2;
	[tilespmem:s0+$0x3200] =	vst v11;
	v11 =	vld [tilespmem:$0x14A0]  }
0x1fa: {  	v15 =	vld [tilespmem:$0x13D0];
	[tilespmem:s20+$0x7000] =	vst v9;
	v9 =	vperm.xlane v14, v5  }
0x1fb: {  	[tilespmem:s22+$0x3100] =	vst v13;
	v12 =	vperm.xlane v12, v8;
	v13 =	vld [tilespmem:$0x1590]  }
0x1fc: {  	v14 =	vld [tilespmem:$0x13B0];
	v6 =	vperm.xlane v6, v3;
	[tilespmem:s26+$0x7200] =	vst v9  }
0x1fd: {  	[tilespmem:s30+$0x5280] =	vst v12;
	v9 =	vperm.xlane v16, v4;
	v16 =	vld [tilespmem:$0x15D0]  }
0x1fe: {  	v12 =	vld [tilespmem:$0x14E0];
	[tilespmem:s24+$0x1200] =	vst v6;
	v6 =	vperm.xlane v11, v1  }
0x1ff: {  	[tilespmem:s25+$0x1180] =	vst v9;
	v9 =	vld [tilespmem:$0x12D0];
	v11 =	vperm.xlane v15, v10  }
0x200: {  	v15 =	vld [tilespmem:$0x12C0];
	[tilespmem:s21+$0x5100] =	vst v6;
	v6 =	vperm.xlane v13, v7  }
0x201: {  	v13 =	vperm.xlane v14, v2;
	[tilespmem:s0+$0x3280] =	vst v11;
	v11 =	vld [tilespmem:$0x14B0]  }
0x202: {  	v14 =	vld [tilespmem:$0x13E0];
	[tilespmem:s20+$0x7080] =	vst v6;
	v6 =	vperm.xlane v16, v5  }
0x203: {  	[tilespmem:s22+$0x3180] =	vst v13;
	v12 =	vperm.xlane v12, v8;
	v13 =	vld [tilespmem:$0x15A0]  }
0x204: {  	v16 =	vld [tilespmem:$0x13C0];
	v9 =	vperm.xlane v9, v3;
	[tilespmem:s26+$0x7280] =	vst v6  }
0x205: {  	[tilespmem:s30+$0x5300] =	vst v12;
	v6 =	vperm.xlane v15, v4;
	v15 =	vld [tilespmem:$0x15E0]  }
0x206: {  	v12 =	vld [tilespmem:$0x14F0];
	[tilespmem:s24+$0x1280] =	vst v9;
	v9 =	vperm.xlane v11, v1  }
0x207: {  	[tilespmem:s25+$0x1200] =	vst v6;
	v6 =	vld [tilespmem:$0x12E0];
	v11 =	vperm.xlane v14, v10  }
0x208: {  	v14 =	vld [tilespmem:$0x12D0];
	[tilespmem:s21+$0x5180] =	vst v9;
	v9 =	vperm.xlane v13, v7  }
0x209: {  	v13 =	vperm.xlane v16, v2;
	[tilespmem:s0+$0x3300] =	vst v11;
	v11 =	vld [tilespmem:$0x14C0]  }
0x20a: {  	v16 =	vld [tilespmem:$0x13F0];
	[tilespmem:s20+$0x7100] =	vst v9;
	v9 =	vperm.xlane v15, v5  }
0x20b: {  	[tilespmem:s22+$0x3200] =	vst v13;
	v12 =	vperm.xlane v12, v8;
	v13 =	vld [tilespmem:$0x15B0]  }
0x20c: {  	v15 =	vld [tilespmem:$0x13D0];
	v6 =	vperm.xlane v6, v3;
	[tilespmem:s26+$0x7300] =	vst v9  }
0x20d: {  	[tilespmem:s30+$0x5380] =	vst v12;
	v9 =	vperm.xlane v14, v4;
	v14 =	vld [tilespmem:$0x15F0]  }
0x20e: {  	v12 =	vld [tilespmem:$0x1500];
	[tilespmem:s24+$0x1300] =	vst v6;
	v6 =	vperm.xlane v11, v1  }
0x20f: {  	[tilespmem:s25+$0x1280] =	vst v9;
	v9 =	vld [tilespmem:$0x12F0];
	v11 =	vperm.xlane v16, v10  }
0x210: {  	v16 =	vld [tilespmem:$0x12E0];
	[tilespmem:s21+$0x5200] =	vst v6;
	v6 =	vperm.xlane v13, v7  }
0x211: {  	s11 =	simm.s32 $0x80;
	s9 =	simm.s32 $0x200;
	v13 =	vperm.xlane v15, v2;
	[tilespmem:s0+$0x3380] =	vst v11;
	v11 =	vld [tilespmem:$0x14D0]  }
0x212: {  	s3 =	sand.u32 $0x60, s11;
	s6 =	sand.u32 $0x3FFFFE00, s9;
	v15 =	vld [tilespmem:$0x1400];
	[tilespmem:s20+$0x7180] =	vst v6;
	v5 =	vperm.xlane v14, v5  }
0x213: {  	s6 =	sadd.s32 s6, s23;
	s9 =	sor.u32 $0x10, s3;
	[tilespmem:s22+$0x3280] =	vst v13;
	v12 =	vperm.xlane v12, v8;
	v6 =	vld [tilespmem:$0x15C0]  }
0x214: {  	s13 =	sadd.s32 s9, s6;
	v13 =	vld [tilespmem:$0x13E0];
	v9 =	vperm.xlane v9, v3;
	[tilespmem:s26+$0x7380] =	vst v5  }
0x215: {  	[tilespmem:s30+$0x6000] =	vst v12;
	v14 =	vperm.xlane v16, v4;
	v16 =	vld [tilespmem:s13+$0x80]  }
0x216: {  	v12 =	vld [tilespmem:$0x1510];
	[tilespmem:s24+$0x1380] =	vst v9;
	v11 =	vperm.xlane v11, v1  }
0x217: {  	v5 =	vld [tilespmem:$0x1300];
	v9 =	vperm.xlane v15, v10;
	[tilespmem:s25+$0x1300] =	vst v14  }
0x218: {  	v14 =	vld [tilespmem:s13+$0x100];
	v6 =	vperm.xlane v6, v7;
	[tilespmem:s21+$0x5280] =	vst v11  }
0x219: {  	v15 =	vld [tilespmem:s13+$0x180];
	[tilespmem:s0+$0x4000] =	vst v9  }
0x21a: {  	s6 =	sadd.s32 s3, s6;
	v9 =	vld [tilespmem:$0x1410];
	[tilespmem:s20+$0x7200] =	vst v6  }
0x21b: {  	v11 =	vperm.xlane v12, v8;
	v6 =	vld [tilespmem:s6+$0x100]  }
0x21c: {  	v12 =	vld [tilespmem:$0x1200];
	v5 =	vperm.xlane v5, v3  }
0x21d: {  	v17 =	vld [tilespmem:s6+$0x80];
	[tilespmem:s30+$0x6080] =	vst v11;
	v11 =	vshll.u32 v14, $0x1  }
0x21e: {  	v16 =	vand.u32 $0x1, v16;
	v15 =	vshll.u32 v15, $0x2;
	v14 =	vld [tilespmem:$0x1520];
	v11 =	vand.u32 $0x2, v11;
	[tilespmem:s24+$0x2000] =	vst v5  }
0x21f: {  	s14 =	simm.s32 $0x400;
	v5 =	vor.u32 v16, v11;
	v11 =	vand.u32 $0x4, v15;
	v15 =	vld [tilespmem:$0x1310];
	v9 =	vperm.xlane v9, v10  }
0x220: {  	s26 =	sand.u32 $0x3FFFFC00, s14;
	v16 =	vld [tilespmem:s6+$0x180];
	v5 =	vor.u32 v11, v5  }
0x221: {  	s11 =	simm.s32 $0x280;
	v18 =	vld [tilespmem:$0x12F0];
	s6 =	sadd.s32 s26, s19;
	v11 =	vperm.xlane v12, v5;
	[tilespmem:s0+$0x4080] =	vst v9  }
0x222: {  	s26 =	sadd.s32 s9, s6;
	s28 =	sadd.s32 s3, s6;
	s3 =	simm.s32 $0xA0;
	v9 =	vperm.xlane v13, v2;
	v13 =	vld [tilespmem:$0x1420]  }
0x223: {  	s9 =	sand.u32 $0x3FFFFE00, s11;
	s6 =	sand.u32 $0x60, s3;
	v14 =	vperm.xlane v14, v8;
	[tilespmem:s26+$0x0] =	vst v11  }
0x224: {  	v6 =	vshll.u32 v6, $0x1;
	s9 =	sadd.s32 s9, s23;
	s13 =	sor.u32 $0x10, s6;
	[tilespmem:s22+$0x3300] =	vst v9;
	v9 =	vld [tilespmem:$0x1210];
	v11 =	vperm.xlane v15, v3  }
0x225: {  	v6 =	vand.u32 $0x2, v6;
	s31 =	sadd.s32 s13, s9;
	v15 =	vand.u32 $0x1, v17;
	v17 =	vld [tilespmem:$0x13F0];
	[tilespmem:s30+$0x6100] =	vst v14;
	v14 =	vshll.u32 v16, $0x2  }
0x226: {  	v19 =	vld [tilespmem:s31+$0x80];
	v6 =	vor.u32 v15, v6;
	v16 =	vperm.xlane v18, v4;
	v14 =	vand.u32 $0x4, v14;
	[tilespmem:s24+$0x2080] =	vst v11  }
0x227: {  	v6 =	vor.u32 v14, v6;
	v11 =	vld [tilespmem:$0x1320];
	v13 =	vperm.xlane v13, v10  }
0x228: {  	v14 =	vld [tilespmem:$0x14E0];
	[tilespmem:s25+$0x1380] =	vst v16;
	v12 =	vperm.xlane v12, v6  }
0x229: {  	v16 =	vld [tilespmem:$0x1300];
	v9 =	vperm.xlane v9, v5;
	[tilespmem:s0+$0x4100] =	vst v13  }
0x22a: {  	[tilespmem:s28+$0x0] =	vst v12;
	v12 =	vld [tilespmem:$0x1430]  }
0x22b: {  	v13 =	vperm.xlane v17, v2;
	v17 =	vld [tilespmem:$0x1210];
	[tilespmem:s26+$0x80] =	vst v9  }
0x22c: {  	v18 =	vld [tilespmem:$0x1220];
	v11 =	vperm.xlane v11, v3  }
0x22d: {  	v15 =	vld [tilespmem:$0x1530];
	[tilespmem:s22+$0x3380] =	vst v13;
	v14 =	vperm.xlane v14, v1  }
0x22e: {  	v13 =	vperm.xlane v16, v4;
	[tilespmem:s24+$0x2100] =	vst v11;
	v11 =	vld [tilespmem:$0x1400]  }
0x22f: {  	[tilespmem:s21+$0x5300] =	vst v14;
	v16 =	vld [tilespmem:$0x1330];
	v12 =	vperm.xlane v12, v10  }
0x230: {  	[tilespmem:s25+$0x2000] =	vst v13;
	v13 =	vld [tilespmem:$0x14F0];
	v14 =	vperm.xlane v17, v6  }
0x231: {  	v17 =	vperm.xlane v18, v5;
	v18 =	vld [tilespmem:$0x1310];
	[tilespmem:s0+$0x4180] =	vst v12  }
0x232: {  	v12 =	vperm.xlane v15, v8;
	[tilespmem:s28+$0x80] =	vst v14;
	v14 =	vld [tilespmem:$0x1440]  }
0x233: {  	v15 =	vld [tilespmem:$0x1220];
	[tilespmem:s26+$0x100] =	vst v17;
	v11 =	vperm.xlane v11, v2  }
0x234: {  	[tilespmem:s30+$0x6180] =	vst v12;
	v12 =	vld [tilespmem:$0x1230];
	v16 =	vperm.xlane v16, v3  }
0x235: {  	v17 =	vld [tilespmem:$0x1540];
	[tilespmem:s22+$0x4000] =	vst v11;
	v11 =	vperm.xlane v13, v1  }
0x236: {  	v13 =	vperm.xlane v18, v4;
	[tilespmem:s24+$0x2180] =	vst v16;
	v16 =	vld [tilespmem:$0x1410]  }
0x237: {  	v18 =	vld [tilespmem:$0x1340];
	v14 =	vperm.xlane v14, v10;
	[tilespmem:s21+$0x5380] =	vst v11  }
0x238: {  	v11 =	vperm.xlane v15, v6;
	[tilespmem:s25+$0x2080] =	vst v13;
	v13 =	vld [tilespmem:$0x1500]  }
0x239: {  	v12 =	vperm.xlane v12, v5;
	v15 =	vld [tilespmem:$0x1320];
	[tilespmem:s0+$0x4200] =	vst v14  }
0x23a: {  	v14 =	vperm.xlane v17, v8;
	[tilespmem:s28+$0x100] =	vst v11;
	v11 =	vld [tilespmem:$0x1450]  }
0x23b: {  	v17 =	vld [tilespmem:$0x1230];
	[tilespmem:s26+$0x180] =	vst v12;
	v12 =	vperm.xlane v16, v2  }
0x23c: {  	[tilespmem:s30+$0x6200] =	vst v14;
	v14 =	vld [tilespmem:$0x1240];
	v16 =	vperm.xlane v18, v3  }
0x23d: {  	v18 =	vld [tilespmem:$0x1550];
	[tilespmem:s22+$0x4080] =	vst v12;
	v12 =	vperm.xlane v13, v1  }
0x23e: {  	v13 =	vperm.xlane v15, v4;
	[tilespmem:s24+$0x2200] =	vst v16;
	v15 =	vld [tilespmem:$0x1420]  }
0x23f: {  	v16 =	vld [tilespmem:$0x1350];
	v11 =	vperm.xlane v11, v10;
	[tilespmem:s21+$0x6000] =	vst v12  }
0x240: {  	v12 =	vperm.xlane v17, v6;
	[tilespmem:s25+$0x2100] =	vst v13;
	v13 =	vld [tilespmem:$0x1510]  }
0x241: {  	v14 =	vperm.xlane v14, v5;
	v17 =	vld [tilespmem:$0x1330];
	[tilespmem:s0+$0x4280] =	vst v11  }
0x242: {  	v11 =	vperm.xlane v18, v8;
	[tilespmem:s28+$0x180] =	vst v12;
	v12 =	vld [tilespmem:$0x1460]  }
0x243: {  	v18 =	vld [tilespmem:$0x1240];
	[tilespmem:s26+$0x200] =	vst v14;
	v14 =	vperm.xlane v15, v2  }
0x244: {  	[tilespmem:s30+$0x6280] =	vst v11;
	v11 =	vld [tilespmem:$0x1250];
	v15 =	vperm.xlane v16, v3  }
0x245: {  	v16 =	vld [tilespmem:$0x1560];
	[tilespmem:s22+$0x4100] =	vst v14;
	v13 =	vperm.xlane v13, v1  }
0x246: {  	v14 =	vperm.xlane v17, v4;
	[tilespmem:s24+$0x2280] =	vst v15;
	v15 =	vld [tilespmem:$0x1430]  }
0x247: {  	v17 =	vld [tilespmem:$0x1360];
	v12 =	vperm.xlane v12, v10;
	[tilespmem:s21+$0x6080] =	vst v13  }
0x248: {  	v13 =	vperm.xlane v18, v6;
	[tilespmem:s25+$0x2180] =	vst v14;
	v14 =	vld [tilespmem:$0x1520]  }
0x249: {  	v11 =	vperm.xlane v11, v5;
	v18 =	vld [tilespmem:$0x1340];
	[tilespmem:s0+$0x4300] =	vst v12  }
0x24a: {  	v12 =	vperm.xlane v16, v8;
	[tilespmem:s28+$0x200] =	vst v13;
	v13 =	vld [tilespmem:$0x1470]  }
0x24b: {  	v16 =	vld [tilespmem:$0x1250];
	[tilespmem:s26+$0x280] =	vst v11;
	v11 =	vperm.xlane v15, v2  }
0x24c: {  	[tilespmem:s30+$0x6300] =	vst v12;
	v12 =	vld [tilespmem:$0x1260];
	v15 =	vperm.xlane v17, v3  }
0x24d: {  	v17 =	vld [tilespmem:$0x1570];
	[tilespmem:s22+$0x4180] =	vst v11;
	v11 =	vperm.xlane v14, v1  }
0x24e: {  	v14 =	vperm.xlane v18, v4;
	[tilespmem:s24+$0x2300] =	vst v15;
	v15 =	vld [tilespmem:$0x1440]  }
0x24f: {  	v18 =	vld [tilespmem:$0x1370];
	v13 =	vperm.xlane v13, v10;
	[tilespmem:s21+$0x6100] =	vst v11  }
0x250: {  	v11 =	vperm.xlane v16, v6;
	[tilespmem:s25+$0x2200] =	vst v14;
	v14 =	vld [tilespmem:$0x1530]  }
0x251: {  	v12 =	vperm.xlane v12, v5;
	v16 =	vld [tilespmem:$0x1350];
	[tilespmem:s0+$0x4380] =	vst v13  }
0x252: {  	v13 =	vperm.xlane v17, v8;
	[tilespmem:s28+$0x280] =	vst v11;
	v11 =	vld [tilespmem:$0x1480]  }
0x253: {  	v17 =	vld [tilespmem:$0x1260];
	[tilespmem:s26+$0x300] =	vst v12;
	v12 =	vperm.xlane v15, v2  }
0x254: {  	[tilespmem:s30+$0x6380] =	vst v13;
	v13 =	vld [tilespmem:$0x1270];
	v15 =	vperm.xlane v18, v3  }
0x255: {  	v18 =	vld [tilespmem:$0x1580];
	[tilespmem:s22+$0x4200] =	vst v12;
	v12 =	vperm.xlane v14, v1  }
0x256: {  	v14 =	vperm.xlane v16, v4;
	[tilespmem:s24+$0x2380] =	vst v15;
	v15 =	vld [tilespmem:$0x1450]  }
0x257: {  	v16 =	vld [tilespmem:$0x1380];
	v11 =	vperm.xlane v11, v10;
	[tilespmem:s21+$0x6180] =	vst v12  }
0x258: {  	v12 =	vperm.xlane v17, v6;
	[tilespmem:s25+$0x2280] =	vst v14;
	v14 =	vld [tilespmem:$0x1540]  }
0x259: {  	v13 =	vperm.xlane v13, v5;
	v17 =	vld [tilespmem:$0x1360];
	[tilespmem:s0+$0x5000] =	vst v11  }
0x25a: {  	v11 =	vperm.xlane v18, v8;
	[tilespmem:s28+$0x300] =	vst v12;
	v12 =	vld [tilespmem:$0x1490]  }
0x25b: {  	v18 =	vld [tilespmem:$0x1270];
	[tilespmem:s26+$0x380] =	vst v13;
	v13 =	vperm.xlane v15, v2  }
0x25c: {  	[tilespmem:s30+$0x7000] =	vst v11;
	v11 =	vld [tilespmem:$0x1280];
	v15 =	vperm.xlane v16, v3  }
0x25d: {  	v16 =	vld [tilespmem:$0x1590];
	[tilespmem:s22+$0x4280] =	vst v13;
	v13 =	vperm.xlane v14, v1  }
0x25e: {  	v14 =	vperm.xlane v17, v4;
	[tilespmem:s24+$0x3000] =	vst v15;
	v15 =	vld [tilespmem:$0x1460]  }
0x25f: {  	v17 =	vld [tilespmem:$0x1390];
	v12 =	vperm.xlane v12, v10;
	[tilespmem:s21+$0x6200] =	vst v13  }
0x260: {  	v13 =	vperm.xlane v18, v6;
	[tilespmem:s25+$0x2300] =	vst v14;
	v14 =	vld [tilespmem:$0x1550]  }
0x261: {  	v11 =	vperm.xlane v11, v5;
	v18 =	vld [tilespmem:$0x1370];
	[tilespmem:s0+$0x5080] =	vst v12  }
0x262: {  	v12 =	vperm.xlane v16, v8;
	[tilespmem:s28+$0x380] =	vst v13;
	v13 =	vld [tilespmem:$0x14A0]  }
0x263: {  	v16 =	vld [tilespmem:$0x1280];
	[tilespmem:s26+$0x1000] =	vst v11;
	v11 =	vperm.xlane v15, v2  }
0x264: {  	[tilespmem:s30+$0x7080] =	vst v12;
	v12 =	vld [tilespmem:$0x1290];
	v15 =	vperm.xlane v17, v3  }
0x265: {  	v17 =	vld [tilespmem:$0x15A0];
	[tilespmem:s22+$0x4300] =	vst v11;
	v11 =	vperm.xlane v14, v1  }
0x266: {  	v14 =	vperm.xlane v18, v4;
	[tilespmem:s24+$0x3080] =	vst v15;
	v15 =	vld [tilespmem:$0x1470]  }
0x267: {  	v18 =	vld [tilespmem:$0x13A0];
	v13 =	vperm.xlane v13, v10;
	[tilespmem:s21+$0x6280] =	vst v11  }
0x268: {  	v11 =	vperm.xlane v16, v6;
	[tilespmem:s25+$0x2380] =	vst v14;
	v14 =	vld [tilespmem:$0x1560]  }
0x269: {  	v12 =	vperm.xlane v12, v5;
	v16 =	vld [tilespmem:$0x1380];
	[tilespmem:s0+$0x5100] =	vst v13  }
0x26a: {  	v13 =	vperm.xlane v17, v8;
	[tilespmem:s28+$0x1000] =	vst v11;
	v11 =	vld [tilespmem:$0x14B0]  }
0x26b: {  	v17 =	vld [tilespmem:$0x1290];
	[tilespmem:s26+$0x1080] =	vst v12;
	v12 =	vperm.xlane v15, v2  }
0x26c: {  	[tilespmem:s30+$0x7100] =	vst v13;
	v13 =	vld [tilespmem:$0x12A0];
	v15 =	vperm.xlane v18, v3  }
0x26d: {  	v18 =	vld [tilespmem:$0x15B0];
	[tilespmem:s22+$0x4380] =	vst v12;
	v12 =	vperm.xlane v14, v1  }
0x26e: {  	v14 =	vperm.xlane v16, v4;
	[tilespmem:s24+$0x3100] =	vst v15;
	v15 =	vld [tilespmem:$0x1480]  }
0x26f: {  	v16 =	vld [tilespmem:$0x13B0];
	v11 =	vperm.xlane v11, v10;
	[tilespmem:s21+$0x6300] =	vst v12  }
0x270: {  	v12 =	vperm.xlane v17, v6;
	[tilespmem:s25+$0x3000] =	vst v14;
	v14 =	vld [tilespmem:$0x1570]  }
0x271: {  	v13 =	vperm.xlane v13, v5;
	v17 =	vld [tilespmem:$0x1390];
	[tilespmem:s0+$0x5180] =	vst v11  }
0x272: {  	v11 =	vperm.xlane v18, v8;
	[tilespmem:s28+$0x1080] =	vst v12;
	v12 =	vld [tilespmem:$0x14C0]  }
0x273: {  	v18 =	vld [tilespmem:$0x12A0];
	[tilespmem:s26+$0x1100] =	vst v13;
	v13 =	vperm.xlane v15, v2  }
0x274: {  	[tilespmem:s30+$0x7180] =	vst v11;
	v11 =	vld [tilespmem:$0x12B0];
	v15 =	vperm.xlane v16, v3  }
0x275: {  	v16 =	vld [tilespmem:$0x15C0];
	[tilespmem:s22+$0x5000] =	vst v13;
	v13 =	vperm.xlane v14, v1  }
0x276: {  	v14 =	vperm.xlane v17, v4;
	[tilespmem:s24+$0x3180] =	vst v15;
	v15 =	vld [tilespmem:$0x1490]  }
0x277: {  	v17 =	vld [tilespmem:$0x13C0];
	v12 =	vperm.xlane v12, v10;
	[tilespmem:s21+$0x6380] =	vst v13  }
0x278: {  	v13 =	vperm.xlane v18, v6;
	[tilespmem:s25+$0x3080] =	vst v14;
	v14 =	vld [tilespmem:$0x1580]  }
0x279: {  	v11 =	vperm.xlane v11, v5;
	v18 =	vld [tilespmem:$0x13A0];
	[tilespmem:s0+$0x5200] =	vst v12  }
0x27a: {  	v12 =	vperm.xlane v16, v8;
	[tilespmem:s28+$0x1100] =	vst v13;
	v13 =	vld [tilespmem:$0x14D0]  }
0x27b: {  	v16 =	vld [tilespmem:$0x12B0];
	[tilespmem:s26+$0x1180] =	vst v11;
	v11 =	vperm.xlane v15, v2  }
0x27c: {  	[tilespmem:s30+$0x7200] =	vst v12;
	v12 =	vld [tilespmem:$0x12C0];
	v15 =	vperm.xlane v17, v3  }
0x27d: {  	v17 =	vld [tilespmem:$0x15D0];
	[tilespmem:s22+$0x5080] =	vst v11;
	v11 =	vperm.xlane v14, v1  }
0x27e: {  	v14 =	vperm.xlane v18, v4;
	[tilespmem:s24+$0x3200] =	vst v15;
	v15 =	vld [tilespmem:$0x14A0]  }
0x27f: {  	v18 =	vld [tilespmem:$0x13D0];
	v13 =	vperm.xlane v13, v10;
	[tilespmem:s21+$0x7000] =	vst v11  }
0x280: {  	v11 =	vperm.xlane v16, v6;
	[tilespmem:s25+$0x3100] =	vst v14;
	v14 =	vld [tilespmem:$0x1590]  }
0x281: {  	v12 =	vperm.xlane v12, v5;
	v16 =	vld [tilespmem:$0x13B0];
	[tilespmem:s0+$0x5280] =	vst v13  }
0x282: {  	v13 =	vperm.xlane v17, v8;
	[tilespmem:s28+$0x1180] =	vst v11;
	v11 =	vld [tilespmem:$0x14E0]  }
0x283: {  	v17 =	vld [tilespmem:$0x12C0];
	[tilespmem:s26+$0x1200] =	vst v12;
	v12 =	vperm.xlane v15, v2  }
0x284: {  	[tilespmem:s30+$0x7280] =	vst v13;
	v13 =	vld [tilespmem:$0x12D0];
	v15 =	vperm.xlane v18, v3  }
0x285: {  	v18 =	vld [tilespmem:$0x15E0];
	[tilespmem:s22+$0x5100] =	vst v12;
	v12 =	vperm.xlane v14, v1  }
0x286: {  	v14 =	vperm.xlane v16, v4;
	[tilespmem:s24+$0x3280] =	vst v15;
	v15 =	vld [tilespmem:$0x14B0]  }
0x287: {  	v16 =	vld [tilespmem:$0x13E0];
	v11 =	vperm.xlane v11, v10;
	[tilespmem:s21+$0x7080] =	vst v12  }
0x288: {  	v12 =	vperm.xlane v17, v6;
	[tilespmem:s25+$0x3180] =	vst v14;
	v14 =	vld [tilespmem:$0x15A0]  }
0x289: {  	v13 =	vperm.xlane v13, v5;
	v17 =	vld [tilespmem:$0x13C0];
	[tilespmem:s0+$0x5300] =	vst v11  }
0x28a: {  	v11 =	vperm.xlane v18, v8;
	[tilespmem:s28+$0x1200] =	vst v12;
	v12 =	vld [tilespmem:$0x14F0]  }
0x28b: {  	v18 =	vld [tilespmem:$0x12D0];
	[tilespmem:s26+$0x1280] =	vst v13;
	v13 =	vperm.xlane v15, v2  }
0x28c: {  	[tilespmem:s30+$0x7300] =	vst v11;
	v11 =	vld [tilespmem:$0x12E0];
	v15 =	vperm.xlane v16, v3  }
0x28d: {  	v9 =	vld [tilespmem:$0x15D0];
	[tilespmem:s22+$0x5180] =	vst v13;
	v13 =	vperm.xlane v14, v1  }
0x28e: {  	v14 =	vperm.xlane v17, v4;
	[tilespmem:s24+$0x3300] =	vst v15;
	v15 =	vld [tilespmem:$0x14C0]  }
0x28f: {  	v17 =	vld [tilespmem:$0x13F0];
	v12 =	vperm.xlane v12, v10;
	[tilespmem:s21+$0x7100] =	vst v13  }
0x290: {  	[tilespmem:s25+$0x3200] =	vst v14;
	v14 =	vld [tilespmem:$0x15B0]  }
0x291: {  	v13 =	vperm.xlane v18, v6;
	v11 =	vperm.xlane v11, v5;
	v18 =	vld [tilespmem:$0x13D0];
	[tilespmem:s0+$0x5380] =	vst v12  }
0x292: {  	v12 =	vld [tilespmem:$0x1500]  }
0x293: {  	v9 =	vperm.xlane v9, v7;
	v16 =	vld [tilespmem:$0x15F0];
	[tilespmem:s26+$0x1300] =	vst v11  }
0x294: {  	v11 =	vperm.xlane v15, v2;
	v15 =	vld [tilespmem:$0x12F0];
	v17 =	vperm.xlane v17, v3  }
0x295: {  	v20 =	vld [tilespmem:s31+$0x100];
	[tilespmem:s20+$0x7280] =	vst v9  }
0x296: {  	v21 =	vld [tilespmem:s31+$0x180];
	v9 =	vperm.xlane v14, v1;
	v14 =	vperm.xlane v18, v4;
	[tilespmem:s24+$0x3380] =	vst v17  }
0x297: {  	s9 =	sadd.s32 s6, s9;
	[tilespmem:s28+$0x1280] =	vst v13;
	v18 =	vld [tilespmem:$0x1400];
	v12 =	vperm.xlane v12, v10  }
0x298: {  	v8 =	vperm.xlane v16, v8;
	v16 =	vld [tilespmem:s9+$0x100];
	[tilespmem:s25+$0x3280] =	vst v14  }
0x299: {  	v13 =	vld [tilespmem:$0x12E0];
	v14 =	vperm.xlane v15, v5;
	[tilespmem:s0+$0x6000] =	vst v12  }
0x29a: {  	[tilespmem:s22+$0x5200] =	vst v11;
	v12 =	vld [tilespmem:$0x1510]  }
0x29b: {  	v11 =	vld [tilespmem:$0x15E0];
	[tilespmem:s26+$0x1380] =	vst v14  }
0x29c: {  	v14 =	vld [tilespmem:$0x1300];
	v18 =	vperm.xlane v18, v3  }
0x29d: {  	v17 =	vld [tilespmem:$0x14D0]  }
0x29e: {  	v15 =	vld [tilespmem:$0x13E0];
	[tilespmem:s24+$0x4000] =	vst v18  }
0x29f: {  	[tilespmem:s21+$0x7180] =	vst v9;
	v18 =	vld [tilespmem:$0x1410];
	v12 =	vperm.xlane v12, v10  }
0x2a0: {  	[tilespmem:s30+$0x7380] =	vst v8;
	v9 =	vld [tilespmem:$0x15C0];
	v11 =	vperm.xlane v11, v7  }
0x2a1: {  	[tilespmem:s0+$0x6080] =	vst v12;
	v12 =	vld [tilespmem:$0x1200];
	v14 =	vperm.xlane v14, v5  }
0x2a2: {  	v19 =	vand.u32 $0x1, v19;
	v8 =	vperm.xlane v13, v6;
	v13 =	vshll.u32 v20, $0x1;
	[tilespmem:s20+$0x7300] =	vst v11;
	v62 =	vld [tilespmem:$0x1520]  }
0x2a3: {  	v21 =	vshll.u32 v21, $0x2;
	v13 =	vand.u32 $0x2, v13;
	v11 =	vperm.xlane v15, v4;
	v15 =	vld [tilespmem:s9+$0x180];
	[tilespmem:s26+$0x2000] =	vst v14  }
0x2a4: {  	s30 =	simm.s32 $0x500;
	[tilespmem:s28+$0x1300] =	vst v8;
	v8 =	vor.u32 v19, v13;
	v13 =	vand.u32 $0x4, v21;
	v19 =	vld [tilespmem:$0x1310];
	v18 =	vperm.xlane v18, v3  }
0x2a5: {  	s14 =	sand.u32 $0x3FFFFC00, s30;
	v8 =	vor.u32 v13, v8;
	v14 =	vld [tilespmem:s9+$0x80]  }
0x2a6: {  	s9 =	sadd.s32 s14, s19;
	v13 =	vperm.xlane v12, v8;
	[tilespmem:s24+$0x4080] =	vst v18;
	v18 =	vld [tilespmem:$0x12F0]  }
0x2a7: {  	[tilespmem:s25+$0x3300] =	vst v11;
	s30 =	sadd.s32 s13, s9;
	v11 =	vld [tilespmem:$0x1420];
	v20 =	vperm.xlane v62, v10  }
0x2a8: {  	v16 =	vshll.u32 v16, $0x1;
	v17 =	vperm.xlane v17, v2;
	[tilespmem:s30+$0x0] =	vst v13;
	v13 =	vld [tilespmem:$0x13F0]  }
0x2a9: {  	v16 =	vand.u32 $0x2, v16;
	[tilespmem:s0+$0x6100] =	vst v20;
	v63 =	vld [tilespmem:$0x1210];
	v19 =	vperm.xlane v19, v5  }
0x2aa: {  	v9 =	vperm.xlane v9, v1;
	[tilespmem:s22+$0x5280] =	vst v17;
	v15 =	vshll.u32 v15, $0x2;
	v14 =	vand.u32 $0x1, v14;
	v17 =	vld [tilespmem:$0x1530]  }
0x2ab: {  	v15 =	vand.u32 $0x4, v15;
	v14 =	vor.u32 v14, v16;
	v16 =	vperm.xlane v18, v6;
	[tilespmem:s26+$0x2080] =	vst v19;
	v18 =	vld [tilespmem:$0x14E0]  }
0x2ac: {  	[tilespmem:s21+$0x7200] =	vst v9;
	v9 =	vor.u32 v15, v14;
	v14 =	vld [tilespmem:$0x1320];
	v15 =	vperm.xlane v11, v3  }
0x2ad: {  	v12 =	vperm.xlane v12, v9;
	v11 =	vld [tilespmem:$0x15D0];
	[tilespmem:s28+$0x1380] =	vst v16  }
0x2ae: {  	s31 =	sadd.s32 s6, s9;
	v16 =	vperm.xlane v63, v8;
	v19 =	vld [tilespmem:$0x1300];
	[tilespmem:s24+$0x4100] =	vst v15  }
0x2af: {  	[tilespmem:s31+$0x0] =	vst v12;
	v12 =	vld [tilespmem:$0x1430];
	v15 =	vperm.xlane v17, v10  }
0x2b0: {  	v13 =	vperm.xlane v13, v4;
	v17 =	vld [tilespmem:$0x1210];
	[tilespmem:s30+$0x80] =	vst v16  }
0x2b1: {  	v16 =	vld [tilespmem:$0x1220];
	v14 =	vperm.xlane v14, v5;
	[tilespmem:s0+$0x6180] =	vst v15  }
0x2b2: {  	[tilespmem:s25+$0x3380] =	vst v13;
	v15 =	vperm.xlane v18, v2;
	v13 =	vld [tilespmem:$0x1540]  }
0x2b3: {  	v18 =	vperm.xlane v19, v6;
	[tilespmem:s26+$0x2100] =	vst v14;
	v14 =	vld [tilespmem:$0x1400]  }
0x2b4: {  	[tilespmem:s22+$0x5300] =	vst v15;
	v19 =	vld [tilespmem:$0x1330];
	v12 =	vperm.xlane v12, v3  }
0x2b5: {  	v15 =	vperm.xlane v17, v9;
	v17 =	vld [tilespmem:$0x14F0];
	[tilespmem:s28+$0x2000] =	vst v18  }
0x2b6: {  	v16 =	vperm.xlane v16, v8;
	v18 =	vld [tilespmem:$0x1310];
	[tilespmem:s24+$0x4180] =	vst v12  }
0x2b7: {  	[tilespmem:s31+$0x80] =	vst v15;
	v12 =	vld [tilespmem:$0x1440];
	v13 =	vperm.xlane v13, v10  }
0x2b8: {  	v15 =	vld [tilespmem:$0x1220];
	[tilespmem:s30+$0x100] =	vst v16;
	v14 =	vperm.xlane v14, v4  }
0x2b9: {  	v16 =	vld [tilespmem:$0x1230];
	v19 =	vperm.xlane v19, v5;
	[tilespmem:s0+$0x6200] =	vst v13  }
0x2ba: {  	v13 =	vperm.xlane v17, v2;
	[tilespmem:s25+$0x4000] =	vst v14;
	v14 =	vld [tilespmem:$0x1550]  }
0x2bb: {  	v17 =	vperm.xlane v18, v6;
	[tilespmem:s26+$0x2180] =	vst v19;
	v18 =	vld [tilespmem:$0x1410]  }
0x2bc: {  	[tilespmem:s22+$0x5380] =	vst v13;
	v19 =	vld [tilespmem:$0x1340];
	v12 =	vperm.xlane v12, v3  }
0x2bd: {  	v13 =	vperm.xlane v15, v9;
	v15 =	vld [tilespmem:$0x1500];
	[tilespmem:s28+$0x2080] =	vst v17  }
0x2be: {  	v16 =	vperm.xlane v16, v8;
	v17 =	vld [tilespmem:$0x1320];
	[tilespmem:s24+$0x4200] =	vst v12  }
0x2bf: {  	[tilespmem:s31+$0x100] =	vst v13;
	v12 =	vld [tilespmem:$0x1450];
	v13 =	vperm.xlane v14, v10  }
0x2c0: {  	v14 =	vld [tilespmem:$0x1230];
	[tilespmem:s30+$0x180] =	vst v16;
	v16 =	vperm.xlane v18, v4  }
0x2c1: {  	v18 =	vld [tilespmem:$0x1240];
	v19 =	vperm.xlane v19, v5;
	[tilespmem:s0+$0x6280] =	vst v13  }
0x2c2: {  	v13 =	vperm.xlane v15, v2;
	[tilespmem:s25+$0x4080] =	vst v16;
	v15 =	vld [tilespmem:$0x1560]  }
0x2c3: {  	v16 =	vperm.xlane v17, v6;
	[tilespmem:s26+$0x2200] =	vst v19;
	v17 =	vld [tilespmem:$0x1420]  }
0x2c4: {  	[tilespmem:s22+$0x6000] =	vst v13;
	v19 =	vld [tilespmem:$0x1350];
	v12 =	vperm.xlane v12, v3  }
0x2c5: {  	v13 =	vperm.xlane v14, v9;
	v14 =	vld [tilespmem:$0x1510];
	[tilespmem:s28+$0x2100] =	vst v16  }
0x2c6: {  	v16 =	vperm.xlane v18, v8;
	v18 =	vld [tilespmem:$0x1330];
	[tilespmem:s24+$0x4280] =	vst v12  }
0x2c7: {  	[tilespmem:s31+$0x180] =	vst v13;
	v12 =	vld [tilespmem:$0x1460];
	v13 =	vperm.xlane v15, v10  }
0x2c8: {  	v15 =	vld [tilespmem:$0x1240];
	[tilespmem:s30+$0x200] =	vst v16;
	v16 =	vperm.xlane v17, v4  }
0x2c9: {  	v17 =	vld [tilespmem:$0x1250];
	v19 =	vperm.xlane v19, v5;
	[tilespmem:s0+$0x6300] =	vst v13  }
0x2ca: {  	v13 =	vperm.xlane v14, v2;
	[tilespmem:s25+$0x4100] =	vst v16;
	v14 =	vld [tilespmem:$0x1570]  }
0x2cb: {  	v16 =	vperm.xlane v18, v6;
	[tilespmem:s26+$0x2280] =	vst v19;
	v18 =	vld [tilespmem:$0x1430]  }
0x2cc: {  	[tilespmem:s22+$0x6080] =	vst v13;
	v19 =	vld [tilespmem:$0x1360];
	v12 =	vperm.xlane v12, v3  }
0x2cd: {  	v13 =	vperm.xlane v15, v9;
	v15 =	vld [tilespmem:$0x1520];
	[tilespmem:s28+$0x2180] =	vst v16  }
0x2ce: {  	v16 =	vperm.xlane v17, v8;
	v17 =	vld [tilespmem:$0x1340];
	[tilespmem:s24+$0x4300] =	vst v12  }
0x2cf: {  	[tilespmem:s31+$0x200] =	vst v13;
	v12 =	vld [tilespmem:$0x1470];
	v13 =	vperm.xlane v14, v10  }
0x2d0: {  	v14 =	vld [tilespmem:$0x1250];
	[tilespmem:s30+$0x280] =	vst v16;
	v16 =	vperm.xlane v18, v4  }
0x2d1: {  	v18 =	vld [tilespmem:$0x1260];
	v19 =	vperm.xlane v19, v5;
	[tilespmem:s0+$0x6380] =	vst v13  }
0x2d2: {  	v13 =	vperm.xlane v15, v2;
	[tilespmem:s25+$0x4180] =	vst v16;
	v15 =	vld [tilespmem:$0x1580]  }
0x2d3: {  	v16 =	vperm.xlane v17, v6;
	[tilespmem:s26+$0x2300] =	vst v19;
	v17 =	vld [tilespmem:$0x1440]  }
0x2d4: {  	[tilespmem:s22+$0x6100] =	vst v13;
	v19 =	vld [tilespmem:$0x1370];
	v12 =	vperm.xlane v12, v3  }
0x2d5: {  	v13 =	vperm.xlane v14, v9;
	v14 =	vld [tilespmem:$0x1530];
	[tilespmem:s28+$0x2200] =	vst v16  }
0x2d6: {  	v16 =	vperm.xlane v18, v8;
	v18 =	vld [tilespmem:$0x1350];
	[tilespmem:s24+$0x4380] =	vst v12  }
0x2d7: {  	[tilespmem:s31+$0x280] =	vst v13;
	v12 =	vld [tilespmem:$0x1480];
	v13 =	vperm.xlane v15, v10  }
0x2d8: {  	v15 =	vld [tilespmem:$0x1260];
	[tilespmem:s30+$0x300] =	vst v16;
	v16 =	vperm.xlane v17, v4  }
0x2d9: {  	v17 =	vld [tilespmem:$0x1270];
	v19 =	vperm.xlane v19, v5;
	[tilespmem:s0+$0x7000] =	vst v13  }
0x2da: {  	v13 =	vperm.xlane v14, v2;
	[tilespmem:s25+$0x4200] =	vst v16;
	v14 =	vld [tilespmem:$0x1590]  }
0x2db: {  	v16 =	vperm.xlane v18, v6;
	[tilespmem:s26+$0x2380] =	vst v19;
	v18 =	vld [tilespmem:$0x1450]  }
0x2dc: {  	[tilespmem:s22+$0x6180] =	vst v13;
	v19 =	vld [tilespmem:$0x1380];
	v12 =	vperm.xlane v12, v3  }
0x2dd: {  	v13 =	vperm.xlane v15, v9;
	v15 =	vld [tilespmem:$0x1540];
	[tilespmem:s28+$0x2280] =	vst v16  }
0x2de: {  	v16 =	vperm.xlane v17, v8;
	v17 =	vld [tilespmem:$0x1360];
	[tilespmem:s24+$0x5000] =	vst v12  }
0x2df: {  	[tilespmem:s31+$0x300] =	vst v13;
	v12 =	vld [tilespmem:$0x1490];
	v13 =	vperm.xlane v14, v10  }
0x2e0: {  	v14 =	vld [tilespmem:$0x1270];
	[tilespmem:s30+$0x380] =	vst v16;
	v16 =	vperm.xlane v18, v4  }
0x2e1: {  	v18 =	vld [tilespmem:$0x1280];
	v19 =	vperm.xlane v19, v5;
	[tilespmem:s0+$0x7080] =	vst v13  }
0x2e2: {  	v13 =	vperm.xlane v15, v2;
	[tilespmem:s25+$0x4280] =	vst v16;
	v15 =	vld [tilespmem:$0x15A0]  }
0x2e3: {  	v16 =	vperm.xlane v17, v6;
	[tilespmem:s26+$0x3000] =	vst v19;
	v17 =	vld [tilespmem:$0x1460]  }
0x2e4: {  	[tilespmem:s22+$0x6200] =	vst v13;
	v19 =	vld [tilespmem:$0x1390];
	v12 =	vperm.xlane v12, v3  }
0x2e5: {  	v13 =	vperm.xlane v14, v9;
	v14 =	vld [tilespmem:$0x1550];
	[tilespmem:s28+$0x2300] =	vst v16  }
0x2e6: {  	v16 =	vperm.xlane v18, v8;
	v18 =	vld [tilespmem:$0x1370];
	[tilespmem:s24+$0x5080] =	vst v12  }
0x2e7: {  	[tilespmem:s31+$0x380] =	vst v13;
	v12 =	vld [tilespmem:$0x14A0];
	v13 =	vperm.xlane v15, v10  }
0x2e8: {  	v15 =	vld [tilespmem:$0x1280];
	[tilespmem:s30+$0x1000] =	vst v16;
	v16 =	vperm.xlane v17, v4  }
0x2e9: {  	v17 =	vld [tilespmem:$0x1290];
	v19 =	vperm.xlane v19, v5;
	[tilespmem:s0+$0x7100] =	vst v13  }
0x2ea: {  	v13 =	vperm.xlane v14, v2;
	[tilespmem:s25+$0x4300] =	vst v16;
	v14 =	vld [tilespmem:$0x15B0]  }
0x2eb: {  	v16 =	vperm.xlane v18, v6;
	[tilespmem:s26+$0x3080] =	vst v19;
	v18 =	vld [tilespmem:$0x1470]  }
0x2ec: {  	[tilespmem:s22+$0x6280] =	vst v13;
	v19 =	vld [tilespmem:$0x13A0];
	v12 =	vperm.xlane v12, v3  }
0x2ed: {  	v13 =	vperm.xlane v15, v9;
	v15 =	vld [tilespmem:$0x1560];
	[tilespmem:s28+$0x2380] =	vst v16  }
0x2ee: {  	v16 =	vperm.xlane v17, v8;
	v17 =	vld [tilespmem:$0x1380];
	[tilespmem:s24+$0x5100] =	vst v12  }
0x2ef: {  	[tilespmem:s31+$0x1000] =	vst v13;
	v12 =	vld [tilespmem:$0x14B0];
	v13 =	vperm.xlane v14, v10  }
0x2f0: {  	v14 =	vld [tilespmem:$0x1290];
	[tilespmem:s30+$0x1080] =	vst v16;
	v16 =	vperm.xlane v18, v4  }
0x2f1: {  	v18 =	vld [tilespmem:$0x12A0];
	v19 =	vperm.xlane v19, v5;
	[tilespmem:s0+$0x7180] =	vst v13  }
0x2f2: {  	v13 =	vperm.xlane v15, v2;
	[tilespmem:s25+$0x4380] =	vst v16;
	v15 =	vld [tilespmem:$0x15C0]  }
0x2f3: {  	v16 =	vperm.xlane v17, v6;
	[tilespmem:s26+$0x3100] =	vst v19;
	v17 =	vld [tilespmem:$0x1480]  }
0x2f4: {  	[tilespmem:s22+$0x6300] =	vst v13;
	v19 =	vld [tilespmem:$0x13B0];
	v12 =	vperm.xlane v12, v3  }
0x2f5: {  	v13 =	vperm.xlane v14, v9;
	v14 =	vld [tilespmem:$0x1570];
	[tilespmem:s28+$0x3000] =	vst v16  }
0x2f6: {  	v16 =	vperm.xlane v18, v8;
	v18 =	vld [tilespmem:$0x1390];
	[tilespmem:s24+$0x5180] =	vst v12  }
0x2f7: {  	[tilespmem:s31+$0x1080] =	vst v13;
	v12 =	vld [tilespmem:$0x14C0];
	v13 =	vperm.xlane v15, v10  }
0x2f8: {  	v15 =	vld [tilespmem:$0x12A0];
	[tilespmem:s30+$0x1100] =	vst v16;
	v16 =	vperm.xlane v17, v4  }
0x2f9: {  	v17 =	vld [tilespmem:$0x12B0];
	v19 =	vperm.xlane v19, v5;
	[tilespmem:s0+$0x7200] =	vst v13  }
0x2fa: {  	v13 =	vperm.xlane v14, v2;
	[tilespmem:s25+$0x5000] =	vst v16;
	v14 =	vld [tilespmem:$0x15D0]  }
0x2fb: {  	v16 =	vperm.xlane v18, v6;
	[tilespmem:s26+$0x3180] =	vst v19;
	v18 =	vld [tilespmem:$0x1490]  }
0x2fc: {  	[tilespmem:s22+$0x6380] =	vst v13;
	v19 =	vld [tilespmem:$0x13C0];
	v12 =	vperm.xlane v12, v3  }
0x2fd: {  	v13 =	vperm.xlane v15, v9;
	v15 =	vld [tilespmem:$0x1580];
	[tilespmem:s28+$0x3080] =	vst v16  }
0x2fe: {  	v16 =	vperm.xlane v17, v8;
	v17 =	vld [tilespmem:$0x13A0];
	[tilespmem:s24+$0x5200] =	vst v12  }
0x2ff: {  	[tilespmem:s31+$0x1100] =	vst v13;
	v12 =	vld [tilespmem:$0x14D0];
	v13 =	vperm.xlane v14, v10  }
0x300: {  	v14 =	vld [tilespmem:$0x12B0];
	[tilespmem:s30+$0x1180] =	vst v16;
	v16 =	vperm.xlane v18, v4  }
0x301: {  	v18 =	vld [tilespmem:$0x12C0];
	v19 =	vperm.xlane v19, v5;
	[tilespmem:s0+$0x7280] =	vst v13  }
0x302: {  	v13 =	vperm.xlane v15, v2;
	[tilespmem:s25+$0x5080] =	vst v16;
	v15 =	vld [tilespmem:$0x15E0]  }
0x303: {  	v16 =	vperm.xlane v17, v6;
	[tilespmem:s26+$0x3200] =	vst v19;
	v17 =	vld [tilespmem:$0x14A0]  }
0x304: {  	[tilespmem:s22+$0x7000] =	vst v13;
	v19 =	vld [tilespmem:$0x13D0];
	v12 =	vperm.xlane v12, v3  }
0x305: {  	v13 =	vperm.xlane v14, v9;
	v14 =	vld [tilespmem:$0x1590];
	[tilespmem:s28+$0x3100] =	vst v16  }
0x306: {  	v16 =	vperm.xlane v18, v8;
	v18 =	vld [tilespmem:$0x13B0];
	[tilespmem:s24+$0x5280] =	vst v12  }
0x307: {  	[tilespmem:s31+$0x1180] =	vst v13;
	v12 =	vld [tilespmem:$0x14E0];
	v13 =	vperm.xlane v15, v10  }
0x308: {  	v15 =	vld [tilespmem:$0x12C0];
	[tilespmem:s30+$0x1200] =	vst v16;
	v16 =	vperm.xlane v17, v4  }
0x309: {  	v17 =	vld [tilespmem:$0x12D0];
	v19 =	vperm.xlane v19, v5;
	[tilespmem:s0+$0x7300] =	vst v13  }
0x30a: {  	v13 =	vperm.xlane v14, v2;
	[tilespmem:s25+$0x5100] =	vst v16;
	v14 =	vld [tilespmem:$0x15F0]  }
0x30b: {  	v16 =	vperm.xlane v18, v6;
	[tilespmem:s26+$0x3280] =	vst v19;
	v18 =	vld [tilespmem:$0x14B0]  }
0x30c: {  	[tilespmem:s22+$0x7080] =	vst v13;
	v19 =	vld [tilespmem:$0x13E0];
	v12 =	vperm.xlane v12, v3  }
0x30d: {  	v13 =	vperm.xlane v15, v9;
	v15 =	vld [tilespmem:$0x15A0];
	[tilespmem:s28+$0x3180] =	vst v16  }
0x30e: {  	v16 =	vperm.xlane v17, v8;
	v17 =	vld [tilespmem:$0x13C0];
	[tilespmem:s24+$0x5300] =	vst v12  }
0x30f: {  	[tilespmem:s31+$0x1200] =	vst v13;
	v12 =	vld [tilespmem:$0x14F0];
	v10 =	vperm.xlane v14, v10  }
0x310: {  	v13 =	vld [tilespmem:$0x12D0];
	[tilespmem:s30+$0x1280] =	vst v16;
	v14 =	vperm.xlane v18, v4  }
0x311: {  	v16 =	vld [tilespmem:$0x12E0];
	v18 =	vperm.xlane v19, v5;
	[tilespmem:s0+$0x7380] =	vst v10  }
0x312: {  	v10 =	vperm.xlane v15, v2;
	[tilespmem:s25+$0x5180] =	vst v14;
	v14 =	vld [tilespmem:$0x15F0]  }
0x313: {  	v15 =	vperm.xlane v17, v6;
	[tilespmem:s26+$0x3300] =	vst v18;
	v17 =	vld [tilespmem:$0x14C0]  }
0x314: {  	[tilespmem:s22+$0x7100] =	vst v10;
	v18 =	vld [tilespmem:$0x13F0];
	v12 =	vperm.xlane v12, v3  }
0x315: {  	v10 =	vperm.xlane v13, v9;
	v19 =	vld [tilespmem:$0x15B0];
	[tilespmem:s28+$0x3200] =	vst v15  }
0x316: {  	v16 =	vperm.xlane v16, v8;
	v13 =	vld [tilespmem:$0x13D0];
	[tilespmem:s24+$0x5380] =	vst v12  }
0x317: {  	v11 =	vperm.xlane v11, v1;
	[tilespmem:s31+$0x1280] =	vst v10;
	v12 =	vld [tilespmem:$0x1500]  }
0x318: {  	s29 =	sshll.u32 s29, $0x2;
	v15 =	vld [tilespmem:$0x12E0];
	[tilespmem:s30+$0x1300] =	vst v16;
	v10 =	vperm.xlane v17, v4  }
0x319: {  	p0 =	slt.s32 s29, $0xF3F;
	[tilespmem:s21+$0x7280] =	vst v11;
	v7 =	vperm.xlane v14, v7;
	v16 =	vld [tilespmem:$0x12F0];
	v14 =	vperm.xlane v18, v5  }
0x31a: {  	s29 =	simm.s32 @!p0 $0xF3F;
	s6 =	simm.s32 $0xA;
	s0 =	sadd.s32 $0x1, s17;
	v11 =	vperm.xlane v19, v2;
	[tilespmem:s25+$0x5200] =	vst v10;
	v10 =	vld [tilespmem:$0x15E0]  }
.LBB2_5:
0x31b: {  	s6 =	sadd.s32 $0x2, s6;
	v13 =	vperm.xlane v13, v6;
	[tilespmem:s26+$0x3380] =	vst v14;
	v14 =	vld [tilespmem:$0x14D0]  }
0x31c: {  	s3 =	sadd.s32 $0x20, s3;
	s11 =	sshll.u32 s6, $0x6;
	v17 =	vld [tilespmem:$0x1400];
	v12 =	vperm.xlane v12, v3;
	[tilespmem:s22+$0x7180] =	vst v11  }
0x31d: {  	s9 =	sand.u32 $0x60, s3;
	p0 =	slt.u32 s6, $0x1E;
	s11 =	sand.u32 $0x3FFFFE00, s11;
	v11 =	vperm.xlane v15, v9;
	[tilespmem:s28+$0x3280] =	vst v13;
	v13 =	vld [tilespmem:$0x15C0]  }
0x31e: {  	s13 =	sadd.s32 s11, s23;
	s11 =	sor.u32 $0x10, s9;
	v15 =	vperm.xlane v16, v8;
	v16 =	vld [tilespmem:$0x13E0];
	[tilespmem:s24+$0x6000] =	vst v12  }
0x31f: {  	s14 =	sadd.s32 s9, s13;
	s13 =	sadd.s32 s11, s13;
	[tilespmem:s31+$0x1300] =	vst v11;
	v11 =	vld [tilespmem:$0x1510];
	v10 =	vperm.xlane v10, v1  }
0x320: {  	v12 =	vld [tilespmem:s13+$0x80];
	[tilespmem:s30+$0x1380] =	vst v15;
	v14 =	vperm.xlane v14, v4  }
0x321: {  	v15 =	vld [tilespmem:$0x1300];
	v17 =	vperm.xlane v17, v5;
	[tilespmem:s21+$0x7300] =	vst v10  }
0x322: {  	v10 =	vld [tilespmem:s13+$0x100];
	[tilespmem:s25+$0x5280] =	vst v14;
	v13 =	vperm.xlane v13, v2  }
0x323: {  	v14 =	vld [tilespmem:s13+$0x180];
	v16 =	vperm.xlane v16, v6;
	[tilespmem:s26+$0x4000] =	vst v17  }
0x324: {  	v17 =	vld [tilespmem:$0x1410];
	v11 =	vperm.xlane v11, v3;
	[tilespmem:s22+$0x7200] =	vst v13  }
0x325: {  	v13 =	vld [tilespmem:s14+$0x100];
	[tilespmem:s28+$0x3300] =	vst v16  }
0x326: {  	v16 =	vld [tilespmem:$0x1200];
	v15 =	vperm.xlane v15, v8;
	[tilespmem:s24+$0x6080] =	vst v11  }
0x327: {  	v10 =	vshll.u32 v10, $0x1;
	v11 =	vld [tilespmem:$0x1520];
	[tilespmem:s20+$0x7380] =	vst v7;
	s20 =	smov.u32 s21;
	s21 =	smov.u32 s22;
	s22 =	smov.u32 s25  }
0x328: {  	v7 =	vand.u32 $0x1, v12;
	s25 =	smov.u32 s28;
	s28 =	smov.u32 s31;
	v18 =	vld [tilespmem:s14+$0x80];
	v10 =	vand.u32 $0x2, v10;
	v12 =	vshll.u32 v14, $0x2;
	[tilespmem:s30+$0x2000] =	vst v15  }
0x329: {  	s13 =	sshll.u32 s6, $0x7;
	v7 =	vor.u32 v7, v10;
	v10 =	vand.u32 $0x4, v12;
	v12 =	vld [tilespmem:$0x1310];
	v14 =	vperm.xlane v17, v5  }
0x32a: {  	s13 =	sand.u32 $0x3FFFFC00, s13;
	v15 =	vld [tilespmem:s14+$0x180];
	v13 =	vshll.u32 v13, $0x1;
	v7 =	vor.u32 v10, v7  }
0x32b: {  	s13 =	sadd.s32 s13, s19;
	v10 =	vand.u32 $0x2, v13;
	v13 =	vperm.xlane v16, v7;
	v17 =	vld [tilespmem:$0x12F0];
	[tilespmem:s26+$0x4080] =	vst v14  }
0x32c: {  	s31 =	sadd.s32 s9, s13;
	s9 =	sadd.s32 s11, s13;
	v14 =	vld [tilespmem:$0x1420];
	v11 =	vperm.xlane v11, v3  }
0x32d: {  	v18 =	vand.u32 $0x1, v18;
	[tilespmem:s9+$0x0] =	vst v13;
	v13 =	vld [tilespmem:$0x13F0]  }
0x32e: {  	v10 =	vor.u32 v18, v10;
	v18 =	vld [tilespmem:$0x1210];
	v12 =	vperm.xlane v12, v8;
	[tilespmem:s24+$0x6100] =	vst v11  }
0x32f: {  	v11 =	vshll.u32 v15, $0x2;
	v15 =	vld [tilespmem:$0x1530]  }
0x330: {  	v11 =	vand.u32 $0x4, v11;
	v17 =	vperm.xlane v17, v9;
	[tilespmem:s30+$0x2080] =	vst v12;
	v12 =	vld [tilespmem:$0x14E0]  }
0x331: {  	v10 =	vor.u32 v11, v10;
	v11 =	vld [tilespmem:$0x1320];
	v14 =	vperm.xlane v14, v5  }
0x332: {  	v16 =	vperm.xlane v16, v10;
	[tilespmem:s28+$0x1380] =	vst v17;
	v13 =	vperm.xlane v13, v6;
	v17 =	vld [tilespmem:$0x15D0]  }
0x333: {  	v18 =	vperm.xlane v18, v7;
	v19 =	vld [tilespmem:$0x1300];
	[tilespmem:s26+$0x4100] =	vst v14  }
0x334: {  	[tilespmem:s31+$0x0] =	vst v16;
	v14 =	vld [tilespmem:$0x1430];
	v15 =	vperm.xlane v15, v3  }
0x335: {  	v16 =	vld [tilespmem:$0x1210];
	[tilespmem:s9+$0x80] =	vst v18;
	v12 =	vperm.xlane v12, v4  }
0x336: {  	v18 =	vld [tilespmem:$0x1220];
	v20 =	vperm.xlane v11, v8;
	[tilespmem:s24+$0x6180] =	vst v15  }
0x337: {  	[tilespmem:s25+$0x3380] =	vst v13;
	v13 =	vld [tilespmem:$0x1540];
	v11 =	vperm.xlane v17, v2  }
0x338: {  	v15 =	vperm.xlane v19, v9;
	[tilespmem:s30+$0x2100] =	vst v20;
	v17 =	vld [tilespmem:$0x1400]  }
0x339: {  	v19 =	vld [tilespmem:$0x1330];
	v14 =	vperm.xlane v14, v5;
	[tilespmem:s22+$0x5300] =	vst v12  }
0x33a: {  	v12 =	vperm.xlane v16, v10;
	[tilespmem:s28+$0x2000] =	vst v15;
	v15 =	vld [tilespmem:$0x14F0]  }
0x33b: {  	v16 =	vperm.xlane v18, v7;
	v18 =	vld [tilespmem:$0x1310];
	[tilespmem:s26+$0x4180] =	vst v14  }
0x33c: {  	[tilespmem:s31+$0x80] =	vst v12;
	v12 =	vld [tilespmem:$0x1440];
	v13 =	vperm.xlane v13, v3  }
0x33d: {  	v14 =	vld [tilespmem:$0x1220];
	[tilespmem:s9+$0x100] =	vst v16;
	v16 =	vperm.xlane v17, v6  }
0x33e: {  	v17 =	vld [tilespmem:$0x1230];
	v19 =	vperm.xlane v19, v8;
	[tilespmem:s24+$0x6200] =	vst v13  }
0x33f: {  	[tilespmem:s25+$0x4000] =	vst v16;
	v13 =	vperm.xlane v15, v4;
	v15 =	vld [tilespmem:$0x1550]  }
0x340: {  	v16 =	vperm.xlane v18, v9;
	[tilespmem:s30+$0x2180] =	vst v19;
	v18 =	vld [tilespmem:$0x1410]  }
0x341: {  	v19 =	vld [tilespmem:$0x1340];
	v12 =	vperm.xlane v12, v5;
	[tilespmem:s22+$0x5380] =	vst v13  }
0x342: {  	v13 =	vperm.xlane v14, v10;
	[tilespmem:s28+$0x2080] =	vst v16;
	v14 =	vld [tilespmem:$0x1500]  }
0x343: {  	v16 =	vperm.xlane v17, v7;
	v17 =	vld [tilespmem:$0x1320];
	[tilespmem:s26+$0x4200] =	vst v12  }
0x344: {  	[tilespmem:s31+$0x100] =	vst v13;
	v12 =	vld [tilespmem:$0x1450];
	v13 =	vperm.xlane v15, v3  }
0x345: {  	v15 =	vld [tilespmem:$0x1230];
	[tilespmem:s9+$0x180] =	vst v16;
	v16 =	vperm.xlane v18, v6  }
0x346: {  	v18 =	vld [tilespmem:$0x1240];
	v19 =	vperm.xlane v19, v8;
	[tilespmem:s24+$0x6280] =	vst v13  }
0x347: {  	[tilespmem:s25+$0x4080] =	vst v16;
	v13 =	vperm.xlane v14, v4;
	v14 =	vld [tilespmem:$0x1560]  }
0x348: {  	v16 =	vperm.xlane v17, v9;
	[tilespmem:s30+$0x2200] =	vst v19;
	v17 =	vld [tilespmem:$0x1420]  }
0x349: {  	v19 =	vld [tilespmem:$0x1350];
	v12 =	vperm.xlane v12, v5;
	[tilespmem:s22+$0x6000] =	vst v13  }
0x34a: {  	v13 =	vperm.xlane v15, v10;
	[tilespmem:s28+$0x2100] =	vst v16;
	v15 =	vld [tilespmem:$0x1510]  }
0x34b: {  	v16 =	vperm.xlane v18, v7;
	v18 =	vld [tilespmem:$0x1330];
	[tilespmem:s26+$0x4280] =	vst v12  }
0x34c: {  	[tilespmem:s31+$0x180] =	vst v13;
	v12 =	vld [tilespmem:$0x1460];
	v13 =	vperm.xlane v14, v3  }
0x34d: {  	v14 =	vld [tilespmem:$0x1240];
	[tilespmem:s9+$0x200] =	vst v16;
	v16 =	vperm.xlane v17, v6  }
0x34e: {  	v17 =	vld [tilespmem:$0x1250];
	v19 =	vperm.xlane v19, v8;
	[tilespmem:s24+$0x6300] =	vst v13  }
0x34f: {  	[tilespmem:s25+$0x4100] =	vst v16;
	v13 =	vperm.xlane v15, v4;
	v15 =	vld [tilespmem:$0x1570]  }
0x350: {  	v16 =	vperm.xlane v18, v9;
	[tilespmem:s30+$0x2280] =	vst v19;
	v18 =	vld [tilespmem:$0x1430]  }
0x351: {  	v19 =	vld [tilespmem:$0x1360];
	v12 =	vperm.xlane v12, v5;
	[tilespmem:s22+$0x6080] =	vst v13  }
0x352: {  	v13 =	vperm.xlane v14, v10;
	[tilespmem:s28+$0x2180] =	vst v16;
	v14 =	vld [tilespmem:$0x1520]  }
0x353: {  	v16 =	vperm.xlane v17, v7;
	v17 =	vld [tilespmem:$0x1340];
	[tilespmem:s26+$0x4300] =	vst v12  }
0x354: {  	[tilespmem:s31+$0x200] =	vst v13;
	v12 =	vld [tilespmem:$0x1470];
	v13 =	vperm.xlane v15, v3  }
0x355: {  	v15 =	vld [tilespmem:$0x1250];
	[tilespmem:s9+$0x280] =	vst v16;
	v16 =	vperm.xlane v18, v6  }
0x356: {  	v18 =	vld [tilespmem:$0x1260];
	v19 =	vperm.xlane v19, v8;
	[tilespmem:s24+$0x6380] =	vst v13  }
0x357: {  	[tilespmem:s25+$0x4180] =	vst v16;
	v13 =	vperm.xlane v14, v4;
	v14 =	vld [tilespmem:$0x1580]  }
0x358: {  	v16 =	vperm.xlane v17, v9;
	[tilespmem:s30+$0x2300] =	vst v19;
	v17 =	vld [tilespmem:$0x1440]  }
0x359: {  	v19 =	vld [tilespmem:$0x1370];
	v12 =	vperm.xlane v12, v5;
	[tilespmem:s22+$0x6100] =	vst v13  }
0x35a: {  	v13 =	vperm.xlane v15, v10;
	[tilespmem:s28+$0x2200] =	vst v16;
	v15 =	vld [tilespmem:$0x1530]  }
0x35b: {  	v16 =	vperm.xlane v18, v7;
	v18 =	vld [tilespmem:$0x1350];
	[tilespmem:s26+$0x4380] =	vst v12  }
0x35c: {  	[tilespmem:s31+$0x280] =	vst v13;
	v12 =	vld [tilespmem:$0x1480];
	v13 =	vperm.xlane v14, v3  }
0x35d: {  	v14 =	vld [tilespmem:$0x1260];
	[tilespmem:s9+$0x300] =	vst v16;
	v16 =	vperm.xlane v17, v6  }
0x35e: {  	v17 =	vld [tilespmem:$0x1270];
	v19 =	vperm.xlane v19, v8;
	[tilespmem:s24+$0x7000] =	vst v13  }
0x35f: {  	[tilespmem:s25+$0x4200] =	vst v16;
	v13 =	vperm.xlane v15, v4;
	v15 =	vld [tilespmem:$0x1590]  }
0x360: {  	v16 =	vperm.xlane v18, v9;
	[tilespmem:s30+$0x2380] =	vst v19;
	v18 =	vld [tilespmem:$0x1450]  }
0x361: {  	v19 =	vld [tilespmem:$0x1380];
	v12 =	vperm.xlane v12, v5;
	[tilespmem:s22+$0x6180] =	vst v13  }
0x362: {  	v13 =	vperm.xlane v14, v10;
	[tilespmem:s28+$0x2280] =	vst v16;
	v14 =	vld [tilespmem:$0x1540]  }
0x363: {  	v16 =	vperm.xlane v17, v7;
	v17 =	vld [tilespmem:$0x1360];
	[tilespmem:s26+$0x5000] =	vst v12  }
0x364: {  	[tilespmem:s31+$0x300] =	vst v13;
	v12 =	vld [tilespmem:$0x1490];
	v13 =	vperm.xlane v15, v3  }
0x365: {  	v15 =	vld [tilespmem:$0x1270];
	[tilespmem:s9+$0x380] =	vst v16;
	v16 =	vperm.xlane v18, v6  }
0x366: {  	v18 =	vld [tilespmem:$0x1280];
	v19 =	vperm.xlane v19, v8;
	[tilespmem:s24+$0x7080] =	vst v13  }
0x367: {  	[tilespmem:s25+$0x4280] =	vst v16;
	v13 =	vperm.xlane v14, v4;
	v14 =	vld [tilespmem:$0x15A0]  }
0x368: {  	v16 =	vperm.xlane v17, v9;
	[tilespmem:s30+$0x3000] =	vst v19;
	v17 =	vld [tilespmem:$0x1460]  }
0x369: {  	v19 =	vld [tilespmem:$0x1390];
	v12 =	vperm.xlane v12, v5;
	[tilespmem:s22+$0x6200] =	vst v13  }
0x36a: {  	v13 =	vperm.xlane v15, v10;
	[tilespmem:s28+$0x2300] =	vst v16;
	v15 =	vld [tilespmem:$0x1550]  }
0x36b: {  	v16 =	vperm.xlane v18, v7;
	v18 =	vld [tilespmem:$0x1370];
	[tilespmem:s26+$0x5080] =	vst v12  }
0x36c: {  	[tilespmem:s31+$0x380] =	vst v13;
	v12 =	vld [tilespmem:$0x14A0];
	v13 =	vperm.xlane v14, v3  }
0x36d: {  	v14 =	vld [tilespmem:$0x1280];
	[tilespmem:s9+$0x1000] =	vst v16;
	v16 =	vperm.xlane v17, v6  }
0x36e: {  	v17 =	vld [tilespmem:$0x1290];
	v19 =	vperm.xlane v19, v8;
	[tilespmem:s24+$0x7100] =	vst v13  }
0x36f: {  	[tilespmem:s25+$0x4300] =	vst v16;
	v13 =	vperm.xlane v15, v4;
	v15 =	vld [tilespmem:$0x15B0]  }
0x370: {  	v16 =	vperm.xlane v18, v9;
	[tilespmem:s30+$0x3080] =	vst v19;
	v18 =	vld [tilespmem:$0x1470]  }
0x371: {  	v19 =	vld [tilespmem:$0x13A0];
	v12 =	vperm.xlane v12, v5;
	[tilespmem:s22+$0x6280] =	vst v13  }
0x372: {  	v13 =	vperm.xlane v14, v10;
	[tilespmem:s28+$0x2380] =	vst v16;
	v14 =	vld [tilespmem:$0x1560]  }
0x373: {  	v16 =	vperm.xlane v17, v7;
	v17 =	vld [tilespmem:$0x1380];
	[tilespmem:s26+$0x5100] =	vst v12  }
0x374: {  	[tilespmem:s31+$0x1000] =	vst v13;
	v12 =	vld [tilespmem:$0x14B0];
	v13 =	vperm.xlane v15, v3  }
0x375: {  	v15 =	vld [tilespmem:$0x1290];
	[tilespmem:s9+$0x1080] =	vst v16;
	v16 =	vperm.xlane v18, v6  }
0x376: {  	v18 =	vld [tilespmem:$0x12A0];
	v19 =	vperm.xlane v19, v8;
	[tilespmem:s24+$0x7180] =	vst v13  }
0x377: {  	[tilespmem:s25+$0x4380] =	vst v16;
	v13 =	vperm.xlane v14, v4;
	v14 =	vld [tilespmem:$0x15C0]  }
0x378: {  	v16 =	vperm.xlane v17, v9;
	[tilespmem:s30+$0x3100] =	vst v19;
	v17 =	vld [tilespmem:$0x1480]  }
0x379: {  	v19 =	vld [tilespmem:$0x13B0];
	v12 =	vperm.xlane v12, v5;
	[tilespmem:s22+$0x6300] =	vst v13  }
0x37a: {  	v13 =	vperm.xlane v15, v10;
	[tilespmem:s28+$0x3000] =	vst v16;
	v15 =	vld [tilespmem:$0x1570]  }
0x37b: {  	v16 =	vperm.xlane v18, v7;
	v18 =	vld [tilespmem:$0x1390];
	[tilespmem:s26+$0x5180] =	vst v12  }
0x37c: {  	[tilespmem:s31+$0x1080] =	vst v13;
	v12 =	vld [tilespmem:$0x14C0];
	v13 =	vperm.xlane v14, v3  }
0x37d: {  	v14 =	vld [tilespmem:$0x12A0];
	[tilespmem:s9+$0x1100] =	vst v16;
	v16 =	vperm.xlane v17, v6  }
0x37e: {  	v17 =	vld [tilespmem:$0x12B0];
	v19 =	vperm.xlane v19, v8;
	[tilespmem:s24+$0x7200] =	vst v13  }
0x37f: {  	[tilespmem:s25+$0x5000] =	vst v16;
	v13 =	vperm.xlane v15, v4;
	v15 =	vld [tilespmem:$0x15D0]  }
0x380: {  	v16 =	vperm.xlane v18, v9;
	[tilespmem:s30+$0x3180] =	vst v19;
	v18 =	vld [tilespmem:$0x1490]  }
0x381: {  	v19 =	vld [tilespmem:$0x13C0];
	v12 =	vperm.xlane v12, v5;
	[tilespmem:s22+$0x6380] =	vst v13  }
0x382: {  	v13 =	vperm.xlane v14, v10;
	[tilespmem:s28+$0x3080] =	vst v16;
	v14 =	vld [tilespmem:$0x1580]  }
0x383: {  	v16 =	vperm.xlane v17, v7;
	v17 =	vld [tilespmem:$0x13A0];
	[tilespmem:s26+$0x5200] =	vst v12  }
0x384: {  	[tilespmem:s31+$0x1100] =	vst v13;
	v12 =	vld [tilespmem:$0x14D0];
	v13 =	vperm.xlane v15, v3  }
0x385: {  	v15 =	vld [tilespmem:$0x12B0];
	[tilespmem:s9+$0x1180] =	vst v16;
	v16 =	vperm.xlane v18, v6  }
0x386: {  	v18 =	vld [tilespmem:$0x12C0];
	v19 =	vperm.xlane v19, v8;
	[tilespmem:s24+$0x7280] =	vst v13  }
0x387: {  	[tilespmem:s25+$0x5080] =	vst v16;
	v13 =	vperm.xlane v14, v4;
	v14 =	vld [tilespmem:$0x15E0]  }
0x388: {  	v16 =	vperm.xlane v17, v9;
	[tilespmem:s30+$0x3200] =	vst v19;
	v17 =	vld [tilespmem:$0x14A0]  }
0x389: {  	v19 =	vld [tilespmem:$0x13D0];
	v12 =	vperm.xlane v12, v5;
	[tilespmem:s22+$0x7000] =	vst v13  }
0x38a: {  	v13 =	vperm.xlane v15, v10;
	[tilespmem:s28+$0x3100] =	vst v16;
	v15 =	vld [tilespmem:$0x1590]  }
0x38b: {  	v16 =	vperm.xlane v18, v7;
	v18 =	vld [tilespmem:$0x13B0];
	[tilespmem:s26+$0x5280] =	vst v12  }
0x38c: {  	[tilespmem:s31+$0x1180] =	vst v13;
	v12 =	vld [tilespmem:$0x14E0];
	v13 =	vperm.xlane v14, v3  }
0x38d: {  	v14 =	vld [tilespmem:$0x12C0];
	[tilespmem:s9+$0x1200] =	vst v16;
	v16 =	vperm.xlane v17, v6  }
0x38e: {  	v17 =	vld [tilespmem:$0x12D0];
	v19 =	vperm.xlane v19, v8;
	[tilespmem:s24+$0x7300] =	vst v13  }
0x38f: {  	[tilespmem:s25+$0x5100] =	vst v16;
	v13 =	vperm.xlane v15, v4;
	v15 =	vld [tilespmem:$0x15F0]  }
0x390: {  	v16 =	vperm.xlane v18, v9;
	[tilespmem:s30+$0x3280] =	vst v19;
	v18 =	vld [tilespmem:$0x14B0]  }
0x391: {  	v19 =	vld [tilespmem:$0x13E0];
	v12 =	vperm.xlane v12, v5;
	[tilespmem:s22+$0x7080] =	vst v13  }
0x392: {  	v13 =	vperm.xlane v14, v10;
	[tilespmem:s28+$0x3180] =	vst v16;
	v14 =	vld [tilespmem:$0x15A0]  }
0x393: {  	v16 =	vperm.xlane v17, v7;
	v17 =	vld [tilespmem:$0x13C0];
	[tilespmem:s26+$0x5300] =	vst v12  }
0x394: {  	[tilespmem:s31+$0x1200] =	vst v13;
	v12 =	vld [tilespmem:$0x14F0];
	v13 =	vperm.xlane v15, v3;
	v3 =	vmovc v5;
	v5 =	vmov v8;
	v8 =	vmov v7  }
0x395: {  	v7 =	vld [tilespmem:$0x12D0];
	[tilespmem:s9+$0x1280] =	vst v16;
	v15 =	vperm.xlane v18, v6  }
0x396: {  	v16 =	vld [tilespmem:$0x12E0];
	v18 =	vperm.xlane v19, v5;
	[tilespmem:s24+$0x7380] =	vst v13;
	s24 =	smov.u32 s26;
	s26 =	smov.u32 s30;
	s30 =	smov.u32 s9  }
0x397: {  	[tilespmem:s25+$0x5180] =	vst v15;
	v13 =	vperm.xlane v14, v4;
	v14 =	vld [tilespmem:$0x15F0]  }
0x398: {  	v15 =	vperm.xlane v17, v9;
	[tilespmem:s26+$0x3300] =	vst v18;
	v17 =	vld [tilespmem:$0x14C0]  }
0x399: {  	v18 =	vld [tilespmem:$0x13F0];
	v12 =	vperm.xlane v12, v3;
	[tilespmem:s22+$0x7100] =	vst v13  }
0x39a: {  	v7 =	vperm.xlane v7, v10;
	[tilespmem:s28+$0x3200] =	vst v15;
	v19 =	vld [tilespmem:$0x15B0]  }
.Ltmp1:
0x39b: {  	v16 =	vperm.xlane v16, v8;
	v13 =	vld [tilespmem:$0x13D0];
	[tilespmem:s24+$0x5380] =	vst v12;
	(pc) =	sbr.rel @p0 .LBB2_5-.Ltmp1, $4  }
0x39c: {  	[tilespmem:s31+$0x1280] =	vst v7;
	v12 =	vld [tilespmem:$0x1500];
	v7 =	vperm.xlane v14, v1;
	v1 =	vmovc v2;
	v2 =	vmovc v4;
	v4 =	vmov v6;
	v6 =	vmov v9  }
0x39d: {  	v9 =	vmov v10;
	v15 =	vld [tilespmem:$0x12E0];
	[tilespmem:s30+$0x1300] =	vst v16;
	v17 =	vperm.xlane v17, v4  }
0x39e: {  	v16 =	vld [tilespmem:$0x12F0];
	v14 =	vperm.xlane v18, v5;
	[tilespmem:s21+$0x7280] =	vst v11  }
0x39f: {  	[tilespmem:s25+$0x5200] =	vst v17;
	v11 =	vperm.xlane v19, v2;
	v10 =	vld [tilespmem:$0x15E0]  }
0x3a0: {  	_ =	sdelay $0x1  }
0x3a1: {  	v15 =	vperm.xlane v15, v9;
	_ =	sdelay $0x1  }
0x3a2: {  	[tilespmem:s31+$0x1300] =	vst v15  }
0x3a3: {  	v15 =	vld [tilespmem:$0x12F0];
	_ =	sdelay $0x1  }
0x3a4: {  	v16 =	vperm.xlane v16, v8;
	_ =	sdelay $0x1  }
0x3a5: {  	[tilespmem:s30+$0x1380] =	vst v16  }
0x3a6: {  	v16 =	vld [tilespmem:$0x1300];
	v15 =	vperm.xlane v15, v9;
	_ =	sdelay $0x1  }
0x3a7: {  	[tilespmem:s31+$0x1380] =	vst v15  }
0x3a8: {  	v15 =	vld [tilespmem:$0x1300];
	_ =	sdelay $0x1  }
0x3a9: {  	v16 =	vperm.xlane v16, v8;
	_ =	sdelay $0x1  }
0x3aa: {  	[tilespmem:s30+$0x2000] =	vst v16  }
0x3ab: {  	v16 =	vld [tilespmem:$0x1310];
	v15 =	vperm.xlane v15, v9;
	_ =	sdelay $0x1  }
0x3ac: {  	[tilespmem:s31+$0x2000] =	vst v15  }
0x3ad: {  	v15 =	vld [tilespmem:$0x1310];
	_ =	sdelay $0x1  }
0x3ae: {  	v16 =	vperm.xlane v16, v8;
	_ =	sdelay $0x1  }
0x3af: {  	[tilespmem:s30+$0x2080] =	vst v16  }
0x3b0: {  	v16 =	vld [tilespmem:$0x1320];
	v15 =	vperm.xlane v15, v9;
	_ =	sdelay $0x1  }
0x3b1: {  	[tilespmem:s31+$0x2080] =	vst v15  }
0x3b2: {  	v15 =	vld [tilespmem:$0x1320];
	_ =	sdelay $0x1  }
0x3b3: {  	v16 =	vperm.xlane v16, v8;
	_ =	sdelay $0x1  }
0x3b4: {  	[tilespmem:s30+$0x2100] =	vst v16  }
0x3b5: {  	v16 =	vld [tilespmem:$0x1330];
	v15 =	vperm.xlane v15, v9;
	_ =	sdelay $0x1  }
0x3b6: {  	[tilespmem:s31+$0x2100] =	vst v15  }
0x3b7: {  	v15 =	vld [tilespmem:$0x1330];
	_ =	sdelay $0x1  }
0x3b8: {  	v16 =	vperm.xlane v16, v8;
	_ =	sdelay $0x1  }
0x3b9: {  	[tilespmem:s30+$0x2180] =	vst v16  }
0x3ba: {  	v16 =	vld [tilespmem:$0x1340];
	v15 =	vperm.xlane v15, v9;
	_ =	sdelay $0x1  }
0x3bb: {  	[tilespmem:s31+$0x2180] =	vst v15  }
0x3bc: {  	v15 =	vld [tilespmem:$0x1340];
	_ =	sdelay $0x1  }
0x3bd: {  	v16 =	vperm.xlane v16, v8;
	_ =	sdelay $0x1  }
0x3be: {  	[tilespmem:s30+$0x2200] =	vst v16  }
0x3bf: {  	v16 =	vld [tilespmem:$0x1350];
	v15 =	vperm.xlane v15, v9;
	_ =	sdelay $0x1  }
0x3c0: {  	[tilespmem:s31+$0x2200] =	vst v15  }
0x3c1: {  	v15 =	vld [tilespmem:$0x1350];
	_ =	sdelay $0x1  }
0x3c2: {  	v16 =	vperm.xlane v16, v8;
	_ =	sdelay $0x1  }
0x3c3: {  	[tilespmem:s30+$0x2280] =	vst v16  }
0x3c4: {  	v16 =	vld [tilespmem:$0x1360];
	v15 =	vperm.xlane v15, v9;
	_ =	sdelay $0x1  }
0x3c5: {  	[tilespmem:s31+$0x2280] =	vst v15  }
0x3c6: {  	v15 =	vld [tilespmem:$0x1360];
	_ =	sdelay $0x1  }
0x3c7: {  	v16 =	vperm.xlane v16, v8;
	_ =	sdelay $0x1  }
0x3c8: {  	[tilespmem:s30+$0x2300] =	vst v16  }
0x3c9: {  	v16 =	vld [tilespmem:$0x1370];
	v15 =	vperm.xlane v15, v9;
	_ =	sdelay $0x1  }
0x3ca: {  	[tilespmem:s31+$0x2300] =	vst v15  }
0x3cb: {  	v15 =	vld [tilespmem:$0x1370];
	_ =	sdelay $0x1  }
0x3cc: {  	v16 =	vperm.xlane v16, v8;
	_ =	sdelay $0x1  }
0x3cd: {  	[tilespmem:s30+$0x2380] =	vst v16  }
0x3ce: {  	v16 =	vld [tilespmem:$0x1380];
	v15 =	vperm.xlane v15, v9;
	_ =	sdelay $0x1  }
0x3cf: {  	[tilespmem:s31+$0x2380] =	vst v15  }
0x3d0: {  	v15 =	vld [tilespmem:$0x1380];
	_ =	sdelay $0x1  }
0x3d1: {  	v16 =	vperm.xlane v16, v8;
	_ =	sdelay $0x1  }
0x3d2: {  	[tilespmem:s30+$0x3000] =	vst v16  }
0x3d3: {  	v16 =	vld [tilespmem:$0x1390];
	v15 =	vperm.xlane v15, v9;
	_ =	sdelay $0x1  }
0x3d4: {  	[tilespmem:s31+$0x3000] =	vst v15  }
0x3d5: {  	v15 =	vld [tilespmem:$0x1390];
	_ =	sdelay $0x1  }
0x3d6: {  	v16 =	vperm.xlane v16, v8;
	_ =	sdelay $0x1  }
0x3d7: {  	[tilespmem:s30+$0x3080] =	vst v16  }
0x3d8: {  	v16 =	vld [tilespmem:$0x13A0];
	v15 =	vperm.xlane v15, v9;
	_ =	sdelay $0x1  }
0x3d9: {  	[tilespmem:s31+$0x3080] =	vst v15  }
0x3da: {  	v15 =	vld [tilespmem:$0x13A0];
	_ =	sdelay $0x1  }
0x3db: {  	v16 =	vperm.xlane v16, v8;
	_ =	sdelay $0x1  }
0x3dc: {  	[tilespmem:s30+$0x3100] =	vst v16  }
0x3dd: {  	v16 =	vld [tilespmem:$0x13B0];
	v15 =	vperm.xlane v15, v9;
	_ =	sdelay $0x1  }
0x3de: {  	[tilespmem:s31+$0x3100] =	vst v15  }
0x3df: {  	v15 =	vld [tilespmem:$0x13B0];
	_ =	sdelay $0x1  }
0x3e0: {  	v16 =	vperm.xlane v16, v8;
	_ =	sdelay $0x1  }
0x3e1: {  	[tilespmem:s30+$0x3180] =	vst v16  }
0x3e2: {  	v16 =	vld [tilespmem:$0x13C0];
	v15 =	vperm.xlane v15, v9;
	_ =	sdelay $0x1  }
0x3e3: {  	[tilespmem:s31+$0x3180] =	vst v15  }
0x3e4: {  	v15 =	vld [tilespmem:$0x13C0];
	_ =	sdelay $0x1  }
0x3e5: {  	v16 =	vperm.xlane v16, v8;
	_ =	sdelay $0x1  }
0x3e6: {  	[tilespmem:s30+$0x3200] =	vst v16  }
0x3e7: {  	v16 =	vld [tilespmem:$0x13D0];
	v15 =	vperm.xlane v15, v9;
	_ =	sdelay $0x1  }
0x3e8: {  	[tilespmem:s31+$0x3200] =	vst v15  }
0x3e9: {  	v15 =	vld [tilespmem:$0x13D0]  }
0x3ea: {  	v13 =	vperm.xlane v13, v6  }
0x3eb: {  	v16 =	vperm.xlane v16, v8  }
0x3ec: {  	[tilespmem:s28+$0x3280] =	vst v13  }
0x3ed: {  	v13 =	vld [tilespmem:$0x13E0];
	[tilespmem:s30+$0x3280] =	vst v16  }
0x3ee: {  	v16 =	vld [tilespmem:$0x13E0];
	v15 =	vperm.xlane v15, v9;
	_ =	sdelay $0x1  }
0x3ef: {  	[tilespmem:s31+$0x3280] =	vst v15  }
0x3f0: {  	v15 =	vld [tilespmem:$0x13E0]  }
0x3f1: {  	v13 =	vperm.xlane v13, v6  }
0x3f2: {  	v16 =	vperm.xlane v16, v8  }
0x3f3: {  	[tilespmem:s28+$0x3300] =	vst v13  }
0x3f4: {  	v13 =	vld [tilespmem:$0x13F0];
	[tilespmem:s30+$0x3300] =	vst v16  }
0x3f5: {  	v16 =	vld [tilespmem:$0x13F0];
	v15 =	vperm.xlane v15, v9;
	_ =	sdelay $0x1  }
0x3f6: {  	[tilespmem:s31+$0x3300] =	vst v15  }
0x3f7: {  	v15 =	vld [tilespmem:$0x13F0]  }
0x3f8: {  	v13 =	vperm.xlane v13, v6  }
0x3f9: {  	v48 =	vperm.xlane v16, v8  }
0x3fa: {  	[tilespmem:s28+$0x3380] =	vst v13  }
0x3fb: {  	v13 =	vld [tilespmem:$0x1400];
	[tilespmem:s30+$0x3380] =	vst v48  }
0x3fc: {  	[tilespmem:s26+$0x3380] =	vst v14;
	v14 =	vld [tilespmem:$0x1400];
	v15 =	vperm.xlane v15, v9  }
0x3fd: {  	v49 =	vld [tilespmem:$0x1400]  }
0x3fe: {  	[tilespmem:s31+$0x3380] =	vst v15  }
0x3ff: {  	v51 =	vld [tilespmem:$0x1400]  }
0x400: {  	v13 =	vperm.xlane v13, v6  }
0x401: {  	v14 =	vperm.xlane v14, v8  }
0x402: {  	v50 =	vperm.xlane v49, v5;
	[tilespmem:s28+$0x4000] =	vst v13  }
0x403: {  	v13 =	vld [tilespmem:$0x1410];
	[tilespmem:s30+$0x4000] =	vst v14  }
0x404: {  	[tilespmem:s26+$0x4000] =	vst v50;
	v14 =	vld [tilespmem:$0x1410];
	v16 =	vperm.xlane v51, v9  }
0x405: {  	v15 =	vld [tilespmem:$0x1410]  }
0x406: {  	[tilespmem:s31+$0x4000] =	vst v16  }
0x407: {  	v16 =	vld [tilespmem:$0x1410]  }
0x408: {  	v13 =	vperm.xlane v13, v6  }
0x409: {  	v14 =	vperm.xlane v14, v8  }
0x40a: {  	[tilespmem:s28+$0x4080] =	vst v13;
	v15 =	vperm.xlane v15, v5  }
0x40b: {  	v13 =	vld [tilespmem:$0x1420];
	[tilespmem:s30+$0x4080] =	vst v14  }
0x40c: {  	[tilespmem:s26+$0x4080] =	vst v15;
	v14 =	vld [tilespmem:$0x1420];
	v16 =	vperm.xlane v16, v9  }
0x40d: {  	v15 =	vld [tilespmem:$0x1420]  }
0x40e: {  	[tilespmem:s31+$0x4080] =	vst v16  }
0x40f: {  	v16 =	vld [tilespmem:$0x1420]  }
0x410: {  	v13 =	vperm.xlane v13, v6  }
0x411: {  	v14 =	vperm.xlane v14, v8  }
0x412: {  	[tilespmem:s28+$0x4100] =	vst v13;
	v15 =	vperm.xlane v15, v5  }
0x413: {  	v13 =	vld [tilespmem:$0x1430];
	[tilespmem:s30+$0x4100] =	vst v14  }
0x414: {  	[tilespmem:s26+$0x4100] =	vst v15;
	v14 =	vld [tilespmem:$0x1430];
	v16 =	vperm.xlane v16, v9  }
0x415: {  	v15 =	vld [tilespmem:$0x1430]  }
0x416: {  	[tilespmem:s31+$0x4100] =	vst v16  }
0x417: {  	v16 =	vld [tilespmem:$0x1430]  }
0x418: {  	v13 =	vperm.xlane v13, v6  }
0x419: {  	v14 =	vperm.xlane v14, v8  }
0x41a: {  	[tilespmem:s28+$0x4180] =	vst v13;
	v15 =	vperm.xlane v15, v5  }
0x41b: {  	v13 =	vld [tilespmem:$0x1440];
	[tilespmem:s30+$0x4180] =	vst v14  }
0x41c: {  	[tilespmem:s26+$0x4180] =	vst v15;
	v14 =	vld [tilespmem:$0x1440];
	v16 =	vperm.xlane v16, v9  }
0x41d: {  	v15 =	vld [tilespmem:$0x1440]  }
0x41e: {  	[tilespmem:s31+$0x4180] =	vst v16  }
0x41f: {  	v16 =	vld [tilespmem:$0x1440]  }
0x420: {  	v13 =	vperm.xlane v13, v6  }
0x421: {  	v14 =	vperm.xlane v14, v8  }
0x422: {  	[tilespmem:s28+$0x4200] =	vst v13;
	v15 =	vperm.xlane v15, v5  }
0x423: {  	v13 =	vld [tilespmem:$0x1450];
	[tilespmem:s30+$0x4200] =	vst v14  }
0x424: {  	[tilespmem:s26+$0x4200] =	vst v15;
	v14 =	vld [tilespmem:$0x1450];
	v16 =	vperm.xlane v16, v9  }
0x425: {  	v15 =	vld [tilespmem:$0x1450]  }
0x426: {  	[tilespmem:s31+$0x4200] =	vst v16  }
0x427: {  	v16 =	vld [tilespmem:$0x1450]  }
0x428: {  	v13 =	vperm.xlane v13, v6  }
0x429: {  	v14 =	vperm.xlane v14, v8  }
0x42a: {  	[tilespmem:s28+$0x4280] =	vst v13;
	v15 =	vperm.xlane v15, v5  }
0x42b: {  	v13 =	vld [tilespmem:$0x1460];
	[tilespmem:s30+$0x4280] =	vst v14  }
0x42c: {  	[tilespmem:s26+$0x4280] =	vst v15;
	v14 =	vld [tilespmem:$0x1460];
	v16 =	vperm.xlane v16, v9  }
0x42d: {  	v15 =	vld [tilespmem:$0x1460]  }
0x42e: {  	[tilespmem:s31+$0x4280] =	vst v16  }
0x42f: {  	v16 =	vld [tilespmem:$0x1460]  }
0x430: {  	v13 =	vperm.xlane v13, v6  }
0x431: {  	v14 =	vperm.xlane v14, v8  }
0x432: {  	[tilespmem:s28+$0x4300] =	vst v13;
	v15 =	vperm.xlane v15, v5  }
0x433: {  	v13 =	vld [tilespmem:$0x1470];
	[tilespmem:s30+$0x4300] =	vst v14  }
0x434: {  	[tilespmem:s26+$0x4300] =	vst v15;
	v14 =	vld [tilespmem:$0x1470];
	v16 =	vperm.xlane v16, v9  }
0x435: {  	v15 =	vld [tilespmem:$0x1470]  }
0x436: {  	[tilespmem:s31+$0x4300] =	vst v16  }
0x437: {  	v16 =	vld [tilespmem:$0x1470]  }
0x438: {  	v13 =	vperm.xlane v13, v6  }
0x439: {  	v14 =	vperm.xlane v14, v8  }
0x43a: {  	[tilespmem:s28+$0x4380] =	vst v13;
	v15 =	vperm.xlane v15, v5  }
0x43b: {  	v13 =	vld [tilespmem:$0x1480];
	[tilespmem:s30+$0x4380] =	vst v14  }
0x43c: {  	[tilespmem:s26+$0x4380] =	vst v15;
	v14 =	vld [tilespmem:$0x1480];
	v16 =	vperm.xlane v16, v9  }
0x43d: {  	v15 =	vld [tilespmem:$0x1480]  }
0x43e: {  	[tilespmem:s31+$0x4380] =	vst v16  }
0x43f: {  	v16 =	vld [tilespmem:$0x1480]  }
0x440: {  	v13 =	vperm.xlane v13, v6  }
0x441: {  	v14 =	vperm.xlane v14, v8  }
0x442: {  	[tilespmem:s28+$0x5000] =	vst v13;
	v15 =	vperm.xlane v15, v5  }
0x443: {  	v13 =	vld [tilespmem:$0x1490];
	[tilespmem:s30+$0x5000] =	vst v14  }
0x444: {  	[tilespmem:s26+$0x5000] =	vst v15;
	v14 =	vld [tilespmem:$0x1490];
	v16 =	vperm.xlane v16, v9  }
0x445: {  	v15 =	vld [tilespmem:$0x1490]  }
0x446: {  	[tilespmem:s31+$0x5000] =	vst v16  }
0x447: {  	v16 =	vld [tilespmem:$0x1490]  }
0x448: {  	v13 =	vperm.xlane v13, v6  }
0x449: {  	v14 =	vperm.xlane v14, v8  }
0x44a: {  	[tilespmem:s28+$0x5080] =	vst v13;
	v15 =	vperm.xlane v15, v5  }
0x44b: {  	v13 =	vld [tilespmem:$0x14A0];
	[tilespmem:s30+$0x5080] =	vst v14  }
0x44c: {  	[tilespmem:s26+$0x5080] =	vst v15;
	v14 =	vld [tilespmem:$0x14A0];
	v16 =	vperm.xlane v16, v9  }
0x44d: {  	v15 =	vld [tilespmem:$0x14A0]  }
0x44e: {  	[tilespmem:s31+$0x5080] =	vst v16  }
0x44f: {  	v16 =	vld [tilespmem:$0x14A0]  }
0x450: {  	v13 =	vperm.xlane v13, v6  }
0x451: {  	v14 =	vperm.xlane v14, v8  }
0x452: {  	[tilespmem:s28+$0x5100] =	vst v13;
	v15 =	vperm.xlane v15, v5  }
0x453: {  	v13 =	vld [tilespmem:$0x14B0];
	[tilespmem:s30+$0x5100] =	vst v14  }
0x454: {  	[tilespmem:s26+$0x5100] =	vst v15;
	v14 =	vld [tilespmem:$0x14B0];
	v16 =	vperm.xlane v16, v9  }
0x455: {  	v15 =	vld [tilespmem:$0x14B0]  }
0x456: {  	[tilespmem:s31+$0x5100] =	vst v16  }
0x457: {  	v16 =	vld [tilespmem:$0x14B0]  }
0x458: {  	v13 =	vperm.xlane v13, v6  }
0x459: {  	v14 =	vperm.xlane v14, v8  }
0x45a: {  	[tilespmem:s28+$0x5180] =	vst v13;
	v15 =	vperm.xlane v15, v5  }
0x45b: {  	v13 =	vld [tilespmem:$0x14C0];
	[tilespmem:s30+$0x5180] =	vst v14  }
0x45c: {  	[tilespmem:s26+$0x5180] =	vst v15;
	v14 =	vld [tilespmem:$0x14C0];
	v16 =	vperm.xlane v16, v9  }
0x45d: {  	v15 =	vld [tilespmem:$0x14C0]  }
0x45e: {  	[tilespmem:s31+$0x5180] =	vst v16  }
0x45f: {  	v16 =	vld [tilespmem:$0x14C0]  }
0x460: {  	v13 =	vperm.xlane v13, v6  }
0x461: {  	v14 =	vperm.xlane v14, v8  }
0x462: {  	v17 =	vld [tilespmem:$0x14D0];
	[tilespmem:s28+$0x5200] =	vst v13;
	v15 =	vperm.xlane v15, v5  }
0x463: {  	v13 =	vld [tilespmem:$0x14D0];
	[tilespmem:s30+$0x5200] =	vst v14  }
0x464: {  	[tilespmem:s26+$0x5200] =	vst v15;
	v14 =	vld [tilespmem:$0x14D0];
	v16 =	vperm.xlane v16, v9  }
0x465: {  	v15 =	vld [tilespmem:$0x14D0]  }
0x466: {  	[tilespmem:s31+$0x5200] =	vst v16  }
0x467: {  	v52 =	vperm.xlane v17, v4;
	v16 =	vld [tilespmem:$0x14D0]  }
0x468: {  	v13 =	vperm.xlane v13, v6  }
0x469: {  	[tilespmem:s25+$0x5280] =	vst v52;
	v14 =	vperm.xlane v14, v8  }
0x46a: {  	v55 =	vld [tilespmem:$0x14E0];
	[tilespmem:s28+$0x5280] =	vst v13;
	v15 =	vperm.xlane v15, v5  }
0x46b: {  	v13 =	vld [tilespmem:$0x14E0];
	[tilespmem:s30+$0x5280] =	vst v14  }
0x46c: {  	[tilespmem:s26+$0x5280] =	vst v15;
	v14 =	vld [tilespmem:$0x14E0];
	v54 =	vperm.xlane v16, v9  }
0x46d: {  	v53 =	vld [tilespmem:$0x14E0]  }
0x46e: {  	[tilespmem:s31+$0x5280] =	vst v54  }
0x46f: {  	v58 =	vperm.xlane v55, v4;
	v57 =	vld [tilespmem:$0x14E0]  }
0x470: {  	v13 =	vperm.xlane v13, v6  }
0x471: {  	[tilespmem:s25+$0x5300] =	vst v58;
	v14 =	vperm.xlane v14, v8  }
0x472: {  	v61 =	vld [tilespmem:$0x14F0];
	[tilespmem:s28+$0x5300] =	vst v13;
	v56 =	vperm.xlane v53, v5  }
0x473: {  	v13 =	vld [tilespmem:$0x14F0];
	[tilespmem:s30+$0x5300] =	vst v14  }
0x474: {  	[tilespmem:s26+$0x5300] =	vst v56;
	v14 =	vld [tilespmem:$0x14F0];
	v60 =	vperm.xlane v57, v9  }
0x475: {  	v59 =	vld [tilespmem:$0x14F0]  }
0x476: {  	[tilespmem:s31+$0x5300] =	vst v60  }
0x477: {  	v20 =	vperm.xlane v61, v4;
	v63 =	vld [tilespmem:$0x14F0]  }
0x478: {  	v13 =	vperm.xlane v13, v6  }
0x479: {  	[tilespmem:s25+$0x5380] =	vst v20;
	v14 =	vperm.xlane v14, v8  }
0x47a: {  	v23 =	vld [tilespmem:$0x1500];
	[tilespmem:s28+$0x5380] =	vst v13;
	v62 =	vperm.xlane v59, v5  }
0x47b: {  	v13 =	vld [tilespmem:$0x1500];
	[tilespmem:s30+$0x5380] =	vst v14  }
0x47c: {  	[tilespmem:s26+$0x5380] =	vst v62;
	v14 =	vld [tilespmem:$0x1500];
	v22 =	vperm.xlane v63, v9  }
0x47d: {  	v12 =	vperm.xlane v12, v3;
	v21 =	vld [tilespmem:$0x1500]  }
0x47e: {  	[tilespmem:s31+$0x5380] =	vst v22  }
0x47f: {  	[tilespmem:s24+$0x6000] =	vst v12;
	v27 =	vperm.xlane v23, v4;
	v15 =	vld [tilespmem:$0x1500]  }
0x480: {  	v25 =	vld [tilespmem:$0x1510];
	v13 =	vperm.xlane v13, v6  }
0x481: {  	[tilespmem:s25+$0x6000] =	vst v27;
	v26 =	vperm.xlane v14, v8  }
0x482: {  	v31 =	vld [tilespmem:$0x1510];
	[tilespmem:s28+$0x6000] =	vst v13;
	v24 =	vperm.xlane v21, v5  }
0x483: {  	v13 =	vld [tilespmem:$0x1510];
	[tilespmem:s30+$0x6000] =	vst v26  }
0x484: {  	[tilespmem:s26+$0x6000] =	vst v24;
	v12 =	vld [tilespmem:$0x1510];
	v29 =	vperm.xlane v15, v9  }
0x485: {  	v30 =	vperm.xlane v25, v3;
	v28 =	vld [tilespmem:$0x1510]  }
0x486: {  	[tilespmem:s31+$0x6000] =	vst v29  }
0x487: {  	[tilespmem:s24+$0x6080] =	vst v30;
	v35 =	vperm.xlane v31, v4;
	v33 =	vld [tilespmem:$0x1510]  }
0x488: {  	v34 =	vld [tilespmem:$0x1520];
	v13 =	vperm.xlane v13, v6  }
0x489: {  	[tilespmem:s25+$0x6080] =	vst v35;
	v12 =	vperm.xlane v12, v8  }
0x48a: {  	v39 =	vld [tilespmem:$0x1520];
	[tilespmem:s28+$0x6080] =	vst v13;
	v32 =	vperm.xlane v28, v5  }
0x48b: {  	v13 =	vld [tilespmem:$0x1520];
	[tilespmem:s30+$0x6080] =	vst v12  }
0x48c: {  	[tilespmem:s26+$0x6080] =	vst v32;
	v12 =	vld [tilespmem:$0x1520];
	v37 =	vperm.xlane v33, v9  }
0x48d: {  	v38 =	vperm.xlane v34, v3;
	v36 =	vld [tilespmem:$0x1520]  }
0x48e: {  	[tilespmem:s31+$0x6080] =	vst v37  }
0x48f: {  	[tilespmem:s24+$0x6100] =	vst v38;
	v43 =	vperm.xlane v39, v4;
	v41 =	vld [tilespmem:$0x1520]  }
0x490: {  	v42 =	vld [tilespmem:$0x1530];
	v13 =	vperm.xlane v13, v6  }
0x491: {  	[tilespmem:s25+$0x6100] =	vst v43;
	v12 =	vperm.xlane v12, v8  }
0x492: {  	v47 =	vld [tilespmem:$0x1530];
	[tilespmem:s28+$0x6100] =	vst v13;
	v40 =	vperm.xlane v36, v5  }
0x493: {  	v13 =	vld [tilespmem:$0x1530];
	[tilespmem:s30+$0x6100] =	vst v12  }
0x494: {  	[tilespmem:s26+$0x6100] =	vst v40;
	v12 =	vld [tilespmem:$0x1530];
	v45 =	vperm.xlane v41, v9  }
0x495: {  	v46 =	vperm.xlane v42, v3;
	v44 =	vld [tilespmem:$0x1530]  }
0x496: {  	[tilespmem:s31+$0x6100] =	vst v45  }
0x497: {  	[tilespmem:s24+$0x6180] =	vst v46;
	v51 =	vperm.xlane v47, v4;
	v49 =	vld [tilespmem:$0x1530]  }
0x498: {  	v50 =	vld [tilespmem:$0x1540];
	v13 =	vperm.xlane v13, v6  }
0x499: {  	[tilespmem:s25+$0x6180] =	vst v51;
	v12 =	vperm.xlane v12, v8  }
0x49a: {  	v55 =	vld [tilespmem:$0x1540];
	[tilespmem:s28+$0x6180] =	vst v13;
	v48 =	vperm.xlane v44, v5  }
0x49b: {  	v13 =	vld [tilespmem:$0x1540];
	[tilespmem:s30+$0x6180] =	vst v12  }
0x49c: {  	[tilespmem:s26+$0x6180] =	vst v48;
	v12 =	vld [tilespmem:$0x1540];
	v53 =	vperm.xlane v49, v9  }
0x49d: {  	v54 =	vperm.xlane v50, v3;
	v52 =	vld [tilespmem:$0x1540]  }
0x49e: {  	[tilespmem:s31+$0x6180] =	vst v53  }
0x49f: {  	[tilespmem:s24+$0x6200] =	vst v54;
	v59 =	vperm.xlane v55, v4;
	v57 =	vld [tilespmem:$0x1540]  }
0x4a0: {  	v13 =	vperm.xlane v13, v6;
	v58 =	vld [tilespmem:$0x1550]  }
0x4a1: {  	[tilespmem:s25+$0x6200] =	vst v59;
	v12 =	vperm.xlane v12, v8  }
0x4a2: {  	[tilespmem:s28+$0x6200] =	vst v13;
	v63 =	vld [tilespmem:$0x1550];
	v56 =	vperm.xlane v52, v5  }
0x4a3: {  	v13 =	vld [tilespmem:$0x1550];
	[tilespmem:s30+$0x6200] =	vst v12  }
0x4a4: {  	[tilespmem:s26+$0x6200] =	vst v56;
	v12 =	vld [tilespmem:$0x1550];
	v61 =	vperm.xlane v57, v9  }
0x4a5: {  	v62 =	vperm.xlane v58, v3;
	v60 =	vld [tilespmem:$0x1550]  }
0x4a6: {  	[tilespmem:s31+$0x6200] =	vst v61  }
0x4a7: {  	[tilespmem:s24+$0x6280] =	vst v62;
	v23 =	vperm.xlane v63, v4;
	v21 =	vld [tilespmem:$0x1550]  }
0x4a8: {  	v13 =	vperm.xlane v13, v6;
	v22 =	vld [tilespmem:$0x1560]  }
0x4a9: {  	[tilespmem:s25+$0x6280] =	vst v23;
	v12 =	vperm.xlane v12, v8  }
0x4aa: {  	[tilespmem:s28+$0x6280] =	vst v13;
	v27 =	vld [tilespmem:$0x1560];
	v20 =	vperm.xlane v60, v5  }
0x4ab: {  	v13 =	vld [tilespmem:$0x1560];
	[tilespmem:s30+$0x6280] =	vst v12  }
0x4ac: {  	[tilespmem:s26+$0x6280] =	vst v20;
	v12 =	vld [tilespmem:$0x1560];
	v25 =	vperm.xlane v21, v9  }
0x4ad: {  	v26 =	vperm.xlane v22, v3;
	v24 =	vld [tilespmem:$0x1560]  }
0x4ae: {  	[tilespmem:s31+$0x6280] =	vst v25  }
0x4af: {  	[tilespmem:s24+$0x6300] =	vst v26;
	v31 =	vperm.xlane v27, v4;
	v29 =	vld [tilespmem:$0x1560]  }
0x4b0: {  	v13 =	vperm.xlane v13, v6;
	v30 =	vld [tilespmem:$0x1570]  }
0x4b1: {  	[tilespmem:s25+$0x6300] =	vst v31;
	v12 =	vperm.xlane v12, v8  }
0x4b2: {  	[tilespmem:s28+$0x6300] =	vst v13;
	v35 =	vld [tilespmem:$0x1570];
	v28 =	vperm.xlane v24, v5  }
0x4b3: {  	v13 =	vld [tilespmem:$0x1570];
	[tilespmem:s30+$0x6300] =	vst v12  }
0x4b4: {  	[tilespmem:s26+$0x6300] =	vst v28;
	v12 =	vld [tilespmem:$0x1570];
	v33 =	vperm.xlane v29, v9  }
0x4b5: {  	v34 =	vperm.xlane v30, v3;
	v32 =	vld [tilespmem:$0x1570]  }
0x4b6: {  	[tilespmem:s31+$0x6300] =	vst v33  }
0x4b7: {  	[tilespmem:s24+$0x6380] =	vst v34;
	v39 =	vperm.xlane v35, v4;
	v37 =	vld [tilespmem:$0x1570]  }
0x4b8: {  	v13 =	vperm.xlane v13, v6;
	v38 =	vld [tilespmem:$0x1580]  }
0x4b9: {  	[tilespmem:s25+$0x6380] =	vst v39;
	v12 =	vperm.xlane v12, v8  }
0x4ba: {  	[tilespmem:s28+$0x6380] =	vst v13;
	v43 =	vld [tilespmem:$0x1580];
	v36 =	vperm.xlane v32, v5  }
0x4bb: {  	v13 =	vld [tilespmem:$0x1580];
	[tilespmem:s30+$0x6380] =	vst v12  }
0x4bc: {  	[tilespmem:s26+$0x6380] =	vst v36;
	v12 =	vld [tilespmem:$0x1580];
	v41 =	vperm.xlane v37, v9  }
0x4bd: {  	v42 =	vperm.xlane v38, v3;
	v40 =	vld [tilespmem:$0x1580]  }
0x4be: {  	[tilespmem:s31+$0x6380] =	vst v41  }
0x4bf: {  	[tilespmem:s24+$0x7000] =	vst v42;
	v47 =	vperm.xlane v43, v4;
	v45 =	vld [tilespmem:$0x1580]  }
0x4c0: {  	v13 =	vperm.xlane v13, v6;
	v46 =	vld [tilespmem:$0x1590]  }
0x4c1: {  	[tilespmem:s25+$0x7000] =	vst v47;
	v12 =	vperm.xlane v12, v8  }
0x4c2: {  	[tilespmem:s28+$0x7000] =	vst v13;
	v51 =	vld [tilespmem:$0x1590];
	v44 =	vperm.xlane v40, v5  }
0x4c3: {  	v13 =	vld [tilespmem:$0x1590];
	[tilespmem:s30+$0x7000] =	vst v12  }
0x4c4: {  	[tilespmem:s26+$0x7000] =	vst v44;
	v12 =	vld [tilespmem:$0x1590];
	v49 =	vperm.xlane v45, v9  }
0x4c5: {  	v50 =	vperm.xlane v46, v3;
	v48 =	vld [tilespmem:$0x1590]  }
0x4c6: {  	[tilespmem:s31+$0x7000] =	vst v49  }
0x4c7: {  	[tilespmem:s24+$0x7080] =	vst v50;
	v55 =	vperm.xlane v51, v4;
	v53 =	vld [tilespmem:$0x1590]  }
0x4c8: {  	v13 =	vperm.xlane v13, v6;
	v54 =	vld [tilespmem:$0x15A0]  }
0x4c9: {  	[tilespmem:s25+$0x7080] =	vst v55;
	v12 =	vperm.xlane v12, v8  }
0x4ca: {  	[tilespmem:s28+$0x7080] =	vst v13;
	v59 =	vld [tilespmem:$0x15A0];
	v52 =	vperm.xlane v48, v5  }
0x4cb: {  	v13 =	vld [tilespmem:$0x15A0];
	[tilespmem:s30+$0x7080] =	vst v12  }
0x4cc: {  	[tilespmem:s26+$0x7080] =	vst v52;
	v12 =	vld [tilespmem:$0x15A0];
	v57 =	vperm.xlane v53, v9  }
0x4cd: {  	v58 =	vperm.xlane v54, v3;
	v56 =	vld [tilespmem:$0x15A0]  }
0x4ce: {  	[tilespmem:s31+$0x7080] =	vst v57  }
0x4cf: {  	[tilespmem:s24+$0x7100] =	vst v58;
	v63 =	vperm.xlane v59, v4;
	v61 =	vld [tilespmem:$0x15A0]  }
0x4d0: {  	v13 =	vperm.xlane v13, v6;
	v62 =	vld [tilespmem:$0x15B0]  }
0x4d1: {  	[tilespmem:s25+$0x7100] =	vst v63;
	v12 =	vperm.xlane v12, v8  }
0x4d2: {  	[tilespmem:s28+$0x7100] =	vst v13;
	v23 =	vld [tilespmem:$0x15B0];
	v60 =	vperm.xlane v56, v5  }
0x4d3: {  	v13 =	vld [tilespmem:$0x15B0];
	[tilespmem:s30+$0x7100] =	vst v12  }
0x4d4: {  	[tilespmem:s26+$0x7100] =	vst v60;
	v12 =	vld [tilespmem:$0x15B0];
	v21 =	vperm.xlane v61, v9  }
0x4d5: {  	v22 =	vperm.xlane v62, v3;
	v20 =	vld [tilespmem:$0x15B0]  }
0x4d6: {  	[tilespmem:s31+$0x7100] =	vst v21  }
0x4d7: {  	[tilespmem:s24+$0x7180] =	vst v22;
	v27 =	vperm.xlane v23, v4;
	v25 =	vld [tilespmem:$0x15B0]  }
0x4d8: {  	[tilespmem:s22+$0x7180] =	vst v11;
	v13 =	vperm.xlane v13, v6;
	v26 =	vld [tilespmem:$0x15C0]  }
0x4d9: {  	v28 =	vld [tilespmem:$0x15C0];
	[tilespmem:s25+$0x7180] =	vst v27;
	v12 =	vperm.xlane v12, v8  }
0x4da: {  	[tilespmem:s28+$0x7180] =	vst v13;
	v32 =	vld [tilespmem:$0x15C0];
	v24 =	vperm.xlane v20, v5  }
0x4db: {  	v13 =	vld [tilespmem:$0x15C0];
	[tilespmem:s30+$0x7180] =	vst v12  }
0x4dc: {  	[tilespmem:s26+$0x7180] =	vst v24;
	v29 =	vld [tilespmem:$0x15C0];
	v30 =	vperm.xlane v25, v9  }
0x4dd: {  	v31 =	vperm.xlane v26, v3;
	v14 =	vld [tilespmem:$0x15C0]  }
0x4de: {  	v35 =	vperm.xlane v28, v2;
	[tilespmem:s31+$0x7180] =	vst v30  }
0x4df: {  	[tilespmem:s24+$0x7200] =	vst v31;
	v37 =	vperm.xlane v32, v4;
	v34 =	vld [tilespmem:$0x15C0]  }
0x4e0: {  	v13 =	vperm.xlane v13, v6;
	[tilespmem:s22+$0x7200] =	vst v35;
	v36 =	vld [tilespmem:$0x15D0]  }
0x4e1: {  	v39 =	vld [tilespmem:$0x15D0];
	[tilespmem:s25+$0x7200] =	vst v37;
	v11 =	vperm.xlane v29, v8  }
0x4e2: {  	[tilespmem:s28+$0x7200] =	vst v13;
	v42 =	vld [tilespmem:$0x15D0];
	v33 =	vperm.xlane v14, v5  }
0x4e3: {  	v13 =	vld [tilespmem:$0x15D0];
	[tilespmem:s30+$0x7200] =	vst v11  }
0x4e4: {  	[tilespmem:s26+$0x7200] =	vst v33;
	v11 =	vld [tilespmem:$0x15D0];
	v40 =	vperm.xlane v34, v9  }
0x4e5: {  	v41 =	vperm.xlane v36, v3;
	v38 =	vld [tilespmem:$0x15D0]  }
0x4e6: {  	v45 =	vperm.xlane v39, v2;
	[tilespmem:s31+$0x7200] =	vst v40  }
0x4e7: {  	[tilespmem:s24+$0x7280] =	vst v41;
	v47 =	vperm.xlane v42, v4;
	v44 =	vld [tilespmem:$0x15D0]  }
0x4e8: {  	v13 =	vperm.xlane v13, v6;
	v46 =	vld [tilespmem:$0x15E0];
	[tilespmem:s22+$0x7280] =	vst v45  }
0x4e9: {  	[tilespmem:s25+$0x7280] =	vst v47;
	v48 =	vld [tilespmem:$0x15E0];
	v11 =	vperm.xlane v11, v8  }
0x4ea: {  	[tilespmem:s28+$0x7280] =	vst v13;
	v52 =	vld [tilespmem:$0x15E0];
	v43 =	vperm.xlane v38, v5  }
0x4eb: {  	v10 =	vperm.xlane v10, v1;
	v13 =	vld [tilespmem:$0x15E0];
	[tilespmem:s30+$0x7280] =	vst v11  }
0x4ec: {  	[tilespmem:s26+$0x7280] =	vst v43;
	v49 =	vld [tilespmem:$0x15E0];
	v50 =	vperm.xlane v44, v9  }
0x4ed: {  	[tilespmem:s21+$0x7300] =	vst v10;
	v51 =	vperm.xlane v46, v3;
	v12 =	vld [tilespmem:$0x15E0]  }
0x4ee: {  	v56 =	vperm.xlane v48, v2;
	v57 =	vld [tilespmem:$0x15F0];
	[tilespmem:s31+$0x7280] =	vst v50  }
0x4ef: {  	[tilespmem:s24+$0x7300] =	vst v51;
	v58 =	vperm.xlane v52, v4;
	v54 =	vld [tilespmem:$0x15E0]  }
0x4f0: {  	v60 =	vperm.xlane v13, v6;
	[tilespmem:s22+$0x7300] =	vst v56  }
0x4f1: {  	[tilespmem:s25+$0x7300] =	vst v58;
	v59 =	vld [tilespmem:$0x15F0];
	v10 =	vperm.xlane v49, v8  }
0x4f2: {  	v55 =	vld [tilespmem:$0x15F0];
	[tilespmem:s28+$0x7300] =	vst v60;
	v53 =	vperm.xlane v12, v5  }
0x4f3: {  	v62 =	vld [tilespmem:$0x15F0];
	v1 =	vperm.xlane v57, v1;
	[tilespmem:s30+$0x7300] =	vst v10  }
0x4f4: {  	[tilespmem:s26+$0x7300] =	vst v53;
	v61 =	vld [tilespmem:$0x15F0];
	v12 =	vperm.xlane v54, v9  }
0x4f5: {  	[tilespmem:s21+$0x7380] =	vst v1;
	v11 =	vld [tilespmem:$0x15F0]  }
0x4f6: {  	v1 =	vperm.xlane v59, v2;
	v10 =	vld [tilespmem:$0x15F0];
	[tilespmem:s31+$0x7300] =	vst v12  }
0x4f7: {  	[tilespmem:s20+$0x7380] =	vst v7;
	v3 =	vperm.xlane v55, v3;
	v63 =	vld [tilespmem:$0x15F0]  }
0x4f8: {  	[tilespmem:s22+$0x7380] =	vst v1;
	v1 =	vperm.xlane v62, v4  }
0x4f9: {  	[tilespmem:s24+$0x7380] =	vst v3;
	v2 =	vperm.xlane v61, v8  }
0x4fa: {  	[tilespmem:s25+$0x7380] =	vst v1;
	v3 =	vperm.xlane v11, v5  }
0x4fb: {  	[tilespmem:s30+$0x7380] =	vst v2;
	v2 =	vperm.xlane v10, v6  }
0x4fc: {  	s3 =	sshll.u32 s29, $0xA;
	[tilespmem:s26+$0x7380] =	vst v3;
	v1 =	vperm.xlane v63, v9  }
0x4fd: {  	s6 =	sshrl.u32 s3, $0x3;
	[tilespmem:s28+$0x7380] =	vst v2  }
0x4fe: {  	s6 =	sadd.s32 s1, s6;
	[tilespmem:s31+$0x7380] =	vst v1  }
0x4ff: {  	[hbm4b:s6+s2] =	stream.linear.scatter [tilespmem:s19], [sflag:$0x2], $0x1000, $0x38;
	[tilespmem:$0x11600] =	vst v63  }
0x500: {  	s19 =	sadd.s32 $0x3D0C00, s3  }
0x501: {  	s6 =	sshrl.u32 s19, $0x3  }
0x502: {  	s9 =	sadd.s32 $0x2600, s18;
	s20 =	sadd.s32 $0x7A1800, s3;
	s6 =	sadd.s32 s1, s6  }
0x503: {  	[hbm4b:s6+s2] =	stream.linear.scatter [tilespmem:s9], [sflag:$0x2], $0x1000, $0x38;
	[tilespmem:$0x11600] =	vst v63  }
0x504: {  	s6 =	sshrl.u32 s20, $0x3  }
0x505: {  	s21 =	sadd.s32 $0x3600, s18;
	s22 =	sadd.s32 $0xB72400, s3;
	s6 =	sadd.s32 s1, s6  }
0x506: {  	[hbm4b:s6+s2] =	stream.linear.scatter [tilespmem:s21], [sflag:$0x2], $0x1000, $0x38;
	[tilespmem:$0x11600] =	vst v63  }
0x507: {  	s6 =	sshrl.u32 s22, $0x3  }
0x508: {  	s23 =	sadd.s32 $0x4600, s18;
	s24 =	sadd.s32 $0xF43000, s3;
	s6 =	sadd.s32 s1, s6  }
0x509: {  	[hbm4b:s6+s2] =	stream.linear.scatter [tilespmem:s23], [sflag:$0x2], $0x1000, $0x38;
	[tilespmem:$0x11600] =	vst v63  }
0x50a: {  	s6 =	sshrl.u32 s24, $0x3  }
0x50b: {  	s25 =	sadd.s32 $0x5600, s18;
	s26 =	sadd.s32 $0x1313C00, s3;
	s6 =	sadd.s32 s1, s6  }
0x50c: {  	[hbm4b:s6+s2] =	stream.linear.scatter [tilespmem:s25], [sflag:$0x2], $0x1000, $0x38;
	[tilespmem:$0x11600] =	vst v63  }
0x50d: {  	p0 =	sne.s32 s17, s8;
	s6 =	sshrl.u32 s26, $0x3  }
0x50e: {  	s29 =	sadd.s32 $0x16E4800, s3;
	s28 =	sadd.s32 $0x6600, s18;
	s6 =	sadd.s32 s1, s6  }
0x50f: {  	[hbm4b:s6+s2] =	stream.linear.scatter [tilespmem:s28], [sflag:$0x2], $0x1000, $0x38;
	[tilespmem:$0x11600] =	vst v63  }
.Ltmp2:
0x510: {  	s3 =	sadd.s32 $0x1AB5400, s3;
	s6 =	sshrl.u32 s29, $0x3;
	(pc) =	sbr.rel @p0 .LBB2_4-.Ltmp2, $4  }
0x511: {  	s30 =	sadd.s32 $0x7600, s18;
	s3 =	sshrl.u32 s3, $0x3;
	s6 =	sadd.s32 s1, s6  }
0x512: {  	[hbm4b:s6+s2] =	stream.linear.scatter [tilespmem:s30], [sflag:$0x2], $0x1000, $0x38;
	[tilespmem:$0x11600] =	vst v63  }
0x513: {  	s17 =	smov.u32 s0;
	s31 =	sadd.s32 $0x8600, s18;
	s3 =	sadd.s32 s1, s3  }
0x514: {  	[hbm4b:s3+s2] =	stream.linear.scatter [tilespmem:s31], [sflag:$0x2], $0x1000, $0x38;
	[tilespmem:$0x11600] =	vst v63  }
0x515: {  	s3 =	simm.s32 $0x2  }
0x516: {  	_ =	swait.ge [sflag:s3], $0x8000  }
0x517: {  	[sflag:s3] =	ssyncset.done $0x0  }
0x518: {  	[sflag:s3] =	ssyncadd.s32 $0xFFFF8000  }
0x519: {  	_ =	swait.ge [sflag:s3], $0x8000  }
0x51a: {  	s15 =	sadd.s32 $0x1, s15;
	s0 =	rddreg [dreg:$0x5]  }
0x51b: {  	p0 =	sne.s32 s15, s0  }
.Ltmp3:
0x51c: {  	_ = 	snop;
	(pc) =	sbr.rel @p0 .LBB2_1-.Ltmp3, $3  }
0x51d: {  	_ =	sdelay $0x1  }
0x51e: {  	[sflag:s3] =	ssyncset.done $0x0  }
0x51f: {  	[sflag:s3] =	ssyncadd.s32 $0xFFFF8000  }
0x520: {  	_ =	sfence.sel $0x180000  }
0x521: {  	[bflag:$0x0] =	sbarrier.arrive $0xFFFF  }
0x522: {  	_ =	strace $0x90000047  }
0x523: {  	s0 =	stileid.u32;
	[bflag:$0x2] =	sbarrier.arrive $0xFFFF  }
0x524: {  	p0 =	sne.s32 s0, $0x0;
	s0 =	rddreg [dreg:$0x2]  }
0x525: {  	s0 =	sadd.s32 @!p0 $0x100000, s0  }
0x526: {  	[sflag:s0] =	ssyncadd.tile.s32 @!p0 $0x1;
	_ =	shalt  }
.Lfunc_end2:
_tile_overlayer_lowered:
.L_overlay_start_2:
0x527: {  	(tag) =	ssettag $0x2  }
0x528: {  	s0 =	rddreg [dreg:$0x0];
	s2 =	stileid.u32  }
0x529: {  	s1 =	rddreg [dreg:$0x1];
	p0 =	sne.s32 s2, $0x0  }
0x52a: {  	s3 =	rddreg [dreg:$0x2];
	[bflag:$0x3] =	sbarrier.arrive $0xFFFF;
	s2 =	simm.s32 @!p0 $0x1C03  }
0x52b: {  	[timem:s3], [sflag:s2] =	dma.local @!p0 [hbm:s0], s1  }
0x52c: {  	s0 =	simm.s32 @!p0 $0x3  }
0x52d: {  	_ =	swait.ge @!p0 [sflag:s0], s1  }
0x52e: {  	s1 =	ssub.s32 @!p0 $0x0, s1;
	[sflag:s0] =	ssyncset.done @!p0 $0x0  }
0x52f: {  	[sflag:s0] =	ssyncadd.s32 @!p0 s1  }
0x530: {  	[bflag:$0x3] =	sbarrier.arrive $0xFFFF  }
0x531: {  	_ =	shalt  }

</sc_bundles>
